<compile_context>
chip_gen: v7x
topology: tpu7x:2x2x1
jax: 0.10.2.dev20260603
libtpu: 0.0.44.dev20260713+nightly
codegen_flags: <defaults>
</compile_context>

<pallas_src>
import functools

import jax
import jax.numpy as jnp
from jax import lax
from jax.experimental import pallas as pl
from jax.experimental.pallas import tpu as pltpu
from jax.experimental.pallas import tpu_sc as plsc

N_NODES = 10000
N_EDGES = 320000
D = 128
CHUNK = 128
NC = 2
NS = 16
NW = NC * NS
BLK = 8
CPT = 80
NBLK = CPT // BLK
E_PAD = NW * CPT * CHUNK
N_ACC = N_NODES + 16
ROWS_PER_TILE = N_NODES // NS
ZROWS = N_ACC // NS

_MESH = plsc.VectorSubcoreMesh(core_axis_name="c", subcore_axis_name="s")
_OUT_SEG = [jax.ShapeDtypeStruct((NC, NS, ROWS_PER_TILE, D), jnp.float32)]


def _seg_scratch(with_counts):
    d = dict(
        srcb0=pltpu.VMEM((BLK, CHUNK), jnp.int32),
        srcb1=pltpu.VMEM((BLK, CHUNK), jnp.int32),
        dstb0=pltpu.VMEM((BLK, CHUNK), jnp.int32),
        dstb1=pltpu.VMEM((BLK, CHUNK), jnp.int32),
        rows0=pltpu.VMEM((CHUNK, D), jnp.float32),
        rows1=pltpu.VMEM((CHUNK, D), jnp.float32),
        acc_sh=pltpu.VMEM_SHARED((N_ACC, D), jnp.float32),
        sem_i=pltpu.SemaphoreType.DMA,
        sem_g0=pltpu.SemaphoreType.DMA,
        sem_g1=pltpu.SemaphoreType.DMA,
        sem_s0=pltpu.SemaphoreType.DMA,
        sem_s1=pltpu.SemaphoreType.DMA,
    )
    del with_counts
    return d


def _segsum_body(with_counts, x_hbm, src_hbm, dst_hbm, z128_hbm, ones_hbm,
                 out_acc, out_cnt, srcb0, srcb1, dstb0, dstb1, rows0, rows1,
                 acc_sh, sem_i, sem_g0, sem_g1, sem_s0, sem_s1):
    c = lax.axis_index("c")
    s = lax.axis_index("s")
    wid = s * NC + c
    blk0 = wid * NBLK
    srcb = (srcb0, srcb1)
    dstb = (dstb0, dstb1)
    rows = (rows0, rows1)
    sem_g = (sem_g0, sem_g1)
    sem_s = (sem_s0, sem_s1)
    row0 = s * ROWS_PER_TILE

    pltpu.sync_copy(z128_hbm, acc_sh.at[pl.ds(s * ZROWS, ZROWS)])

    if with_counts:
        onesb = rows0
        pltpu.sync_copy(ones_hbm, onesb)
        plsc.subcore_barrier()

        def cstart_idx(b, q):
            pltpu.async_copy(dst_hbm.at[pl.ds((blk0 + b) * BLK, BLK)],
                             dstb[q], sem_i)

        def cwait_idx(q):
            pltpu.make_async_copy(dst_hbm.at[pl.ds(0, BLK)], dstb[q],
                                  sem_i).wait()

        pltpu.sync_copy(dst_hbm.at[pl.ds(blk0 * BLK, BLK)], dstb[0])
        cstart_idx(1, 1)

        def cbody(bb, carry):
            for qb in range(2):
                b = 2 * bb + qb
                for j in range(BLK):
                    pltpu.sync_copy(onesb, acc_sh.at[dstb[qb].at[j]],
                                    add=True)
                @pl.when(b < NBLK - 1)
                def _():
                    cwait_idx(1 - qb)
                @pl.when(b < NBLK - 2)
                def _():
                    cstart_idx(b + 2, qb)
            return carry

        lax.fori_loop(0, NBLK // 2, cbody, 0)
        plsc.subcore_barrier()
        pltpu.sync_copy(acc_sh.at[pl.ds(row0, ROWS_PER_TILE)],
                        out_cnt.at[c, s])
        plsc.subcore_barrier()
        pltpu.sync_copy(z128_hbm, acc_sh.at[pl.ds(s * ZROWS, ZROWS)])

    plsc.subcore_barrier()

    def load_idx_sync(b, q):
        pltpu.sync_copy(src_hbm.at[pl.ds((blk0 + b) * BLK, BLK)], srcb[q])
        pltpu.sync_copy(dst_hbm.at[pl.ds((blk0 + b) * BLK, BLK)], dstb[q])

    def start_idx(b, q):
        pltpu.async_copy(src_hbm.at[pl.ds((blk0 + b) * BLK, BLK)],
                         srcb[q], sem_i)
        pltpu.async_copy(dst_hbm.at[pl.ds((blk0 + b) * BLK, BLK)],
                         dstb[q], sem_i)

    def wait_idx(q):
        pltpu.make_async_copy(src_hbm.at[pl.ds(0, BLK)], srcb[q],
                              sem_i).wait()
        pltpu.make_async_copy(dst_hbm.at[pl.ds(0, BLK)], dstb[q],
                              sem_i).wait()

    def start_gather(q, j, p):
        pltpu.async_copy(x_hbm.at[srcb[q].at[j]], rows[p], sem_g[p])

    def wait_gather(q, j, p):
        pltpu.make_async_copy(x_hbm.at[srcb[q].at[j]], rows[p],
                              sem_g[p]).wait()

    def start_scatter(q, j, p):
        pltpu.async_copy(rows[p], acc_sh.at[dstb[q].at[j]], sem_s[p],
                         add=True)

    def wait_scatter(p):
        pltpu.make_async_copy(rows[p], acc_sh.at[dstb0.at[0]],
                              sem_s[p]).wait()

    load_idx_sync(0, 0)
    start_idx(1, 1)
    start_gather(0, 0, 0)

    def body(bb, carry):
        for qb in range(2):
            b = 2 * bb + qb
            for j in range(BLK):
                p = j & 1
                wait_gather(qb, j, p)
                if j == 0:
                    @pl.when(b > 0)
                    def _():
                        wait_scatter(1 - p)
                else:
                    wait_scatter(1 - p)
                if j == 2:
                    @pl.when((b >= 1) & (b < NBLK - 1))
                    def _():
                        start_idx(b + 1, 1 - qb)
                if j < BLK - 1:
                    start_gather(qb, j + 1, 1 - p)
                else:
                    @pl.when(b < NBLK - 1)
                    def _():
                        wait_idx(1 - qb)
                        start_gather(1 - qb, 0, 1 - p)
                start_scatter(qb, j, p)
        return carry

    lax.fori_loop(0, NBLK // 2, body, 0)
    wait_scatter(1)
    plsc.subcore_barrier()

    pltpu.sync_copy(acc_sh.at[pl.ds(row0, ROWS_PER_TILE)], out_acc.at[c, s])


_sc_segsum_counts = functools.partial(pl.kernel,
    out_type=[jax.ShapeDtypeStruct((NC, NS, ROWS_PER_TILE, D), jnp.float32),
              jax.ShapeDtypeStruct((NC, NS, ROWS_PER_TILE, D), jnp.float32)],
    mesh=_MESH, scratch_types=_seg_scratch(True))(
        functools.partial(_segsum_body, True))


def _sc_segsum_only_body(x_hbm, src_hbm, dst_hbm, z128_hbm, out_acc, **kw):
    return _segsum_body(False, x_hbm, src_hbm, dst_hbm, z128_hbm, None,
                        out_acc, None, **kw)


_sc_segsum = functools.partial(pl.kernel, out_type=_OUT_SEG, mesh=_MESH,
                               scratch_types=_seg_scratch(False))(
                                   _sc_segsum_only_body)


def _tc_combine_body(relu, acc_ref, cnt_ref, x_ref, wl_ref, wr_ref, b_ref,
                     o_ref):
    a = acc_ref[0] + acc_ref[1]
    cnt = cnt_ref[0, :, 0:1] + cnt_ref[1, :, 0:1]
    agg = a * (1.0 / jnp.maximum(cnt, 1.0))
    y = (jnp.dot(agg, wl_ref[...], preferred_element_type=jnp.float32)
         + jnp.dot(x_ref[...], wr_ref[...], preferred_element_type=jnp.float32)
         + b_ref[...])
    if relu:
        y = jnp.maximum(y, 0.0)
    o_ref[...] = y


def _tc_combine(acc, cnt, x, W_l, W_r, b, relu):
    R = 1000
    return pl.pallas_call(
        functools.partial(_tc_combine_body, relu),
        grid=(N_NODES // R,),
        in_specs=[
            pl.BlockSpec((NC, R, D), lambda r: (0, r, 0)),
            pl.BlockSpec((NC, R, D), lambda r: (0, r, 0)),
            pl.BlockSpec((R, D), lambda r: (r, 0)),
            pl.BlockSpec((D, D), lambda r: (0, 0)),
            pl.BlockSpec((D, D), lambda r: (0, 0)),
            pl.BlockSpec((1, D), lambda r: (0, 0)),
        ],
        out_specs=pl.BlockSpec((R, D), lambda r: (r, 0)),
        out_shape=jax.ShapeDtypeStruct((N_NODES, D), jnp.float32),
    )(acc, cnt, x, W_l, W_r, b)


def kernel(x, edge_index, W_l0, b_l0, W_r0, W_l1, b_l1, W_r1):
    src = edge_index[0].astype(jnp.int32)
    dst = edge_index[1].astype(jnp.int32)
    npad = E_PAD - N_EDGES
    jsrc = (jnp.arange(npad, dtype=jnp.int32) * 37) % N_NODES
    src = jnp.concatenate([src, jsrc])
    junk = N_NODES + (jnp.arange(npad, dtype=jnp.int32) % (N_ACC - N_NODES))
    dst = jnp.concatenate([dst, junk])
    src2 = src.reshape(E_PAD // CHUNK, CHUNK)
    dst2 = dst.reshape(E_PAD // CHUNK, CHUNK)
    z128 = jnp.zeros((ZROWS, D), jnp.float32)
    ones128 = jnp.ones((CHUNK, D), jnp.float32)

    acc0, cnt = _sc_segsum_counts(x, src2, dst2, z128, ones128)
    cnt = cnt.reshape(NC, N_NODES, D)
    acc0 = acc0.reshape(NC, N_NODES, D)
    h = _tc_combine(acc0, cnt, x, W_l0, W_r0, b_l0.reshape(1, D), relu=True)
    (acc1,) = _sc_segsum(h, src2, dst2, z128)
    acc1 = acc1.reshape(NC, N_NODES, D)
    out = _tc_combine(acc1, cnt, h, W_l1, W_r1, b_l1.reshape(1, D), relu=False)
    return out

# --- scband reference (transcript-rebuilt; emitter-appended) ---
"""Pipeline reference for scband-homo-gnn-65386582114575 (READ-ONLY COPY).

The authoritative reference and input builder live on the scoring server;
editing this copy changes nothing except your own understanding.
"""

import jax, jax.numpy as jnp
import numpy as np

N_NODES = 10000
N_EDGES = 320000
D_IN = 128
HIDDEN = 128


def _sage_conv(x, src, dst, W_l, b_l, W_r, num_nodes):
    # PyG SAGEConv with mean aggregation: out = lin_l(mean_j x_j) + lin_r(x_i)
    msgs = x[src]  # gather source node features per edge
    summed = jax.ops.segment_sum(msgs, dst, num_segments=num_nodes)
    counts = jax.ops.segment_sum(jnp.ones((src.shape[0], 1), dtype=x.dtype), dst, num_segments=num_nodes)
    agg = summed / jnp.clip(counts, 1.0, None)
    return agg @ W_l + b_l + x @ W_r


def setup_inputs(seed: int = 0) -> dict:
    key = jax.random.key(seed)
    ks = jax.random.split(key, 8)
    x = jax.random.normal(ks[0], (N_NODES, D_IN), dtype=jnp.float32)
    edge_index = jax.random.randint(ks[1], (2, N_EDGES), 0, N_NODES, dtype=jnp.int64)
    s0 = 1.0 / np.sqrt(D_IN)
    s1 = 1.0 / np.sqrt(HIDDEN)
    W_l0 = jax.random.uniform(ks[2], (D_IN, HIDDEN), dtype=jnp.float32, minval=-s0, maxval=s0)
    W_r0 = jax.random.uniform(ks[3], (D_IN, HIDDEN), dtype=jnp.float32, minval=-s0, maxval=s0)
    b_l0 = jnp.zeros((HIDDEN,), dtype=jnp.float32)
    W_l1 = jax.random.uniform(ks[4], (HIDDEN, HIDDEN), dtype=jnp.float32, minval=-s1, maxval=s1)
    W_r1 = jax.random.uniform(ks[5], (HIDDEN, HIDDEN), dtype=jnp.float32, minval=-s1, maxval=s1)
    b_l1 = jnp.zeros((HIDDEN,), dtype=jnp.float32)
    return {"x": x, "edge_index": edge_index, "W_l0": W_l0, "b_l0": b_l0, "W_r0": W_r0, "W_l1": W_l1, "b_l1": b_l1, "W_r1": W_r1}


def reference(x, edge_index, W_l0, b_l0, W_r0, W_l1, b_l1, W_r1):
    src = edge_index[0]
    dst = edge_index[1]
    n = x.shape[0]
    # layer 0 + relu (dropout inactive in eval mode)
    h = _sage_conv(x, src, dst, W_l0, b_l0, W_r0, n)
    h = jax.nn.relu(h)
    # layer 1 (no activation on final layer)
    out = _sage_conv(h, src, dst, W_l1, b_l1, W_r1, n)
    return out

if __name__ == "__main__":
    import jax
    _d = setup_inputs()
    print(jax.jit(kernel)(*tuple(_d.values())))

</pallas_src>

<mosaic_0001>
#map = affine_map<(d0, d1) -> (0, 0)>
#map1 = affine_map<(d0, d1) -> (0, 0, 0, 0)>
module attributes {stable_mosaic.version = 14 : i64} {
  func.func @_sc_segsum_only_body(%arg0: i32, %arg1: i32, %arg2: memref<10000x128xf32, #tpu.memory_space<hbm>>, %arg3: memref<2560x128xi32, #tpu.memory_space<hbm>>, %arg4: memref<2560x128xi32, #tpu.memory_space<hbm>>, %arg5: memref<626x128xf32, #tpu.memory_space<hbm>>, %arg6: memref<2x16x625x128xf32, #tpu.memory_space<hbm>>, %arg7: memref<10016x128xf32, #tpu.memory_space<vmem_shared>>, %arg8: memref<8x128xi32, #tpu.memory_space<vmem>>, %arg9: memref<8x128xi32, #tpu.memory_space<vmem>>, %arg10: memref<128x128xf32, #tpu.memory_space<vmem>>, %arg11: memref<128x128xf32, #tpu.memory_space<vmem>>, %arg12: memref<!tpu.dma_semaphore, #tpu.memory_space<semaphore_mem>>, %arg13: memref<!tpu.dma_semaphore, #tpu.memory_space<semaphore_mem>>, %arg14: memref<!tpu.dma_semaphore, #tpu.memory_space<semaphore_mem>>, %arg15: memref<!tpu.dma_semaphore, #tpu.memory_space<semaphore_mem>>, %arg16: memref<!tpu.dma_semaphore, #tpu.memory_space<semaphore_mem>>, %arg17: memref<8x128xi32, #tpu.memory_space<vmem>>, %arg18: memref<8x128xi32, #tpu.memory_space<vmem>>) attributes {dimension_semantics = [#tpu.dimension_semantics<core_parallel>, #tpu.dimension_semantics<subcore_parallel>], iteration_bounds = array<i64: 2, 16>, scalar_prefetch = 0 : i64, scratch_operands = 12 : i64, tpu.core_type = #tpu.core_type<sc_vector_subcore>, window_params = [{transform_indices = #map}, {transform_indices = #map}, {transform_indices = #map}, {transform_indices = #map}, {transform_indices = #map1}]} {
    %mul3A = arith.constant 2 : i32
    %mul3A_0 = arith.muli %arg1, %mul3A : i32
    %add3A = arith.addi %mul3A_0, %arg0 : i32
    %mul3A_1 = arith.constant 10 : i32
    %mul3A_2 = arith.muli %add3A, %mul3A_1 : i32
    %mul3A_3 = arith.constant 625 : i32
    %mul3A_4 = arith.muli %arg1, %mul3A_3 : i32
    %mul3A_5 = arith.constant 626 : i32
    %mul3A_6 = arith.muli %arg1, %mul3A_5 : i32
    "tpu.region"() ({
      %run_scoped3A = tpu.sem_alloc : memref<!tpu.dma_semaphore, #tpu.memory_space<semaphore_mem>>
      %dma_start3A_49 = arith.constant 0 : i32
      %dma_start3A_50 = tpu.memref_slice %arg7[%mul3A_6, %dma_start3A_49] : memref<10016x128xf32, #tpu.memory_space<vmem_shared>> -> memref<626x128xf32, #tpu.memory_space<vmem_shared>>
      tpu.enqueue_dma source(%arg5 : memref<626x128xf32, #tpu.memory_space<hbm>>) target(%dma_start3A_50 : memref<626x128xf32, #tpu.memory_space<vmem_shared>>) target_semaphore(%run_scoped3A : memref<!tpu.dma_semaphore, #tpu.memory_space<semaphore_mem>>)
      %dma_wait3A_51 = arith.constant 0 : i32
      %dma_wait3A_52 = tpu.memref_slice %arg7[%mul3A_6, %dma_wait3A_51] : memref<10016x128xf32, #tpu.memory_space<vmem_shared>> -> memref<626x128xf32, #tpu.memory_space<vmem_shared>>
      tpu.wait_dma2 semaphore(%run_scoped3A : memref<!tpu.dma_semaphore, #tpu.memory_space<semaphore_mem>>) src(%arg5 : memref<626x128xf32, #tpu.memory_space<hbm>>) dst(%dma_wait3A_52 : memref<626x128xf32, #tpu.memory_space<vmem_shared>>)
      tpu.yield
    }) : () -> ()
    %barrier3A = arith.constant 0 : index
    tpu.barrier barrier_id(%barrier3A)
    %add3A_7 = arith.constant 0 : i32
    %add3A_8 = arith.addi %mul3A_2, %add3A_7 : i32
    %mul3A_9 = arith.constant 8 : i32
    %mul3A_10 = arith.muli %add3A_8, %mul3A_9 : i32
    "tpu.region"() ({
      %run_scoped3A = tpu.sem_alloc : memref<!tpu.dma_semaphore, #tpu.memory_space<semaphore_mem>>
      %dma_start3A_49 = arith.constant 0 : i32
      %dma_start3A_50 = tpu.memref_slice %arg3[%mul3A_10, %dma_start3A_49] : memref<2560x128xi32, #tpu.memory_space<hbm>> -> memref<8x128xi32, #tpu.memory_space<hbm>>
      %dma_start3A_51 = arith.constant 0 : i32
      %dma_start3A_52 = tpu.memref_slice %arg3[%mul3A_10, %dma_start3A_51] : memref<2560x128xi32, #tpu.memory_space<hbm>> -> memref<8x128xi32, #tpu.memory_space<hbm>>
      tpu.enqueue_dma source(%dma_start3A_52 : memref<8x128xi32, #tpu.memory_space<hbm>>) target(%arg17 : memref<8x128xi32, #tpu.memory_space<vmem>>) target_semaphore(%run_scoped3A : memref<!tpu.dma_semaphore, #tpu.memory_space<semaphore_mem>>)
      %dma_wait3A_53 = arith.constant 0 : i32
      %dma_wait3A_54 = tpu.memref_slice %arg3[%mul3A_10, %dma_wait3A_53] : memref<2560x128xi32, #tpu.memory_space<hbm>> -> memref<8x128xi32, #tpu.memory_space<hbm>>
      %dma_wait3A_55 = arith.constant 0 : i32
      %dma_wait3A_56 = tpu.memref_slice %arg3[%mul3A_10, %dma_wait3A_55] : memref<2560x128xi32, #tpu.memory_space<hbm>> -> memref<8x128xi32, #tpu.memory_space<hbm>>
      tpu.wait_dma2 semaphore(%run_scoped3A : memref<!tpu.dma_semaphore, #tpu.memory_space<semaphore_mem>>) src(%dma_wait3A_56 : memref<8x128xi32, #tpu.memory_space<hbm>>) dst(%arg17 : memref<8x128xi32, #tpu.memory_space<vmem>>)
      tpu.yield
    }) : () -> ()
    %add3A_11 = arith.constant 0 : i32
    %add3A_12 = arith.addi %mul3A_2, %add3A_11 : i32
    %mul3A_13 = arith.constant 8 : i32
    %mul3A_14 = arith.muli %add3A_12, %mul3A_13 : i32
    "tpu.region"() ({
      %run_scoped3A = tpu.sem_alloc : memref<!tpu.dma_semaphore, #tpu.memory_space<semaphore_mem>>
      %dma_start3A_49 = arith.constant 0 : i32
      %dma_start3A_50 = tpu.memref_slice %arg4[%mul3A_14, %dma_start3A_49] : memref<2560x128xi32, #tpu.memory_space<hbm>> -> memref<8x128xi32, #tpu.memory_space<hbm>>
      %dma_start3A_51 = arith.constant 0 : i32
      %dma_start3A_52 = tpu.memref_slice %arg4[%mul3A_14, %dma_start3A_51] : memref<2560x128xi32, #tpu.memory_space<hbm>> -> memref<8x128xi32, #tpu.memory_space<hbm>>
      tpu.enqueue_dma source(%dma_start3A_52 : memref<8x128xi32, #tpu.memory_space<hbm>>) target(%arg8 : memref<8x128xi32, #tpu.memory_space<vmem>>) target_semaphore(%run_scoped3A : memref<!tpu.dma_semaphore, #tpu.memory_space<semaphore_mem>>)
      %dma_wait3A_53 = arith.constant 0 : i32
      %dma_wait3A_54 = tpu.memref_slice %arg4[%mul3A_14, %dma_wait3A_53] : memref<2560x128xi32, #tpu.memory_space<hbm>> -> memref<8x128xi32, #tpu.memory_space<hbm>>
      %dma_wait3A_55 = arith.constant 0 : i32
      %dma_wait3A_56 = tpu.memref_slice %arg4[%mul3A_14, %dma_wait3A_55] : memref<2560x128xi32, #tpu.memory_space<hbm>> -> memref<8x128xi32, #tpu.memory_space<hbm>>
      tpu.wait_dma2 semaphore(%run_scoped3A : memref<!tpu.dma_semaphore, #tpu.memory_space<semaphore_mem>>) src(%dma_wait3A_56 : memref<8x128xi32, #tpu.memory_space<hbm>>) dst(%arg8 : memref<8x128xi32, #tpu.memory_space<vmem>>)
      tpu.yield
    }) : () -> ()
    %add3A_15 = arith.constant 1 : i32
    %add3A_16 = arith.addi %mul3A_2, %add3A_15 : i32
    %mul3A_17 = arith.constant 8 : i32
    %mul3A_18 = arith.muli %add3A_16, %mul3A_17 : i32
    %dma_start3A = arith.constant 0 : i32
    %dma_start3A_19 = tpu.memref_slice %arg3[%mul3A_18, %dma_start3A] : memref<2560x128xi32, #tpu.memory_space<hbm>> -> memref<8x128xi32, #tpu.memory_space<hbm>>
    %dma_start3A_20 = arith.constant 0 : i32
    %dma_start3A_21 = tpu.memref_slice %arg3[%mul3A_18, %dma_start3A_20] : memref<2560x128xi32, #tpu.memory_space<hbm>> -> memref<8x128xi32, #tpu.memory_space<hbm>>
    tpu.enqueue_dma source(%dma_start3A_21 : memref<8x128xi32, #tpu.memory_space<hbm>>) target(%arg18 : memref<8x128xi32, #tpu.memory_space<vmem>>) target_semaphore(%arg14 : memref<!tpu.dma_semaphore, #tpu.memory_space<semaphore_mem>>)
    %add3A_22 = arith.constant 1 : i32
    %add3A_23 = arith.addi %mul3A_2, %add3A_22 : i32
    %mul3A_24 = arith.constant 8 : i32
    %mul3A_25 = arith.muli %add3A_23, %mul3A_24 : i32
    %dma_start3A_26 = arith.constant 0 : i32
    %dma_start3A_27 = tpu.memref_slice %arg4[%mul3A_25, %dma_start3A_26] : memref<2560x128xi32, #tpu.memory_space<hbm>> -> memref<8x128xi32, #tpu.memory_space<hbm>>
    %dma_start3A_28 = arith.constant 0 : i32
    %dma_start3A_29 = tpu.memref_slice %arg4[%mul3A_25, %dma_start3A_28] : memref<2560x128xi32, #tpu.memory_space<hbm>> -> memref<8x128xi32, #tpu.memory_space<hbm>>
    tpu.enqueue_dma source(%dma_start3A_29 : memref<8x128xi32, #tpu.memory_space<hbm>>) target(%arg9 : memref<8x128xi32, #tpu.memory_space<vmem>>) target_semaphore(%arg14 : memref<!tpu.dma_semaphore, #tpu.memory_space<semaphore_mem>>)
    %dma_start3A_30 = arith.constant 0 : i32
    %dma_start3A_31 = arith.constant 0 : i32
    %dma_start3A_32 = tpu.memref_slice %arg17[%dma_start3A_30, %dma_start3A_31] : memref<8x128xi32, #tpu.memory_space<vmem>> -> memref<1x128xi32, #tpu.memory_space<vmem>>
    %dma_start3A_33 = tpu.memref_squeeze %dma_start3A_32 : memref<1x128xi32, #tpu.memory_space<vmem>> -> memref<128xi32, #tpu.memory_space<vmem>>
    %dma_start3A_34 = arith.constant 0 : i32
    %dma_start3A_35 = arith.constant 0 : i32
    %dma_start3A_36 = tpu.memref_slice %arg2[%dma_start3A_34, %dma_start3A_35] : memref<10000x128xf32, #tpu.memory_space<hbm>> -> memref<10000x128xf32, #tpu.memory_space<hbm>>
    tpu.enqueue_indirect_dma source(%dma_start3A_36 : memref<10000x128xf32, #tpu.memory_space<hbm>>) target(%arg10 : memref<128x128xf32, #tpu.memory_space<vmem>>) offsets(%dma_start3A_33 : memref<128xi32, #tpu.memory_space<vmem>>) semaphore(%arg12 : memref<!tpu.dma_semaphore, #tpu.memory_space<semaphore_mem>>)
    %scan3A = arith.constant 0 : i32
    %scan3A_37 = arith.constant 0 : i32
    %scan3A_38 = arith.constant 5 : i32
    %scan3A_39 = arith.addi %scan3A_37, %scan3A_38 : i32
    %scan3A_40 = arith.constant 1 : i32
    scf.for %scan3A_49 = %scan3A_37 to %scan3A_39 step %scan3A_40  : i32 {
      %mul3A_50 = arith.constant 2 : i32
      %mul3A_51 = arith.muli %mul3A_50, %scan3A_49 : i32
      %add3A_52 = arith.constant 0 : i32
      %add3A_53 = arith.addi %mul3A_51, %add3A_52 : i32
      %dma_wait3A_54 = arith.constant 0 : i32
      %dma_wait3A_55 = arith.constant 0 : i32
      %dma_wait3A_56 = tpu.memref_slice %arg17[%dma_wait3A_54, %dma_wait3A_55] : memref<8x128xi32, #tpu.memory_space<vmem>> -> memref<1x128xi32, #tpu.memory_space<vmem>>
      %dma_wait3A_57 = tpu.memref_squeeze %dma_wait3A_56 : memref<1x128xi32, #tpu.memory_space<vmem>> -> memref<128xi32, #tpu.memory_space<vmem>>
      %dma_wait3A_58 = arith.constant 0 : i32
      %dma_wait3A_59 = arith.constant 0 : i32
      %dma_wait3A_60 = tpu.memref_slice %arg2[%dma_wait3A_58, %dma_wait3A_59] : memref<10000x128xf32, #tpu.memory_space<hbm>> -> memref<10000x128xf32, #tpu.memory_space<hbm>>
      tpu.wait_indirect_dma semaphore(%arg12 : memref<!tpu.dma_semaphore, #tpu.memory_space<semaphore_mem>>) src(%dma_wait3A_60 : memref<10000x128xf32, #tpu.memory_space<hbm>>) dst(%arg10 : memref<128x128xf32, #tpu.memory_space<vmem>>)
      %gt3A = arith.constant 0 : i32
      %gt3A_61 = arith.cmpi sgt, %add3A_53, %gt3A : i32
      %convert_element_type3A = arith.extui %gt3A_61 : i1 to i32
      %cond3A = arith.constant 0 : i32
      %cond3A_62 = arith.cmpi ne, %convert_element_type3A, %cond3A : i32
      scf.if %cond3A_62 {
        %dma_wait3A_508 = arith.constant 0 : i32
        %dma_wait3A_509 = arith.constant 0 : i32
        %dma_wait3A_510 = tpu.memref_slice %arg8[%dma_wait3A_508, %dma_wait3A_509] : memref<8x128xi32, #tpu.memory_space<vmem>> -> memref<1x128xi32, #tpu.memory_space<vmem>>
        %dma_wait3A_511 = tpu.memref_squeeze %dma_wait3A_510 : memref<1x128xi32, #tpu.memory_space<vmem>> -> memref<128xi32, #tpu.memory_space<vmem>>
        %dma_wait3A_512 = arith.constant 0 : i32
        %dma_wait3A_513 = arith.constant 0 : i32
        %dma_wait3A_514 = tpu.memref_slice %arg7[%dma_wait3A_512, %dma_wait3A_513] : memref<10016x128xf32, #tpu.memory_space<vmem_shared>> -> memref<10016x128xf32, #tpu.memory_space<vmem_shared>>
        tpu.wait_indirect_dma semaphore(%arg16 : memref<!tpu.dma_semaphore, #tpu.memory_space<semaphore_mem>>) src(%arg11 : memref<128x128xf32, #tpu.memory_space<vmem>>) dst(%dma_wait3A_514 : memref<10016x128xf32, #tpu.memory_space<vmem_shared>>)
      } else {
      }
      %dma_start3A_63 = arith.constant 1 : i32
      %dma_start3A_64 = arith.constant 0 : i32
      %dma_start3A_65 = tpu.memref_slice %arg17[%dma_start3A_63, %dma_start3A_64] : memref<8x128xi32, #tpu.memory_space<vmem>> -> memref<1x128xi32, #tpu.memory_space<vmem>>
      %dma_start3A_66 = tpu.memref_squeeze %dma_start3A_65 : memref<1x128xi32, #tpu.memory_space<vmem>> -> memref<128xi32, #tpu.memory_space<vmem>>
      %dma_start3A_67 = arith.constant 0 : i32
      %dma_start3A_68 = arith.constant 0 : i32
      %dma_start3A_69 = tpu.memref_slice %arg2[%dma_start3A_67, %dma_start3A_68] : memref<10000x128xf32, #tpu.memory_space<hbm>> -> memref<10000x128xf32, #tpu.memory_space<hbm>>
      tpu.enqueue_indirect_dma source(%dma_start3A_69 : memref<10000x128xf32, #tpu.memory_space<hbm>>) target(%arg11 : memref<128x128xf32, #tpu.memory_space<vmem>>) offsets(%dma_start3A_66 : memref<128xi32, #tpu.memory_space<vmem>>) semaphore(%arg13 : memref<!tpu.dma_semaphore, #tpu.memory_space<semaphore_mem>>)
      %dma_start3A_70 = arith.constant 0 : i32
      %dma_start3A_71 = arith.constant 0 : i32
      %dma_start3A_72 = tpu.memref_slice %arg8[%dma_start3A_70, %dma_start3A_71] : memref<8x128xi32, #tpu.memory_space<vmem>> -> memref<1x128xi32, #tpu.memory_space<vmem>>
      %dma_start3A_73 = tpu.memref_squeeze %dma_start3A_72 : memref<1x128xi32, #tpu.memory_space<vmem>> -> memref<128xi32, #tpu.memory_space<vmem>>
      %dma_start3A_74 = arith.constant 0 : i32
      %dma_start3A_75 = arith.constant 0 : i32
      %dma_start3A_76 = tpu.memref_slice %arg7[%dma_start3A_74, %dma_start3A_75] : memref<10016x128xf32, #tpu.memory_space<vmem_shared>> -> memref<10016x128xf32, #tpu.memory_space<vmem_shared>>
      tpu.enqueue_indirect_dma source(%arg10 : memref<128x128xf32, #tpu.memory_space<vmem>>) target(%dma_start3A_76 : memref<10016x128xf32, #tpu.memory_space<vmem_shared>>) offsets(%dma_start3A_73 : memref<128xi32, #tpu.memory_space<vmem>>) semaphore(%arg15 : memref<!tpu.dma_semaphore, #tpu.memory_space<semaphore_mem>>) {add = true}
      %dma_wait3A_77 = arith.constant 1 : i32
      %dma_wait3A_78 = arith.constant 0 : i32
      %dma_wait3A_79 = tpu.memref_slice %arg17[%dma_wait3A_77, %dma_wait3A_78] : memref<8x128xi32, #tpu.memory_space<vmem>> -> memref<1x128xi32, #tpu.memory_space<vmem>>
      %dma_wait3A_80 = tpu.memref_squeeze %dma_wait3A_79 : memref<1x128xi32, #tpu.memory_space<vmem>> -> memref<128xi32, #tpu.memory_space<vmem>>
      %dma_wait3A_81 = arith.constant 0 : i32
      %dma_wait3A_82 = arith.constant 0 : i32
      %dma_wait3A_83 = tpu.memref_slice %arg2[%dma_wait3A_81, %dma_wait3A_82] : memref<10000x128xf32, #tpu.memory_space<hbm>> -> memref<10000x128xf32, #tpu.memory_space<hbm>>
      tpu.wait_indirect_dma semaphore(%arg13 : memref<!tpu.dma_semaphore, #tpu.memory_space<semaphore_mem>>) src(%dma_wait3A_83 : memref<10000x128xf32, #tpu.memory_space<hbm>>) dst(%arg11 : memref<128x128xf32, #tpu.memory_space<vmem>>)
      %dma_wait3A_84 = arith.constant 0 : i32
      %dma_wait3A_85 = arith.constant 0 : i32
      %dma_wait3A_86 = tpu.memref_slice %arg8[%dma_wait3A_84, %dma_wait3A_85] : memref<8x128xi32, #tpu.memory_space<vmem>> -> memref<1x128xi32, #tpu.memory_space<vmem>>
      %dma_wait3A_87 = tpu.memref_squeeze %dma_wait3A_86 : memref<1x128xi32, #tpu.memory_space<vmem>> -> memref<128xi32, #tpu.memory_space<vmem>>
      %dma_wait3A_88 = arith.constant 0 : i32
      %dma_wait3A_89 = arith.constant 0 : i32
      %dma_wait3A_90 = tpu.memref_slice %arg7[%dma_wait3A_88, %dma_wait3A_89] : memref<10016x128xf32, #tpu.memory_space<vmem_shared>> -> memref<10016x128xf32, #tpu.memory_space<vmem_shared>>
      tpu.wait_indirect_dma semaphore(%arg15 : memref<!tpu.dma_semaphore, #tpu.memory_space<semaphore_mem>>) src(%arg10 : memref<128x128xf32, #tpu.memory_space<vmem>>) dst(%dma_wait3A_90 : memref<10016x128xf32, #tpu.memory_space<vmem_shared>>)
      %dma_start3A_91 = arith.constant 2 : i32
      %dma_start3A_92 = arith.constant 0 : i32
      %dma_start3A_93 = tpu.memref_slice %arg17[%dma_start3A_91, %dma_start3A_92] : memref<8x128xi32, #tpu.memory_space<vmem>> -> memref<1x128xi32, #tpu.memory_space<vmem>>
      %dma_start3A_94 = tpu.memref_squeeze %dma_start3A_93 : memref<1x128xi32, #tpu.memory_space<vmem>> -> memref<128xi32, #tpu.memory_space<vmem>>
      %dma_start3A_95 = arith.constant 0 : i32
      %dma_start3A_96 = arith.constant 0 : i32
      %dma_start3A_97 = tpu.memref_slice %arg2[%dma_start3A_95, %dma_start3A_96] : memref<10000x128xf32, #tpu.memory_space<hbm>> -> memref<10000x128xf32, #tpu.memory_space<hbm>>
      tpu.enqueue_indirect_dma source(%dma_start3A_97 : memref<10000x128xf32, #tpu.memory_space<hbm>>) target(%arg10 : memref<128x128xf32, #tpu.memory_space<vmem>>) offsets(%dma_start3A_94 : memref<128xi32, #tpu.memory_space<vmem>>) semaphore(%arg12 : memref<!tpu.dma_semaphore, #tpu.memory_space<semaphore_mem>>)
      %dma_start3A_98 = arith.constant 1 : i32
      %dma_start3A_99 = arith.constant 0 : i32
      %dma_start3A_100 = tpu.memref_slice %arg8[%dma_start3A_98, %dma_start3A_99] : memref<8x128xi32, #tpu.memory_space<vmem>> -> memref<1x128xi32, #tpu.memory_space<vmem>>
      %dma_start3A_101 = tpu.memref_squeeze %dma_start3A_100 : memref<1x128xi32, #tpu.memory_space<vmem>> -> memref<128xi32, #tpu.memory_space<vmem>>
      %dma_start3A_102 = arith.constant 0 : i32
      %dma_start3A_103 = arith.constant 0 : i32
      %dma_start3A_104 = tpu.memref_slice %arg7[%dma_start3A_102, %dma_start3A_103] : memref<10016x128xf32, #tpu.memory_space<vmem_shared>> -> memref<10016x128xf32, #tpu.memory_space<vmem_shared>>
      tpu.enqueue_indirect_dma source(%arg11 : memref<128x128xf32, #tpu.memory_space<vmem>>) target(%dma_start3A_104 : memref<10016x128xf32, #tpu.memory_space<vmem_shared>>) offsets(%dma_start3A_101 : memref<128xi32, #tpu.memory_space<vmem>>) semaphore(%arg16 : memref<!tpu.dma_semaphore, #tpu.memory_space<semaphore_mem>>) {add = true}
      %dma_wait3A_105 = arith.constant 2 : i32
      %dma_wait3A_106 = arith.constant 0 : i32
      %dma_wait3A_107 = tpu.memref_slice %arg17[%dma_wait3A_105, %dma_wait3A_106] : memref<8x128xi32, #tpu.memory_space<vmem>> -> memref<1x128xi32, #tpu.memory_space<vmem>>
      %dma_wait3A_108 = tpu.memref_squeeze %dma_wait3A_107 : memref<1x128xi32, #tpu.memory_space<vmem>> -> memref<128xi32, #tpu.memory_space<vmem>>
      %dma_wait3A_109 = arith.constant 0 : i32
      %dma_wait3A_110 = arith.constant 0 : i32
      %dma_wait3A_111 = tpu.memref_slice %arg2[%dma_wait3A_109, %dma_wait3A_110] : memref<10000x128xf32, #tpu.memory_space<hbm>> -> memref<10000x128xf32, #tpu.memory_space<hbm>>
      tpu.wait_indirect_dma semaphore(%arg12 : memref<!tpu.dma_semaphore, #tpu.memory_space<semaphore_mem>>) src(%dma_wait3A_111 : memref<10000x128xf32, #tpu.memory_space<hbm>>) dst(%arg10 : memref<128x128xf32, #tpu.memory_space<vmem>>)
      %dma_wait3A_112 = arith.constant 0 : i32
      %dma_wait3A_113 = arith.constant 0 : i32
      %dma_wait3A_114 = tpu.memref_slice %arg8[%dma_wait3A_112, %dma_wait3A_113] : memref<8x128xi32, #tpu.memory_space<vmem>> -> memref<1x128xi32, #tpu.memory_space<vmem>>
      %dma_wait3A_115 = tpu.memref_squeeze %dma_wait3A_114 : memref<1x128xi32, #tpu.memory_space<vmem>> -> memref<128xi32, #tpu.memory_space<vmem>>
      %dma_wait3A_116 = arith.constant 0 : i32
      %dma_wait3A_117 = arith.constant 0 : i32
      %dma_wait3A_118 = tpu.memref_slice %arg7[%dma_wait3A_116, %dma_wait3A_117] : memref<10016x128xf32, #tpu.memory_space<vmem_shared>> -> memref<10016x128xf32, #tpu.memory_space<vmem_shared>>
      tpu.wait_indirect_dma semaphore(%arg16 : memref<!tpu.dma_semaphore, #tpu.memory_space<semaphore_mem>>) src(%arg11 : memref<128x128xf32, #tpu.memory_space<vmem>>) dst(%dma_wait3A_118 : memref<10016x128xf32, #tpu.memory_space<vmem_shared>>)
      %ge3A = arith.constant 1 : i32
      %ge3A_119 = arith.cmpi sge, %add3A_53, %ge3A : i32
      %lt3A = arith.constant 9 : i32
      %lt3A_120 = arith.cmpi slt, %add3A_53, %lt3A : i32
      %and3A = arith.andi %ge3A_119, %lt3A_120 : i1
      %convert_element_type3A_121 = arith.extui %and3A : i1 to i32
      %cond3A_122 = arith.constant 0 : i32
      %cond3A_123 = arith.cmpi ne, %convert_element_type3A_121, %cond3A_122 : i32
      scf.if %cond3A_123 {
        %add3A_508 = arith.constant 1 : i32
        %add3A_509 = arith.addi %add3A_53, %add3A_508 : i32
        %add3A_510 = arith.addi %mul3A_2, %add3A_509 : i32
        %mul3A_511 = arith.constant 8 : i32
        %mul3A_512 = arith.muli %add3A_510, %mul3A_511 : i32
        %dma_start3A_513 = arith.constant 0 : i32
        %dma_start3A_514 = tpu.memref_slice %arg3[%mul3A_512, %dma_start3A_513] : memref<2560x128xi32, #tpu.memory_space<hbm>> -> memref<8x128xi32, #tpu.memory_space<hbm>>
        %dma_start3A_515 = arith.constant 0 : i32
        %dma_start3A_516 = tpu.memref_slice %arg3[%mul3A_512, %dma_start3A_515] : memref<2560x128xi32, #tpu.memory_space<hbm>> -> memref<8x128xi32, #tpu.memory_space<hbm>>
        tpu.enqueue_dma source(%dma_start3A_516 : memref<8x128xi32, #tpu.memory_space<hbm>>) target(%arg18 : memref<8x128xi32, #tpu.memory_space<vmem>>) target_semaphore(%arg14 : memref<!tpu.dma_semaphore, #tpu.memory_space<semaphore_mem>>)
        %add3A_517 = arith.addi %mul3A_2, %add3A_509 : i32
        %mul3A_518 = arith.constant 8 : i32
        %mul3A_519 = arith.muli %add3A_517, %mul3A_518 : i32
        %dma_start3A_520 = arith.constant 0 : i32
        %dma_start3A_521 = tpu.memref_slice %arg4[%mul3A_519, %dma_start3A_520] : memref<2560x128xi32, #tpu.memory_space<hbm>> -> memref<8x128xi32, #tpu.memory_space<hbm>>
        %dma_start3A_522 = arith.constant 0 : i32
        %dma_start3A_523 = tpu.memref_slice %arg4[%mul3A_519, %dma_start3A_522] : memref<2560x128xi32, #tpu.memory_space<hbm>> -> memref<8x128xi32, #tpu.memory_space<hbm>>
        tpu.enqueue_dma source(%dma_start3A_523 : memref<8x128xi32, #tpu.memory_space<hbm>>) target(%arg9 : memref<8x128xi32, #tpu.memory_space<vmem>>) target_semaphore(%arg14 : memref<!tpu.dma_semaphore, #tpu.memory_space<semaphore_mem>>)
      } else {
      }
      %dma_start3A_124 = arith.constant 3 : i32
      %dma_start3A_125 = arith.constant 0 : i32
      %dma_start3A_126 = tpu.memref_slice %arg17[%dma_start3A_124, %dma_start3A_125] : memref<8x128xi32, #tpu.memory_space<vmem>> -> memref<1x128xi32, #tpu.memory_space<vmem>>
      %dma_start3A_127 = tpu.memref_squeeze %dma_start3A_126 : memref<1x128xi32, #tpu.memory_space<vmem>> -> memref<128xi32, #tpu.memory_space<vmem>>
      %dma_start3A_128 = arith.constant 0 : i32
      %dma_start3A_129 = arith.constant 0 : i32
      %dma_start3A_130 = tpu.memref_slice %arg2[%dma_start3A_128, %dma_start3A_129] : memref<10000x128xf32, #tpu.memory_space<hbm>> -> memref<10000x128xf32, #tpu.memory_space<hbm>>
      tpu.enqueue_indirect_dma source(%dma_start3A_130 : memref<10000x128xf32, #tpu.memory_space<hbm>>) target(%arg11 : memref<128x128xf32, #tpu.memory_space<vmem>>) offsets(%dma_start3A_127 : memref<128xi32, #tpu.memory_space<vmem>>) semaphore(%arg13 : memref<!tpu.dma_semaphore, #tpu.memory_space<semaphore_mem>>)
      %dma_start3A_131 = arith.constant 2 : i32
      %dma_start3A_132 = arith.constant 0 : i32
      %dma_start3A_133 = tpu.memref_slice %arg8[%dma_start3A_131, %dma_start3A_132] : memref<8x128xi32, #tpu.memory_space<vmem>> -> memref<1x128xi32, #tpu.memory_space<vmem>>
      %dma_start3A_134 = tpu.memref_squeeze %dma_start3A_133 : memref<1x128xi32, #tpu.memory_space<vmem>> -> memref<128xi32, #tpu.memory_space<vmem>>
      %dma_start3A_135 = arith.constant 0 : i32
      %dma_start3A_136 = arith.constant 0 : i32
      %dma_start3A_137 = tpu.memref_slice %arg7[%dma_start3A_135, %dma_start3A_136] : memref<10016x128xf32, #tpu.memory_space<vmem_shared>> -> memref<10016x128xf32, #tpu.memory_space<vmem_shared>>
      tpu.enqueue_indirect_dma source(%arg10 : memref<128x128xf32, #tpu.memory_space<vmem>>) target(%dma_start3A_137 : memref<10016x128xf32, #tpu.memory_space<vmem_shared>>) offsets(%dma_start3A_134 : memref<128xi32, #tpu.memory_space<vmem>>) semaphore(%arg15 : memref<!tpu.dma_semaphore, #tpu.memory_space<semaphore_mem>>) {add = true}
      %dma_wait3A_138 = arith.constant 3 : i32
      %dma_wait3A_139 = arith.constant 0 : i32
      %dma_wait3A_140 = tpu.memref_slice %arg17[%dma_wait3A_138, %dma_wait3A_139] : memref<8x128xi32, #tpu.memory_space<vmem>> -> memref<1x128xi32, #tpu.memory_space<vmem>>
      %dma_wait3A_141 = tpu.memref_squeeze %dma_wait3A_140 : memref<1x128xi32, #tpu.memory_space<vmem>> -> memref<128xi32, #tpu.memory_space<vmem>>
      %dma_wait3A_142 = arith.constant 0 : i32
      %dma_wait3A_143 = arith.constant 0 : i32
      %dma_wait3A_144 = tpu.memref_slice %arg2[%dma_wait3A_142, %dma_wait3A_143] : memref<10000x128xf32, #tpu.memory_space<hbm>> -> memref<10000x128xf32, #tpu.memory_space<hbm>>
      tpu.wait_indirect_dma semaphore(%arg13 : memref<!tpu.dma_semaphore, #tpu.memory_space<semaphore_mem>>) src(%dma_wait3A_144 : memref<10000x128xf32, #tpu.memory_space<hbm>>) dst(%arg11 : memref<128x128xf32, #tpu.memory_space<vmem>>)
      %dma_wait3A_145 = arith.constant 0 : i32
      %dma_wait3A_146 = arith.constant 0 : i32
      %dma_wait3A_147 = tpu.memref_slice %arg8[%dma_wait3A_145, %dma_wait3A_146] : memref<8x128xi32, #tpu.memory_space<vmem>> -> memref<1x128xi32, #tpu.memory_space<vmem>>
      %dma_wait3A_148 = tpu.memref_squeeze %dma_wait3A_147 : memref<1x128xi32, #tpu.memory_space<vmem>> -> memref<128xi32, #tpu.memory_space<vmem>>
      %dma_wait3A_149 = arith.constant 0 : i32
      %dma_wait3A_150 = arith.constant 0 : i32
      %dma_wait3A_151 = tpu.memref_slice %arg7[%dma_wait3A_149, %dma_wait3A_150] : memref<10016x128xf32, #tpu.memory_space<vmem_shared>> -> memref<10016x128xf32, #tpu.memory_space<vmem_shared>>
      tpu.wait_indirect_dma semaphore(%arg15 : memref<!tpu.dma_semaphore, #tpu.memory_space<semaphore_mem>>) src(%arg10 : memref<128x128xf32, #tpu.memory_space<vmem>>) dst(%dma_wait3A_151 : memref<10016x128xf32, #tpu.memory_space<vmem_shared>>)
      %dma_start3A_152 = arith.constant 4 : i32
      %dma_start3A_153 = arith.constant 0 : i32
      %dma_start3A_154 = tpu.memref_slice %arg17[%dma_start3A_152, %dma_start3A_153] : memref<8x128xi32, #tpu.memory_space<vmem>> -> memref<1x128xi32, #tpu.memory_space<vmem>>
      %dma_start3A_155 = tpu.memref_squeeze %dma_start3A_154 : memref<1x128xi32, #tpu.memory_space<vmem>> -> memref<128xi32, #tpu.memory_space<vmem>>
      %dma_start3A_156 = arith.constant 0 : i32
      %dma_start3A_157 = arith.constant 0 : i32
      %dma_start3A_158 = tpu.memref_slice %arg2[%dma_start3A_156, %dma_start3A_157] : memref<10000x128xf32, #tpu.memory_space<hbm>> -> memref<10000x128xf32, #tpu.memory_space<hbm>>
      tpu.enqueue_indirect_dma source(%dma_start3A_158 : memref<10000x128xf32, #tpu.memory_space<hbm>>) target(%arg10 : memref<128x128xf32, #tpu.memory_space<vmem>>) offsets(%dma_start3A_155 : memref<128xi32, #tpu.memory_space<vmem>>) semaphore(%arg12 : memref<!tpu.dma_semaphore, #tpu.memory_space<semaphore_mem>>)
      %dma_start3A_159 = arith.constant 3 : i32
      %dma_start3A_160 = arith.constant 0 : i32
      %dma_start3A_161 = tpu.memref_slice %arg8[%dma_start3A_159, %dma_start3A_160] : memref<8x128xi32, #tpu.memory_space<vmem>> -> memref<1x128xi32, #tpu.memory_space<vmem>>
      %dma_start3A_162 = tpu.memref_squeeze %dma_start3A_161 : memref<1x128xi32, #tpu.memory_space<vmem>> -> memref<128xi32, #tpu.memory_space<vmem>>
      %dma_start3A_163 = arith.constant 0 : i32
      %dma_start3A_164 = arith.constant 0 : i32
      %dma_start3A_165 = tpu.memref_slice %arg7[%dma_start3A_163, %dma_start3A_164] : memref<10016x128xf32, #tpu.memory_space<vmem_shared>> -> memref<10016x128xf32, #tpu.memory_space<vmem_shared>>
      tpu.enqueue_indirect_dma source(%arg11 : memref<128x128xf32, #tpu.memory_space<vmem>>) target(%dma_start3A_165 : memref<10016x128xf32, #tpu.memory_space<vmem_shared>>) offsets(%dma_start3A_162 : memref<128xi32, #tpu.memory_space<vmem>>) semaphore(%arg16 : memref<!tpu.dma_semaphore, #tpu.memory_space<semaphore_mem>>) {add = true}
      %dma_wait3A_166 = arith.constant 4 : i32
      %dma_wait3A_167 = arith.constant 0 : i32
      %dma_wait3A_168 = tpu.memref_slice %arg17[%dma_wait3A_166, %dma_wait3A_167] : memref<8x128xi32, #tpu.memory_space<vmem>> -> memref<1x128xi32, #tpu.memory_space<vmem>>
      %dma_wait3A_169 = tpu.memref_squeeze %dma_wait3A_168 : memref<1x128xi32, #tpu.memory_space<vmem>> -> memref<128xi32, #tpu.memory_space<vmem>>
      %dma_wait3A_170 = arith.constant 0 : i32
      %dma_wait3A_171 = arith.constant 0 : i32
      %dma_wait3A_172 = tpu.memref_slice %arg2[%dma_wait3A_170, %dma_wait3A_171] : memref<10000x128xf32, #tpu.memory_space<hbm>> -> memref<10000x128xf32, #tpu.memory_space<hbm>>
      tpu.wait_indirect_dma semaphore(%arg12 : memref<!tpu.dma_semaphore, #tpu.memory_space<semaphore_mem>>) src(%dma_wait3A_172 : memref<10000x128xf32, #tpu.memory_space<hbm>>) dst(%arg10 : memref<128x128xf32, #tpu.memory_space<vmem>>)
      %dma_wait3A_173 = arith.constant 0 : i32
      %dma_wait3A_174 = arith.constant 0 : i32
      %dma_wait3A_175 = tpu.memref_slice %arg8[%dma_wait3A_173, %dma_wait3A_174] : memref<8x128xi32, #tpu.memory_space<vmem>> -> memref<1x128xi32, #tpu.memory_space<vmem>>
      %dma_wait3A_176 = tpu.memref_squeeze %dma_wait3A_175 : memref<1x128xi32, #tpu.memory_space<vmem>> -> memref<128xi32, #tpu.memory_space<vmem>>
      %dma_wait3A_177 = arith.constant 0 : i32
      %dma_wait3A_178 = arith.constant 0 : i32
      %dma_wait3A_179 = tpu.memref_slice %arg7[%dma_wait3A_177, %dma_wait3A_178] : memref<10016x128xf32, #tpu.memory_space<vmem_shared>> -> memref<10016x128xf32, #tpu.memory_space<vmem_shared>>
      tpu.wait_indirect_dma semaphore(%arg16 : memref<!tpu.dma_semaphore, #tpu.memory_space<semaphore_mem>>) src(%arg11 : memref<128x128xf32, #tpu.memory_space<vmem>>) dst(%dma_wait3A_179 : memref<10016x128xf32, #tpu.memory_space<vmem_shared>>)
      %dma_start3A_180 = arith.constant 5 : i32
      %dma_start3A_181 = arith.constant 0 : i32
      %dma_start3A_182 = tpu.memref_slice %arg17[%dma_start3A_180, %dma_start3A_181] : memref<8x128xi32, #tpu.memory_space<vmem>> -> memref<1x128xi32, #tpu.memory_space<vmem>>
      %dma_start3A_183 = tpu.memref_squeeze %dma_start3A_182 : memref<1x128xi32, #tpu.memory_space<vmem>> -> memref<128xi32, #tpu.memory_space<vmem>>
      %dma_start3A_184 = arith.constant 0 : i32
      %dma_start3A_185 = arith.constant 0 : i32
      %dma_start3A_186 = tpu.memref_slice %arg2[%dma_start3A_184, %dma_start3A_185] : memref<10000x128xf32, #tpu.memory_space<hbm>> -> memref<10000x128xf32, #tpu.memory_space<hbm>>
      tpu.enqueue_indirect_dma source(%dma_start3A_186 : memref<10000x128xf32, #tpu.memory_space<hbm>>) target(%arg11 : memref<128x128xf32, #tpu.memory_space<vmem>>) offsets(%dma_start3A_183 : memref<128xi32, #tpu.memory_space<vmem>>) semaphore(%arg13 : memref<!tpu.dma_semaphore, #tpu.memory_space<semaphore_mem>>)
      %dma_start3A_187 = arith.constant 4 : i32
      %dma_start3A_188 = arith.constant 0 : i32
      %dma_start3A_189 = tpu.memref_slice %arg8[%dma_start3A_187, %dma_start3A_188] : memref<8x128xi32, #tpu.memory_space<vmem>> -> memref<1x128xi32, #tpu.memory_space<vmem>>
      %dma_start3A_190 = tpu.memref_squeeze %dma_start3A_189 : memref<1x128xi32, #tpu.memory_space<vmem>> -> memref<128xi32, #tpu.memory_space<vmem>>
      %dma_start3A_191 = arith.constant 0 : i32
      %dma_start3A_192 = arith.constant 0 : i32
      %dma_start3A_193 = tpu.memref_slice %arg7[%dma_start3A_191, %dma_start3A_192] : memref<10016x128xf32, #tpu.memory_space<vmem_shared>> -> memref<10016x128xf32, #tpu.memory_space<vmem_shared>>
      tpu.enqueue_indirect_dma source(%arg10 : memref<128x128xf32, #tpu.memory_space<vmem>>) target(%dma_start3A_193 : memref<10016x128xf32, #tpu.memory_space<vmem_shared>>) offsets(%dma_start3A_190 : memref<128xi32, #tpu.memory_space<vmem>>) semaphore(%arg15 : memref<!tpu.dma_semaphore, #tpu.memory_space<semaphore_mem>>) {add = true}
      %dma_wait3A_194 = arith.constant 5 : i32
      %dma_wait3A_195 = arith.constant 0 : i32
      %dma_wait3A_196 = tpu.memref_slice %arg17[%dma_wait3A_194, %dma_wait3A_195] : memref<8x128xi32, #tpu.memory_space<vmem>> -> memref<1x128xi32, #tpu.memory_space<vmem>>
      %dma_wait3A_197 = tpu.memref_squeeze %dma_wait3A_196 : memref<1x128xi32, #tpu.memory_space<vmem>> -> memref<128xi32, #tpu.memory_space<vmem>>
      %dma_wait3A_198 = arith.constant 0 : i32
      %dma_wait3A_199 = arith.constant 0 : i32
      %dma_wait3A_200 = tpu.memref_slice %arg2[%dma_wait3A_198, %dma_wait3A_199] : memref<10000x128xf32, #tpu.memory_space<hbm>> -> memref<10000x128xf32, #tpu.memory_space<hbm>>
      tpu.wait_indirect_dma semaphore(%arg13 : memref<!tpu.dma_semaphore, #tpu.memory_space<semaphore_mem>>) src(%dma_wait3A_200 : memref<10000x128xf32, #tpu.memory_space<hbm>>) dst(%arg11 : memref<128x128xf32, #tpu.memory_space<vmem>>)
      %dma_wait3A_201 = arith.constant 0 : i32
      %dma_wait3A_202 = arith.constant 0 : i32
      %dma_wait3A_203 = tpu.memref_slice %arg8[%dma_wait3A_201, %dma_wait3A_202] : memref<8x128xi32, #tpu.memory_space<vmem>> -> memref<1x128xi32, #tpu.memory_space<vmem>>
      %dma_wait3A_204 = tpu.memref_squeeze %dma_wait3A_203 : memref<1x128xi32, #tpu.memory_space<vmem>> -> memref<128xi32, #tpu.memory_space<vmem>>
      %dma_wait3A_205 = arith.constant 0 : i32
      %dma_wait3A_206 = arith.constant 0 : i32
      %dma_wait3A_207 = tpu.memref_slice %arg7[%dma_wait3A_205, %dma_wait3A_206] : memref<10016x128xf32, #tpu.memory_space<vmem_shared>> -> memref<10016x128xf32, #tpu.memory_space<vmem_shared>>
      tpu.wait_indirect_dma semaphore(%arg15 : memref<!tpu.dma_semaphore, #tpu.memory_space<semaphore_mem>>) src(%arg10 : memref<128x128xf32, #tpu.memory_space<vmem>>) dst(%dma_wait3A_207 : memref<10016x128xf32, #tpu.memory_space<vmem_shared>>)
      %dma_start3A_208 = arith.constant 6 : i32
      %dma_start3A_209 = arith.constant 0 : i32
      %dma_start3A_210 = tpu.memref_slice %arg17[%dma_start3A_208, %dma_start3A_209] : memref<8x128xi32, #tpu.memory_space<vmem>> -> memref<1x128xi32, #tpu.memory_space<vmem>>
      %dma_start3A_211 = tpu.memref_squeeze %dma_start3A_210 : memref<1x128xi32, #tpu.memory_space<vmem>> -> memref<128xi32, #tpu.memory_space<vmem>>
      %dma_start3A_212 = arith.constant 0 : i32
      %dma_start3A_213 = arith.constant 0 : i32
      %dma_start3A_214 = tpu.memref_slice %arg2[%dma_start3A_212, %dma_start3A_213] : memref<10000x128xf32, #tpu.memory_space<hbm>> -> memref<10000x128xf32, #tpu.memory_space<hbm>>
      tpu.enqueue_indirect_dma source(%dma_start3A_214 : memref<10000x128xf32, #tpu.memory_space<hbm>>) target(%arg10 : memref<128x128xf32, #tpu.memory_space<vmem>>) offsets(%dma_start3A_211 : memref<128xi32, #tpu.memory_space<vmem>>) semaphore(%arg12 : memref<!tpu.dma_semaphore, #tpu.memory_space<semaphore_mem>>)
      %dma_start3A_215 = arith.constant 5 : i32
      %dma_start3A_216 = arith.constant 0 : i32
      %dma_start3A_217 = tpu.memref_slice %arg8[%dma_start3A_215, %dma_start3A_216] : memref<8x128xi32, #tpu.memory_space<vmem>> -> memref<1x128xi32, #tpu.memory_space<vmem>>
      %dma_start3A_218 = tpu.memref_squeeze %dma_start3A_217 : memref<1x128xi32, #tpu.memory_space<vmem>> -> memref<128xi32, #tpu.memory_space<vmem>>
      %dma_start3A_219 = arith.constant 0 : i32
      %dma_start3A_220 = arith.constant 0 : i32
      %dma_start3A_221 = tpu.memref_slice %arg7[%dma_start3A_219, %dma_start3A_220] : memref<10016x128xf32, #tpu.memory_space<vmem_shared>> -> memref<10016x128xf32, #tpu.memory_space<vmem_shared>>
      tpu.enqueue_indirect_dma source(%arg11 : memref<128x128xf32, #tpu.memory_space<vmem>>) target(%dma_start3A_221 : memref<10016x128xf32, #tpu.memory_space<vmem_shared>>) offsets(%dma_start3A_218 : memref<128xi32, #tpu.memory_space<vmem>>) semaphore(%arg16 : memref<!tpu.dma_semaphore, #tpu.memory_space<semaphore_mem>>) {add = true}
      %dma_wait3A_222 = arith.constant 6 : i32
      %dma_wait3A_223 = arith.constant 0 : i32
      %dma_wait3A_224 = tpu.memref_slice %arg17[%dma_wait3A_222, %dma_wait3A_223] : memref<8x128xi32, #tpu.memory_space<vmem>> -> memref<1x128xi32, #tpu.memory_space<vmem>>
      %dma_wait3A_225 = tpu.memref_squeeze %dma_wait3A_224 : memref<1x128xi32, #tpu.memory_space<vmem>> -> memref<128xi32, #tpu.memory_space<vmem>>
      %dma_wait3A_226 = arith.constant 0 : i32
      %dma_wait3A_227 = arith.constant 0 : i32
      %dma_wait3A_228 = tpu.memref_slice %arg2[%dma_wait3A_226, %dma_wait3A_227] : memref<10000x128xf32, #tpu.memory_space<hbm>> -> memref<10000x128xf32, #tpu.memory_space<hbm>>
      tpu.wait_indirect_dma semaphore(%arg12 : memref<!tpu.dma_semaphore, #tpu.memory_space<semaphore_mem>>) src(%dma_wait3A_228 : memref<10000x128xf32, #tpu.memory_space<hbm>>) dst(%arg10 : memref<128x128xf32, #tpu.memory_space<vmem>>)
      %dma_wait3A_229 = arith.constant 0 : i32
      %dma_wait3A_230 = arith.constant 0 : i32
      %dma_wait3A_231 = tpu.memref_slice %arg8[%dma_wait3A_229, %dma_wait3A_230] : memref<8x128xi32, #tpu.memory_space<vmem>> -> memref<1x128xi32, #tpu.memory_space<vmem>>
      %dma_wait3A_232 = tpu.memref_squeeze %dma_wait3A_231 : memref<1x128xi32, #tpu.memory_space<vmem>> -> memref<128xi32, #tpu.memory_space<vmem>>
      %dma_wait3A_233 = arith.constant 0 : i32
      %dma_wait3A_234 = arith.constant 0 : i32
      %dma_wait3A_235 = tpu.memref_slice %arg7[%dma_wait3A_233, %dma_wait3A_234] : memref<10016x128xf32, #tpu.memory_space<vmem_shared>> -> memref<10016x128xf32, #tpu.memory_space<vmem_shared>>
      tpu.wait_indirect_dma semaphore(%arg16 : memref<!tpu.dma_semaphore, #tpu.memory_space<semaphore_mem>>) src(%arg11 : memref<128x128xf32, #tpu.memory_space<vmem>>) dst(%dma_wait3A_235 : memref<10016x128xf32, #tpu.memory_space<vmem_shared>>)
      %dma_start3A_236 = arith.constant 7 : i32
      %dma_start3A_237 = arith.constant 0 : i32
      %dma_start3A_238 = tpu.memref_slice %arg17[%dma_start3A_236, %dma_start3A_237] : memref<8x128xi32, #tpu.memory_space<vmem>> -> memref<1x128xi32, #tpu.memory_space<vmem>>
      %dma_start3A_239 = tpu.memref_squeeze %dma_start3A_238 : memref<1x128xi32, #tpu.memory_space<vmem>> -> memref<128xi32, #tpu.memory_space<vmem>>
      %dma_start3A_240 = arith.constant 0 : i32
      %dma_start3A_241 = arith.constant 0 : i32
      %dma_start3A_242 = tpu.memref_slice %arg2[%dma_start3A_240, %dma_start3A_241] : memref<10000x128xf32, #tpu.memory_space<hbm>> -> memref<10000x128xf32, #tpu.memory_space<hbm>>
      tpu.enqueue_indirect_dma source(%dma_start3A_242 : memref<10000x128xf32, #tpu.memory_space<hbm>>) target(%arg11 : memref<128x128xf32, #tpu.memory_space<vmem>>) offsets(%dma_start3A_239 : memref<128xi32, #tpu.memory_space<vmem>>) semaphore(%arg13 : memref<!tpu.dma_semaphore, #tpu.memory_space<semaphore_mem>>)
      %dma_start3A_243 = arith.constant 6 : i32
      %dma_start3A_244 = arith.constant 0 : i32
      %dma_start3A_245 = tpu.memref_slice %arg8[%dma_start3A_243, %dma_start3A_244] : memref<8x128xi32, #tpu.memory_space<vmem>> -> memref<1x128xi32, #tpu.memory_space<vmem>>
      %dma_start3A_246 = tpu.memref_squeeze %dma_start3A_245 : memref<1x128xi32, #tpu.memory_space<vmem>> -> memref<128xi32, #tpu.memory_space<vmem>>
      %dma_start3A_247 = arith.constant 0 : i32
      %dma_start3A_248 = arith.constant 0 : i32
      %dma_start3A_249 = tpu.memref_slice %arg7[%dma_start3A_247, %dma_start3A_248] : memref<10016x128xf32, #tpu.memory_space<vmem_shared>> -> memref<10016x128xf32, #tpu.memory_space<vmem_shared>>
      tpu.enqueue_indirect_dma source(%arg10 : memref<128x128xf32, #tpu.memory_space<vmem>>) target(%dma_start3A_249 : memref<10016x128xf32, #tpu.memory_space<vmem_shared>>) offsets(%dma_start3A_246 : memref<128xi32, #tpu.memory_space<vmem>>) semaphore(%arg15 : memref<!tpu.dma_semaphore, #tpu.memory_space<semaphore_mem>>) {add = true}
      %dma_wait3A_250 = arith.constant 7 : i32
      %dma_wait3A_251 = arith.constant 0 : i32
      %dma_wait3A_252 = tpu.memref_slice %arg17[%dma_wait3A_250, %dma_wait3A_251] : memref<8x128xi32, #tpu.memory_space<vmem>> -> memref<1x128xi32, #tpu.memory_space<vmem>>
      %dma_wait3A_253 = tpu.memref_squeeze %dma_wait3A_252 : memref<1x128xi32, #tpu.memory_space<vmem>> -> memref<128xi32, #tpu.memory_space<vmem>>
      %dma_wait3A_254 = arith.constant 0 : i32
      %dma_wait3A_255 = arith.constant 0 : i32
      %dma_wait3A_256 = tpu.memref_slice %arg2[%dma_wait3A_254, %dma_wait3A_255] : memref<10000x128xf32, #tpu.memory_space<hbm>> -> memref<10000x128xf32, #tpu.memory_space<hbm>>
      tpu.wait_indirect_dma semaphore(%arg13 : memref<!tpu.dma_semaphore, #tpu.memory_space<semaphore_mem>>) src(%dma_wait3A_256 : memref<10000x128xf32, #tpu.memory_space<hbm>>) dst(%arg11 : memref<128x128xf32, #tpu.memory_space<vmem>>)
      %dma_wait3A_257 = arith.constant 0 : i32
      %dma_wait3A_258 = arith.constant 0 : i32
      %dma_wait3A_259 = tpu.memref_slice %arg8[%dma_wait3A_257, %dma_wait3A_258] : memref<8x128xi32, #tpu.memory_space<vmem>> -> memref<1x128xi32, #tpu.memory_space<vmem>>
      %dma_wait3A_260 = tpu.memref_squeeze %dma_wait3A_259 : memref<1x128xi32, #tpu.memory_space<vmem>> -> memref<128xi32, #tpu.memory_space<vmem>>
      %dma_wait3A_261 = arith.constant 0 : i32
      %dma_wait3A_262 = arith.constant 0 : i32
      %dma_wait3A_263 = tpu.memref_slice %arg7[%dma_wait3A_261, %dma_wait3A_262] : memref<10016x128xf32, #tpu.memory_space<vmem_shared>> -> memref<10016x128xf32, #tpu.memory_space<vmem_shared>>
      tpu.wait_indirect_dma semaphore(%arg15 : memref<!tpu.dma_semaphore, #tpu.memory_space<semaphore_mem>>) src(%arg10 : memref<128x128xf32, #tpu.memory_space<vmem>>) dst(%dma_wait3A_263 : memref<10016x128xf32, #tpu.memory_space<vmem_shared>>)
      %lt3A_264 = arith.constant 9 : i32
      %lt3A_265 = arith.cmpi slt, %add3A_53, %lt3A_264 : i32
      %convert_element_type3A_266 = arith.extui %lt3A_265 : i1 to i32
      %cond3A_267 = arith.constant 0 : i32
      %cond3A_268 = arith.cmpi ne, %convert_element_type3A_266, %cond3A_267 : i32
      scf.if %cond3A_268 {
        %dma_wait3A_508 = arith.constant 0 : i32
        %dma_wait3A_509 = arith.constant 0 : i32
        %dma_wait3A_510 = tpu.memref_slice %arg3[%dma_wait3A_508, %dma_wait3A_509] : memref<2560x128xi32, #tpu.memory_space<hbm>> -> memref<8x128xi32, #tpu.memory_space<hbm>>
        %dma_wait3A_511 = arith.constant 0 : i32
        %dma_wait3A_512 = arith.constant 0 : i32
        %dma_wait3A_513 = tpu.memref_slice %arg3[%dma_wait3A_511, %dma_wait3A_512] : memref<2560x128xi32, #tpu.memory_space<hbm>> -> memref<8x128xi32, #tpu.memory_space<hbm>>
        tpu.wait_dma2 semaphore(%arg14 : memref<!tpu.dma_semaphore, #tpu.memory_space<semaphore_mem>>) src(%dma_wait3A_513 : memref<8x128xi32, #tpu.memory_space<hbm>>) dst(%arg18 : memref<8x128xi32, #tpu.memory_space<vmem>>)
        %dma_wait3A_514 = arith.constant 0 : i32
        %dma_wait3A_515 = arith.constant 0 : i32
        %dma_wait3A_516 = tpu.memref_slice %arg4[%dma_wait3A_514, %dma_wait3A_515] : memref<2560x128xi32, #tpu.memory_space<hbm>> -> memref<8x128xi32, #tpu.memory_space<hbm>>
        %dma_wait3A_517 = arith.constant 0 : i32
        %dma_wait3A_518 = arith.constant 0 : i32
        %dma_wait3A_519 = tpu.memref_slice %arg4[%dma_wait3A_517, %dma_wait3A_518] : memref<2560x128xi32, #tpu.memory_space<hbm>> -> memref<8x128xi32, #tpu.memory_space<hbm>>
        tpu.wait_dma2 semaphore(%arg14 : memref<!tpu.dma_semaphore, #tpu.memory_space<semaphore_mem>>) src(%dma_wait3A_519 : memref<8x128xi32, #tpu.memory_space<hbm>>) dst(%arg9 : memref<8x128xi32, #tpu.memory_space<vmem>>)
        %dma_start3A_520 = arith.constant 0 : i32
        %dma_start3A_521 = arith.constant 0 : i32
        %dma_start3A_522 = tpu.memref_slice %arg18[%dma_start3A_520, %dma_start3A_521] : memref<8x128xi32, #tpu.memory_space<vmem>> -> memref<1x128xi32, #tpu.memory_space<vmem>>
        %dma_start3A_523 = tpu.memref_squeeze %dma_start3A_522 : memref<1x128xi32, #tpu.memory_space<vmem>> -> memref<128xi32, #tpu.memory_space<vmem>>
        %dma_start3A_524 = arith.constant 0 : i32
        %dma_start3A_525 = arith.constant 0 : i32
        %dma_start3A_526 = tpu.memref_slice %arg2[%dma_start3A_524, %dma_start3A_525] : memref<10000x128xf32, #tpu.memory_space<hbm>> -> memref<10000x128xf32, #tpu.memory_space<hbm>>
        tpu.enqueue_indirect_dma source(%dma_start3A_526 : memref<10000x128xf32, #tpu.memory_space<hbm>>) target(%arg10 : memref<128x128xf32, #tpu.memory_space<vmem>>) offsets(%dma_start3A_523 : memref<128xi32, #tpu.memory_space<vmem>>) semaphore(%arg12 : memref<!tpu.dma_semaphore, #tpu.memory_space<semaphore_mem>>)
      } else {
      }
      %dma_start3A_269 = arith.constant 7 : i32
      %dma_start3A_270 = arith.constant 0 : i32
      %dma_start3A_271 = tpu.memref_slice %arg8[%dma_start3A_269, %dma_start3A_270] : memref<8x128xi32, #tpu.memory_space<vmem>> -> memref<1x128xi32, #tpu.memory_space<vmem>>
      %dma_start3A_272 = tpu.memref_squeeze %dma_start3A_271 : memref<1x128xi32, #tpu.memory_space<vmem>> -> memref<128xi32, #tpu.memory_space<vmem>>
      %dma_start3A_273 = arith.constant 0 : i32
      %dma_start3A_274 = arith.constant 0 : i32
      %dma_start3A_275 = tpu.memref_slice %arg7[%dma_start3A_273, %dma_start3A_274] : memref<10016x128xf32, #tpu.memory_space<vmem_shared>> -> memref<10016x128xf32, #tpu.memory_space<vmem_shared>>
      tpu.enqueue_indirect_dma source(%arg11 : memref<128x128xf32, #tpu.memory_space<vmem>>) target(%dma_start3A_275 : memref<10016x128xf32, #tpu.memory_space<vmem_shared>>) offsets(%dma_start3A_272 : memref<128xi32, #tpu.memory_space<vmem>>) semaphore(%arg16 : memref<!tpu.dma_semaphore, #tpu.memory_space<semaphore_mem>>) {add = true}
      %mul3A_276 = arith.constant 2 : i32
      %mul3A_277 = arith.muli %mul3A_276, %scan3A_49 : i32
      %add3A_278 = arith.constant 1 : i32
      %add3A_279 = arith.addi %mul3A_277, %add3A_278 : i32
      %dma_wait3A_280 = arith.constant 0 : i32
      %dma_wait3A_281 = arith.constant 0 : i32
      %dma_wait3A_282 = tpu.memref_slice %arg18[%dma_wait3A_280, %dma_wait3A_281] : memref<8x128xi32, #tpu.memory_space<vmem>> -> memref<1x128xi32, #tpu.memory_space<vmem>>
      %dma_wait3A_283 = tpu.memref_squeeze %dma_wait3A_282 : memref<1x128xi32, #tpu.memory_space<vmem>> -> memref<128xi32, #tpu.memory_space<vmem>>
      %dma_wait3A_284 = arith.constant 0 : i32
      %dma_wait3A_285 = arith.constant 0 : i32
      %dma_wait3A_286 = tpu.memref_slice %arg2[%dma_wait3A_284, %dma_wait3A_285] : memref<10000x128xf32, #tpu.memory_space<hbm>> -> memref<10000x128xf32, #tpu.memory_space<hbm>>
      tpu.wait_indirect_dma semaphore(%arg12 : memref<!tpu.dma_semaphore, #tpu.memory_space<semaphore_mem>>) src(%dma_wait3A_286 : memref<10000x128xf32, #tpu.memory_space<hbm>>) dst(%arg10 : memref<128x128xf32, #tpu.memory_space<vmem>>)
      %gt3A_287 = arith.constant 0 : i32
      %gt3A_288 = arith.cmpi sgt, %add3A_279, %gt3A_287 : i32
      %convert_element_type3A_289 = arith.extui %gt3A_288 : i1 to i32
      %cond3A_290 = arith.constant 0 : i32
      %cond3A_291 = arith.cmpi ne, %convert_element_type3A_289, %cond3A_290 : i32
      scf.if %cond3A_291 {
        %dma_wait3A_508 = arith.constant 0 : i32
        %dma_wait3A_509 = arith.constant 0 : i32
        %dma_wait3A_510 = tpu.memref_slice %arg8[%dma_wait3A_508, %dma_wait3A_509] : memref<8x128xi32, #tpu.memory_space<vmem>> -> memref<1x128xi32, #tpu.memory_space<vmem>>
        %dma_wait3A_511 = tpu.memref_squeeze %dma_wait3A_510 : memref<1x128xi32, #tpu.memory_space<vmem>> -> memref<128xi32, #tpu.memory_space<vmem>>
        %dma_wait3A_512 = arith.constant 0 : i32
        %dma_wait3A_513 = arith.constant 0 : i32
        %dma_wait3A_514 = tpu.memref_slice %arg7[%dma_wait3A_512, %dma_wait3A_513] : memref<10016x128xf32, #tpu.memory_space<vmem_shared>> -> memref<10016x128xf32, #tpu.memory_space<vmem_shared>>
        tpu.wait_indirect_dma semaphore(%arg16 : memref<!tpu.dma_semaphore, #tpu.memory_space<semaphore_mem>>) src(%arg11 : memref<128x128xf32, #tpu.memory_space<vmem>>) dst(%dma_wait3A_514 : memref<10016x128xf32, #tpu.memory_space<vmem_shared>>)
      } else {
      }
      %dma_start3A_292 = arith.constant 1 : i32
      %dma_start3A_293 = arith.constant 0 : i32
      %dma_start3A_294 = tpu.memref_slice %arg18[%dma_start3A_292, %dma_start3A_293] : memref<8x128xi32, #tpu.memory_space<vmem>> -> memref<1x128xi32, #tpu.memory_space<vmem>>
      %dma_start3A_295 = tpu.memref_squeeze %dma_start3A_294 : memref<1x128xi32, #tpu.memory_space<vmem>> -> memref<128xi32, #tpu.memory_space<vmem>>
      %dma_start3A_296 = arith.constant 0 : i32
      %dma_start3A_297 = arith.constant 0 : i32
      %dma_start3A_298 = tpu.memref_slice %arg2[%dma_start3A_296, %dma_start3A_297] : memref<10000x128xf32, #tpu.memory_space<hbm>> -> memref<10000x128xf32, #tpu.memory_space<hbm>>
      tpu.enqueue_indirect_dma source(%dma_start3A_298 : memref<10000x128xf32, #tpu.memory_space<hbm>>) target(%arg11 : memref<128x128xf32, #tpu.memory_space<vmem>>) offsets(%dma_start3A_295 : memref<128xi32, #tpu.memory_space<vmem>>) semaphore(%arg13 : memref<!tpu.dma_semaphore, #tpu.memory_space<semaphore_mem>>)
      %dma_start3A_299 = arith.constant 0 : i32
      %dma_start3A_300 = arith.constant 0 : i32
      %dma_start3A_301 = tpu.memref_slice %arg9[%dma_start3A_299, %dma_start3A_300] : memref<8x128xi32, #tpu.memory_space<vmem>> -> memref<1x128xi32, #tpu.memory_space<vmem>>
      %dma_start3A_302 = tpu.memref_squeeze %dma_start3A_301 : memref<1x128xi32, #tpu.memory_space<vmem>> -> memref<128xi32, #tpu.memory_space<vmem>>
      %dma_start3A_303 = arith.constant 0 : i32
      %dma_start3A_304 = arith.constant 0 : i32
      %dma_start3A_305 = tpu.memref_slice %arg7[%dma_start3A_303, %dma_start3A_304] : memref<10016x128xf32, #tpu.memory_space<vmem_shared>> -> memref<10016x128xf32, #tpu.memory_space<vmem_shared>>
      tpu.enqueue_indirect_dma source(%arg10 : memref<128x128xf32, #tpu.memory_space<vmem>>) target(%dma_start3A_305 : memref<10016x128xf32, #tpu.memory_space<vmem_shared>>) offsets(%dma_start3A_302 : memref<128xi32, #tpu.memory_space<vmem>>) semaphore(%arg15 : memref<!tpu.dma_semaphore, #tpu.memory_space<semaphore_mem>>) {add = true}
      %dma_wait3A_306 = arith.constant 1 : i32
      %dma_wait3A_307 = arith.constant 0 : i32
      %dma_wait3A_308 = tpu.memref_slice %arg18[%dma_wait3A_306, %dma_wait3A_307] : memref<8x128xi32, #tpu.memory_space<vmem>> -> memref<1x128xi32, #tpu.memory_space<vmem>>
      %dma_wait3A_309 = tpu.memref_squeeze %dma_wait3A_308 : memref<1x128xi32, #tpu.memory_space<vmem>> -> memref<128xi32, #tpu.memory_space<vmem>>
      %dma_wait3A_310 = arith.constant 0 : i32
      %dma_wait3A_311 = arith.constant 0 : i32
      %dma_wait3A_312 = tpu.memref_slice %arg2[%dma_wait3A_310, %dma_wait3A_311] : memref<10000x128xf32, #tpu.memory_space<hbm>> -> memref<10000x128xf32, #tpu.memory_space<hbm>>
      tpu.wait_indirect_dma semaphore(%arg13 : memref<!tpu.dma_semaphore, #tpu.memory_space<semaphore_mem>>) src(%dma_wait3A_312 : memref<10000x128xf32, #tpu.memory_space<hbm>>) dst(%arg11 : memref<128x128xf32, #tpu.memory_space<vmem>>)
      %dma_wait3A_313 = arith.constant 0 : i32
      %dma_wait3A_314 = arith.constant 0 : i32
      %dma_wait3A_315 = tpu.memref_slice %arg8[%dma_wait3A_313, %dma_wait3A_314] : memref<8x128xi32, #tpu.memory_space<vmem>> -> memref<1x128xi32, #tpu.memory_space<vmem>>
      %dma_wait3A_316 = tpu.memref_squeeze %dma_wait3A_315 : memref<1x128xi32, #tpu.memory_space<vmem>> -> memref<128xi32, #tpu.memory_space<vmem>>
      %dma_wait3A_317 = arith.constant 0 : i32
      %dma_wait3A_318 = arith.constant 0 : i32
      %dma_wait3A_319 = tpu.memref_slice %arg7[%dma_wait3A_317, %dma_wait3A_318] : memref<10016x128xf32, #tpu.memory_space<vmem_shared>> -> memref<10016x128xf32, #tpu.memory_space<vmem_shared>>
      tpu.wait_indirect_dma semaphore(%arg15 : memref<!tpu.dma_semaphore, #tpu.memory_space<semaphore_mem>>) src(%arg10 : memref<128x128xf32, #tpu.memory_space<vmem>>) dst(%dma_wait3A_319 : memref<10016x128xf32, #tpu.memory_space<vmem_shared>>)
      %dma_start3A_320 = arith.constant 2 : i32
      %dma_start3A_321 = arith.constant 0 : i32
      %dma_start3A_322 = tpu.memref_slice %arg18[%dma_start3A_320, %dma_start3A_321] : memref<8x128xi32, #tpu.memory_space<vmem>> -> memref<1x128xi32, #tpu.memory_space<vmem>>
      %dma_start3A_323 = tpu.memref_squeeze %dma_start3A_322 : memref<1x128xi32, #tpu.memory_space<vmem>> -> memref<128xi32, #tpu.memory_space<vmem>>
      %dma_start3A_324 = arith.constant 0 : i32
      %dma_start3A_325 = arith.constant 0 : i32
      %dma_start3A_326 = tpu.memref_slice %arg2[%dma_start3A_324, %dma_start3A_325] : memref<10000x128xf32, #tpu.memory_space<hbm>> -> memref<10000x128xf32, #tpu.memory_space<hbm>>
      tpu.enqueue_indirect_dma source(%dma_start3A_326 : memref<10000x128xf32, #tpu.memory_space<hbm>>) target(%arg10 : memref<128x128xf32, #tpu.memory_space<vmem>>) offsets(%dma_start3A_323 : memref<128xi32, #tpu.memory_space<vmem>>) semaphore(%arg12 : memref<!tpu.dma_semaphore, #tpu.memory_space<semaphore_mem>>)
      %dma_start3A_327 = arith.constant 1 : i32
      %dma_start3A_328 = arith.constant 0 : i32
      %dma_start3A_329 = tpu.memref_slice %arg9[%dma_start3A_327, %dma_start3A_328] : memref<8x128xi32, #tpu.memory_space<vmem>> -> memref<1x128xi32, #tpu.memory_space<vmem>>
      %dma_start3A_330 = tpu.memref_squeeze %dma_start3A_329 : memref<1x128xi32, #tpu.memory_space<vmem>> -> memref<128xi32, #tpu.memory_space<vmem>>
      %dma_start3A_331 = arith.constant 0 : i32
      %dma_start3A_332 = arith.constant 0 : i32
      %dma_start3A_333 = tpu.memref_slice %arg7[%dma_start3A_331, %dma_start3A_332] : memref<10016x128xf32, #tpu.memory_space<vmem_shared>> -> memref<10016x128xf32, #tpu.memory_space<vmem_shared>>
      tpu.enqueue_indirect_dma source(%arg11 : memref<128x128xf32, #tpu.memory_space<vmem>>) target(%dma_start3A_333 : memref<10016x128xf32, #tpu.memory_space<vmem_shared>>) offsets(%dma_start3A_330 : memref<128xi32, #tpu.memory_space<vmem>>) semaphore(%arg16 : memref<!tpu.dma_semaphore, #tpu.memory_space<semaphore_mem>>) {add = true}
      %dma_wait3A_334 = arith.constant 2 : i32
      %dma_wait3A_335 = arith.constant 0 : i32
      %dma_wait3A_336 = tpu.memref_slice %arg18[%dma_wait3A_334, %dma_wait3A_335] : memref<8x128xi32, #tpu.memory_space<vmem>> -> memref<1x128xi32, #tpu.memory_space<vmem>>
      %dma_wait3A_337 = tpu.memref_squeeze %dma_wait3A_336 : memref<1x128xi32, #tpu.memory_space<vmem>> -> memref<128xi32, #tpu.memory_space<vmem>>
      %dma_wait3A_338 = arith.constant 0 : i32
      %dma_wait3A_339 = arith.constant 0 : i32
      %dma_wait3A_340 = tpu.memref_slice %arg2[%dma_wait3A_338, %dma_wait3A_339] : memref<10000x128xf32, #tpu.memory_space<hbm>> -> memref<10000x128xf32, #tpu.memory_space<hbm>>
      tpu.wait_indirect_dma semaphore(%arg12 : memref<!tpu.dma_semaphore, #tpu.memory_space<semaphore_mem>>) src(%dma_wait3A_340 : memref<10000x128xf32, #tpu.memory_space<hbm>>) dst(%arg10 : memref<128x128xf32, #tpu.memory_space<vmem>>)
      %dma_wait3A_341 = arith.constant 0 : i32
      %dma_wait3A_342 = arith.constant 0 : i32
      %dma_wait3A_343 = tpu.memref_slice %arg8[%dma_wait3A_341, %dma_wait3A_342] : memref<8x128xi32, #tpu.memory_space<vmem>> -> memref<1x128xi32, #tpu.memory_space<vmem>>
      %dma_wait3A_344 = tpu.memref_squeeze %dma_wait3A_343 : memref<1x128xi32, #tpu.memory_space<vmem>> -> memref<128xi32, #tpu.memory_space<vmem>>
      %dma_wait3A_345 = arith.constant 0 : i32
      %dma_wait3A_346 = arith.constant 0 : i32
      %dma_wait3A_347 = tpu.memref_slice %arg7[%dma_wait3A_345, %dma_wait3A_346] : memref<10016x128xf32, #tpu.memory_space<vmem_shared>> -> memref<10016x128xf32, #tpu.memory_space<vmem_shared>>
      tpu.wait_indirect_dma semaphore(%arg16 : memref<!tpu.dma_semaphore, #tpu.memory_space<semaphore_mem>>) src(%arg11 : memref<128x128xf32, #tpu.memory_space<vmem>>) dst(%dma_wait3A_347 : memref<10016x128xf32, #tpu.memory_space<vmem_shared>>)
      %ge3A_348 = arith.constant 1 : i32
      %ge3A_349 = arith.cmpi sge, %add3A_279, %ge3A_348 : i32
      %lt3A_350 = arith.constant 9 : i32
      %lt3A_351 = arith.cmpi slt, %add3A_279, %lt3A_350 : i32
      %and3A_352 = arith.andi %ge3A_349, %lt3A_351 : i1
      %convert_element_type3A_353 = arith.extui %and3A_352 : i1 to i32
      %cond3A_354 = arith.constant 0 : i32
      %cond3A_355 = arith.cmpi ne, %convert_element_type3A_353, %cond3A_354 : i32
      scf.if %cond3A_355 {
        %add3A_508 = arith.constant 1 : i32
        %add3A_509 = arith.addi %add3A_279, %add3A_508 : i32
        %add3A_510 = arith.addi %mul3A_2, %add3A_509 : i32
        %mul3A_511 = arith.constant 8 : i32
        %mul3A_512 = arith.muli %add3A_510, %mul3A_511 : i32
        %dma_start3A_513 = arith.constant 0 : i32
        %dma_start3A_514 = tpu.memref_slice %arg3[%mul3A_512, %dma_start3A_513] : memref<2560x128xi32, #tpu.memory_space<hbm>> -> memref<8x128xi32, #tpu.memory_space<hbm>>
        %dma_start3A_515 = arith.constant 0 : i32
        %dma_start3A_516 = tpu.memref_slice %arg3[%mul3A_512, %dma_start3A_515] : memref<2560x128xi32, #tpu.memory_space<hbm>> -> memref<8x128xi32, #tpu.memory_space<hbm>>
        tpu.enqueue_dma source(%dma_start3A_516 : memref<8x128xi32, #tpu.memory_space<hbm>>) target(%arg17 : memref<8x128xi32, #tpu.memory_space<vmem>>) target_semaphore(%arg14 : memref<!tpu.dma_semaphore, #tpu.memory_space<semaphore_mem>>)
        %add3A_517 = arith.addi %mul3A_2, %add3A_509 : i32
        %mul3A_518 = arith.constant 8 : i32
        %mul3A_519 = arith.muli %add3A_517, %mul3A_518 : i32
        %dma_start3A_520 = arith.constant 0 : i32
        %dma_start3A_521 = tpu.memref_slice %arg4[%mul3A_519, %dma_start3A_520] : memref<2560x128xi32, #tpu.memory_space<hbm>> -> memref<8x128xi32, #tpu.memory_space<hbm>>
        %dma_start3A_522 = arith.constant 0 : i32
        %dma_start3A_523 = tpu.memref_slice %arg4[%mul3A_519, %dma_start3A_522] : memref<2560x128xi32, #tpu.memory_space<hbm>> -> memref<8x128xi32, #tpu.memory_space<hbm>>
        tpu.enqueue_dma source(%dma_start3A_523 : memref<8x128xi32, #tpu.memory_space<hbm>>) target(%arg8 : memref<8x128xi32, #tpu.memory_space<vmem>>) target_semaphore(%arg14 : memref<!tpu.dma_semaphore, #tpu.memory_space<semaphore_mem>>)
      } else {
      }
      %dma_start3A_356 = arith.constant 3 : i32
      %dma_start3A_357 = arith.constant 0 : i32
      %dma_start3A_358 = tpu.memref_slice %arg18[%dma_start3A_356, %dma_start3A_357] : memref<8x128xi32, #tpu.memory_space<vmem>> -> memref<1x128xi32, #tpu.memory_space<vmem>>
      %dma_start3A_359 = tpu.memref_squeeze %dma_start3A_358 : memref<1x128xi32, #tpu.memory_space<vmem>> -> memref<128xi32, #tpu.memory_space<vmem>>
      %dma_start3A_360 = arith.constant 0 : i32
      %dma_start3A_361 = arith.constant 0 : i32
      %dma_start3A_362 = tpu.memref_slice %arg2[%dma_start3A_360, %dma_start3A_361] : memref<10000x128xf32, #tpu.memory_space<hbm>> -> memref<10000x128xf32, #tpu.memory_space<hbm>>
      tpu.enqueue_indirect_dma source(%dma_start3A_362 : memref<10000x128xf32, #tpu.memory_space<hbm>>) target(%arg11 : memref<128x128xf32, #tpu.memory_space<vmem>>) offsets(%dma_start3A_359 : memref<128xi32, #tpu.memory_space<vmem>>) semaphore(%arg13 : memref<!tpu.dma_semaphore, #tpu.memory_space<semaphore_mem>>)
      %dma_start3A_363 = arith.constant 2 : i32
      %dma_start3A_364 = arith.constant 0 : i32
      %dma_start3A_365 = tpu.memref_slice %arg9[%dma_start3A_363, %dma_start3A_364] : memref<8x128xi32, #tpu.memory_space<vmem>> -> memref<1x128xi32, #tpu.memory_space<vmem>>
      %dma_start3A_366 = tpu.memref_squeeze %dma_start3A_365 : memref<1x128xi32, #tpu.memory_space<vmem>> -> memref<128xi32, #tpu.memory_space<vmem>>
      %dma_start3A_367 = arith.constant 0 : i32
      %dma_start3A_368 = arith.constant 0 : i32
      %dma_start3A_369 = tpu.memref_slice %arg7[%dma_start3A_367, %dma_start3A_368] : memref<10016x128xf32, #tpu.memory_space<vmem_shared>> -> memref<10016x128xf32, #tpu.memory_space<vmem_shared>>
      tpu.enqueue_indirect_dma source(%arg10 : memref<128x128xf32, #tpu.memory_space<vmem>>) target(%dma_start3A_369 : memref<10016x128xf32, #tpu.memory_space<vmem_shared>>) offsets(%dma_start3A_366 : memref<128xi32, #tpu.memory_space<vmem>>) semaphore(%arg15 : memref<!tpu.dma_semaphore, #tpu.memory_space<semaphore_mem>>) {add = true}
      %dma_wait3A_370 = arith.constant 3 : i32
      %dma_wait3A_371 = arith.constant 0 : i32
      %dma_wait3A_372 = tpu.memref_slice %arg18[%dma_wait3A_370, %dma_wait3A_371] : memref<8x128xi32, #tpu.memory_space<vmem>> -> memref<1x128xi32, #tpu.memory_space<vmem>>
      %dma_wait3A_373 = tpu.memref_squeeze %dma_wait3A_372 : memref<1x128xi32, #tpu.memory_space<vmem>> -> memref<128xi32, #tpu.memory_space<vmem>>
      %dma_wait3A_374 = arith.constant 0 : i32
      %dma_wait3A_375 = arith.constant 0 : i32
      %dma_wait3A_376 = tpu.memref_slice %arg2[%dma_wait3A_374, %dma_wait3A_375] : memref<10000x128xf32, #tpu.memory_space<hbm>> -> memref<10000x128xf32, #tpu.memory_space<hbm>>
      tpu.wait_indirect_dma semaphore(%arg13 : memref<!tpu.dma_semaphore, #tpu.memory_space<semaphore_mem>>) src(%dma_wait3A_376 : memref<10000x128xf32, #tpu.memory_space<hbm>>) dst(%arg11 : memref<128x128xf32, #tpu.memory_space<vmem>>)
      %dma_wait3A_377 = arith.constant 0 : i32
      %dma_wait3A_378 = arith.constant 0 : i32
      %dma_wait3A_379 = tpu.memref_slice %arg8[%dma_wait3A_377, %dma_wait3A_378] : memref<8x128xi32, #tpu.memory_space<vmem>> -> memref<1x128xi32, #tpu.memory_space<vmem>>
      %dma_wait3A_380 = tpu.memref_squeeze %dma_wait3A_379 : memref<1x128xi32, #tpu.memory_space<vmem>> -> memref<128xi32, #tpu.memory_space<vmem>>
      %dma_wait3A_381 = arith.constant 0 : i32
      %dma_wait3A_382 = arith.constant 0 : i32
      %dma_wait3A_383 = tpu.memref_slice %arg7[%dma_wait3A_381, %dma_wait3A_382] : memref<10016x128xf32, #tpu.memory_space<vmem_shared>> -> memref<10016x128xf32, #tpu.memory_space<vmem_shared>>
      tpu.wait_indirect_dma semaphore(%arg15 : memref<!tpu.dma_semaphore, #tpu.memory_space<semaphore_mem>>) src(%arg10 : memref<128x128xf32, #tpu.memory_space<vmem>>) dst(%dma_wait3A_383 : memref<10016x128xf32, #tpu.memory_space<vmem_shared>>)
      %dma_start3A_384 = arith.constant 4 : i32
      %dma_start3A_385 = arith.constant 0 : i32
      %dma_start3A_386 = tpu.memref_slice %arg18[%dma_start3A_384, %dma_start3A_385] : memref<8x128xi32, #tpu.memory_space<vmem>> -> memref<1x128xi32, #tpu.memory_space<vmem>>
      %dma_start3A_387 = tpu.memref_squeeze %dma_start3A_386 : memref<1x128xi32, #tpu.memory_space<vmem>> -> memref<128xi32, #tpu.memory_space<vmem>>
      %dma_start3A_388 = arith.constant 0 : i32
      %dma_start3A_389 = arith.constant 0 : i32
      %dma_start3A_390 = tpu.memref_slice %arg2[%dma_start3A_388, %dma_start3A_389] : memref<10000x128xf32, #tpu.memory_space<hbm>> -> memref<10000x128xf32, #tpu.memory_space<hbm>>
      tpu.enqueue_indirect_dma source(%dma_start3A_390 : memref<10000x128xf32, #tpu.memory_space<hbm>>) target(%arg10 : memref<128x128xf32, #tpu.memory_space<vmem>>) offsets(%dma_start3A_387 : memref<128xi32, #tpu.memory_space<vmem>>) semaphore(%arg12 : memref<!tpu.dma_semaphore, #tpu.memory_space<semaphore_mem>>)
      %dma_start3A_391 = arith.constant 3 : i32
      %dma_start3A_392 = arith.constant 0 : i32
      %dma_start3A_393 = tpu.memref_slice %arg9[%dma_start3A_391, %dma_start3A_392] : memref<8x128xi32, #tpu.memory_space<vmem>> -> memref<1x128xi32, #tpu.memory_space<vmem>>
      %dma_start3A_394 = tpu.memref_squeeze %dma_start3A_393 : memref<1x128xi32, #tpu.memory_space<vmem>> -> memref<128xi32, #tpu.memory_space<vmem>>
      %dma_start3A_395 = arith.constant 0 : i32
      %dma_start3A_396 = arith.constant 0 : i32
      %dma_start3A_397 = tpu.memref_slice %arg7[%dma_start3A_395, %dma_start3A_396] : memref<10016x128xf32, #tpu.memory_space<vmem_shared>> -> memref<10016x128xf32, #tpu.memory_space<vmem_shared>>
      tpu.enqueue_indirect_dma source(%arg11 : memref<128x128xf32, #tpu.memory_space<vmem>>) target(%dma_start3A_397 : memref<10016x128xf32, #tpu.memory_space<vmem_shared>>) offsets(%dma_start3A_394 : memref<128xi32, #tpu.memory_space<vmem>>) semaphore(%arg16 : memref<!tpu.dma_semaphore, #tpu.memory_space<semaphore_mem>>) {add = true}
      %dma_wait3A_398 = arith.constant 4 : i32
      %dma_wait3A_399 = arith.constant 0 : i32
      %dma_wait3A_400 = tpu.memref_slice %arg18[%dma_wait3A_398, %dma_wait3A_399] : memref<8x128xi32, #tpu.memory_space<vmem>> -> memref<1x128xi32, #tpu.memory_space<vmem>>
      %dma_wait3A_401 = tpu.memref_squeeze %dma_wait3A_400 : memref<1x128xi32, #tpu.memory_space<vmem>> -> memref<128xi32, #tpu.memory_space<vmem>>
      %dma_wait3A_402 = arith.constant 0 : i32
      %dma_wait3A_403 = arith.constant 0 : i32
      %dma_wait3A_404 = tpu.memref_slice %arg2[%dma_wait3A_402, %dma_wait3A_403] : memref<10000x128xf32, #tpu.memory_space<hbm>> -> memref<10000x128xf32, #tpu.memory_space<hbm>>
      tpu.wait_indirect_dma semaphore(%arg12 : memref<!tpu.dma_semaphore, #tpu.memory_space<semaphore_mem>>) src(%dma_wait3A_404 : memref<10000x128xf32, #tpu.memory_space<hbm>>) dst(%arg10 : memref<128x128xf32, #tpu.memory_space<vmem>>)
      %dma_wait3A_405 = arith.constant 0 : i32
      %dma_wait3A_406 = arith.constant 0 : i32
      %dma_wait3A_407 = tpu.memref_slice %arg8[%dma_wait3A_405, %dma_wait3A_406] : memref<8x128xi32, #tpu.memory_space<vmem>> -> memref<1x128xi32, #tpu.memory_space<vmem>>
      %dma_wait3A_408 = tpu.memref_squeeze %dma_wait3A_407 : memref<1x128xi32, #tpu.memory_space<vmem>> -> memref<128xi32, #tpu.memory_space<vmem>>
      %dma_wait3A_409 = arith.constant 0 : i32
      %dma_wait3A_410 = arith.constant 0 : i32
      %dma_wait3A_411 = tpu.memref_slice %arg7[%dma_wait3A_409, %dma_wait3A_410] : memref<10016x128xf32, #tpu.memory_space<vmem_shared>> -> memref<10016x128xf32, #tpu.memory_space<vmem_shared>>
      tpu.wait_indirect_dma semaphore(%arg16 : memref<!tpu.dma_semaphore, #tpu.memory_space<semaphore_mem>>) src(%arg11 : memref<128x128xf32, #tpu.memory_space<vmem>>) dst(%dma_wait3A_411 : memref<10016x128xf32, #tpu.memory_space<vmem_shared>>)
      %dma_start3A_412 = arith.constant 5 : i32
      %dma_start3A_413 = arith.constant 0 : i32
      %dma_start3A_414 = tpu.memref_slice %arg18[%dma_start3A_412, %dma_start3A_413] : memref<8x128xi32, #tpu.memory_space<vmem>> -> memref<1x128xi32, #tpu.memory_space<vmem>>
      %dma_start3A_415 = tpu.memref_squeeze %dma_start3A_414 : memref<1x128xi32, #tpu.memory_space<vmem>> -> memref<128xi32, #tpu.memory_space<vmem>>
      %dma_start3A_416 = arith.constant 0 : i32
      %dma_start3A_417 = arith.constant 0 : i32
      %dma_start3A_418 = tpu.memref_slice %arg2[%dma_start3A_416, %dma_start3A_417] : memref<10000x128xf32, #tpu.memory_space<hbm>> -> memref<10000x128xf32, #tpu.memory_space<hbm>>
      tpu.enqueue_indirect_dma source(%dma_start3A_418 : memref<10000x128xf32, #tpu.memory_space<hbm>>) target(%arg11 : memref<128x128xf32, #tpu.memory_space<vmem>>) offsets(%dma_start3A_415 : memref<128xi32, #tpu.memory_space<vmem>>) semaphore(%arg13 : memref<!tpu.dma_semaphore, #tpu.memory_space<semaphore_mem>>)
      %dma_start3A_419 = arith.constant 4 : i32
      %dma_start3A_420 = arith.constant 0 : i32
      %dma_start3A_421 = tpu.memref_slice %arg9[%dma_start3A_419, %dma_start3A_420] : memref<8x128xi32, #tpu.memory_space<vmem>> -> memref<1x128xi32, #tpu.memory_space<vmem>>
      %dma_start3A_422 = tpu.memref_squeeze %dma_start3A_421 : memref<1x128xi32, #tpu.memory_space<vmem>> -> memref<128xi32, #tpu.memory_space<vmem>>
      %dma_start3A_423 = arith.constant 0 : i32
      %dma_start3A_424 = arith.constant 0 : i32
      %dma_start3A_425 = tpu.memref_slice %arg7[%dma_start3A_423, %dma_start3A_424] : memref<10016x128xf32, #tpu.memory_space<vmem_shared>> -> memref<10016x128xf32, #tpu.memory_space<vmem_shared>>
      tpu.enqueue_indirect_dma source(%arg10 : memref<128x128xf32, #tpu.memory_space<vmem>>) target(%dma_start3A_425 : memref<10016x128xf32, #tpu.memory_space<vmem_shared>>) offsets(%dma_start3A_422 : memref<128xi32, #tpu.memory_space<vmem>>) semaphore(%arg15 : memref<!tpu.dma_semaphore, #tpu.memory_space<semaphore_mem>>) {add = true}
      %dma_wait3A_426 = arith.constant 5 : i32
      %dma_wait3A_427 = arith.constant 0 : i32
      %dma_wait3A_428 = tpu.memref_slice %arg18[%dma_wait3A_426, %dma_wait3A_427] : memref<8x128xi32, #tpu.memory_space<vmem>> -> memref<1x128xi32, #tpu.memory_space<vmem>>
      %dma_wait3A_429 = tpu.memref_squeeze %dma_wait3A_428 : memref<1x128xi32, #tpu.memory_space<vmem>> -> memref<128xi32, #tpu.memory_space<vmem>>
      %dma_wait3A_430 = arith.constant 0 : i32
      %dma_wait3A_431 = arith.constant 0 : i32
      %dma_wait3A_432 = tpu.memref_slice %arg2[%dma_wait3A_430, %dma_wait3A_431] : memref<10000x128xf32, #tpu.memory_space<hbm>> -> memref<10000x128xf32, #tpu.memory_space<hbm>>
      tpu.wait_indirect_dma semaphore(%arg13 : memref<!tpu.dma_semaphore, #tpu.memory_space<semaphore_mem>>) src(%dma_wait3A_432 : memref<10000x128xf32, #tpu.memory_space<hbm>>) dst(%arg11 : memref<128x128xf32, #tpu.memory_space<vmem>>)
      %dma_wait3A_433 = arith.constant 0 : i32
      %dma_wait3A_434 = arith.constant 0 : i32
      %dma_wait3A_435 = tpu.memref_slice %arg8[%dma_wait3A_433, %dma_wait3A_434] : memref<8x128xi32, #tpu.memory_space<vmem>> -> memref<1x128xi32, #tpu.memory_space<vmem>>
      %dma_wait3A_436 = tpu.memref_squeeze %dma_wait3A_435 : memref<1x128xi32, #tpu.memory_space<vmem>> -> memref<128xi32, #tpu.memory_space<vmem>>
      %dma_wait3A_437 = arith.constant 0 : i32
      %dma_wait3A_438 = arith.constant 0 : i32
      %dma_wait3A_439 = tpu.memref_slice %arg7[%dma_wait3A_437, %dma_wait3A_438] : memref<10016x128xf32, #tpu.memory_space<vmem_shared>> -> memref<10016x128xf32, #tpu.memory_space<vmem_shared>>
      tpu.wait_indirect_dma semaphore(%arg15 : memref<!tpu.dma_semaphore, #tpu.memory_space<semaphore_mem>>) src(%arg10 : memref<128x128xf32, #tpu.memory_space<vmem>>) dst(%dma_wait3A_439 : memref<10016x128xf32, #tpu.memory_space<vmem_shared>>)
      %dma_start3A_440 = arith.constant 6 : i32
      %dma_start3A_441 = arith.constant 0 : i32
      %dma_start3A_442 = tpu.memref_slice %arg18[%dma_start3A_440, %dma_start3A_441] : memref<8x128xi32, #tpu.memory_space<vmem>> -> memref<1x128xi32, #tpu.memory_space<vmem>>
      %dma_start3A_443 = tpu.memref_squeeze %dma_start3A_442 : memref<1x128xi32, #tpu.memory_space<vmem>> -> memref<128xi32, #tpu.memory_space<vmem>>
      %dma_start3A_444 = arith.constant 0 : i32
      %dma_start3A_445 = arith.constant 0 : i32
      %dma_start3A_446 = tpu.memref_slice %arg2[%dma_start3A_444, %dma_start3A_445] : memref<10000x128xf32, #tpu.memory_space<hbm>> -> memref<10000x128xf32, #tpu.memory_space<hbm>>
      tpu.enqueue_indirect_dma source(%dma_start3A_446 : memref<10000x128xf32, #tpu.memory_space<hbm>>) target(%arg10 : memref<128x128xf32, #tpu.memory_space<vmem>>) offsets(%dma_start3A_443 : memref<128xi32, #tpu.memory_space<vmem>>) semaphore(%arg12 : memref<!tpu.dma_semaphore, #tpu.memory_space<semaphore_mem>>)
      %dma_start3A_447 = arith.constant 5 : i32
      %dma_start3A_448 = arith.constant 0 : i32
      %dma_start3A_449 = tpu.memref_slice %arg9[%dma_start3A_447, %dma_start3A_448] : memref<8x128xi32, #tpu.memory_space<vmem>> -> memref<1x128xi32, #tpu.memory_space<vmem>>
      %dma_start3A_450 = tpu.memref_squeeze %dma_start3A_449 : memref<1x128xi32, #tpu.memory_space<vmem>> -> memref<128xi32, #tpu.memory_space<vmem>>
      %dma_start3A_451 = arith.constant 0 : i32
      %dma_start3A_452 = arith.constant 0 : i32
      %dma_start3A_453 = tpu.memref_slice %arg7[%dma_start3A_451, %dma_start3A_452] : memref<10016x128xf32, #tpu.memory_space<vmem_shared>> -> memref<10016x128xf32, #tpu.memory_space<vmem_shared>>
      tpu.enqueue_indirect_dma source(%arg11 : memref<128x128xf32, #tpu.memory_space<vmem>>) target(%dma_start3A_453 : memref<10016x128xf32, #tpu.memory_space<vmem_shared>>) offsets(%dma_start3A_450 : memref<128xi32, #tpu.memory_space<vmem>>) semaphore(%arg16 : memref<!tpu.dma_semaphore, #tpu.memory_space<semaphore_mem>>) {add = true}
      %dma_wait3A_454 = arith.constant 6 : i32
      %dma_wait3A_455 = arith.constant 0 : i32
      %dma_wait3A_456 = tpu.memref_slice %arg18[%dma_wait3A_454, %dma_wait3A_455] : memref<8x128xi32, #tpu.memory_space<vmem>> -> memref<1x128xi32, #tpu.memory_space<vmem>>
      %dma_wait3A_457 = tpu.memref_squeeze %dma_wait3A_456 : memref<1x128xi32, #tpu.memory_space<vmem>> -> memref<128xi32, #tpu.memory_space<vmem>>
      %dma_wait3A_458 = arith.constant 0 : i32
      %dma_wait3A_459 = arith.constant 0 : i32
      %dma_wait3A_460 = tpu.memref_slice %arg2[%dma_wait3A_458, %dma_wait3A_459] : memref<10000x128xf32, #tpu.memory_space<hbm>> -> memref<10000x128xf32, #tpu.memory_space<hbm>>
      tpu.wait_indirect_dma semaphore(%arg12 : memref<!tpu.dma_semaphore, #tpu.memory_space<semaphore_mem>>) src(%dma_wait3A_460 : memref<10000x128xf32, #tpu.memory_space<hbm>>) dst(%arg10 : memref<128x128xf32, #tpu.memory_space<vmem>>)
      %dma_wait3A_461 = arith.constant 0 : i32
      %dma_wait3A_462 = arith.constant 0 : i32
      %dma_wait3A_463 = tpu.memref_slice %arg8[%dma_wait3A_461, %dma_wait3A_462] : memref<8x128xi32, #tpu.memory_space<vmem>> -> memref<1x128xi32, #tpu.memory_space<vmem>>
      %dma_wait3A_464 = tpu.memref_squeeze %dma_wait3A_463 : memref<1x128xi32, #tpu.memory_space<vmem>> -> memref<128xi32, #tpu.memory_space<vmem>>
      %dma_wait3A_465 = arith.constant 0 : i32
      %dma_wait3A_466 = arith.constant 0 : i32
      %dma_wait3A_467 = tpu.memref_slice %arg7[%dma_wait3A_465, %dma_wait3A_466] : memref<10016x128xf32, #tpu.memory_space<vmem_shared>> -> memref<10016x128xf32, #tpu.memory_space<vmem_shared>>
      tpu.wait_indirect_dma semaphore(%arg16 : memref<!tpu.dma_semaphore, #tpu.memory_space<semaphore_mem>>) src(%arg11 : memref<128x128xf32, #tpu.memory_space<vmem>>) dst(%dma_wait3A_467 : memref<10016x128xf32, #tpu.memory_space<vmem_shared>>)
      %dma_start3A_468 = arith.constant 7 : i32
      %dma_start3A_469 = arith.constant 0 : i32
      %dma_start3A_470 = tpu.memref_slice %arg18[%dma_start3A_468, %dma_start3A_469] : memref<8x128xi32, #tpu.memory_space<vmem>> -> memref<1x128xi32, #tpu.memory_space<vmem>>
      %dma_start3A_471 = tpu.memref_squeeze %dma_start3A_470 : memref<1x128xi32, #tpu.memory_space<vmem>> -> memref<128xi32, #tpu.memory_space<vmem>>
      %dma_start3A_472 = arith.constant 0 : i32
      %dma_start3A_473 = arith.constant 0 : i32
      %dma_start3A_474 = tpu.memref_slice %arg2[%dma_start3A_472, %dma_start3A_473] : memref<10000x128xf32, #tpu.memory_space<hbm>> -> memref<10000x128xf32, #tpu.memory_space<hbm>>
      tpu.enqueue_indirect_dma source(%dma_start3A_474 : memref<10000x128xf32, #tpu.memory_space<hbm>>) target(%arg11 : memref<128x128xf32, #tpu.memory_space<vmem>>) offsets(%dma_start3A_471 : memref<128xi32, #tpu.memory_space<vmem>>) semaphore(%arg13 : memref<!tpu.dma_semaphore, #tpu.memory_space<semaphore_mem>>)
      %dma_start3A_475 = arith.constant 6 : i32
      %dma_start3A_476 = arith.constant 0 : i32
      %dma_start3A_477 = tpu.memref_slice %arg9[%dma_start3A_475, %dma_start3A_476] : memref<8x128xi32, #tpu.memory_space<vmem>> -> memref<1x128xi32, #tpu.memory_space<vmem>>
      %dma_start3A_478 = tpu.memref_squeeze %dma_start3A_477 : memref<1x128xi32, #tpu.memory_space<vmem>> -> memref<128xi32, #tpu.memory_space<vmem>>
      %dma_start3A_479 = arith.constant 0 : i32
      %dma_start3A_480 = arith.constant 0 : i32
      %dma_start3A_481 = tpu.memref_slice %arg7[%dma_start3A_479, %dma_start3A_480] : memref<10016x128xf32, #tpu.memory_space<vmem_shared>> -> memref<10016x128xf32, #tpu.memory_space<vmem_shared>>
      tpu.enqueue_indirect_dma source(%arg10 : memref<128x128xf32, #tpu.memory_space<vmem>>) target(%dma_start3A_481 : memref<10016x128xf32, #tpu.memory_space<vmem_shared>>) offsets(%dma_start3A_478 : memref<128xi32, #tpu.memory_space<vmem>>) semaphore(%arg15 : memref<!tpu.dma_semaphore, #tpu.memory_space<semaphore_mem>>) {add = true}
      %dma_wait3A_482 = arith.constant 7 : i32
      %dma_wait3A_483 = arith.constant 0 : i32
      %dma_wait3A_484 = tpu.memref_slice %arg18[%dma_wait3A_482, %dma_wait3A_483] : memref<8x128xi32, #tpu.memory_space<vmem>> -> memref<1x128xi32, #tpu.memory_space<vmem>>
      %dma_wait3A_485 = tpu.memref_squeeze %dma_wait3A_484 : memref<1x128xi32, #tpu.memory_space<vmem>> -> memref<128xi32, #tpu.memory_space<vmem>>
      %dma_wait3A_486 = arith.constant 0 : i32
      %dma_wait3A_487 = arith.constant 0 : i32
      %dma_wait3A_488 = tpu.memref_slice %arg2[%dma_wait3A_486, %dma_wait3A_487] : memref<10000x128xf32, #tpu.memory_space<hbm>> -> memref<10000x128xf32, #tpu.memory_space<hbm>>
      tpu.wait_indirect_dma semaphore(%arg13 : memref<!tpu.dma_semaphore, #tpu.memory_space<semaphore_mem>>) src(%dma_wait3A_488 : memref<10000x128xf32, #tpu.memory_space<hbm>>) dst(%arg11 : memref<128x128xf32, #tpu.memory_space<vmem>>)
      %dma_wait3A_489 = arith.constant 0 : i32
      %dma_wait3A_490 = arith.constant 0 : i32
      %dma_wait3A_491 = tpu.memref_slice %arg8[%dma_wait3A_489, %dma_wait3A_490] : memref<8x128xi32, #tpu.memory_space<vmem>> -> memref<1x128xi32, #tpu.memory_space<vmem>>
      %dma_wait3A_492 = tpu.memref_squeeze %dma_wait3A_491 : memref<1x128xi32, #tpu.memory_space<vmem>> -> memref<128xi32, #tpu.memory_space<vmem>>
      %dma_wait3A_493 = arith.constant 0 : i32
      %dma_wait3A_494 = arith.constant 0 : i32
      %dma_wait3A_495 = tpu.memref_slice %arg7[%dma_wait3A_493, %dma_wait3A_494] : memref<10016x128xf32, #tpu.memory_space<vmem_shared>> -> memref<10016x128xf32, #tpu.memory_space<vmem_shared>>
      tpu.wait_indirect_dma semaphore(%arg15 : memref<!tpu.dma_semaphore, #tpu.memory_space<semaphore_mem>>) src(%arg10 : memref<128x128xf32, #tpu.memory_space<vmem>>) dst(%dma_wait3A_495 : memref<10016x128xf32, #tpu.memory_space<vmem_shared>>)
      %lt3A_496 = arith.constant 9 : i32
      %lt3A_497 = arith.cmpi slt, %add3A_279, %lt3A_496 : i32
      %convert_element_type3A_498 = arith.extui %lt3A_497 : i1 to i32
      %cond3A_499 = arith.constant 0 : i32
      %cond3A_500 = arith.cmpi ne, %convert_element_type3A_498, %cond3A_499 : i32
      scf.if %cond3A_500 {
        %dma_wait3A_508 = arith.constant 0 : i32
        %dma_wait3A_509 = arith.constant 0 : i32
        %dma_wait3A_510 = tpu.memref_slice %arg3[%dma_wait3A_508, %dma_wait3A_509] : memref<2560x128xi32, #tpu.memory_space<hbm>> -> memref<8x128xi32, #tpu.memory_space<hbm>>
        %dma_wait3A_511 = arith.constant 0 : i32
        %dma_wait3A_512 = arith.constant 0 : i32
        %dma_wait3A_513 = tpu.memref_slice %arg3[%dma_wait3A_511, %dma_wait3A_512] : memref<2560x128xi32, #tpu.memory_space<hbm>> -> memref<8x128xi32, #tpu.memory_space<hbm>>
        tpu.wait_dma2 semaphore(%arg14 : memref<!tpu.dma_semaphore, #tpu.memory_space<semaphore_mem>>) src(%dma_wait3A_513 : memref<8x128xi32, #tpu.memory_space<hbm>>) dst(%arg17 : memref<8x128xi32, #tpu.memory_space<vmem>>)
        %dma_wait3A_514 = arith.constant 0 : i32
        %dma_wait3A_515 = arith.constant 0 : i32
        %dma_wait3A_516 = tpu.memref_slice %arg4[%dma_wait3A_514, %dma_wait3A_515] : memref<2560x128xi32, #tpu.memory_space<hbm>> -> memref<8x128xi32, #tpu.memory_space<hbm>>
        %dma_wait3A_517 = arith.constant 0 : i32
        %dma_wait3A_518 = arith.constant 0 : i32
        %dma_wait3A_519 = tpu.memref_slice %arg4[%dma_wait3A_517, %dma_wait3A_518] : memref<2560x128xi32, #tpu.memory_space<hbm>> -> memref<8x128xi32, #tpu.memory_space<hbm>>
        tpu.wait_dma2 semaphore(%arg14 : memref<!tpu.dma_semaphore, #tpu.memory_space<semaphore_mem>>) src(%dma_wait3A_519 : memref<8x128xi32, #tpu.memory_space<hbm>>) dst(%arg8 : memref<8x128xi32, #tpu.memory_space<vmem>>)
        %dma_start3A_520 = arith.constant 0 : i32
        %dma_start3A_521 = arith.constant 0 : i32
        %dma_start3A_522 = tpu.memref_slice %arg17[%dma_start3A_520, %dma_start3A_521] : memref<8x128xi32, #tpu.memory_space<vmem>> -> memref<1x128xi32, #tpu.memory_space<vmem>>
        %dma_start3A_523 = tpu.memref_squeeze %dma_start3A_522 : memref<1x128xi32, #tpu.memory_space<vmem>> -> memref<128xi32, #tpu.memory_space<vmem>>
        %dma_start3A_524 = arith.constant 0 : i32
        %dma_start3A_525 = arith.constant 0 : i32
        %dma_start3A_526 = tpu.memref_slice %arg2[%dma_start3A_524, %dma_start3A_525] : memref<10000x128xf32, #tpu.memory_space<hbm>> -> memref<10000x128xf32, #tpu.memory_space<hbm>>
        tpu.enqueue_indirect_dma source(%dma_start3A_526 : memref<10000x128xf32, #tpu.memory_space<hbm>>) target(%arg10 : memref<128x128xf32, #tpu.memory_space<vmem>>) offsets(%dma_start3A_523 : memref<128xi32, #tpu.memory_space<vmem>>) semaphore(%arg12 : memref<!tpu.dma_semaphore, #tpu.memory_space<semaphore_mem>>)
      } else {
      }
      %dma_start3A_501 = arith.constant 7 : i32
      %dma_start3A_502 = arith.constant 0 : i32
      %dma_start3A_503 = tpu.memref_slice %arg9[%dma_start3A_501, %dma_start3A_502] : memref<8x128xi32, #tpu.memory_space<vmem>> -> memref<1x128xi32, #tpu.memory_space<vmem>>
      %dma_start3A_504 = tpu.memref_squeeze %dma_start3A_503 : memref<1x128xi32, #tpu.memory_space<vmem>> -> memref<128xi32, #tpu.memory_space<vmem>>
      %dma_start3A_505 = arith.constant 0 : i32
      %dma_start3A_506 = arith.constant 0 : i32
      %dma_start3A_507 = tpu.memref_slice %arg7[%dma_start3A_505, %dma_start3A_506] : memref<10016x128xf32, #tpu.memory_space<vmem_shared>> -> memref<10016x128xf32, #tpu.memory_space<vmem_shared>>
      tpu.enqueue_indirect_dma source(%arg11 : memref<128x128xf32, #tpu.memory_space<vmem>>) target(%dma_start3A_507 : memref<10016x128xf32, #tpu.memory_space<vmem_shared>>) offsets(%dma_start3A_504 : memref<128xi32, #tpu.memory_space<vmem>>) semaphore(%arg16 : memref<!tpu.dma_semaphore, #tpu.memory_space<semaphore_mem>>) {add = true}
    }
    %scan3A_41 = arith.constant 5 : i32
    %dma_wait3A = arith.constant 0 : i32
    %dma_wait3A_42 = arith.constant 0 : i32
    %dma_wait3A_43 = tpu.memref_slice %arg8[%dma_wait3A, %dma_wait3A_42] : memref<8x128xi32, #tpu.memory_space<vmem>> -> memref<1x128xi32, #tpu.memory_space<vmem>>
    %dma_wait3A_44 = tpu.memref_squeeze %dma_wait3A_43 : memref<1x128xi32, #tpu.memory_space<vmem>> -> memref<128xi32, #tpu.memory_space<vmem>>
    %dma_wait3A_45 = arith.constant 0 : i32
    %dma_wait3A_46 = arith.constant 0 : i32
    %dma_wait3A_47 = tpu.memref_slice %arg7[%dma_wait3A_45, %dma_wait3A_46] : memref<10016x128xf32, #tpu.memory_space<vmem_shared>> -> memref<10016x128xf32, #tpu.memory_space<vmem_shared>>
    tpu.wait_indirect_dma semaphore(%arg16 : memref<!tpu.dma_semaphore, #tpu.memory_space<semaphore_mem>>) src(%arg11 : memref<128x128xf32, #tpu.memory_space<vmem>>) dst(%dma_wait3A_47 : memref<10016x128xf32, #tpu.memory_space<vmem_shared>>)
    %barrier3A_48 = arith.constant 0 : index
    tpu.barrier barrier_id(%barrier3A_48)
    "tpu.region"() ({
      %run_scoped3A = tpu.sem_alloc : memref<!tpu.dma_semaphore, #tpu.memory_space<semaphore_mem>>
      %dma_start3A_49 = arith.constant 0 : i32
      %dma_start3A_50 = arith.constant 0 : i32
      %dma_start3A_51 = tpu.memref_slice %arg6[%arg0, %arg1, %dma_start3A_49, %dma_start3A_50] : memref<2x16x625x128xf32, #tpu.memory_space<hbm>> -> memref<1x1x625x128xf32, #tpu.memory_space<hbm>>
      %dma_start3A_52 = tpu.memref_squeeze %dma_start3A_51 : memref<1x1x625x128xf32, #tpu.memory_space<hbm>> -> memref<625x128xf32, #tpu.memory_space<hbm>>
      %dma_start3A_53 = arith.constant 0 : i32
      %dma_start3A_54 = tpu.memref_slice %arg7[%mul3A_4, %dma_start3A_53] : memref<10016x128xf32, #tpu.memory_space<vmem_shared>> -> memref<625x128xf32, #tpu.memory_space<vmem_shared>>
      tpu.enqueue_dma source(%dma_start3A_54 : memref<625x128xf32, #tpu.memory_space<vmem_shared>>) target(%dma_start3A_52 : memref<625x128xf32, #tpu.memory_space<hbm>>) target_semaphore(%run_scoped3A : memref<!tpu.dma_semaphore, #tpu.memory_space<semaphore_mem>>)
      %dma_wait3A_55 = arith.constant 0 : i32
      %dma_wait3A_56 = arith.constant 0 : i32
      %dma_wait3A_57 = tpu.memref_slice %arg6[%arg0, %arg1, %dma_wait3A_55, %dma_wait3A_56] : memref<2x16x625x128xf32, #tpu.memory_space<hbm>> -> memref<1x1x625x128xf32, #tpu.memory_space<hbm>>
      %dma_wait3A_58 = tpu.memref_squeeze %dma_wait3A_57 : memref<1x1x625x128xf32, #tpu.memory_space<hbm>> -> memref<625x128xf32, #tpu.memory_space<hbm>>
      %dma_wait3A_59 = arith.constant 0 : i32
      %dma_wait3A_60 = tpu.memref_slice %arg7[%mul3A_4, %dma_wait3A_59] : memref<10016x128xf32, #tpu.memory_space<vmem_shared>> -> memref<625x128xf32, #tpu.memory_space<vmem_shared>>
      tpu.wait_dma2 semaphore(%run_scoped3A : memref<!tpu.dma_semaphore, #tpu.memory_space<semaphore_mem>>) src(%dma_wait3A_60 : memref<625x128xf32, #tpu.memory_space<vmem_shared>>) dst(%dma_wait3A_58 : memref<625x128xf32, #tpu.memory_space<hbm>>)
      tpu.yield
    }) : () -> ()
    return
  }
}

#map = affine_map<(d0, d1) -> (0, 0)>
#map1 = affine_map<(d0, d1) -> (0, 0, 0, 0)>
module attributes {stable_mosaic.version = 14 : i64} {
  func.func @_segsum_body(%arg0: i32, %arg1: i32, %arg2: memref<10000x128xf32, #tpu.memory_space<hbm>>, %arg3: memref<2560x128xi32, #tpu.memory_space<hbm>>, %arg4: memref<2560x128xi32, #tpu.memory_space<hbm>>, %arg5: memref<626x128xf32, #tpu.memory_space<hbm>>, %arg6: memref<128x128xf32, #tpu.memory_space<hbm>>, %arg7: memref<2x16x625x128xf32, #tpu.memory_space<hbm>>, %arg8: memref<2x16x625x128xf32, #tpu.memory_space<hbm>>, %arg9: memref<10016x128xf32, #tpu.memory_space<vmem_shared>>, %arg10: memref<8x128xi32, #tpu.memory_space<vmem>>, %arg11: memref<8x128xi32, #tpu.memory_space<vmem>>, %arg12: memref<128x128xf32, #tpu.memory_space<vmem>>, %arg13: memref<128x128xf32, #tpu.memory_space<vmem>>, %arg14: memref<!tpu.dma_semaphore, #tpu.memory_space<semaphore_mem>>, %arg15: memref<!tpu.dma_semaphore, #tpu.memory_space<semaphore_mem>>, %arg16: memref<!tpu.dma_semaphore, #tpu.memory_space<semaphore_mem>>, %arg17: memref<!tpu.dma_semaphore, #tpu.memory_space<semaphore_mem>>, %arg18: memref<!tpu.dma_semaphore, #tpu.memory_space<semaphore_mem>>, %arg19: memref<8x128xi32, #tpu.memory_space<vmem>>, %arg20: memref<8x128xi32, #tpu.memory_space<vmem>>) attributes {dimension_semantics = [#tpu.dimension_semantics<core_parallel>, #tpu.dimension_semantics<subcore_parallel>], iteration_bounds = array<i64: 2, 16>, scalar_prefetch = 0 : i64, scratch_operands = 12 : i64, tpu.core_type = #tpu.core_type<sc_vector_subcore>, window_params = [{transform_indices = #map}, {transform_indices = #map}, {transform_indices = #map}, {transform_indices = #map}, {transform_indices = #map}, {transform_indices = #map1}, {transform_indices = #map1}]} {
    %mul3A = arith.constant 2 : i32
    %mul3A_0 = arith.muli %arg1, %mul3A : i32
    %add3A = arith.addi %mul3A_0, %arg0 : i32
    %mul3A_1 = arith.constant 10 : i32
    %mul3A_2 = arith.muli %add3A, %mul3A_1 : i32
    %mul3A_3 = arith.constant 625 : i32
    %mul3A_4 = arith.muli %arg1, %mul3A_3 : i32
    %mul3A_5 = arith.constant 626 : i32
    %mul3A_6 = arith.muli %arg1, %mul3A_5 : i32
    "tpu.region"() ({
      %run_scoped3A = tpu.sem_alloc : memref<!tpu.dma_semaphore, #tpu.memory_space<semaphore_mem>>
      %dma_start3A_70 = arith.constant 0 : i32
      %dma_start3A_71 = tpu.memref_slice %arg9[%mul3A_6, %dma_start3A_70] : memref<10016x128xf32, #tpu.memory_space<vmem_shared>> -> memref<626x128xf32, #tpu.memory_space<vmem_shared>>
      tpu.enqueue_dma source(%arg5 : memref<626x128xf32, #tpu.memory_space<hbm>>) target(%dma_start3A_71 : memref<626x128xf32, #tpu.memory_space<vmem_shared>>) target_semaphore(%run_scoped3A : memref<!tpu.dma_semaphore, #tpu.memory_space<semaphore_mem>>)
      %dma_wait3A_72 = arith.constant 0 : i32
      %dma_wait3A_73 = tpu.memref_slice %arg9[%mul3A_6, %dma_wait3A_72] : memref<10016x128xf32, #tpu.memory_space<vmem_shared>> -> memref<626x128xf32, #tpu.memory_space<vmem_shared>>
      tpu.wait_dma2 semaphore(%run_scoped3A : memref<!tpu.dma_semaphore, #tpu.memory_space<semaphore_mem>>) src(%arg5 : memref<626x128xf32, #tpu.memory_space<hbm>>) dst(%dma_wait3A_73 : memref<626x128xf32, #tpu.memory_space<vmem_shared>>)
      tpu.yield
    }) : () -> ()
    "tpu.region"() ({
      %run_scoped3A = tpu.sem_alloc : memref<!tpu.dma_semaphore, #tpu.memory_space<semaphore_mem>>
      tpu.enqueue_dma source(%arg6 : memref<128x128xf32, #tpu.memory_space<hbm>>) target(%arg12 : memref<128x128xf32, #tpu.memory_space<vmem>>) target_semaphore(%run_scoped3A : memref<!tpu.dma_semaphore, #tpu.memory_space<semaphore_mem>>)
      tpu.wait_dma2 semaphore(%run_scoped3A : memref<!tpu.dma_semaphore, #tpu.memory_space<semaphore_mem>>) src(%arg6 : memref<128x128xf32, #tpu.memory_space<hbm>>) dst(%arg12 : memref<128x128xf32, #tpu.memory_space<vmem>>)
      tpu.yield
    }) : () -> ()
    %barrier3A = arith.constant 0 : index
    tpu.barrier barrier_id(%barrier3A)
    %mul3A_7 = arith.constant 8 : i32
    %mul3A_8 = arith.muli %mul3A_2, %mul3A_7 : i32
    "tpu.region"() ({
      %run_scoped3A = tpu.sem_alloc : memref<!tpu.dma_semaphore, #tpu.memory_space<semaphore_mem>>
      %dma_start3A_70 = arith.constant 0 : i32
      %dma_start3A_71 = tpu.memref_slice %arg4[%mul3A_8, %dma_start3A_70] : memref<2560x128xi32, #tpu.memory_space<hbm>> -> memref<8x128xi32, #tpu.memory_space<hbm>>
      %dma_start3A_72 = arith.constant 0 : i32
      %dma_start3A_73 = tpu.memref_slice %arg4[%mul3A_8, %dma_start3A_72] : memref<2560x128xi32, #tpu.memory_space<hbm>> -> memref<8x128xi32, #tpu.memory_space<hbm>>
      tpu.enqueue_dma source(%dma_start3A_73 : memref<8x128xi32, #tpu.memory_space<hbm>>) target(%arg10 : memref<8x128xi32, #tpu.memory_space<vmem>>) target_semaphore(%run_scoped3A : memref<!tpu.dma_semaphore, #tpu.memory_space<semaphore_mem>>)
      %dma_wait3A_74 = arith.constant 0 : i32
      %dma_wait3A_75 = tpu.memref_slice %arg4[%mul3A_8, %dma_wait3A_74] : memref<2560x128xi32, #tpu.memory_space<hbm>> -> memref<8x128xi32, #tpu.memory_space<hbm>>
      %dma_wait3A_76 = arith.constant 0 : i32
      %dma_wait3A_77 = tpu.memref_slice %arg4[%mul3A_8, %dma_wait3A_76] : memref<2560x128xi32, #tpu.memory_space<hbm>> -> memref<8x128xi32, #tpu.memory_space<hbm>>
      tpu.wait_dma2 semaphore(%run_scoped3A : memref<!tpu.dma_semaphore, #tpu.memory_space<semaphore_mem>>) src(%dma_wait3A_77 : memref<8x128xi32, #tpu.memory_space<hbm>>) dst(%arg10 : memref<8x128xi32, #tpu.memory_space<vmem>>)
      tpu.yield
    }) : () -> ()
    %add3A_9 = arith.constant 1 : i32
    %add3A_10 = arith.addi %mul3A_2, %add3A_9 : i32
    %mul3A_11 = arith.constant 8 : i32
    %mul3A_12 = arith.muli %add3A_10, %mul3A_11 : i32
    %dma_start3A = arith.constant 0 : i32
    %dma_start3A_13 = tpu.memref_slice %arg4[%mul3A_12, %dma_start3A] : memref<2560x128xi32, #tpu.memory_space<hbm>> -> memref<8x128xi32, #tpu.memory_space<hbm>>
    %dma_start3A_14 = arith.constant 0 : i32
    %dma_start3A_15 = tpu.memref_slice %arg4[%mul3A_12, %dma_start3A_14] : memref<2560x128xi32, #tpu.memory_space<hbm>> -> memref<8x128xi32, #tpu.memory_space<hbm>>
    tpu.enqueue_dma source(%dma_start3A_15 : memref<8x128xi32, #tpu.memory_space<hbm>>) target(%arg11 : memref<8x128xi32, #tpu.memory_space<vmem>>) target_semaphore(%arg16 : memref<!tpu.dma_semaphore, #tpu.memory_space<semaphore_mem>>)
    %scan3A = arith.constant 0 : i32
    %scan3A_16 = arith.constant 0 : i32
    %scan3A_17 = arith.constant 5 : i32
    %scan3A_18 = arith.addi %scan3A_16, %scan3A_17 : i32
    %scan3A_19 = arith.constant 1 : i32
    scf.for %scan3A_70 = %scan3A_16 to %scan3A_18 step %scan3A_19  : i32 {
      %mul3A_71 = arith.constant 2 : i32
      %mul3A_72 = arith.muli %mul3A_71, %scan3A_70 : i32
      %add3A_73 = arith.constant 0 : i32
      %add3A_74 = arith.addi %mul3A_72, %add3A_73 : i32
      %run_scoped3A = arith.constant 0 : i32
      "tpu.region"() ({
        %run_scoped3A_111 = tpu.sem_alloc : memref<!tpu.dma_semaphore, #tpu.memory_space<semaphore_mem>>
        %dma_start3A_112 = arith.constant 0 : i32
        %dma_start3A_113 = tpu.memref_slice %arg10[%run_scoped3A, %dma_start3A_112] : memref<8x128xi32, #tpu.memory_space<vmem>> -> memref<1x128xi32, #tpu.memory_space<vmem>>
        %dma_start3A_114 = tpu.memref_squeeze %dma_start3A_113 : memref<1x128xi32, #tpu.memory_space<vmem>> -> memref<128xi32, #tpu.memory_space<vmem>>
        %dma_start3A_115 = arith.constant 0 : i32
        %dma_start3A_116 = arith.constant 0 : i32
        %dma_start3A_117 = tpu.memref_slice %arg9[%dma_start3A_115, %dma_start3A_116] : memref<10016x128xf32, #tpu.memory_space<vmem_shared>> -> memref<10016x128xf32, #tpu.memory_space<vmem_shared>>
        tpu.enqueue_indirect_dma source(%arg12 : memref<128x128xf32, #tpu.memory_space<vmem>>) target(%dma_start3A_117 : memref<10016x128xf32, #tpu.memory_space<vmem_shared>>) offsets(%dma_start3A_114 : memref<128xi32, #tpu.memory_space<vmem>>) semaphore(%run_scoped3A_111 : memref<!tpu.dma_semaphore, #tpu.memory_space<semaphore_mem>>) {add = true}
        %dma_wait3A_118 = arith.constant 0 : i32
        %dma_wait3A_119 = tpu.memref_slice %arg10[%run_scoped3A, %dma_wait3A_118] : memref<8x128xi32, #tpu.memory_space<vmem>> -> memref<1x128xi32, #tpu.memory_space<vmem>>
        %dma_wait3A_120 = tpu.memref_squeeze %dma_wait3A_119 : memref<1x128xi32, #tpu.memory_space<vmem>> -> memref<128xi32, #tpu.memory_space<vmem>>
        %dma_wait3A_121 = arith.constant 0 : i32
        %dma_wait3A_122 = arith.constant 0 : i32
        %dma_wait3A_123 = tpu.memref_slice %arg9[%dma_wait3A_121, %dma_wait3A_122] : memref<10016x128xf32, #tpu.memory_space<vmem_shared>> -> memref<10016x128xf32, #tpu.memory_space<vmem_shared>>
        tpu.wait_indirect_dma semaphore(%run_scoped3A_111 : memref<!tpu.dma_semaphore, #tpu.memory_space<semaphore_mem>>) src(%arg12 : memref<128x128xf32, #tpu.memory_space<vmem>>) dst(%dma_wait3A_123 : memref<10016x128xf32, #tpu.memory_space<vmem_shared>>)
        tpu.yield
      }) : () -> ()
      %run_scoped3A_75 = arith.constant 1 : i32
      "tpu.region"() ({
        %run_scoped3A_111 = tpu.sem_alloc : memref<!tpu.dma_semaphore, #tpu.memory_space<semaphore_mem>>
        %dma_start3A_112 = arith.constant 0 : i32
        %dma_start3A_113 = tpu.memref_slice %arg10[%run_scoped3A_75, %dma_start3A_112] : memref<8x128xi32, #tpu.memory_space<vmem>> -> memref<1x128xi32, #tpu.memory_space<vmem>>
        %dma_start3A_114 = tpu.memref_squeeze %dma_start3A_113 : memref<1x128xi32, #tpu.memory_space<vmem>> -> memref<128xi32, #tpu.memory_space<vmem>>
        %dma_start3A_115 = arith.constant 0 : i32
        %dma_start3A_116 = arith.constant 0 : i32
        %dma_start3A_117 = tpu.memref_slice %arg9[%dma_start3A_115, %dma_start3A_116] : memref<10016x128xf32, #tpu.memory_space<vmem_shared>> -> memref<10016x128xf32, #tpu.memory_space<vmem_shared>>
        tpu.enqueue_indirect_dma source(%arg12 : memref<128x128xf32, #tpu.memory_space<vmem>>) target(%dma_start3A_117 : memref<10016x128xf32, #tpu.memory_space<vmem_shared>>) offsets(%dma_start3A_114 : memref<128xi32, #tpu.memory_space<vmem>>) semaphore(%run_scoped3A_111 : memref<!tpu.dma_semaphore, #tpu.memory_space<semaphore_mem>>) {add = true}
        %dma_wait3A_118 = arith.constant 0 : i32
        %dma_wait3A_119 = tpu.memref_slice %arg10[%run_scoped3A_75, %dma_wait3A_118] : memref<8x128xi32, #tpu.memory_space<vmem>> -> memref<1x128xi32, #tpu.memory_space<vmem>>
        %dma_wait3A_120 = tpu.memref_squeeze %dma_wait3A_119 : memref<1x128xi32, #tpu.memory_space<vmem>> -> memref<128xi32, #tpu.memory_space<vmem>>
        %dma_wait3A_121 = arith.constant 0 : i32
        %dma_wait3A_122 = arith.constant 0 : i32
        %dma_wait3A_123 = tpu.memref_slice %arg9[%dma_wait3A_121, %dma_wait3A_122] : memref<10016x128xf32, #tpu.memory_space<vmem_shared>> -> memref<10016x128xf32, #tpu.memory_space<vmem_shared>>
        tpu.wait_indirect_dma semaphore(%run_scoped3A_111 : memref<!tpu.dma_semaphore, #tpu.memory_space<semaphore_mem>>) src(%arg12 : memref<128x128xf32, #tpu.memory_space<vmem>>) dst(%dma_wait3A_123 : memref<10016x128xf32, #tpu.memory_space<vmem_shared>>)
        tpu.yield
      }) : () -> ()
      %run_scoped3A_76 = arith.constant 2 : i32
      "tpu.region"() ({
        %run_scoped3A_111 = tpu.sem_alloc : memref<!tpu.dma_semaphore, #tpu.memory_space<semaphore_mem>>
        %dma_start3A_112 = arith.constant 0 : i32
        %dma_start3A_113 = tpu.memref_slice %arg10[%run_scoped3A_76, %dma_start3A_112] : memref<8x128xi32, #tpu.memory_space<vmem>> -> memref<1x128xi32, #tpu.memory_space<vmem>>
        %dma_start3A_114 = tpu.memref_squeeze %dma_start3A_113 : memref<1x128xi32, #tpu.memory_space<vmem>> -> memref<128xi32, #tpu.memory_space<vmem>>
        %dma_start3A_115 = arith.constant 0 : i32
        %dma_start3A_116 = arith.constant 0 : i32
        %dma_start3A_117 = tpu.memref_slice %arg9[%dma_start3A_115, %dma_start3A_116] : memref<10016x128xf32, #tpu.memory_space<vmem_shared>> -> memref<10016x128xf32, #tpu.memory_space<vmem_shared>>
        tpu.enqueue_indirect_dma source(%arg12 : memref<128x128xf32, #tpu.memory_space<vmem>>) target(%dma_start3A_117 : memref<10016x128xf32, #tpu.memory_space<vmem_shared>>) offsets(%dma_start3A_114 : memref<128xi32, #tpu.memory_space<vmem>>) semaphore(%run_scoped3A_111 : memref<!tpu.dma_semaphore, #tpu.memory_space<semaphore_mem>>) {add = true}
        %dma_wait3A_118 = arith.constant 0 : i32
        %dma_wait3A_119 = tpu.memref_slice %arg10[%run_scoped3A_76, %dma_wait3A_118] : memref<8x128xi32, #tpu.memory_space<vmem>> -> memref<1x128xi32, #tpu.memory_space<vmem>>
        %dma_wait3A_120 = tpu.memref_squeeze %dma_wait3A_119 : memref<1x128xi32, #tpu.memory_space<vmem>> -> memref<128xi32, #tpu.memory_space<vmem>>
        %dma_wait3A_121 = arith.constant 0 : i32
        %dma_wait3A_122 = arith.constant 0 : i32
        %dma_wait3A_123 = tpu.memref_slice %arg9[%dma_wait3A_121, %dma_wait3A_122] : memref<10016x128xf32, #tpu.memory_space<vmem_shared>> -> memref<10016x128xf32, #tpu.memory_space<vmem_shared>>
        tpu.wait_indirect_dma semaphore(%run_scoped3A_111 : memref<!tpu.dma_semaphore, #tpu.memory_space<semaphore_mem>>) src(%arg12 : memref<128x128xf32, #tpu.memory_space<vmem>>) dst(%dma_wait3A_123 : memref<10016x128xf32, #tpu.memory_space<vmem_shared>>)
        tpu.yield
      }) : () -> ()
      %run_scoped3A_77 = arith.constant 3 : i32
      "tpu.region"() ({
        %run_scoped3A_111 = tpu.sem_alloc : memref<!tpu.dma_semaphore, #tpu.memory_space<semaphore_mem>>
        %dma_start3A_112 = arith.constant 0 : i32
        %dma_start3A_113 = tpu.memref_slice %arg10[%run_scoped3A_77, %dma_start3A_112] : memref<8x128xi32, #tpu.memory_space<vmem>> -> memref<1x128xi32, #tpu.memory_space<vmem>>
        %dma_start3A_114 = tpu.memref_squeeze %dma_start3A_113 : memref<1x128xi32, #tpu.memory_space<vmem>> -> memref<128xi32, #tpu.memory_space<vmem>>
        %dma_start3A_115 = arith.constant 0 : i32
        %dma_start3A_116 = arith.constant 0 : i32
        %dma_start3A_117 = tpu.memref_slice %arg9[%dma_start3A_115, %dma_start3A_116] : memref<10016x128xf32, #tpu.memory_space<vmem_shared>> -> memref<10016x128xf32, #tpu.memory_space<vmem_shared>>
        tpu.enqueue_indirect_dma source(%arg12 : memref<128x128xf32, #tpu.memory_space<vmem>>) target(%dma_start3A_117 : memref<10016x128xf32, #tpu.memory_space<vmem_shared>>) offsets(%dma_start3A_114 : memref<128xi32, #tpu.memory_space<vmem>>) semaphore(%run_scoped3A_111 : memref<!tpu.dma_semaphore, #tpu.memory_space<semaphore_mem>>) {add = true}
        %dma_wait3A_118 = arith.constant 0 : i32
        %dma_wait3A_119 = tpu.memref_slice %arg10[%run_scoped3A_77, %dma_wait3A_118] : memref<8x128xi32, #tpu.memory_space<vmem>> -> memref<1x128xi32, #tpu.memory_space<vmem>>
        %dma_wait3A_120 = tpu.memref_squeeze %dma_wait3A_119 : memref<1x128xi32, #tpu.memory_space<vmem>> -> memref<128xi32, #tpu.memory_space<vmem>>
        %dma_wait3A_121 = arith.constant 0 : i32
        %dma_wait3A_122 = arith.constant 0 : i32
        %dma_wait3A_123 = tpu.memref_slice %arg9[%dma_wait3A_121, %dma_wait3A_122] : memref<10016x128xf32, #tpu.memory_space<vmem_shared>> -> memref<10016x128xf32, #tpu.memory_space<vmem_shared>>
        tpu.wait_indirect_dma semaphore(%run_scoped3A_111 : memref<!tpu.dma_semaphore, #tpu.memory_space<semaphore_mem>>) src(%arg12 : memref<128x128xf32, #tpu.memory_space<vmem>>) dst(%dma_wait3A_123 : memref<10016x128xf32, #tpu.memory_space<vmem_shared>>)
        tpu.yield
      }) : () -> ()
      %run_scoped3A_78 = arith.constant 4 : i32
      "tpu.region"() ({
        %run_scoped3A_111 = tpu.sem_alloc : memref<!tpu.dma_semaphore, #tpu.memory_space<semaphore_mem>>
        %dma_start3A_112 = arith.constant 0 : i32
        %dma_start3A_113 = tpu.memref_slice %arg10[%run_scoped3A_78, %dma_start3A_112] : memref<8x128xi32, #tpu.memory_space<vmem>> -> memref<1x128xi32, #tpu.memory_space<vmem>>
        %dma_start3A_114 = tpu.memref_squeeze %dma_start3A_113 : memref<1x128xi32, #tpu.memory_space<vmem>> -> memref<128xi32, #tpu.memory_space<vmem>>
        %dma_start3A_115 = arith.constant 0 : i32
        %dma_start3A_116 = arith.constant 0 : i32
        %dma_start3A_117 = tpu.memref_slice %arg9[%dma_start3A_115, %dma_start3A_116] : memref<10016x128xf32, #tpu.memory_space<vmem_shared>> -> memref<10016x128xf32, #tpu.memory_space<vmem_shared>>
        tpu.enqueue_indirect_dma source(%arg12 : memref<128x128xf32, #tpu.memory_space<vmem>>) target(%dma_start3A_117 : memref<10016x128xf32, #tpu.memory_space<vmem_shared>>) offsets(%dma_start3A_114 : memref<128xi32, #tpu.memory_space<vmem>>) semaphore(%run_scoped3A_111 : memref<!tpu.dma_semaphore, #tpu.memory_space<semaphore_mem>>) {add = true}
        %dma_wait3A_118 = arith.constant 0 : i32
        %dma_wait3A_119 = tpu.memref_slice %arg10[%run_scoped3A_78, %dma_wait3A_118] : memref<8x128xi32, #tpu.memory_space<vmem>> -> memref<1x128xi32, #tpu.memory_space<vmem>>
        %dma_wait3A_120 = tpu.memref_squeeze %dma_wait3A_119 : memref<1x128xi32, #tpu.memory_space<vmem>> -> memref<128xi32, #tpu.memory_space<vmem>>
        %dma_wait3A_121 = arith.constant 0 : i32
        %dma_wait3A_122 = arith.constant 0 : i32
        %dma_wait3A_123 = tpu.memref_slice %arg9[%dma_wait3A_121, %dma_wait3A_122] : memref<10016x128xf32, #tpu.memory_space<vmem_shared>> -> memref<10016x128xf32, #tpu.memory_space<vmem_shared>>
        tpu.wait_indirect_dma semaphore(%run_scoped3A_111 : memref<!tpu.dma_semaphore, #tpu.memory_space<semaphore_mem>>) src(%arg12 : memref<128x128xf32, #tpu.memory_space<vmem>>) dst(%dma_wait3A_123 : memref<10016x128xf32, #tpu.memory_space<vmem_shared>>)
        tpu.yield
      }) : () -> ()
      %run_scoped3A_79 = arith.constant 5 : i32
      "tpu.region"() ({
        %run_scoped3A_111 = tpu.sem_alloc : memref<!tpu.dma_semaphore, #tpu.memory_space<semaphore_mem>>
        %dma_start3A_112 = arith.constant 0 : i32
        %dma_start3A_113 = tpu.memref_slice %arg10[%run_scoped3A_79, %dma_start3A_112] : memref<8x128xi32, #tpu.memory_space<vmem>> -> memref<1x128xi32, #tpu.memory_space<vmem>>
        %dma_start3A_114 = tpu.memref_squeeze %dma_start3A_113 : memref<1x128xi32, #tpu.memory_space<vmem>> -> memref<128xi32, #tpu.memory_space<vmem>>
        %dma_start3A_115 = arith.constant 0 : i32
        %dma_start3A_116 = arith.constant 0 : i32
        %dma_start3A_117 = tpu.memref_slice %arg9[%dma_start3A_115, %dma_start3A_116] : memref<10016x128xf32, #tpu.memory_space<vmem_shared>> -> memref<10016x128xf32, #tpu.memory_space<vmem_shared>>
        tpu.enqueue_indirect_dma source(%arg12 : memref<128x128xf32, #tpu.memory_space<vmem>>) target(%dma_start3A_117 : memref<10016x128xf32, #tpu.memory_space<vmem_shared>>) offsets(%dma_start3A_114 : memref<128xi32, #tpu.memory_space<vmem>>) semaphore(%run_scoped3A_111 : memref<!tpu.dma_semaphore, #tpu.memory_space<semaphore_mem>>) {add = true}
        %dma_wait3A_118 = arith.constant 0 : i32
        %dma_wait3A_119 = tpu.memref_slice %arg10[%run_scoped3A_79, %dma_wait3A_118] : memref<8x128xi32, #tpu.memory_space<vmem>> -> memref<1x128xi32, #tpu.memory_space<vmem>>
        %dma_wait3A_120 = tpu.memref_squeeze %dma_wait3A_119 : memref<1x128xi32, #tpu.memory_space<vmem>> -> memref<128xi32, #tpu.memory_space<vmem>>
        %dma_wait3A_121 = arith.constant 0 : i32
        %dma_wait3A_122 = arith.constant 0 : i32
        %dma_wait3A_123 = tpu.memref_slice %arg9[%dma_wait3A_121, %dma_wait3A_122] : memref<10016x128xf32, #tpu.memory_space<vmem_shared>> -> memref<10016x128xf32, #tpu.memory_space<vmem_shared>>
        tpu.wait_indirect_dma semaphore(%run_scoped3A_111 : memref<!tpu.dma_semaphore, #tpu.memory_space<semaphore_mem>>) src(%arg12 : memref<128x128xf32, #tpu.memory_space<vmem>>) dst(%dma_wait3A_123 : memref<10016x128xf32, #tpu.memory_space<vmem_shared>>)
        tpu.yield
      }) : () -> ()
      %run_scoped3A_80 = arith.constant 6 : i32
      "tpu.region"() ({
        %run_scoped3A_111 = tpu.sem_alloc : memref<!tpu.dma_semaphore, #tpu.memory_space<semaphore_mem>>
        %dma_start3A_112 = arith.constant 0 : i32
        %dma_start3A_113 = tpu.memref_slice %arg10[%run_scoped3A_80, %dma_start3A_112] : memref<8x128xi32, #tpu.memory_space<vmem>> -> memref<1x128xi32, #tpu.memory_space<vmem>>
        %dma_start3A_114 = tpu.memref_squeeze %dma_start3A_113 : memref<1x128xi32, #tpu.memory_space<vmem>> -> memref<128xi32, #tpu.memory_space<vmem>>
        %dma_start3A_115 = arith.constant 0 : i32
        %dma_start3A_116 = arith.constant 0 : i32
        %dma_start3A_117 = tpu.memref_slice %arg9[%dma_start3A_115, %dma_start3A_116] : memref<10016x128xf32, #tpu.memory_space<vmem_shared>> -> memref<10016x128xf32, #tpu.memory_space<vmem_shared>>
        tpu.enqueue_indirect_dma source(%arg12 : memref<128x128xf32, #tpu.memory_space<vmem>>) target(%dma_start3A_117 : memref<10016x128xf32, #tpu.memory_space<vmem_shared>>) offsets(%dma_start3A_114 : memref<128xi32, #tpu.memory_space<vmem>>) semaphore(%run_scoped3A_111 : memref<!tpu.dma_semaphore, #tpu.memory_space<semaphore_mem>>) {add = true}
        %dma_wait3A_118 = arith.constant 0 : i32
        %dma_wait3A_119 = tpu.memref_slice %arg10[%run_scoped3A_80, %dma_wait3A_118] : memref<8x128xi32, #tpu.memory_space<vmem>> -> memref<1x128xi32, #tpu.memory_space<vmem>>
        %dma_wait3A_120 = tpu.memref_squeeze %dma_wait3A_119 : memref<1x128xi32, #tpu.memory_space<vmem>> -> memref<128xi32, #tpu.memory_space<vmem>>
        %dma_wait3A_121 = arith.constant 0 : i32
        %dma_wait3A_122 = arith.constant 0 : i32
        %dma_wait3A_123 = tpu.memref_slice %arg9[%dma_wait3A_121, %dma_wait3A_122] : memref<10016x128xf32, #tpu.memory_space<vmem_shared>> -> memref<10016x128xf32, #tpu.memory_space<vmem_shared>>
        tpu.wait_indirect_dma semaphore(%run_scoped3A_111 : memref<!tpu.dma_semaphore, #tpu.memory_space<semaphore_mem>>) src(%arg12 : memref<128x128xf32, #tpu.memory_space<vmem>>) dst(%dma_wait3A_123 : memref<10016x128xf32, #tpu.memory_space<vmem_shared>>)
        tpu.yield
      }) : () -> ()
      %run_scoped3A_81 = arith.constant 7 : i32
      "tpu.region"() ({
        %run_scoped3A_111 = tpu.sem_alloc : memref<!tpu.dma_semaphore, #tpu.memory_space<semaphore_mem>>
        %dma_start3A_112 = arith.constant 0 : i32
        %dma_start3A_113 = tpu.memref_slice %arg10[%run_scoped3A_81, %dma_start3A_112] : memref<8x128xi32, #tpu.memory_space<vmem>> -> memref<1x128xi32, #tpu.memory_space<vmem>>
        %dma_start3A_114 = tpu.memref_squeeze %dma_start3A_113 : memref<1x128xi32, #tpu.memory_space<vmem>> -> memref<128xi32, #tpu.memory_space<vmem>>
        %dma_start3A_115 = arith.constant 0 : i32
        %dma_start3A_116 = arith.constant 0 : i32
        %dma_start3A_117 = tpu.memref_slice %arg9[%dma_start3A_115, %dma_start3A_116] : memref<10016x128xf32, #tpu.memory_space<vmem_shared>> -> memref<10016x128xf32, #tpu.memory_space<vmem_shared>>
        tpu.enqueue_indirect_dma source(%arg12 : memref<128x128xf32, #tpu.memory_space<vmem>>) target(%dma_start3A_117 : memref<10016x128xf32, #tpu.memory_space<vmem_shared>>) offsets(%dma_start3A_114 : memref<128xi32, #tpu.memory_space<vmem>>) semaphore(%run_scoped3A_111 : memref<!tpu.dma_semaphore, #tpu.memory_space<semaphore_mem>>) {add = true}
        %dma_wait3A_118 = arith.constant 0 : i32
        %dma_wait3A_119 = tpu.memref_slice %arg10[%run_scoped3A_81, %dma_wait3A_118] : memref<8x128xi32, #tpu.memory_space<vmem>> -> memref<1x128xi32, #tpu.memory_space<vmem>>
        %dma_wait3A_120 = tpu.memref_squeeze %dma_wait3A_119 : memref<1x128xi32, #tpu.memory_space<vmem>> -> memref<128xi32, #tpu.memory_space<vmem>>
        %dma_wait3A_121 = arith.constant 0 : i32
        %dma_wait3A_122 = arith.constant 0 : i32
        %dma_wait3A_123 = tpu.memref_slice %arg9[%dma_wait3A_121, %dma_wait3A_122] : memref<10016x128xf32, #tpu.memory_space<vmem_shared>> -> memref<10016x128xf32, #tpu.memory_space<vmem_shared>>
        tpu.wait_indirect_dma semaphore(%run_scoped3A_111 : memref<!tpu.dma_semaphore, #tpu.memory_space<semaphore_mem>>) src(%arg12 : memref<128x128xf32, #tpu.memory_space<vmem>>) dst(%dma_wait3A_123 : memref<10016x128xf32, #tpu.memory_space<vmem_shared>>)
        tpu.yield
      }) : () -> ()
      %lt3A = arith.constant 9 : i32
      %lt3A_82 = arith.cmpi slt, %add3A_74, %lt3A : i32
      %convert_element_type3A = arith.extui %lt3A_82 : i1 to i32
      %cond3A = arith.constant 0 : i32
      %cond3A_83 = arith.cmpi ne, %convert_element_type3A, %cond3A : i32
      scf.if %cond3A_83 {
        %dma_wait3A_111 = arith.constant 0 : i32
        %dma_wait3A_112 = arith.constant 0 : i32
        %dma_wait3A_113 = tpu.memref_slice %arg4[%dma_wait3A_111, %dma_wait3A_112] : memref<2560x128xi32, #tpu.memory_space<hbm>> -> memref<8x128xi32, #tpu.memory_space<hbm>>
        %dma_wait3A_114 = arith.constant 0 : i32
        %dma_wait3A_115 = arith.constant 0 : i32
        %dma_wait3A_116 = tpu.memref_slice %arg4[%dma_wait3A_114, %dma_wait3A_115] : memref<2560x128xi32, #tpu.memory_space<hbm>> -> memref<8x128xi32, #tpu.memory_space<hbm>>
        tpu.wait_dma2 semaphore(%arg16 : memref<!tpu.dma_semaphore, #tpu.memory_space<semaphore_mem>>) src(%dma_wait3A_116 : memref<8x128xi32, #tpu.memory_space<hbm>>) dst(%arg11 : memref<8x128xi32, #tpu.memory_space<vmem>>)
      } else {
      }
      %lt3A_84 = arith.constant 8 : i32
      %lt3A_85 = arith.cmpi slt, %add3A_74, %lt3A_84 : i32
      %convert_element_type3A_86 = arith.extui %lt3A_85 : i1 to i32
      %cond3A_87 = arith.constant 0 : i32
      %cond3A_88 = arith.cmpi ne, %convert_element_type3A_86, %cond3A_87 : i32
      scf.if %cond3A_88 {
        %add3A_111 = arith.constant 2 : i32
        %add3A_112 = arith.addi %add3A_74, %add3A_111 : i32
        %add3A_113 = arith.addi %mul3A_2, %add3A_112 : i32
        %mul3A_114 = arith.constant 8 : i32
        %mul3A_115 = arith.muli %add3A_113, %mul3A_114 : i32
        %dma_start3A_116 = arith.constant 0 : i32
        %dma_start3A_117 = tpu.memref_slice %arg4[%mul3A_115, %dma_start3A_116] : memref<2560x128xi32, #tpu.memory_space<hbm>> -> memref<8x128xi32, #tpu.memory_space<hbm>>
        %dma_start3A_118 = arith.constant 0 : i32
        %dma_start3A_119 = tpu.memref_slice %arg4[%mul3A_115, %dma_start3A_118] : memref<2560x128xi32, #tpu.memory_space<hbm>> -> memref<8x128xi32, #tpu.memory_space<hbm>>
        tpu.enqueue_dma source(%dma_start3A_119 : memref<8x128xi32, #tpu.memory_space<hbm>>) target(%arg10 : memref<8x128xi32, #tpu.memory_space<vmem>>) target_semaphore(%arg16 : memref<!tpu.dma_semaphore, #tpu.memory_space<semaphore_mem>>)
      } else {
      }
      %mul3A_89 = arith.constant 2 : i32
      %mul3A_90 = arith.muli %mul3A_89, %scan3A_70 : i32
      %add3A_91 = arith.constant 1 : i32
      %add3A_92 = arith.addi %mul3A_90, %add3A_91 : i32
      %run_scoped3A_93 = arith.constant 0 : i32
      "tpu.region"() ({
        %run_scoped3A_111 = tpu.sem_alloc : memref<!tpu.dma_semaphore, #tpu.memory_space<semaphore_mem>>
        %dma_start3A_112 = arith.constant 0 : i32
        %dma_start3A_113 = tpu.memref_slice %arg11[%run_scoped3A_93, %dma_start3A_112] : memref<8x128xi32, #tpu.memory_space<vmem>> -> memref<1x128xi32, #tpu.memory_space<vmem>>
        %dma_start3A_114 = tpu.memref_squeeze %dma_start3A_113 : memref<1x128xi32, #tpu.memory_space<vmem>> -> memref<128xi32, #tpu.memory_space<vmem>>
        %dma_start3A_115 = arith.constant 0 : i32
        %dma_start3A_116 = arith.constant 0 : i32
        %dma_start3A_117 = tpu.memref_slice %arg9[%dma_start3A_115, %dma_start3A_116] : memref<10016x128xf32, #tpu.memory_space<vmem_shared>> -> memref<10016x128xf32, #tpu.memory_space<vmem_shared>>
        tpu.enqueue_indirect_dma source(%arg12 : memref<128x128xf32, #tpu.memory_space<vmem>>) target(%dma_start3A_117 : memref<10016x128xf32, #tpu.memory_space<vmem_shared>>) offsets(%dma_start3A_114 : memref<128xi32, #tpu.memory_space<vmem>>) semaphore(%run_scoped3A_111 : memref<!tpu.dma_semaphore, #tpu.memory_space<semaphore_mem>>) {add = true}
        %dma_wait3A_118 = arith.constant 0 : i32
        %dma_wait3A_119 = tpu.memref_slice %arg11[%run_scoped3A_93, %dma_wait3A_118] : memref<8x128xi32, #tpu.memory_space<vmem>> -> memref<1x128xi32, #tpu.memory_space<vmem>>
        %dma_wait3A_120 = tpu.memref_squeeze %dma_wait3A_119 : memref<1x128xi32, #tpu.memory_space<vmem>> -> memref<128xi32, #tpu.memory_space<vmem>>
        %dma_wait3A_121 = arith.constant 0 : i32
        %dma_wait3A_122 = arith.constant 0 : i32
        %dma_wait3A_123 = tpu.memref_slice %arg9[%dma_wait3A_121, %dma_wait3A_122] : memref<10016x128xf32, #tpu.memory_space<vmem_shared>> -> memref<10016x128xf32, #tpu.memory_space<vmem_shared>>
        tpu.wait_indirect_dma semaphore(%run_scoped3A_111 : memref<!tpu.dma_semaphore, #tpu.memory_space<semaphore_mem>>) src(%arg12 : memref<128x128xf32, #tpu.memory_space<vmem>>) dst(%dma_wait3A_123 : memref<10016x128xf32, #tpu.memory_space<vmem_shared>>)
        tpu.yield
      }) : () -> ()
      %run_scoped3A_94 = arith.constant 1 : i32
      "tpu.region"() ({
        %run_scoped3A_111 = tpu.sem_alloc : memref<!tpu.dma_semaphore, #tpu.memory_space<semaphore_mem>>
        %dma_start3A_112 = arith.constant 0 : i32
        %dma_start3A_113 = tpu.memref_slice %arg11[%run_scoped3A_94, %dma_start3A_112] : memref<8x128xi32, #tpu.memory_space<vmem>> -> memref<1x128xi32, #tpu.memory_space<vmem>>
        %dma_start3A_114 = tpu.memref_squeeze %dma_start3A_113 : memref<1x128xi32, #tpu.memory_space<vmem>> -> memref<128xi32, #tpu.memory_space<vmem>>
        %dma_start3A_115 = arith.constant 0 : i32
        %dma_start3A_116 = arith.constant 0 : i32
        %dma_start3A_117 = tpu.memref_slice %arg9[%dma_start3A_115, %dma_start3A_116] : memref<10016x128xf32, #tpu.memory_space<vmem_shared>> -> memref<10016x128xf32, #tpu.memory_space<vmem_shared>>
        tpu.enqueue_indirect_dma source(%arg12 : memref<128x128xf32, #tpu.memory_space<vmem>>) target(%dma_start3A_117 : memref<10016x128xf32, #tpu.memory_space<vmem_shared>>) offsets(%dma_start3A_114 : memref<128xi32, #tpu.memory_space<vmem>>) semaphore(%run_scoped3A_111 : memref<!tpu.dma_semaphore, #tpu.memory_space<semaphore_mem>>) {add = true}
        %dma_wait3A_118 = arith.constant 0 : i32
        %dma_wait3A_119 = tpu.memref_slice %arg11[%run_scoped3A_94, %dma_wait3A_118] : memref<8x128xi32, #tpu.memory_space<vmem>> -> memref<1x128xi32, #tpu.memory_space<vmem>>
        %dma_wait3A_120 = tpu.memref_squeeze %dma_wait3A_119 : memref<1x128xi32, #tpu.memory_space<vmem>> -> memref<128xi32, #tpu.memory_space<vmem>>
        %dma_wait3A_121 = arith.constant 0 : i32
        %dma_wait3A_122 = arith.constant 0 : i32
        %dma_wait3A_123 = tpu.memref_slice %arg9[%dma_wait3A_121, %dma_wait3A_122] : memref<10016x128xf32, #tpu.memory_space<vmem_shared>> -> memref<10016x128xf32, #tpu.memory_space<vmem_shared>>
        tpu.wait_indirect_dma semaphore(%run_scoped3A_111 : memref<!tpu.dma_semaphore, #tpu.memory_space<semaphore_mem>>) src(%arg12 : memref<128x128xf32, #tpu.memory_space<vmem>>) dst(%dma_wait3A_123 : memref<10016x128xf32, #tpu.memory_space<vmem_shared>>)
        tpu.yield
      }) : () -> ()
      %run_scoped3A_95 = arith.constant 2 : i32
      "tpu.region"() ({
        %run_scoped3A_111 = tpu.sem_alloc : memref<!tpu.dma_semaphore, #tpu.memory_space<semaphore_mem>>
        %dma_start3A_112 = arith.constant 0 : i32
        %dma_start3A_113 = tpu.memref_slice %arg11[%run_scoped3A_95, %dma_start3A_112] : memref<8x128xi32, #tpu.memory_space<vmem>> -> memref<1x128xi32, #tpu.memory_space<vmem>>
        %dma_start3A_114 = tpu.memref_squeeze %dma_start3A_113 : memref<1x128xi32, #tpu.memory_space<vmem>> -> memref<128xi32, #tpu.memory_space<vmem>>
        %dma_start3A_115 = arith.constant 0 : i32
        %dma_start3A_116 = arith.constant 0 : i32
        %dma_start3A_117 = tpu.memref_slice %arg9[%dma_start3A_115, %dma_start3A_116] : memref<10016x128xf32, #tpu.memory_space<vmem_shared>> -> memref<10016x128xf32, #tpu.memory_space<vmem_shared>>
        tpu.enqueue_indirect_dma source(%arg12 : memref<128x128xf32, #tpu.memory_space<vmem>>) target(%dma_start3A_117 : memref<10016x128xf32, #tpu.memory_space<vmem_shared>>) offsets(%dma_start3A_114 : memref<128xi32, #tpu.memory_space<vmem>>) semaphore(%run_scoped3A_111 : memref<!tpu.dma_semaphore, #tpu.memory_space<semaphore_mem>>) {add = true}
        %dma_wait3A_118 = arith.constant 0 : i32
        %dma_wait3A_119 = tpu.memref_slice %arg11[%run_scoped3A_95, %dma_wait3A_118] : memref<8x128xi32, #tpu.memory_space<vmem>> -> memref<1x128xi32, #tpu.memory_space<vmem>>
        %dma_wait3A_120 = tpu.memref_squeeze %dma_wait3A_119 : memref<1x128xi32, #tpu.memory_space<vmem>> -> memref<128xi32, #tpu.memory_space<vmem>>
        %dma_wait3A_121 = arith.constant 0 : i32
        %dma_wait3A_122 = arith.constant 0 : i32
        %dma_wait3A_123 = tpu.memref_slice %arg9[%dma_wait3A_121, %dma_wait3A_122] : memref<10016x128xf32, #tpu.memory_space<vmem_shared>> -> memref<10016x128xf32, #tpu.memory_space<vmem_shared>>
        tpu.wait_indirect_dma semaphore(%run_scoped3A_111 : memref<!tpu.dma_semaphore, #tpu.memory_space<semaphore_mem>>) src(%arg12 : memref<128x128xf32, #tpu.memory_space<vmem>>) dst(%dma_wait3A_123 : memref<10016x128xf32, #tpu.memory_space<vmem_shared>>)
        tpu.yield
      }) : () -> ()
      %run_scoped3A_96 = arith.constant 3 : i32
      "tpu.region"() ({
        %run_scoped3A_111 = tpu.sem_alloc : memref<!tpu.dma_semaphore, #tpu.memory_space<semaphore_mem>>
        %dma_start3A_112 = arith.constant 0 : i32
        %dma_start3A_113 = tpu.memref_slice %arg11[%run_scoped3A_96, %dma_start3A_112] : memref<8x128xi32, #tpu.memory_space<vmem>> -> memref<1x128xi32, #tpu.memory_space<vmem>>
        %dma_start3A_114 = tpu.memref_squeeze %dma_start3A_113 : memref<1x128xi32, #tpu.memory_space<vmem>> -> memref<128xi32, #tpu.memory_space<vmem>>
        %dma_start3A_115 = arith.constant 0 : i32
        %dma_start3A_116 = arith.constant 0 : i32
        %dma_start3A_117 = tpu.memref_slice %arg9[%dma_start3A_115, %dma_start3A_116] : memref<10016x128xf32, #tpu.memory_space<vmem_shared>> -> memref<10016x128xf32, #tpu.memory_space<vmem_shared>>
        tpu.enqueue_indirect_dma source(%arg12 : memref<128x128xf32, #tpu.memory_space<vmem>>) target(%dma_start3A_117 : memref<10016x128xf32, #tpu.memory_space<vmem_shared>>) offsets(%dma_start3A_114 : memref<128xi32, #tpu.memory_space<vmem>>) semaphore(%run_scoped3A_111 : memref<!tpu.dma_semaphore, #tpu.memory_space<semaphore_mem>>) {add = true}
        %dma_wait3A_118 = arith.constant 0 : i32
        %dma_wait3A_119 = tpu.memref_slice %arg11[%run_scoped3A_96, %dma_wait3A_118] : memref<8x128xi32, #tpu.memory_space<vmem>> -> memref<1x128xi32, #tpu.memory_space<vmem>>
        %dma_wait3A_120 = tpu.memref_squeeze %dma_wait3A_119 : memref<1x128xi32, #tpu.memory_space<vmem>> -> memref<128xi32, #tpu.memory_space<vmem>>
        %dma_wait3A_121 = arith.constant 0 : i32
        %dma_wait3A_122 = arith.constant 0 : i32
        %dma_wait3A_123 = tpu.memref_slice %arg9[%dma_wait3A_121, %dma_wait3A_122] : memref<10016x128xf32, #tpu.memory_space<vmem_shared>> -> memref<10016x128xf32, #tpu.memory_space<vmem_shared>>
        tpu.wait_indirect_dma semaphore(%run_scoped3A_111 : memref<!tpu.dma_semaphore, #tpu.memory_space<semaphore_mem>>) src(%arg12 : memref<128x128xf32, #tpu.memory_space<vmem>>) dst(%dma_wait3A_123 : memref<10016x128xf32, #tpu.memory_space<vmem_shared>>)
        tpu.yield
      }) : () -> ()
      %run_scoped3A_97 = arith.constant 4 : i32
      "tpu.region"() ({
        %run_scoped3A_111 = tpu.sem_alloc : memref<!tpu.dma_semaphore, #tpu.memory_space<semaphore_mem>>
        %dma_start3A_112 = arith.constant 0 : i32
        %dma_start3A_113 = tpu.memref_slice %arg11[%run_scoped3A_97, %dma_start3A_112] : memref<8x128xi32, #tpu.memory_space<vmem>> -> memref<1x128xi32, #tpu.memory_space<vmem>>
        %dma_start3A_114 = tpu.memref_squeeze %dma_start3A_113 : memref<1x128xi32, #tpu.memory_space<vmem>> -> memref<128xi32, #tpu.memory_space<vmem>>
        %dma_start3A_115 = arith.constant 0 : i32
        %dma_start3A_116 = arith.constant 0 : i32
        %dma_start3A_117 = tpu.memref_slice %arg9[%dma_start3A_115, %dma_start3A_116] : memref<10016x128xf32, #tpu.memory_space<vmem_shared>> -> memref<10016x128xf32, #tpu.memory_space<vmem_shared>>
        tpu.enqueue_indirect_dma source(%arg12 : memref<128x128xf32, #tpu.memory_space<vmem>>) target(%dma_start3A_117 : memref<10016x128xf32, #tpu.memory_space<vmem_shared>>) offsets(%dma_start3A_114 : memref<128xi32, #tpu.memory_space<vmem>>) semaphore(%run_scoped3A_111 : memref<!tpu.dma_semaphore, #tpu.memory_space<semaphore_mem>>) {add = true}
        %dma_wait3A_118 = arith.constant 0 : i32
        %dma_wait3A_119 = tpu.memref_slice %arg11[%run_scoped3A_97, %dma_wait3A_118] : memref<8x128xi32, #tpu.memory_space<vmem>> -> memref<1x128xi32, #tpu.memory_space<vmem>>
        %dma_wait3A_120 = tpu.memref_squeeze %dma_wait3A_119 : memref<1x128xi32, #tpu.memory_space<vmem>> -> memref<128xi32, #tpu.memory_space<vmem>>
        %dma_wait3A_121 = arith.constant 0 : i32
        %dma_wait3A_122 = arith.constant 0 : i32
        %dma_wait3A_123 = tpu.memref_slice %arg9[%dma_wait3A_121, %dma_wait3A_122] : memref<10016x128xf32, #tpu.memory_space<vmem_shared>> -> memref<10016x128xf32, #tpu.memory_space<vmem_shared>>
        tpu.wait_indirect_dma semaphore(%run_scoped3A_111 : memref<!tpu.dma_semaphore, #tpu.memory_space<semaphore_mem>>) src(%arg12 : memref<128x128xf32, #tpu.memory_space<vmem>>) dst(%dma_wait3A_123 : memref<10016x128xf32, #tpu.memory_space<vmem_shared>>)
        tpu.yield
      }) : () -> ()
      %run_scoped3A_98 = arith.constant 5 : i32
      "tpu.region"() ({
        %run_scoped3A_111 = tpu.sem_alloc : memref<!tpu.dma_semaphore, #tpu.memory_space<semaphore_mem>>
        %dma_start3A_112 = arith.constant 0 : i32
        %dma_start3A_113 = tpu.memref_slice %arg11[%run_scoped3A_98, %dma_start3A_112] : memref<8x128xi32, #tpu.memory_space<vmem>> -> memref<1x128xi32, #tpu.memory_space<vmem>>
        %dma_start3A_114 = tpu.memref_squeeze %dma_start3A_113 : memref<1x128xi32, #tpu.memory_space<vmem>> -> memref<128xi32, #tpu.memory_space<vmem>>
        %dma_start3A_115 = arith.constant 0 : i32
        %dma_start3A_116 = arith.constant 0 : i32
        %dma_start3A_117 = tpu.memref_slice %arg9[%dma_start3A_115, %dma_start3A_116] : memref<10016x128xf32, #tpu.memory_space<vmem_shared>> -> memref<10016x128xf32, #tpu.memory_space<vmem_shared>>
        tpu.enqueue_indirect_dma source(%arg12 : memref<128x128xf32, #tpu.memory_space<vmem>>) target(%dma_start3A_117 : memref<10016x128xf32, #tpu.memory_space<vmem_shared>>) offsets(%dma_start3A_114 : memref<128xi32, #tpu.memory_space<vmem>>) semaphore(%run_scoped3A_111 : memref<!tpu.dma_semaphore, #tpu.memory_space<semaphore_mem>>) {add = true}
        %dma_wait3A_118 = arith.constant 0 : i32
        %dma_wait3A_119 = tpu.memref_slice %arg11[%run_scoped3A_98, %dma_wait3A_118] : memref<8x128xi32, #tpu.memory_space<vmem>> -> memref<1x128xi32, #tpu.memory_space<vmem>>
        %dma_wait3A_120 = tpu.memref_squeeze %dma_wait3A_119 : memref<1x128xi32, #tpu.memory_space<vmem>> -> memref<128xi32, #tpu.memory_space<vmem>>
        %dma_wait3A_121 = arith.constant 0 : i32
        %dma_wait3A_122 = arith.constant 0 : i32
        %dma_wait3A_123 = tpu.memref_slice %arg9[%dma_wait3A_121, %dma_wait3A_122] : memref<10016x128xf32, #tpu.memory_space<vmem_shared>> -> memref<10016x128xf32, #tpu.memory_space<vmem_shared>>
        tpu.wait_indirect_dma semaphore(%run_scoped3A_111 : memref<!tpu.dma_semaphore, #tpu.memory_space<semaphore_mem>>) src(%arg12 : memref<128x128xf32, #tpu.memory_space<vmem>>) dst(%dma_wait3A_123 : memref<10016x128xf32, #tpu.memory_space<vmem_shared>>)
        tpu.yield
      }) : () -> ()
      %run_scoped3A_99 = arith.constant 6 : i32
      "tpu.region"() ({
        %run_scoped3A_111 = tpu.sem_alloc : memref<!tpu.dma_semaphore, #tpu.memory_space<semaphore_mem>>
        %dma_start3A_112 = arith.constant 0 : i32
        %dma_start3A_113 = tpu.memref_slice %arg11[%run_scoped3A_99, %dma_start3A_112] : memref<8x128xi32, #tpu.memory_space<vmem>> -> memref<1x128xi32, #tpu.memory_space<vmem>>
        %dma_start3A_114 = tpu.memref_squeeze %dma_start3A_113 : memref<1x128xi32, #tpu.memory_space<vmem>> -> memref<128xi32, #tpu.memory_space<vmem>>
        %dma_start3A_115 = arith.constant 0 : i32
        %dma_start3A_116 = arith.constant 0 : i32
        %dma_start3A_117 = tpu.memref_slice %arg9[%dma_start3A_115, %dma_start3A_116] : memref<10016x128xf32, #tpu.memory_space<vmem_shared>> -> memref<10016x128xf32, #tpu.memory_space<vmem_shared>>
        tpu.enqueue_indirect_dma source(%arg12 : memref<128x128xf32, #tpu.memory_space<vmem>>) target(%dma_start3A_117 : memref<10016x128xf32, #tpu.memory_space<vmem_shared>>) offsets(%dma_start3A_114 : memref<128xi32, #tpu.memory_space<vmem>>) semaphore(%run_scoped3A_111 : memref<!tpu.dma_semaphore, #tpu.memory_space<semaphore_mem>>) {add = true}
        %dma_wait3A_118 = arith.constant 0 : i32
        %dma_wait3A_119 = tpu.memref_slice %arg11[%run_scoped3A_99, %dma_wait3A_118] : memref<8x128xi32, #tpu.memory_space<vmem>> -> memref<1x128xi32, #tpu.memory_space<vmem>>
        %dma_wait3A_120 = tpu.memref_squeeze %dma_wait3A_119 : memref<1x128xi32, #tpu.memory_space<vmem>> -> memref<128xi32, #tpu.memory_space<vmem>>
        %dma_wait3A_121 = arith.constant 0 : i32
        %dma_wait3A_122 = arith.constant 0 : i32
        %dma_wait3A_123 = tpu.memref_slice %arg9[%dma_wait3A_121, %dma_wait3A_122] : memref<10016x128xf32, #tpu.memory_space<vmem_shared>> -> memref<10016x128xf32, #tpu.memory_space<vmem_shared>>
        tpu.wait_indirect_dma semaphore(%run_scoped3A_111 : memref<!tpu.dma_semaphore, #tpu.memory_space<semaphore_mem>>) src(%arg12 : memref<128x128xf32, #tpu.memory_space<vmem>>) dst(%dma_wait3A_123 : memref<10016x128xf32, #tpu.memory_space<vmem_shared>>)
        tpu.yield
      }) : () -> ()
      %run_scoped3A_100 = arith.constant 7 : i32
      "tpu.region"() ({
        %run_scoped3A_111 = tpu.sem_alloc : memref<!tpu.dma_semaphore, #tpu.memory_space<semaphore_mem>>
        %dma_start3A_112 = arith.constant 0 : i32
        %dma_start3A_113 = tpu.memref_slice %arg11[%run_scoped3A_100, %dma_start3A_112] : memref<8x128xi32, #tpu.memory_space<vmem>> -> memref<1x128xi32, #tpu.memory_space<vmem>>
        %dma_start3A_114 = tpu.memref_squeeze %dma_start3A_113 : memref<1x128xi32, #tpu.memory_space<vmem>> -> memref<128xi32, #tpu.memory_space<vmem>>
        %dma_start3A_115 = arith.constant 0 : i32
        %dma_start3A_116 = arith.constant 0 : i32
        %dma_start3A_117 = tpu.memref_slice %arg9[%dma_start3A_115, %dma_start3A_116] : memref<10016x128xf32, #tpu.memory_space<vmem_shared>> -> memref<10016x128xf32, #tpu.memory_space<vmem_shared>>
        tpu.enqueue_indirect_dma source(%arg12 : memref<128x128xf32, #tpu.memory_space<vmem>>) target(%dma_start3A_117 : memref<10016x128xf32, #tpu.memory_space<vmem_shared>>) offsets(%dma_start3A_114 : memref<128xi32, #tpu.memory_space<vmem>>) semaphore(%run_scoped3A_111 : memref<!tpu.dma_semaphore, #tpu.memory_space<semaphore_mem>>) {add = true}
        %dma_wait3A_118 = arith.constant 0 : i32
        %dma_wait3A_119 = tpu.memref_slice %arg11[%run_scoped3A_100, %dma_wait3A_118] : memref<8x128xi32, #tpu.memory_space<vmem>> -> memref<1x128xi32, #tpu.memory_space<vmem>>
        %dma_wait3A_120 = tpu.memref_squeeze %dma_wait3A_119 : memref<1x128xi32, #tpu.memory_space<vmem>> -> memref<128xi32, #tpu.memory_space<vmem>>
        %dma_wait3A_121 = arith.constant 0 : i32
        %dma_wait3A_122 = arith.constant 0 : i32
        %dma_wait3A_123 = tpu.memref_slice %arg9[%dma_wait3A_121, %dma_wait3A_122] : memref<10016x128xf32, #tpu.memory_space<vmem_shared>> -> memref<10016x128xf32, #tpu.memory_space<vmem_shared>>
        tpu.wait_indirect_dma semaphore(%run_scoped3A_111 : memref<!tpu.dma_semaphore, #tpu.memory_space<semaphore_mem>>) src(%arg12 : memref<128x128xf32, #tpu.memory_space<vmem>>) dst(%dma_wait3A_123 : memref<10016x128xf32, #tpu.memory_space<vmem_shared>>)
        tpu.yield
      }) : () -> ()
      %lt3A_101 = arith.constant 9 : i32
      %lt3A_102 = arith.cmpi slt, %add3A_92, %lt3A_101 : i32
      %convert_element_type3A_103 = arith.extui %lt3A_102 : i1 to i32
      %cond3A_104 = arith.constant 0 : i32
      %cond3A_105 = arith.cmpi ne, %convert_element_type3A_103, %cond3A_104 : i32
      scf.if %cond3A_105 {
        %dma_wait3A_111 = arith.constant 0 : i32
        %dma_wait3A_112 = arith.constant 0 : i32
        %dma_wait3A_113 = tpu.memref_slice %arg4[%dma_wait3A_111, %dma_wait3A_112] : memref<2560x128xi32, #tpu.memory_space<hbm>> -> memref<8x128xi32, #tpu.memory_space<hbm>>
        %dma_wait3A_114 = arith.constant 0 : i32
        %dma_wait3A_115 = arith.constant 0 : i32
        %dma_wait3A_116 = tpu.memref_slice %arg4[%dma_wait3A_114, %dma_wait3A_115] : memref<2560x128xi32, #tpu.memory_space<hbm>> -> memref<8x128xi32, #tpu.memory_space<hbm>>
        tpu.wait_dma2 semaphore(%arg16 : memref<!tpu.dma_semaphore, #tpu.memory_space<semaphore_mem>>) src(%dma_wait3A_116 : memref<8x128xi32, #tpu.memory_space<hbm>>) dst(%arg10 : memref<8x128xi32, #tpu.memory_space<vmem>>)
      } else {
      }
      %lt3A_106 = arith.constant 8 : i32
      %lt3A_107 = arith.cmpi slt, %add3A_92, %lt3A_106 : i32
      %convert_element_type3A_108 = arith.extui %lt3A_107 : i1 to i32
      %cond3A_109 = arith.constant 0 : i32
      %cond3A_110 = arith.cmpi ne, %convert_element_type3A_108, %cond3A_109 : i32
      scf.if %cond3A_110 {
        %add3A_111 = arith.constant 2 : i32
        %add3A_112 = arith.addi %add3A_92, %add3A_111 : i32
        %add3A_113 = arith.addi %mul3A_2, %add3A_112 : i32
        %mul3A_114 = arith.constant 8 : i32
        %mul3A_115 = arith.muli %add3A_113, %mul3A_114 : i32
        %dma_start3A_116 = arith.constant 0 : i32
        %dma_start3A_117 = tpu.memref_slice %arg4[%mul3A_115, %dma_start3A_116] : memref<2560x128xi32, #tpu.memory_space<hbm>> -> memref<8x128xi32, #tpu.memory_space<hbm>>
        %dma_start3A_118 = arith.constant 0 : i32
        %dma_start3A_119 = tpu.memref_slice %arg4[%mul3A_115, %dma_start3A_118] : memref<2560x128xi32, #tpu.memory_space<hbm>> -> memref<8x128xi32, #tpu.memory_space<hbm>>
        tpu.enqueue_dma source(%dma_start3A_119 : memref<8x128xi32, #tpu.memory_space<hbm>>) target(%arg11 : memref<8x128xi32, #tpu.memory_space<vmem>>) target_semaphore(%arg16 : memref<!tpu.dma_semaphore, #tpu.memory_space<semaphore_mem>>)
      } else {
      }
    }
    %scan3A_20 = arith.constant 5 : i32
    %barrier3A_21 = arith.constant 0 : index
    tpu.barrier barrier_id(%barrier3A_21)
    "tpu.region"() ({
      %run_scoped3A = tpu.sem_alloc : memref<!tpu.dma_semaphore, #tpu.memory_space<semaphore_mem>>
      %dma_start3A_70 = arith.constant 0 : i32
      %dma_start3A_71 = arith.constant 0 : i32
      %dma_start3A_72 = tpu.memref_slice %arg8[%arg0, %arg1, %dma_start3A_70, %dma_start3A_71] : memref<2x16x625x128xf32, #tpu.memory_space<hbm>> -> memref<1x1x625x128xf32, #tpu.memory_space<hbm>>
      %dma_start3A_73 = tpu.memref_squeeze %dma_start3A_72 : memref<1x1x625x128xf32, #tpu.memory_space<hbm>> -> memref<625x128xf32, #tpu.memory_space<hbm>>
      %dma_start3A_74 = arith.constant 0 : i32
      %dma_start3A_75 = tpu.memref_slice %arg9[%mul3A_4, %dma_start3A_74] : memref<10016x128xf32, #tpu.memory_space<vmem_shared>> -> memref<625x128xf32, #tpu.memory_space<vmem_shared>>
      tpu.enqueue_dma source(%dma_start3A_75 : memref<625x128xf32, #tpu.memory_space<vmem_shared>>) target(%dma_start3A_73 : memref<625x128xf32, #tpu.memory_space<hbm>>) target_semaphore(%run_scoped3A : memref<!tpu.dma_semaphore, #tpu.memory_space<semaphore_mem>>)
      %dma_wait3A_76 = arith.constant 0 : i32
      %dma_wait3A_77 = arith.constant 0 : i32
      %dma_wait3A_78 = tpu.memref_slice %arg8[%arg0, %arg1, %dma_wait3A_76, %dma_wait3A_77] : memref<2x16x625x128xf32, #tpu.memory_space<hbm>> -> memref<1x1x625x128xf32, #tpu.memory_space<hbm>>
      %dma_wait3A_79 = tpu.memref_squeeze %dma_wait3A_78 : memref<1x1x625x128xf32, #tpu.memory_space<hbm>> -> memref<625x128xf32, #tpu.memory_space<hbm>>
      %dma_wait3A_80 = arith.constant 0 : i32
      %dma_wait3A_81 = tpu.memref_slice %arg9[%mul3A_4, %dma_wait3A_80] : memref<10016x128xf32, #tpu.memory_space<vmem_shared>> -> memref<625x128xf32, #tpu.memory_space<vmem_shared>>
      tpu.wait_dma2 semaphore(%run_scoped3A : memref<!tpu.dma_semaphore, #tpu.memory_space<semaphore_mem>>) src(%dma_wait3A_81 : memref<625x128xf32, #tpu.memory_space<vmem_shared>>) dst(%dma_wait3A_79 : memref<625x128xf32, #tpu.memory_space<hbm>>)
      tpu.yield
    }) : () -> ()
    %barrier3A_22 = arith.constant 0 : index
    tpu.barrier barrier_id(%barrier3A_22)
    %mul3A_23 = arith.constant 626 : i32
    %mul3A_24 = arith.muli %arg1, %mul3A_23 : i32
    "tpu.region"() ({
      %run_scoped3A = tpu.sem_alloc : memref<!tpu.dma_semaphore, #tpu.memory_space<semaphore_mem>>
      %dma_start3A_70 = arith.constant 0 : i32
      %dma_start3A_71 = tpu.memref_slice %arg9[%mul3A_24, %dma_start3A_70] : memref<10016x128xf32, #tpu.memory_space<vmem_shared>> -> memref<626x128xf32, #tpu.memory_space<vmem_shared>>
      tpu.enqueue_dma source(%arg5 : memref<626x128xf32, #tpu.memory_space<hbm>>) target(%dma_start3A_71 : memref<626x128xf32, #tpu.memory_space<vmem_shared>>) target_semaphore(%run_scoped3A : memref<!tpu.dma_semaphore, #tpu.memory_space<semaphore_mem>>)
      %dma_wait3A_72 = arith.constant 0 : i32
      %dma_wait3A_73 = tpu.memref_slice %arg9[%mul3A_24, %dma_wait3A_72] : memref<10016x128xf32, #tpu.memory_space<vmem_shared>> -> memref<626x128xf32, #tpu.memory_space<vmem_shared>>
      tpu.wait_dma2 semaphore(%run_scoped3A : memref<!tpu.dma_semaphore, #tpu.memory_space<semaphore_mem>>) src(%arg5 : memref<626x128xf32, #tpu.memory_space<hbm>>) dst(%dma_wait3A_73 : memref<626x128xf32, #tpu.memory_space<vmem_shared>>)
      tpu.yield
    }) : () -> ()
    %barrier3A_25 = arith.constant 0 : index
    tpu.barrier barrier_id(%barrier3A_25)
    %add3A_26 = arith.constant 0 : i32
    %add3A_27 = arith.addi %mul3A_2, %add3A_26 : i32
    %mul3A_28 = arith.constant 8 : i32
    %mul3A_29 = arith.muli %add3A_27, %mul3A_28 : i32
    "tpu.region"() ({
      %run_scoped3A = tpu.sem_alloc : memref<!tpu.dma_semaphore, #tpu.memory_space<semaphore_mem>>
      %dma_start3A_70 = arith.constant 0 : i32
      %dma_start3A_71 = tpu.memref_slice %arg3[%mul3A_29, %dma_start3A_70] : memref<2560x128xi32, #tpu.memory_space<hbm>> -> memref<8x128xi32, #tpu.memory_space<hbm>>
      %dma_start3A_72 = arith.constant 0 : i32
      %dma_start3A_73 = tpu.memref_slice %arg3[%mul3A_29, %dma_start3A_72] : memref<2560x128xi32, #tpu.memory_space<hbm>> -> memref<8x128xi32, #tpu.memory_space<hbm>>
      tpu.enqueue_dma source(%dma_start3A_73 : memref<8x128xi32, #tpu.memory_space<hbm>>) target(%arg19 : memref<8x128xi32, #tpu.memory_space<vmem>>) target_semaphore(%run_scoped3A : memref<!tpu.dma_semaphore, #tpu.memory_space<semaphore_mem>>)
      %dma_wait3A_74 = arith.constant 0 : i32
      %dma_wait3A_75 = tpu.memref_slice %arg3[%mul3A_29, %dma_wait3A_74] : memref<2560x128xi32, #tpu.memory_space<hbm>> -> memref<8x128xi32, #tpu.memory_space<hbm>>
      %dma_wait3A_76 = arith.constant 0 : i32
      %dma_wait3A_77 = tpu.memref_slice %arg3[%mul3A_29, %dma_wait3A_76] : memref<2560x128xi32, #tpu.memory_space<hbm>> -> memref<8x128xi32, #tpu.memory_space<hbm>>
      tpu.wait_dma2 semaphore(%run_scoped3A : memref<!tpu.dma_semaphore, #tpu.memory_space<semaphore_mem>>) src(%dma_wait3A_77 : memref<8x128xi32, #tpu.memory_space<hbm>>) dst(%arg19 : memref<8x128xi32, #tpu.memory_space<vmem>>)
      tpu.yield
    }) : () -> ()
    %add3A_30 = arith.constant 0 : i32
    %add3A_31 = arith.addi %mul3A_2, %add3A_30 : i32
    %mul3A_32 = arith.constant 8 : i32
    %mul3A_33 = arith.muli %add3A_31, %mul3A_32 : i32
    "tpu.region"() ({
      %run_scoped3A = tpu.sem_alloc : memref<!tpu.dma_semaphore, #tpu.memory_space<semaphore_mem>>
      %dma_start3A_70 = arith.constant 0 : i32
      %dma_start3A_71 = tpu.memref_slice %arg4[%mul3A_33, %dma_start3A_70] : memref<2560x128xi32, #tpu.memory_space<hbm>> -> memref<8x128xi32, #tpu.memory_space<hbm>>
      %dma_start3A_72 = arith.constant 0 : i32
      %dma_start3A_73 = tpu.memref_slice %arg4[%mul3A_33, %dma_start3A_72] : memref<2560x128xi32, #tpu.memory_space<hbm>> -> memref<8x128xi32, #tpu.memory_space<hbm>>
      tpu.enqueue_dma source(%dma_start3A_73 : memref<8x128xi32, #tpu.memory_space<hbm>>) target(%arg10 : memref<8x128xi32, #tpu.memory_space<vmem>>) target_semaphore(%run_scoped3A : memref<!tpu.dma_semaphore, #tpu.memory_space<semaphore_mem>>)
      %dma_wait3A_74 = arith.constant 0 : i32
      %dma_wait3A_75 = tpu.memref_slice %arg4[%mul3A_33, %dma_wait3A_74] : memref<2560x128xi32, #tpu.memory_space<hbm>> -> memref<8x128xi32, #tpu.memory_space<hbm>>
      %dma_wait3A_76 = arith.constant 0 : i32
      %dma_wait3A_77 = tpu.memref_slice %arg4[%mul3A_33, %dma_wait3A_76] : memref<2560x128xi32, #tpu.memory_space<hbm>> -> memref<8x128xi32, #tpu.memory_space<hbm>>
      tpu.wait_dma2 semaphore(%run_scoped3A : memref<!tpu.dma_semaphore, #tpu.memory_space<semaphore_mem>>) src(%dma_wait3A_77 : memref<8x128xi32, #tpu.memory_space<hbm>>) dst(%arg10 : memref<8x128xi32, #tpu.memory_space<vmem>>)
      tpu.yield
    }) : () -> ()
    %add3A_34 = arith.constant 1 : i32
    %add3A_35 = arith.addi %mul3A_2, %add3A_34 : i32
    %mul3A_36 = arith.constant 8 : i32
    %mul3A_37 = arith.muli %add3A_35, %mul3A_36 : i32
    %dma_start3A_38 = arith.constant 0 : i32
    %dma_start3A_39 = tpu.memref_slice %arg3[%mul3A_37, %dma_start3A_38] : memref<2560x128xi32, #tpu.memory_space<hbm>> -> memref<8x128xi32, #tpu.memory_space<hbm>>
    %dma_start3A_40 = arith.constant 0 : i32
    %dma_start3A_41 = tpu.memref_slice %arg3[%mul3A_37, %dma_start3A_40] : memref<2560x128xi32, #tpu.memory_space<hbm>> -> memref<8x128xi32, #tpu.memory_space<hbm>>
    tpu.enqueue_dma source(%dma_start3A_41 : memref<8x128xi32, #tpu.memory_space<hbm>>) target(%arg20 : memref<8x128xi32, #tpu.memory_space<vmem>>) target_semaphore(%arg16 : memref<!tpu.dma_semaphore, #tpu.memory_space<semaphore_mem>>)
    %add3A_42 = arith.constant 1 : i32
    %add3A_43 = arith.addi %mul3A_2, %add3A_42 : i32
    %mul3A_44 = arith.constant 8 : i32
    %mul3A_45 = arith.muli %add3A_43, %mul3A_44 : i32
    %dma_start3A_46 = arith.constant 0 : i32
    %dma_start3A_47 = tpu.memref_slice %arg4[%mul3A_45, %dma_start3A_46] : memref<2560x128xi32, #tpu.memory_space<hbm>> -> memref<8x128xi32, #tpu.memory_space<hbm>>
    %dma_start3A_48 = arith.constant 0 : i32
    %dma_start3A_49 = tpu.memref_slice %arg4[%mul3A_45, %dma_start3A_48] : memref<2560x128xi32, #tpu.memory_space<hbm>> -> memref<8x128xi32, #tpu.memory_space<hbm>>
    tpu.enqueue_dma source(%dma_start3A_49 : memref<8x128xi32, #tpu.memory_space<hbm>>) target(%arg11 : memref<8x128xi32, #tpu.memory_space<vmem>>) target_semaphore(%arg16 : memref<!tpu.dma_semaphore, #tpu.memory_space<semaphore_mem>>)
    %dma_start3A_50 = arith.constant 0 : i32
    %dma_start3A_51 = arith.constant 0 : i32
    %dma_start3A_52 = tpu.memref_slice %arg19[%dma_start3A_50, %dma_start3A_51] : memref<8x128xi32, #tpu.memory_space<vmem>> -> memref<1x128xi32, #tpu.memory_space<vmem>>
    %dma_start3A_53 = tpu.memref_squeeze %dma_start3A_52 : memref<1x128xi32, #tpu.memory_space<vmem>> -> memref<128xi32, #tpu.memory_space<vmem>>
    %dma_start3A_54 = arith.constant 0 : i32
    %dma_start3A_55 = arith.constant 0 : i32
    %dma_start3A_56 = tpu.memref_slice %arg2[%dma_start3A_54, %dma_start3A_55] : memref<10000x128xf32, #tpu.memory_space<hbm>> -> memref<10000x128xf32, #tpu.memory_space<hbm>>
    tpu.enqueue_indirect_dma source(%dma_start3A_56 : memref<10000x128xf32, #tpu.memory_space<hbm>>) target(%arg12 : memref<128x128xf32, #tpu.memory_space<vmem>>) offsets(%dma_start3A_53 : memref<128xi32, #tpu.memory_space<vmem>>) semaphore(%arg14 : memref<!tpu.dma_semaphore, #tpu.memory_space<semaphore_mem>>)
    %scan3A_57 = arith.constant 0 : i32
    %scan3A_58 = arith.constant 0 : i32
    %scan3A_59 = arith.constant 5 : i32
    %scan3A_60 = arith.addi %scan3A_58, %scan3A_59 : i32
    %scan3A_61 = arith.constant 1 : i32
    scf.for %scan3A_70 = %scan3A_58 to %scan3A_60 step %scan3A_61  : i32 {
      %mul3A_71 = arith.constant 2 : i32
      %mul3A_72 = arith.muli %mul3A_71, %scan3A_70 : i32
      %add3A_73 = arith.constant 0 : i32
      %add3A_74 = arith.addi %mul3A_72, %add3A_73 : i32
      %dma_wait3A_75 = arith.constant 0 : i32
      %dma_wait3A_76 = arith.constant 0 : i32
      %dma_wait3A_77 = tpu.memref_slice %arg19[%dma_wait3A_75, %dma_wait3A_76] : memref<8x128xi32, #tpu.memory_space<vmem>> -> memref<1x128xi32, #tpu.memory_space<vmem>>
      %dma_wait3A_78 = tpu.memref_squeeze %dma_wait3A_77 : memref<1x128xi32, #tpu.memory_space<vmem>> -> memref<128xi32, #tpu.memory_space<vmem>>
      %dma_wait3A_79 = arith.constant 0 : i32
      %dma_wait3A_80 = arith.constant 0 : i32
      %dma_wait3A_81 = tpu.memref_slice %arg2[%dma_wait3A_79, %dma_wait3A_80] : memref<10000x128xf32, #tpu.memory_space<hbm>> -> memref<10000x128xf32, #tpu.memory_space<hbm>>
      tpu.wait_indirect_dma semaphore(%arg14 : memref<!tpu.dma_semaphore, #tpu.memory_space<semaphore_mem>>) src(%dma_wait3A_81 : memref<10000x128xf32, #tpu.memory_space<hbm>>) dst(%arg12 : memref<128x128xf32, #tpu.memory_space<vmem>>)
      %gt3A = arith.constant 0 : i32
      %gt3A_82 = arith.cmpi sgt, %add3A_74, %gt3A : i32
      %convert_element_type3A = arith.extui %gt3A_82 : i1 to i32
      %cond3A = arith.constant 0 : i32
      %cond3A_83 = arith.cmpi ne, %convert_element_type3A, %cond3A : i32
      scf.if %cond3A_83 {
        %dma_wait3A_529 = arith.constant 0 : i32
        %dma_wait3A_530 = arith.constant 0 : i32
        %dma_wait3A_531 = tpu.memref_slice %arg10[%dma_wait3A_529, %dma_wait3A_530] : memref<8x128xi32, #tpu.memory_space<vmem>> -> memref<1x128xi32, #tpu.memory_space<vmem>>
        %dma_wait3A_532 = tpu.memref_squeeze %dma_wait3A_531 : memref<1x128xi32, #tpu.memory_space<vmem>> -> memref<128xi32, #tpu.memory_space<vmem>>
        %dma_wait3A_533 = arith.constant 0 : i32
        %dma_wait3A_534 = arith.constant 0 : i32
        %dma_wait3A_535 = tpu.memref_slice %arg9[%dma_wait3A_533, %dma_wait3A_534] : memref<10016x128xf32, #tpu.memory_space<vmem_shared>> -> memref<10016x128xf32, #tpu.memory_space<vmem_shared>>
        tpu.wait_indirect_dma semaphore(%arg18 : memref<!tpu.dma_semaphore, #tpu.memory_space<semaphore_mem>>) src(%arg13 : memref<128x128xf32, #tpu.memory_space<vmem>>) dst(%dma_wait3A_535 : memref<10016x128xf32, #tpu.memory_space<vmem_shared>>)
      } else {
      }
      %dma_start3A_84 = arith.constant 1 : i32
      %dma_start3A_85 = arith.constant 0 : i32
      %dma_start3A_86 = tpu.memref_slice %arg19[%dma_start3A_84, %dma_start3A_85] : memref<8x128xi32, #tpu.memory_space<vmem>> -> memref<1x128xi32, #tpu.memory_space<vmem>>
      %dma_start3A_87 = tpu.memref_squeeze %dma_start3A_86 : memref<1x128xi32, #tpu.memory_space<vmem>> -> memref<128xi32, #tpu.memory_space<vmem>>
      %dma_start3A_88 = arith.constant 0 : i32
      %dma_start3A_89 = arith.constant 0 : i32
      %dma_start3A_90 = tpu.memref_slice %arg2[%dma_start3A_88, %dma_start3A_89] : memref<10000x128xf32, #tpu.memory_space<hbm>> -> memref<10000x128xf32, #tpu.memory_space<hbm>>
      tpu.enqueue_indirect_dma source(%dma_start3A_90 : memref<10000x128xf32, #tpu.memory_space<hbm>>) target(%arg13 : memref<128x128xf32, #tpu.memory_space<vmem>>) offsets(%dma_start3A_87 : memref<128xi32, #tpu.memory_space<vmem>>) semaphore(%arg15 : memref<!tpu.dma_semaphore, #tpu.memory_space<semaphore_mem>>)
      %dma_start3A_91 = arith.constant 0 : i32
      %dma_start3A_92 = arith.constant 0 : i32
      %dma_start3A_93 = tpu.memref_slice %arg10[%dma_start3A_91, %dma_start3A_92] : memref<8x128xi32, #tpu.memory_space<vmem>> -> memref<1x128xi32, #tpu.memory_space<vmem>>
      %dma_start3A_94 = tpu.memref_squeeze %dma_start3A_93 : memref<1x128xi32, #tpu.memory_space<vmem>> -> memref<128xi32, #tpu.memory_space<vmem>>
      %dma_start3A_95 = arith.constant 0 : i32
      %dma_start3A_96 = arith.constant 0 : i32
      %dma_start3A_97 = tpu.memref_slice %arg9[%dma_start3A_95, %dma_start3A_96] : memref<10016x128xf32, #tpu.memory_space<vmem_shared>> -> memref<10016x128xf32, #tpu.memory_space<vmem_shared>>
      tpu.enqueue_indirect_dma source(%arg12 : memref<128x128xf32, #tpu.memory_space<vmem>>) target(%dma_start3A_97 : memref<10016x128xf32, #tpu.memory_space<vmem_shared>>) offsets(%dma_start3A_94 : memref<128xi32, #tpu.memory_space<vmem>>) semaphore(%arg17 : memref<!tpu.dma_semaphore, #tpu.memory_space<semaphore_mem>>) {add = true}
      %dma_wait3A_98 = arith.constant 1 : i32
      %dma_wait3A_99 = arith.constant 0 : i32
      %dma_wait3A_100 = tpu.memref_slice %arg19[%dma_wait3A_98, %dma_wait3A_99] : memref<8x128xi32, #tpu.memory_space<vmem>> -> memref<1x128xi32, #tpu.memory_space<vmem>>
      %dma_wait3A_101 = tpu.memref_squeeze %dma_wait3A_100 : memref<1x128xi32, #tpu.memory_space<vmem>> -> memref<128xi32, #tpu.memory_space<vmem>>
      %dma_wait3A_102 = arith.constant 0 : i32
      %dma_wait3A_103 = arith.constant 0 : i32
      %dma_wait3A_104 = tpu.memref_slice %arg2[%dma_wait3A_102, %dma_wait3A_103] : memref<10000x128xf32, #tpu.memory_space<hbm>> -> memref<10000x128xf32, #tpu.memory_space<hbm>>
      tpu.wait_indirect_dma semaphore(%arg15 : memref<!tpu.dma_semaphore, #tpu.memory_space<semaphore_mem>>) src(%dma_wait3A_104 : memref<10000x128xf32, #tpu.memory_space<hbm>>) dst(%arg13 : memref<128x128xf32, #tpu.memory_space<vmem>>)
      %dma_wait3A_105 = arith.constant 0 : i32
      %dma_wait3A_106 = arith.constant 0 : i32
      %dma_wait3A_107 = tpu.memref_slice %arg10[%dma_wait3A_105, %dma_wait3A_106] : memref<8x128xi32, #tpu.memory_space<vmem>> -> memref<1x128xi32, #tpu.memory_space<vmem>>
      %dma_wait3A_108 = tpu.memref_squeeze %dma_wait3A_107 : memref<1x128xi32, #tpu.memory_space<vmem>> -> memref<128xi32, #tpu.memory_space<vmem>>
      %dma_wait3A_109 = arith.constant 0 : i32
      %dma_wait3A_110 = arith.constant 0 : i32
      %dma_wait3A_111 = tpu.memref_slice %arg9[%dma_wait3A_109, %dma_wait3A_110] : memref<10016x128xf32, #tpu.memory_space<vmem_shared>> -> memref<10016x128xf32, #tpu.memory_space<vmem_shared>>
      tpu.wait_indirect_dma semaphore(%arg17 : memref<!tpu.dma_semaphore, #tpu.memory_space<semaphore_mem>>) src(%arg12 : memref<128x128xf32, #tpu.memory_space<vmem>>) dst(%dma_wait3A_111 : memref<10016x128xf32, #tpu.memory_space<vmem_shared>>)
      %dma_start3A_112 = arith.constant 2 : i32
      %dma_start3A_113 = arith.constant 0 : i32
      %dma_start3A_114 = tpu.memref_slice %arg19[%dma_start3A_112, %dma_start3A_113] : memref<8x128xi32, #tpu.memory_space<vmem>> -> memref<1x128xi32, #tpu.memory_space<vmem>>
      %dma_start3A_115 = tpu.memref_squeeze %dma_start3A_114 : memref<1x128xi32, #tpu.memory_space<vmem>> -> memref<128xi32, #tpu.memory_space<vmem>>
      %dma_start3A_116 = arith.constant 0 : i32
      %dma_start3A_117 = arith.constant 0 : i32
      %dma_start3A_118 = tpu.memref_slice %arg2[%dma_start3A_116, %dma_start3A_117] : memref<10000x128xf32, #tpu.memory_space<hbm>> -> memref<10000x128xf32, #tpu.memory_space<hbm>>
      tpu.enqueue_indirect_dma source(%dma_start3A_118 : memref<10000x128xf32, #tpu.memory_space<hbm>>) target(%arg12 : memref<128x128xf32, #tpu.memory_space<vmem>>) offsets(%dma_start3A_115 : memref<128xi32, #tpu.memory_space<vmem>>) semaphore(%arg14 : memref<!tpu.dma_semaphore, #tpu.memory_space<semaphore_mem>>)
      %dma_start3A_119 = arith.constant 1 : i32
      %dma_start3A_120 = arith.constant 0 : i32
      %dma_start3A_121 = tpu.memref_slice %arg10[%dma_start3A_119, %dma_start3A_120] : memref<8x128xi32, #tpu.memory_space<vmem>> -> memref<1x128xi32, #tpu.memory_space<vmem>>
      %dma_start3A_122 = tpu.memref_squeeze %dma_start3A_121 : memref<1x128xi32, #tpu.memory_space<vmem>> -> memref<128xi32, #tpu.memory_space<vmem>>
      %dma_start3A_123 = arith.constant 0 : i32
      %dma_start3A_124 = arith.constant 0 : i32
      %dma_start3A_125 = tpu.memref_slice %arg9[%dma_start3A_123, %dma_start3A_124] : memref<10016x128xf32, #tpu.memory_space<vmem_shared>> -> memref<10016x128xf32, #tpu.memory_space<vmem_shared>>
      tpu.enqueue_indirect_dma source(%arg13 : memref<128x128xf32, #tpu.memory_space<vmem>>) target(%dma_start3A_125 : memref<10016x128xf32, #tpu.memory_space<vmem_shared>>) offsets(%dma_start3A_122 : memref<128xi32, #tpu.memory_space<vmem>>) semaphore(%arg18 : memref<!tpu.dma_semaphore, #tpu.memory_space<semaphore_mem>>) {add = true}
      %dma_wait3A_126 = arith.constant 2 : i32
      %dma_wait3A_127 = arith.constant 0 : i32
      %dma_wait3A_128 = tpu.memref_slice %arg19[%dma_wait3A_126, %dma_wait3A_127] : memref<8x128xi32, #tpu.memory_space<vmem>> -> memref<1x128xi32, #tpu.memory_space<vmem>>
      %dma_wait3A_129 = tpu.memref_squeeze %dma_wait3A_128 : memref<1x128xi32, #tpu.memory_space<vmem>> -> memref<128xi32, #tpu.memory_space<vmem>>
      %dma_wait3A_130 = arith.constant 0 : i32
      %dma_wait3A_131 = arith.constant 0 : i32
      %dma_wait3A_132 = tpu.memref_slice %arg2[%dma_wait3A_130, %dma_wait3A_131] : memref<10000x128xf32, #tpu.memory_space<hbm>> -> memref<10000x128xf32, #tpu.memory_space<hbm>>
      tpu.wait_indirect_dma semaphore(%arg14 : memref<!tpu.dma_semaphore, #tpu.memory_space<semaphore_mem>>) src(%dma_wait3A_132 : memref<10000x128xf32, #tpu.memory_space<hbm>>) dst(%arg12 : memref<128x128xf32, #tpu.memory_space<vmem>>)
      %dma_wait3A_133 = arith.constant 0 : i32
      %dma_wait3A_134 = arith.constant 0 : i32
      %dma_wait3A_135 = tpu.memref_slice %arg10[%dma_wait3A_133, %dma_wait3A_134] : memref<8x128xi32, #tpu.memory_space<vmem>> -> memref<1x128xi32, #tpu.memory_space<vmem>>
      %dma_wait3A_136 = tpu.memref_squeeze %dma_wait3A_135 : memref<1x128xi32, #tpu.memory_space<vmem>> -> memref<128xi32, #tpu.memory_space<vmem>>
      %dma_wait3A_137 = arith.constant 0 : i32
      %dma_wait3A_138 = arith.constant 0 : i32
      %dma_wait3A_139 = tpu.memref_slice %arg9[%dma_wait3A_137, %dma_wait3A_138] : memref<10016x128xf32, #tpu.memory_space<vmem_shared>> -> memref<10016x128xf32, #tpu.memory_space<vmem_shared>>
      tpu.wait_indirect_dma semaphore(%arg18 : memref<!tpu.dma_semaphore, #tpu.memory_space<semaphore_mem>>) src(%arg13 : memref<128x128xf32, #tpu.memory_space<vmem>>) dst(%dma_wait3A_139 : memref<10016x128xf32, #tpu.memory_space<vmem_shared>>)
      %ge3A = arith.constant 1 : i32
      %ge3A_140 = arith.cmpi sge, %add3A_74, %ge3A : i32
      %lt3A = arith.constant 9 : i32
      %lt3A_141 = arith.cmpi slt, %add3A_74, %lt3A : i32
      %and3A = arith.andi %ge3A_140, %lt3A_141 : i1
      %convert_element_type3A_142 = arith.extui %and3A : i1 to i32
      %cond3A_143 = arith.constant 0 : i32
      %cond3A_144 = arith.cmpi ne, %convert_element_type3A_142, %cond3A_143 : i32
      scf.if %cond3A_144 {
        %add3A_529 = arith.constant 1 : i32
        %add3A_530 = arith.addi %add3A_74, %add3A_529 : i32
        %add3A_531 = arith.addi %mul3A_2, %add3A_530 : i32
        %mul3A_532 = arith.constant 8 : i32
        %mul3A_533 = arith.muli %add3A_531, %mul3A_532 : i32
        %dma_start3A_534 = arith.constant 0 : i32
        %dma_start3A_535 = tpu.memref_slice %arg3[%mul3A_533, %dma_start3A_534] : memref<2560x128xi32, #tpu.memory_space<hbm>> -> memref<8x128xi32, #tpu.memory_space<hbm>>
        %dma_start3A_536 = arith.constant 0 : i32
        %dma_start3A_537 = tpu.memref_slice %arg3[%mul3A_533, %dma_start3A_536] : memref<2560x128xi32, #tpu.memory_space<hbm>> -> memref<8x128xi32, #tpu.memory_space<hbm>>
        tpu.enqueue_dma source(%dma_start3A_537 : memref<8x128xi32, #tpu.memory_space<hbm>>) target(%arg20 : memref<8x128xi32, #tpu.memory_space<vmem>>) target_semaphore(%arg16 : memref<!tpu.dma_semaphore, #tpu.memory_space<semaphore_mem>>)
        %add3A_538 = arith.addi %mul3A_2, %add3A_530 : i32
        %mul3A_539 = arith.constant 8 : i32
        %mul3A_540 = arith.muli %add3A_538, %mul3A_539 : i32
        %dma_start3A_541 = arith.constant 0 : i32
        %dma_start3A_542 = tpu.memref_slice %arg4[%mul3A_540, %dma_start3A_541] : memref<2560x128xi32, #tpu.memory_space<hbm>> -> memref<8x128xi32, #tpu.memory_space<hbm>>
        %dma_start3A_543 = arith.constant 0 : i32
        %dma_start3A_544 = tpu.memref_slice %arg4[%mul3A_540, %dma_start3A_543] : memref<2560x128xi32, #tpu.memory_space<hbm>> -> memref<8x128xi32, #tpu.memory_space<hbm>>
        tpu.enqueue_dma source(%dma_start3A_544 : memref<8x128xi32, #tpu.memory_space<hbm>>) target(%arg11 : memref<8x128xi32, #tpu.memory_space<vmem>>) target_semaphore(%arg16 : memref<!tpu.dma_semaphore, #tpu.memory_space<semaphore_mem>>)
      } else {
      }
      %dma_start3A_145 = arith.constant 3 : i32
      %dma_start3A_146 = arith.constant 0 : i32
      %dma_start3A_147 = tpu.memref_slice %arg19[%dma_start3A_145, %dma_start3A_146] : memref<8x128xi32, #tpu.memory_space<vmem>> -> memref<1x128xi32, #tpu.memory_space<vmem>>
      %dma_start3A_148 = tpu.memref_squeeze %dma_start3A_147 : memref<1x128xi32, #tpu.memory_space<vmem>> -> memref<128xi32, #tpu.memory_space<vmem>>
      %dma_start3A_149 = arith.constant 0 : i32
      %dma_start3A_150 = arith.constant 0 : i32
      %dma_start3A_151 = tpu.memref_slice %arg2[%dma_start3A_149, %dma_start3A_150] : memref<10000x128xf32, #tpu.memory_space<hbm>> -> memref<10000x128xf32, #tpu.memory_space<hbm>>
      tpu.enqueue_indirect_dma source(%dma_start3A_151 : memref<10000x128xf32, #tpu.memory_space<hbm>>) target(%arg13 : memref<128x128xf32, #tpu.memory_space<vmem>>) offsets(%dma_start3A_148 : memref<128xi32, #tpu.memory_space<vmem>>) semaphore(%arg15 : memref<!tpu.dma_semaphore, #tpu.memory_space<semaphore_mem>>)
      %dma_start3A_152 = arith.constant 2 : i32
      %dma_start3A_153 = arith.constant 0 : i32
      %dma_start3A_154 = tpu.memref_slice %arg10[%dma_start3A_152, %dma_start3A_153] : memref<8x128xi32, #tpu.memory_space<vmem>> -> memref<1x128xi32, #tpu.memory_space<vmem>>
      %dma_start3A_155 = tpu.memref_squeeze %dma_start3A_154 : memref<1x128xi32, #tpu.memory_space<vmem>> -> memref<128xi32, #tpu.memory_space<vmem>>
      %dma_start3A_156 = arith.constant 0 : i32
      %dma_start3A_157 = arith.constant 0 : i32
      %dma_start3A_158 = tpu.memref_slice %arg9[%dma_start3A_156, %dma_start3A_157] : memref<10016x128xf32, #tpu.memory_space<vmem_shared>> -> memref<10016x128xf32, #tpu.memory_space<vmem_shared>>
      tpu.enqueue_indirect_dma source(%arg12 : memref<128x128xf32, #tpu.memory_space<vmem>>) target(%dma_start3A_158 : memref<10016x128xf32, #tpu.memory_space<vmem_shared>>) offsets(%dma_start3A_155 : memref<128xi32, #tpu.memory_space<vmem>>) semaphore(%arg17 : memref<!tpu.dma_semaphore, #tpu.memory_space<semaphore_mem>>) {add = true}
      %dma_wait3A_159 = arith.constant 3 : i32
      %dma_wait3A_160 = arith.constant 0 : i32
      %dma_wait3A_161 = tpu.memref_slice %arg19[%dma_wait3A_159, %dma_wait3A_160] : memref<8x128xi32, #tpu.memory_space<vmem>> -> memref<1x128xi32, #tpu.memory_space<vmem>>
      %dma_wait3A_162 = tpu.memref_squeeze %dma_wait3A_161 : memref<1x128xi32, #tpu.memory_space<vmem>> -> memref<128xi32, #tpu.memory_space<vmem>>
      %dma_wait3A_163 = arith.constant 0 : i32
      %dma_wait3A_164 = arith.constant 0 : i32
      %dma_wait3A_165 = tpu.memref_slice %arg2[%dma_wait3A_163, %dma_wait3A_164] : memref<10000x128xf32, #tpu.memory_space<hbm>> -> memref<10000x128xf32, #tpu.memory_space<hbm>>
      tpu.wait_indirect_dma semaphore(%arg15 : memref<!tpu.dma_semaphore, #tpu.memory_space<semaphore_mem>>) src(%dma_wait3A_165 : memref<10000x128xf32, #tpu.memory_space<hbm>>) dst(%arg13 : memref<128x128xf32, #tpu.memory_space<vmem>>)
      %dma_wait3A_166 = arith.constant 0 : i32
      %dma_wait3A_167 = arith.constant 0 : i32
      %dma_wait3A_168 = tpu.memref_slice %arg10[%dma_wait3A_166, %dma_wait3A_167] : memref<8x128xi32, #tpu.memory_space<vmem>> -> memref<1x128xi32, #tpu.memory_space<vmem>>
      %dma_wait3A_169 = tpu.memref_squeeze %dma_wait3A_168 : memref<1x128xi32, #tpu.memory_space<vmem>> -> memref<128xi32, #tpu.memory_space<vmem>>
      %dma_wait3A_170 = arith.constant 0 : i32
      %dma_wait3A_171 = arith.constant 0 : i32
      %dma_wait3A_172 = tpu.memref_slice %arg9[%dma_wait3A_170, %dma_wait3A_171] : memref<10016x128xf32, #tpu.memory_space<vmem_shared>> -> memref<10016x128xf32, #tpu.memory_space<vmem_shared>>
      tpu.wait_indirect_dma semaphore(%arg17 : memref<!tpu.dma_semaphore, #tpu.memory_space<semaphore_mem>>) src(%arg12 : memref<128x128xf32, #tpu.memory_space<vmem>>) dst(%dma_wait3A_172 : memref<10016x128xf32, #tpu.memory_space<vmem_shared>>)
      %dma_start3A_173 = arith.constant 4 : i32
      %dma_start3A_174 = arith.constant 0 : i32
      %dma_start3A_175 = tpu.memref_slice %arg19[%dma_start3A_173, %dma_start3A_174] : memref<8x128xi32, #tpu.memory_space<vmem>> -> memref<1x128xi32, #tpu.memory_space<vmem>>
      %dma_start3A_176 = tpu.memref_squeeze %dma_start3A_175 : memref<1x128xi32, #tpu.memory_space<vmem>> -> memref<128xi32, #tpu.memory_space<vmem>>
      %dma_start3A_177 = arith.constant 0 : i32
      %dma_start3A_178 = arith.constant 0 : i32
      %dma_start3A_179 = tpu.memref_slice %arg2[%dma_start3A_177, %dma_start3A_178] : memref<10000x128xf32, #tpu.memory_space<hbm>> -> memref<10000x128xf32, #tpu.memory_space<hbm>>
      tpu.enqueue_indirect_dma source(%dma_start3A_179 : memref<10000x128xf32, #tpu.memory_space<hbm>>) target(%arg12 : memref<128x128xf32, #tpu.memory_space<vmem>>) offsets(%dma_start3A_176 : memref<128xi32, #tpu.memory_space<vmem>>) semaphore(%arg14 : memref<!tpu.dma_semaphore, #tpu.memory_space<semaphore_mem>>)
      %dma_start3A_180 = arith.constant 3 : i32
      %dma_start3A_181 = arith.constant 0 : i32
      %dma_start3A_182 = tpu.memref_slice %arg10[%dma_start3A_180, %dma_start3A_181] : memref<8x128xi32, #tpu.memory_space<vmem>> -> memref<1x128xi32, #tpu.memory_space<vmem>>
      %dma_start3A_183 = tpu.memref_squeeze %dma_start3A_182 : memref<1x128xi32, #tpu.memory_space<vmem>> -> memref<128xi32, #tpu.memory_space<vmem>>
      %dma_start3A_184 = arith.constant 0 : i32
      %dma_start3A_185 = arith.constant 0 : i32
      %dma_start3A_186 = tpu.memref_slice %arg9[%dma_start3A_184, %dma_start3A_185] : memref<10016x128xf32, #tpu.memory_space<vmem_shared>> -> memref<10016x128xf32, #tpu.memory_space<vmem_shared>>
      tpu.enqueue_indirect_dma source(%arg13 : memref<128x128xf32, #tpu.memory_space<vmem>>) target(%dma_start3A_186 : memref<10016x128xf32, #tpu.memory_space<vmem_shared>>) offsets(%dma_start3A_183 : memref<128xi32, #tpu.memory_space<vmem>>) semaphore(%arg18 : memref<!tpu.dma_semaphore, #tpu.memory_space<semaphore_mem>>) {add = true}
      %dma_wait3A_187 = arith.constant 4 : i32
      %dma_wait3A_188 = arith.constant 0 : i32
      %dma_wait3A_189 = tpu.memref_slice %arg19[%dma_wait3A_187, %dma_wait3A_188] : memref<8x128xi32, #tpu.memory_space<vmem>> -> memref<1x128xi32, #tpu.memory_space<vmem>>
      %dma_wait3A_190 = tpu.memref_squeeze %dma_wait3A_189 : memref<1x128xi32, #tpu.memory_space<vmem>> -> memref<128xi32, #tpu.memory_space<vmem>>
      %dma_wait3A_191 = arith.constant 0 : i32
      %dma_wait3A_192 = arith.constant 0 : i32
      %dma_wait3A_193 = tpu.memref_slice %arg2[%dma_wait3A_191, %dma_wait3A_192] : memref<10000x128xf32, #tpu.memory_space<hbm>> -> memref<10000x128xf32, #tpu.memory_space<hbm>>
      tpu.wait_indirect_dma semaphore(%arg14 : memref<!tpu.dma_semaphore, #tpu.memory_space<semaphore_mem>>) src(%dma_wait3A_193 : memref<10000x128xf32, #tpu.memory_space<hbm>>) dst(%arg12 : memref<128x128xf32, #tpu.memory_space<vmem>>)
      %dma_wait3A_194 = arith.constant 0 : i32
      %dma_wait3A_195 = arith.constant 0 : i32
      %dma_wait3A_196 = tpu.memref_slice %arg10[%dma_wait3A_194, %dma_wait3A_195] : memref<8x128xi32, #tpu.memory_space<vmem>> -> memref<1x128xi32, #tpu.memory_space<vmem>>
      %dma_wait3A_197 = tpu.memref_squeeze %dma_wait3A_196 : memref<1x128xi32, #tpu.memory_space<vmem>> -> memref<128xi32, #tpu.memory_space<vmem>>
      %dma_wait3A_198 = arith.constant 0 : i32
      %dma_wait3A_199 = arith.constant 0 : i32
      %dma_wait3A_200 = tpu.memref_slice %arg9[%dma_wait3A_198, %dma_wait3A_199] : memref<10016x128xf32, #tpu.memory_space<vmem_shared>> -> memref<10016x128xf32, #tpu.memory_space<vmem_shared>>
      tpu.wait_indirect_dma semaphore(%arg18 : memref<!tpu.dma_semaphore, #tpu.memory_space<semaphore_mem>>) src(%arg13 : memref<128x128xf32, #tpu.memory_space<vmem>>) dst(%dma_wait3A_200 : memref<10016x128xf32, #tpu.memory_space<vmem_shared>>)
      %dma_start3A_201 = arith.constant 5 : i32
      %dma_start3A_202 = arith.constant 0 : i32
      %dma_start3A_203 = tpu.memref_slice %arg19[%dma_start3A_201, %dma_start3A_202] : memref<8x128xi32, #tpu.memory_space<vmem>> -> memref<1x128xi32, #tpu.memory_space<vmem>>
      %dma_start3A_204 = tpu.memref_squeeze %dma_start3A_203 : memref<1x128xi32, #tpu.memory_space<vmem>> -> memref<128xi32, #tpu.memory_space<vmem>>
      %dma_start3A_205 = arith.constant 0 : i32
      %dma_start3A_206 = arith.constant 0 : i32
      %dma_start3A_207 = tpu.memref_slice %arg2[%dma_start3A_205, %dma_start3A_206] : memref<10000x128xf32, #tpu.memory_space<hbm>> -> memref<10000x128xf32, #tpu.memory_space<hbm>>
      tpu.enqueue_indirect_dma source(%dma_start3A_207 : memref<10000x128xf32, #tpu.memory_space<hbm>>) target(%arg13 : memref<128x128xf32, #tpu.memory_space<vmem>>) offsets(%dma_start3A_204 : memref<128xi32, #tpu.memory_space<vmem>>) semaphore(%arg15 : memref<!tpu.dma_semaphore, #tpu.memory_space<semaphore_mem>>)
      %dma_start3A_208 = arith.constant 4 : i32
      %dma_start3A_209 = arith.constant 0 : i32
      %dma_start3A_210 = tpu.memref_slice %arg10[%dma_start3A_208, %dma_start3A_209] : memref<8x128xi32, #tpu.memory_space<vmem>> -> memref<1x128xi32, #tpu.memory_space<vmem>>
      %dma_start3A_211 = tpu.memref_squeeze %dma_start3A_210 : memref<1x128xi32, #tpu.memory_space<vmem>> -> memref<128xi32, #tpu.memory_space<vmem>>
      %dma_start3A_212 = arith.constant 0 : i32
      %dma_start3A_213 = arith.constant 0 : i32
      %dma_start3A_214 = tpu.memref_slice %arg9[%dma_start3A_212, %dma_start3A_213] : memref<10016x128xf32, #tpu.memory_space<vmem_shared>> -> memref<10016x128xf32, #tpu.memory_space<vmem_shared>>
      tpu.enqueue_indirect_dma source(%arg12 : memref<128x128xf32, #tpu.memory_space<vmem>>) target(%dma_start3A_214 : memref<10016x128xf32, #tpu.memory_space<vmem_shared>>) offsets(%dma_start3A_211 : memref<128xi32, #tpu.memory_space<vmem>>) semaphore(%arg17 : memref<!tpu.dma_semaphore, #tpu.memory_space<semaphore_mem>>) {add = true}
      %dma_wait3A_215 = arith.constant 5 : i32
      %dma_wait3A_216 = arith.constant 0 : i32
      %dma_wait3A_217 = tpu.memref_slice %arg19[%dma_wait3A_215, %dma_wait3A_216] : memref<8x128xi32, #tpu.memory_space<vmem>> -> memref<1x128xi32, #tpu.memory_space<vmem>>
      %dma_wait3A_218 = tpu.memref_squeeze %dma_wait3A_217 : memref<1x128xi32, #tpu.memory_space<vmem>> -> memref<128xi32, #tpu.memory_space<vmem>>
      %dma_wait3A_219 = arith.constant 0 : i32
      %dma_wait3A_220 = arith.constant 0 : i32
      %dma_wait3A_221 = tpu.memref_slice %arg2[%dma_wait3A_219, %dma_wait3A_220] : memref<10000x128xf32, #tpu.memory_space<hbm>> -> memref<10000x128xf32, #tpu.memory_space<hbm>>
      tpu.wait_indirect_dma semaphore(%arg15 : memref<!tpu.dma_semaphore, #tpu.memory_space<semaphore_mem>>) src(%dma_wait3A_221 : memref<10000x128xf32, #tpu.memory_space<hbm>>) dst(%arg13 : memref<128x128xf32, #tpu.memory_space<vmem>>)
      %dma_wait3A_222 = arith.constant 0 : i32
      %dma_wait3A_223 = arith.constant 0 : i32
      %dma_wait3A_224 = tpu.memref_slice %arg10[%dma_wait3A_222, %dma_wait3A_223] : memref<8x128xi32, #tpu.memory_space<vmem>> -> memref<1x128xi32, #tpu.memory_space<vmem>>
      %dma_wait3A_225 = tpu.memref_squeeze %dma_wait3A_224 : memref<1x128xi32, #tpu.memory_space<vmem>> -> memref<128xi32, #tpu.memory_space<vmem>>
      %dma_wait3A_226 = arith.constant 0 : i32
      %dma_wait3A_227 = arith.constant 0 : i32
      %dma_wait3A_228 = tpu.memref_slice %arg9[%dma_wait3A_226, %dma_wait3A_227] : memref<10016x128xf32, #tpu.memory_space<vmem_shared>> -> memref<10016x128xf32, #tpu.memory_space<vmem_shared>>
      tpu.wait_indirect_dma semaphore(%arg17 : memref<!tpu.dma_semaphore, #tpu.memory_space<semaphore_mem>>) src(%arg12 : memref<128x128xf32, #tpu.memory_space<vmem>>) dst(%dma_wait3A_228 : memref<10016x128xf32, #tpu.memory_space<vmem_shared>>)
      %dma_start3A_229 = arith.constant 6 : i32
      %dma_start3A_230 = arith.constant 0 : i32
      %dma_start3A_231 = tpu.memref_slice %arg19[%dma_start3A_229, %dma_start3A_230] : memref<8x128xi32, #tpu.memory_space<vmem>> -> memref<1x128xi32, #tpu.memory_space<vmem>>
      %dma_start3A_232 = tpu.memref_squeeze %dma_start3A_231 : memref<1x128xi32, #tpu.memory_space<vmem>> -> memref<128xi32, #tpu.memory_space<vmem>>
      %dma_start3A_233 = arith.constant 0 : i32
      %dma_start3A_234 = arith.constant 0 : i32
      %dma_start3A_235 = tpu.memref_slice %arg2[%dma_start3A_233, %dma_start3A_234] : memref<10000x128xf32, #tpu.memory_space<hbm>> -> memref<10000x128xf32, #tpu.memory_space<hbm>>
      tpu.enqueue_indirect_dma source(%dma_start3A_235 : memref<10000x128xf32, #tpu.memory_space<hbm>>) target(%arg12 : memref<128x128xf32, #tpu.memory_space<vmem>>) offsets(%dma_start3A_232 : memref<128xi32, #tpu.memory_space<vmem>>) semaphore(%arg14 : memref<!tpu.dma_semaphore, #tpu.memory_space<semaphore_mem>>)
      %dma_start3A_236 = arith.constant 5 : i32
      %dma_start3A_237 = arith.constant 0 : i32
      %dma_start3A_238 = tpu.memref_slice %arg10[%dma_start3A_236, %dma_start3A_237] : memref<8x128xi32, #tpu.memory_space<vmem>> -> memref<1x128xi32, #tpu.memory_space<vmem>>
      %dma_start3A_239 = tpu.memref_squeeze %dma_start3A_238 : memref<1x128xi32, #tpu.memory_space<vmem>> -> memref<128xi32, #tpu.memory_space<vmem>>
      %dma_start3A_240 = arith.constant 0 : i32
      %dma_start3A_241 = arith.constant 0 : i32
      %dma_start3A_242 = tpu.memref_slice %arg9[%dma_start3A_240, %dma_start3A_241] : memref<10016x128xf32, #tpu.memory_space<vmem_shared>> -> memref<10016x128xf32, #tpu.memory_space<vmem_shared>>
      tpu.enqueue_indirect_dma source(%arg13 : memref<128x128xf32, #tpu.memory_space<vmem>>) target(%dma_start3A_242 : memref<10016x128xf32, #tpu.memory_space<vmem_shared>>) offsets(%dma_start3A_239 : memref<128xi32, #tpu.memory_space<vmem>>) semaphore(%arg18 : memref<!tpu.dma_semaphore, #tpu.memory_space<semaphore_mem>>) {add = true}
      %dma_wait3A_243 = arith.constant 6 : i32
      %dma_wait3A_244 = arith.constant 0 : i32
      %dma_wait3A_245 = tpu.memref_slice %arg19[%dma_wait3A_243, %dma_wait3A_244] : memref<8x128xi32, #tpu.memory_space<vmem>> -> memref<1x128xi32, #tpu.memory_space<vmem>>
      %dma_wait3A_246 = tpu.memref_squeeze %dma_wait3A_245 : memref<1x128xi32, #tpu.memory_space<vmem>> -> memref<128xi32, #tpu.memory_space<vmem>>
      %dma_wait3A_247 = arith.constant 0 : i32
      %dma_wait3A_248 = arith.constant 0 : i32
      %dma_wait3A_249 = tpu.memref_slice %arg2[%dma_wait3A_247, %dma_wait3A_248] : memref<10000x128xf32, #tpu.memory_space<hbm>> -> memref<10000x128xf32, #tpu.memory_space<hbm>>
      tpu.wait_indirect_dma semaphore(%arg14 : memref<!tpu.dma_semaphore, #tpu.memory_space<semaphore_mem>>) src(%dma_wait3A_249 : memref<10000x128xf32, #tpu.memory_space<hbm>>) dst(%arg12 : memref<128x128xf32, #tpu.memory_space<vmem>>)
      %dma_wait3A_250 = arith.constant 0 : i32
      %dma_wait3A_251 = arith.constant 0 : i32
      %dma_wait3A_252 = tpu.memref_slice %arg10[%dma_wait3A_250, %dma_wait3A_251] : memref<8x128xi32, #tpu.memory_space<vmem>> -> memref<1x128xi32, #tpu.memory_space<vmem>>
      %dma_wait3A_253 = tpu.memref_squeeze %dma_wait3A_252 : memref<1x128xi32, #tpu.memory_space<vmem>> -> memref<128xi32, #tpu.memory_space<vmem>>
      %dma_wait3A_254 = arith.constant 0 : i32
      %dma_wait3A_255 = arith.constant 0 : i32
      %dma_wait3A_256 = tpu.memref_slice %arg9[%dma_wait3A_254, %dma_wait3A_255] : memref<10016x128xf32, #tpu.memory_space<vmem_shared>> -> memref<10016x128xf32, #tpu.memory_space<vmem_shared>>
      tpu.wait_indirect_dma semaphore(%arg18 : memref<!tpu.dma_semaphore, #tpu.memory_space<semaphore_mem>>) src(%arg13 : memref<128x128xf32, #tpu.memory_space<vmem>>) dst(%dma_wait3A_256 : memref<10016x128xf32, #tpu.memory_space<vmem_shared>>)
      %dma_start3A_257 = arith.constant 7 : i32
      %dma_start3A_258 = arith.constant 0 : i32
      %dma_start3A_259 = tpu.memref_slice %arg19[%dma_start3A_257, %dma_start3A_258] : memref<8x128xi32, #tpu.memory_space<vmem>> -> memref<1x128xi32, #tpu.memory_space<vmem>>
      %dma_start3A_260 = tpu.memref_squeeze %dma_start3A_259 : memref<1x128xi32, #tpu.memory_space<vmem>> -> memref<128xi32, #tpu.memory_space<vmem>>
      %dma_start3A_261 = arith.constant 0 : i32
      %dma_start3A_262 = arith.constant 0 : i32
      %dma_start3A_263 = tpu.memref_slice %arg2[%dma_start3A_261, %dma_start3A_262] : memref<10000x128xf32, #tpu.memory_space<hbm>> -> memref<10000x128xf32, #tpu.memory_space<hbm>>
      tpu.enqueue_indirect_dma source(%dma_start3A_263 : memref<10000x128xf32, #tpu.memory_space<hbm>>) target(%arg13 : memref<128x128xf32, #tpu.memory_space<vmem>>) offsets(%dma_start3A_260 : memref<128xi32, #tpu.memory_space<vmem>>) semaphore(%arg15 : memref<!tpu.dma_semaphore, #tpu.memory_space<semaphore_mem>>)
      %dma_start3A_264 = arith.constant 6 : i32
      %dma_start3A_265 = arith.constant 0 : i32
      %dma_start3A_266 = tpu.memref_slice %arg10[%dma_start3A_264, %dma_start3A_265] : memref<8x128xi32, #tpu.memory_space<vmem>> -> memref<1x128xi32, #tpu.memory_space<vmem>>
      %dma_start3A_267 = tpu.memref_squeeze %dma_start3A_266 : memref<1x128xi32, #tpu.memory_space<vmem>> -> memref<128xi32, #tpu.memory_space<vmem>>
      %dma_start3A_268 = arith.constant 0 : i32
      %dma_start3A_269 = arith.constant 0 : i32
      %dma_start3A_270 = tpu.memref_slice %arg9[%dma_start3A_268, %dma_start3A_269] : memref<10016x128xf32, #tpu.memory_space<vmem_shared>> -> memref<10016x128xf32, #tpu.memory_space<vmem_shared>>
      tpu.enqueue_indirect_dma source(%arg12 : memref<128x128xf32, #tpu.memory_space<vmem>>) target(%dma_start3A_270 : memref<10016x128xf32, #tpu.memory_space<vmem_shared>>) offsets(%dma_start3A_267 : memref<128xi32, #tpu.memory_space<vmem>>) semaphore(%arg17 : memref<!tpu.dma_semaphore, #tpu.memory_space<semaphore_mem>>) {add = true}
      %dma_wait3A_271 = arith.constant 7 : i32
      %dma_wait3A_272 = arith.constant 0 : i32
      %dma_wait3A_273 = tpu.memref_slice %arg19[%dma_wait3A_271, %dma_wait3A_272] : memref<8x128xi32, #tpu.memory_space<vmem>> -> memref<1x128xi32, #tpu.memory_space<vmem>>
      %dma_wait3A_274 = tpu.memref_squeeze %dma_wait3A_273 : memref<1x128xi32, #tpu.memory_space<vmem>> -> memref<128xi32, #tpu.memory_space<vmem>>
      %dma_wait3A_275 = arith.constant 0 : i32
      %dma_wait3A_276 = arith.constant 0 : i32
      %dma_wait3A_277 = tpu.memref_slice %arg2[%dma_wait3A_275, %dma_wait3A_276] : memref<10000x128xf32, #tpu.memory_space<hbm>> -> memref<10000x128xf32, #tpu.memory_space<hbm>>
      tpu.wait_indirect_dma semaphore(%arg15 : memref<!tpu.dma_semaphore, #tpu.memory_space<semaphore_mem>>) src(%dma_wait3A_277 : memref<10000x128xf32, #tpu.memory_space<hbm>>) dst(%arg13 : memref<128x128xf32, #tpu.memory_space<vmem>>)
      %dma_wait3A_278 = arith.constant 0 : i32
      %dma_wait3A_279 = arith.constant 0 : i32
      %dma_wait3A_280 = tpu.memref_slice %arg10[%dma_wait3A_278, %dma_wait3A_279] : memref<8x128xi32, #tpu.memory_space<vmem>> -> memref<1x128xi32, #tpu.memory_space<vmem>>
      %dma_wait3A_281 = tpu.memref_squeeze %dma_wait3A_280 : memref<1x128xi32, #tpu.memory_space<vmem>> -> memref<128xi32, #tpu.memory_space<vmem>>
      %dma_wait3A_282 = arith.constant 0 : i32
      %dma_wait3A_283 = arith.constant 0 : i32
      %dma_wait3A_284 = tpu.memref_slice %arg9[%dma_wait3A_282, %dma_wait3A_283] : memref<10016x128xf32, #tpu.memory_space<vmem_shared>> -> memref<10016x128xf32, #tpu.memory_space<vmem_shared>>
      tpu.wait_indirect_dma semaphore(%arg17 : memref<!tpu.dma_semaphore, #tpu.memory_space<semaphore_mem>>) src(%arg12 : memref<128x128xf32, #tpu.memory_space<vmem>>) dst(%dma_wait3A_284 : memref<10016x128xf32, #tpu.memory_space<vmem_shared>>)
      %lt3A_285 = arith.constant 9 : i32
      %lt3A_286 = arith.cmpi slt, %add3A_74, %lt3A_285 : i32
      %convert_element_type3A_287 = arith.extui %lt3A_286 : i1 to i32
      %cond3A_288 = arith.constant 0 : i32
      %cond3A_289 = arith.cmpi ne, %convert_element_type3A_287, %cond3A_288 : i32
      scf.if %cond3A_289 {
        %dma_wait3A_529 = arith.constant 0 : i32
        %dma_wait3A_530 = arith.constant 0 : i32
        %dma_wait3A_531 = tpu.memref_slice %arg3[%dma_wait3A_529, %dma_wait3A_530] : memref<2560x128xi32, #tpu.memory_space<hbm>> -> memref<8x128xi32, #tpu.memory_space<hbm>>
        %dma_wait3A_532 = arith.constant 0 : i32
        %dma_wait3A_533 = arith.constant 0 : i32
        %dma_wait3A_534 = tpu.memref_slice %arg3[%dma_wait3A_532, %dma_wait3A_533] : memref<2560x128xi32, #tpu.memory_space<hbm>> -> memref<8x128xi32, #tpu.memory_space<hbm>>
        tpu.wait_dma2 semaphore(%arg16 : memref<!tpu.dma_semaphore, #tpu.memory_space<semaphore_mem>>) src(%dma_wait3A_534 : memref<8x128xi32, #tpu.memory_space<hbm>>) dst(%arg20 : memref<8x128xi32, #tpu.memory_space<vmem>>)
        %dma_wait3A_535 = arith.constant 0 : i32
        %dma_wait3A_536 = arith.constant 0 : i32
        %dma_wait3A_537 = tpu.memref_slice %arg4[%dma_wait3A_535, %dma_wait3A_536] : memref<2560x128xi32, #tpu.memory_space<hbm>> -> memref<8x128xi32, #tpu.memory_space<hbm>>
        %dma_wait3A_538 = arith.constant 0 : i32
        %dma_wait3A_539 = arith.constant 0 : i32
        %dma_wait3A_540 = tpu.memref_slice %arg4[%dma_wait3A_538, %dma_wait3A_539] : memref<2560x128xi32, #tpu.memory_space<hbm>> -> memref<8x128xi32, #tpu.memory_space<hbm>>
        tpu.wait_dma2 semaphore(%arg16 : memref<!tpu.dma_semaphore, #tpu.memory_space<semaphore_mem>>) src(%dma_wait3A_540 : memref<8x128xi32, #tpu.memory_space<hbm>>) dst(%arg11 : memref<8x128xi32, #tpu.memory_space<vmem>>)
        %dma_start3A_541 = arith.constant 0 : i32
        %dma_start3A_542 = arith.constant 0 : i32
        %dma_start3A_543 = tpu.memref_slice %arg20[%dma_start3A_541, %dma_start3A_542] : memref<8x128xi32, #tpu.memory_space<vmem>> -> memref<1x128xi32, #tpu.memory_space<vmem>>
        %dma_start3A_544 = tpu.memref_squeeze %dma_start3A_543 : memref<1x128xi32, #tpu.memory_space<vmem>> -> memref<128xi32, #tpu.memory_space<vmem>>
        %dma_start3A_545 = arith.constant 0 : i32
        %dma_start3A_546 = arith.constant 0 : i32
        %dma_start3A_547 = tpu.memref_slice %arg2[%dma_start3A_545, %dma_start3A_546] : memref<10000x128xf32, #tpu.memory_space<hbm>> -> memref<10000x128xf32, #tpu.memory_space<hbm>>
        tpu.enqueue_indirect_dma source(%dma_start3A_547 : memref<10000x128xf32, #tpu.memory_space<hbm>>) target(%arg12 : memref<128x128xf32, #tpu.memory_space<vmem>>) offsets(%dma_start3A_544 : memref<128xi32, #tpu.memory_space<vmem>>) semaphore(%arg14 : memref<!tpu.dma_semaphore, #tpu.memory_space<semaphore_mem>>)
      } else {
      }
      %dma_start3A_290 = arith.constant 7 : i32
      %dma_start3A_291 = arith.constant 0 : i32
      %dma_start3A_292 = tpu.memref_slice %arg10[%dma_start3A_290, %dma_start3A_291] : memref<8x128xi32, #tpu.memory_space<vmem>> -> memref<1x128xi32, #tpu.memory_space<vmem>>
      %dma_start3A_293 = tpu.memref_squeeze %dma_start3A_292 : memref<1x128xi32, #tpu.memory_space<vmem>> -> memref<128xi32, #tpu.memory_space<vmem>>
      %dma_start3A_294 = arith.constant 0 : i32
      %dma_start3A_295 = arith.constant 0 : i32
      %dma_start3A_296 = tpu.memref_slice %arg9[%dma_start3A_294, %dma_start3A_295] : memref<10016x128xf32, #tpu.memory_space<vmem_shared>> -> memref<10016x128xf32, #tpu.memory_space<vmem_shared>>
      tpu.enqueue_indirect_dma source(%arg13 : memref<128x128xf32, #tpu.memory_space<vmem>>) target(%dma_start3A_296 : memref<10016x128xf32, #tpu.memory_space<vmem_shared>>) offsets(%dma_start3A_293 : memref<128xi32, #tpu.memory_space<vmem>>) semaphore(%arg18 : memref<!tpu.dma_semaphore, #tpu.memory_space<semaphore_mem>>) {add = true}
      %mul3A_297 = arith.constant 2 : i32
      %mul3A_298 = arith.muli %mul3A_297, %scan3A_70 : i32
      %add3A_299 = arith.constant 1 : i32
      %add3A_300 = arith.addi %mul3A_298, %add3A_299 : i32
      %dma_wait3A_301 = arith.constant 0 : i32
      %dma_wait3A_302 = arith.constant 0 : i32
      %dma_wait3A_303 = tpu.memref_slice %arg20[%dma_wait3A_301, %dma_wait3A_302] : memref<8x128xi32, #tpu.memory_space<vmem>> -> memref<1x128xi32, #tpu.memory_space<vmem>>
      %dma_wait3A_304 = tpu.memref_squeeze %dma_wait3A_303 : memref<1x128xi32, #tpu.memory_space<vmem>> -> memref<128xi32, #tpu.memory_space<vmem>>
      %dma_wait3A_305 = arith.constant 0 : i32
      %dma_wait3A_306 = arith.constant 0 : i32
      %dma_wait3A_307 = tpu.memref_slice %arg2[%dma_wait3A_305, %dma_wait3A_306] : memref<10000x128xf32, #tpu.memory_space<hbm>> -> memref<10000x128xf32, #tpu.memory_space<hbm>>
      tpu.wait_indirect_dma semaphore(%arg14 : memref<!tpu.dma_semaphore, #tpu.memory_space<semaphore_mem>>) src(%dma_wait3A_307 : memref<10000x128xf32, #tpu.memory_space<hbm>>) dst(%arg12 : memref<128x128xf32, #tpu.memory_space<vmem>>)
      %gt3A_308 = arith.constant 0 : i32
      %gt3A_309 = arith.cmpi sgt, %add3A_300, %gt3A_308 : i32
      %convert_element_type3A_310 = arith.extui %gt3A_309 : i1 to i32
      %cond3A_311 = arith.constant 0 : i32
      %cond3A_312 = arith.cmpi ne, %convert_element_type3A_310, %cond3A_311 : i32
      scf.if %cond3A_312 {
        %dma_wait3A_529 = arith.constant 0 : i32
        %dma_wait3A_530 = arith.constant 0 : i32
        %dma_wait3A_531 = tpu.memref_slice %arg10[%dma_wait3A_529, %dma_wait3A_530] : memref<8x128xi32, #tpu.memory_space<vmem>> -> memref<1x128xi32, #tpu.memory_space<vmem>>
        %dma_wait3A_532 = tpu.memref_squeeze %dma_wait3A_531 : memref<1x128xi32, #tpu.memory_space<vmem>> -> memref<128xi32, #tpu.memory_space<vmem>>
        %dma_wait3A_533 = arith.constant 0 : i32
        %dma_wait3A_534 = arith.constant 0 : i32
        %dma_wait3A_535 = tpu.memref_slice %arg9[%dma_wait3A_533, %dma_wait3A_534] : memref<10016x128xf32, #tpu.memory_space<vmem_shared>> -> memref<10016x128xf32, #tpu.memory_space<vmem_shared>>
        tpu.wait_indirect_dma semaphore(%arg18 : memref<!tpu.dma_semaphore, #tpu.memory_space<semaphore_mem>>) src(%arg13 : memref<128x128xf32, #tpu.memory_space<vmem>>) dst(%dma_wait3A_535 : memref<10016x128xf32, #tpu.memory_space<vmem_shared>>)
      } else {
      }
      %dma_start3A_313 = arith.constant 1 : i32
      %dma_start3A_314 = arith.constant 0 : i32
      %dma_start3A_315 = tpu.memref_slice %arg20[%dma_start3A_313, %dma_start3A_314] : memref<8x128xi32, #tpu.memory_space<vmem>> -> memref<1x128xi32, #tpu.memory_space<vmem>>
      %dma_start3A_316 = tpu.memref_squeeze %dma_start3A_315 : memref<1x128xi32, #tpu.memory_space<vmem>> -> memref<128xi32, #tpu.memory_space<vmem>>
      %dma_start3A_317 = arith.constant 0 : i32
      %dma_start3A_318 = arith.constant 0 : i32
      %dma_start3A_319 = tpu.memref_slice %arg2[%dma_start3A_317, %dma_start3A_318] : memref<10000x128xf32, #tpu.memory_space<hbm>> -> memref<10000x128xf32, #tpu.memory_space<hbm>>
      tpu.enqueue_indirect_dma source(%dma_start3A_319 : memref<10000x128xf32, #tpu.memory_space<hbm>>) target(%arg13 : memref<128x128xf32, #tpu.memory_space<vmem>>) offsets(%dma_start3A_316 : memref<128xi32, #tpu.memory_space<vmem>>) semaphore(%arg15 : memref<!tpu.dma_semaphore, #tpu.memory_space<semaphore_mem>>)
      %dma_start3A_320 = arith.constant 0 : i32
      %dma_start3A_321 = arith.constant 0 : i32
      %dma_start3A_322 = tpu.memref_slice %arg11[%dma_start3A_320, %dma_start3A_321] : memref<8x128xi32, #tpu.memory_space<vmem>> -> memref<1x128xi32, #tpu.memory_space<vmem>>
      %dma_start3A_323 = tpu.memref_squeeze %dma_start3A_322 : memref<1x128xi32, #tpu.memory_space<vmem>> -> memref<128xi32, #tpu.memory_space<vmem>>
      %dma_start3A_324 = arith.constant 0 : i32
      %dma_start3A_325 = arith.constant 0 : i32
      %dma_start3A_326 = tpu.memref_slice %arg9[%dma_start3A_324, %dma_start3A_325] : memref<10016x128xf32, #tpu.memory_space<vmem_shared>> -> memref<10016x128xf32, #tpu.memory_space<vmem_shared>>
      tpu.enqueue_indirect_dma source(%arg12 : memref<128x128xf32, #tpu.memory_space<vmem>>) target(%dma_start3A_326 : memref<10016x128xf32, #tpu.memory_space<vmem_shared>>) offsets(%dma_start3A_323 : memref<128xi32, #tpu.memory_space<vmem>>) semaphore(%arg17 : memref<!tpu.dma_semaphore, #tpu.memory_space<semaphore_mem>>) {add = true}
      %dma_wait3A_327 = arith.constant 1 : i32
      %dma_wait3A_328 = arith.constant 0 : i32
      %dma_wait3A_329 = tpu.memref_slice %arg20[%dma_wait3A_327, %dma_wait3A_328] : memref<8x128xi32, #tpu.memory_space<vmem>> -> memref<1x128xi32, #tpu.memory_space<vmem>>
      %dma_wait3A_330 = tpu.memref_squeeze %dma_wait3A_329 : memref<1x128xi32, #tpu.memory_space<vmem>> -> memref<128xi32, #tpu.memory_space<vmem>>
      %dma_wait3A_331 = arith.constant 0 : i32
      %dma_wait3A_332 = arith.constant 0 : i32
      %dma_wait3A_333 = tpu.memref_slice %arg2[%dma_wait3A_331, %dma_wait3A_332] : memref<10000x128xf32, #tpu.memory_space<hbm>> -> memref<10000x128xf32, #tpu.memory_space<hbm>>
      tpu.wait_indirect_dma semaphore(%arg15 : memref<!tpu.dma_semaphore, #tpu.memory_space<semaphore_mem>>) src(%dma_wait3A_333 : memref<10000x128xf32, #tpu.memory_space<hbm>>) dst(%arg13 : memref<128x128xf32, #tpu.memory_space<vmem>>)
      %dma_wait3A_334 = arith.constant 0 : i32
      %dma_wait3A_335 = arith.constant 0 : i32
      %dma_wait3A_336 = tpu.memref_slice %arg10[%dma_wait3A_334, %dma_wait3A_335] : memref<8x128xi32, #tpu.memory_space<vmem>> -> memref<1x128xi32, #tpu.memory_space<vmem>>
      %dma_wait3A_337 = tpu.memref_squeeze %dma_wait3A_336 : memref<1x128xi32, #tpu.memory_space<vmem>> -> memref<128xi32, #tpu.memory_space<vmem>>
      %dma_wait3A_338 = arith.constant 0 : i32
      %dma_wait3A_339 = arith.constant 0 : i32
      %dma_wait3A_340 = tpu.memref_slice %arg9[%dma_wait3A_338, %dma_wait3A_339] : memref<10016x128xf32, #tpu.memory_space<vmem_shared>> -> memref<10016x128xf32, #tpu.memory_space<vmem_shared>>
      tpu.wait_indirect_dma semaphore(%arg17 : memref<!tpu.dma_semaphore, #tpu.memory_space<semaphore_mem>>) src(%arg12 : memref<128x128xf32, #tpu.memory_space<vmem>>) dst(%dma_wait3A_340 : memref<10016x128xf32, #tpu.memory_space<vmem_shared>>)
      %dma_start3A_341 = arith.constant 2 : i32
      %dma_start3A_342 = arith.constant 0 : i32
      %dma_start3A_343 = tpu.memref_slice %arg20[%dma_start3A_341, %dma_start3A_342] : memref<8x128xi32, #tpu.memory_space<vmem>> -> memref<1x128xi32, #tpu.memory_space<vmem>>
      %dma_start3A_344 = tpu.memref_squeeze %dma_start3A_343 : memref<1x128xi32, #tpu.memory_space<vmem>> -> memref<128xi32, #tpu.memory_space<vmem>>
      %dma_start3A_345 = arith.constant 0 : i32
      %dma_start3A_346 = arith.constant 0 : i32
      %dma_start3A_347 = tpu.memref_slice %arg2[%dma_start3A_345, %dma_start3A_346] : memref<10000x128xf32, #tpu.memory_space<hbm>> -> memref<10000x128xf32, #tpu.memory_space<hbm>>
      tpu.enqueue_indirect_dma source(%dma_start3A_347 : memref<10000x128xf32, #tpu.memory_space<hbm>>) target(%arg12 : memref<128x128xf32, #tpu.memory_space<vmem>>) offsets(%dma_start3A_344 : memref<128xi32, #tpu.memory_space<vmem>>) semaphore(%arg14 : memref<!tpu.dma_semaphore, #tpu.memory_space<semaphore_mem>>)
      %dma_start3A_348 = arith.constant 1 : i32
      %dma_start3A_349 = arith.constant 0 : i32
      %dma_start3A_350 = tpu.memref_slice %arg11[%dma_start3A_348, %dma_start3A_349] : memref<8x128xi32, #tpu.memory_space<vmem>> -> memref<1x128xi32, #tpu.memory_space<vmem>>
      %dma_start3A_351 = tpu.memref_squeeze %dma_start3A_350 : memref<1x128xi32, #tpu.memory_space<vmem>> -> memref<128xi32, #tpu.memory_space<vmem>>
      %dma_start3A_352 = arith.constant 0 : i32
      %dma_start3A_353 = arith.constant 0 : i32
      %dma_start3A_354 = tpu.memref_slice %arg9[%dma_start3A_352, %dma_start3A_353] : memref<10016x128xf32, #tpu.memory_space<vmem_shared>> -> memref<10016x128xf32, #tpu.memory_space<vmem_shared>>
      tpu.enqueue_indirect_dma source(%arg13 : memref<128x128xf32, #tpu.memory_space<vmem>>) target(%dma_start3A_354 : memref<10016x128xf32, #tpu.memory_space<vmem_shared>>) offsets(%dma_start3A_351 : memref<128xi32, #tpu.memory_space<vmem>>) semaphore(%arg18 : memref<!tpu.dma_semaphore, #tpu.memory_space<semaphore_mem>>) {add = true}
      %dma_wait3A_355 = arith.constant 2 : i32
      %dma_wait3A_356 = arith.constant 0 : i32
      %dma_wait3A_357 = tpu.memref_slice %arg20[%dma_wait3A_355, %dma_wait3A_356] : memref<8x128xi32, #tpu.memory_space<vmem>> -> memref<1x128xi32, #tpu.memory_space<vmem>>
      %dma_wait3A_358 = tpu.memref_squeeze %dma_wait3A_357 : memref<1x128xi32, #tpu.memory_space<vmem>> -> memref<128xi32, #tpu.memory_space<vmem>>
      %dma_wait3A_359 = arith.constant 0 : i32
      %dma_wait3A_360 = arith.constant 0 : i32
      %dma_wait3A_361 = tpu.memref_slice %arg2[%dma_wait3A_359, %dma_wait3A_360] : memref<10000x128xf32, #tpu.memory_space<hbm>> -> memref<10000x128xf32, #tpu.memory_space<hbm>>
      tpu.wait_indirect_dma semaphore(%arg14 : memref<!tpu.dma_semaphore, #tpu.memory_space<semaphore_mem>>) src(%dma_wait3A_361 : memref<10000x128xf32, #tpu.memory_space<hbm>>) dst(%arg12 : memref<128x128xf32, #tpu.memory_space<vmem>>)
      %dma_wait3A_362 = arith.constant 0 : i32
      %dma_wait3A_363 = arith.constant 0 : i32
      %dma_wait3A_364 = tpu.memref_slice %arg10[%dma_wait3A_362, %dma_wait3A_363] : memref<8x128xi32, #tpu.memory_space<vmem>> -> memref<1x128xi32, #tpu.memory_space<vmem>>
      %dma_wait3A_365 = tpu.memref_squeeze %dma_wait3A_364 : memref<1x128xi32, #tpu.memory_space<vmem>> -> memref<128xi32, #tpu.memory_space<vmem>>
      %dma_wait3A_366 = arith.constant 0 : i32
      %dma_wait3A_367 = arith.constant 0 : i32
      %dma_wait3A_368 = tpu.memref_slice %arg9[%dma_wait3A_366, %dma_wait3A_367] : memref<10016x128xf32, #tpu.memory_space<vmem_shared>> -> memref<10016x128xf32, #tpu.memory_space<vmem_shared>>
      tpu.wait_indirect_dma semaphore(%arg18 : memref<!tpu.dma_semaphore, #tpu.memory_space<semaphore_mem>>) src(%arg13 : memref<128x128xf32, #tpu.memory_space<vmem>>) dst(%dma_wait3A_368 : memref<10016x128xf32, #tpu.memory_space<vmem_shared>>)
      %ge3A_369 = arith.constant 1 : i32
      %ge3A_370 = arith.cmpi sge, %add3A_300, %ge3A_369 : i32
      %lt3A_371 = arith.constant 9 : i32
      %lt3A_372 = arith.cmpi slt, %add3A_300, %lt3A_371 : i32
      %and3A_373 = arith.andi %ge3A_370, %lt3A_372 : i1
      %convert_element_type3A_374 = arith.extui %and3A_373 : i1 to i32
      %cond3A_375 = arith.constant 0 : i32
      %cond3A_376 = arith.cmpi ne, %convert_element_type3A_374, %cond3A_375 : i32
      scf.if %cond3A_376 {
        %add3A_529 = arith.constant 1 : i32
        %add3A_530 = arith.addi %add3A_300, %add3A_529 : i32
        %add3A_531 = arith.addi %mul3A_2, %add3A_530 : i32
        %mul3A_532 = arith.constant 8 : i32
        %mul3A_533 = arith.muli %add3A_531, %mul3A_532 : i32
        %dma_start3A_534 = arith.constant 0 : i32
        %dma_start3A_535 = tpu.memref_slice %arg3[%mul3A_533, %dma_start3A_534] : memref<2560x128xi32, #tpu.memory_space<hbm>> -> memref<8x128xi32, #tpu.memory_space<hbm>>
        %dma_start3A_536 = arith.constant 0 : i32
        %dma_start3A_537 = tpu.memref_slice %arg3[%mul3A_533, %dma_start3A_536] : memref<2560x128xi32, #tpu.memory_space<hbm>> -> memref<8x128xi32, #tpu.memory_space<hbm>>
        tpu.enqueue_dma source(%dma_start3A_537 : memref<8x128xi32, #tpu.memory_space<hbm>>) target(%arg19 : memref<8x128xi32, #tpu.memory_space<vmem>>) target_semaphore(%arg16 : memref<!tpu.dma_semaphore, #tpu.memory_space<semaphore_mem>>)
        %add3A_538 = arith.addi %mul3A_2, %add3A_530 : i32
        %mul3A_539 = arith.constant 8 : i32
        %mul3A_540 = arith.muli %add3A_538, %mul3A_539 : i32
        %dma_start3A_541 = arith.constant 0 : i32
        %dma_start3A_542 = tpu.memref_slice %arg4[%mul3A_540, %dma_start3A_541] : memref<2560x128xi32, #tpu.memory_space<hbm>> -> memref<8x128xi32, #tpu.memory_space<hbm>>
        %dma_start3A_543 = arith.constant 0 : i32
        %dma_start3A_544 = tpu.memref_slice %arg4[%mul3A_540, %dma_start3A_543] : memref<2560x128xi32, #tpu.memory_space<hbm>> -> memref<8x128xi32, #tpu.memory_space<hbm>>
        tpu.enqueue_dma source(%dma_start3A_544 : memref<8x128xi32, #tpu.memory_space<hbm>>) target(%arg10 : memref<8x128xi32, #tpu.memory_space<vmem>>) target_semaphore(%arg16 : memref<!tpu.dma_semaphore, #tpu.memory_space<semaphore_mem>>)
      } else {
      }
      %dma_start3A_377 = arith.constant 3 : i32
      %dma_start3A_378 = arith.constant 0 : i32
      %dma_start3A_379 = tpu.memref_slice %arg20[%dma_start3A_377, %dma_start3A_378] : memref<8x128xi32, #tpu.memory_space<vmem>> -> memref<1x128xi32, #tpu.memory_space<vmem>>
      %dma_start3A_380 = tpu.memref_squeeze %dma_start3A_379 : memref<1x128xi32, #tpu.memory_space<vmem>> -> memref<128xi32, #tpu.memory_space<vmem>>
      %dma_start3A_381 = arith.constant 0 : i32
      %dma_start3A_382 = arith.constant 0 : i32
      %dma_start3A_383 = tpu.memref_slice %arg2[%dma_start3A_381, %dma_start3A_382] : memref<10000x128xf32, #tpu.memory_space<hbm>> -> memref<10000x128xf32, #tpu.memory_space<hbm>>
      tpu.enqueue_indirect_dma source(%dma_start3A_383 : memref<10000x128xf32, #tpu.memory_space<hbm>>) target(%arg13 : memref<128x128xf32, #tpu.memory_space<vmem>>) offsets(%dma_start3A_380 : memref<128xi32, #tpu.memory_space<vmem>>) semaphore(%arg15 : memref<!tpu.dma_semaphore, #tpu.memory_space<semaphore_mem>>)
      %dma_start3A_384 = arith.constant 2 : i32
      %dma_start3A_385 = arith.constant 0 : i32
      %dma_start3A_386 = tpu.memref_slice %arg11[%dma_start3A_384, %dma_start3A_385] : memref<8x128xi32, #tpu.memory_space<vmem>> -> memref<1x128xi32, #tpu.memory_space<vmem>>
      %dma_start3A_387 = tpu.memref_squeeze %dma_start3A_386 : memref<1x128xi32, #tpu.memory_space<vmem>> -> memref<128xi32, #tpu.memory_space<vmem>>
      %dma_start3A_388 = arith.constant 0 : i32
      %dma_start3A_389 = arith.constant 0 : i32
      %dma_start3A_390 = tpu.memref_slice %arg9[%dma_start3A_388, %dma_start3A_389] : memref<10016x128xf32, #tpu.memory_space<vmem_shared>> -> memref<10016x128xf32, #tpu.memory_space<vmem_shared>>
      tpu.enqueue_indirect_dma source(%arg12 : memref<128x128xf32, #tpu.memory_space<vmem>>) target(%dma_start3A_390 : memref<10016x128xf32, #tpu.memory_space<vmem_shared>>) offsets(%dma_start3A_387 : memref<128xi32, #tpu.memory_space<vmem>>) semaphore(%arg17 : memref<!tpu.dma_semaphore, #tpu.memory_space<semaphore_mem>>) {add = true}
      %dma_wait3A_391 = arith.constant 3 : i32
      %dma_wait3A_392 = arith.constant 0 : i32
      %dma_wait3A_393 = tpu.memref_slice %arg20[%dma_wait3A_391, %dma_wait3A_392] : memref<8x128xi32, #tpu.memory_space<vmem>> -> memref<1x128xi32, #tpu.memory_space<vmem>>
      %dma_wait3A_394 = tpu.memref_squeeze %dma_wait3A_393 : memref<1x128xi32, #tpu.memory_space<vmem>> -> memref<128xi32, #tpu.memory_space<vmem>>
      %dma_wait3A_395 = arith.constant 0 : i32
      %dma_wait3A_396 = arith.constant 0 : i32
      %dma_wait3A_397 = tpu.memref_slice %arg2[%dma_wait3A_395, %dma_wait3A_396] : memref<10000x128xf32, #tpu.memory_space<hbm>> -> memref<10000x128xf32, #tpu.memory_space<hbm>>
      tpu.wait_indirect_dma semaphore(%arg15 : memref<!tpu.dma_semaphore, #tpu.memory_space<semaphore_mem>>) src(%dma_wait3A_397 : memref<10000x128xf32, #tpu.memory_space<hbm>>) dst(%arg13 : memref<128x128xf32, #tpu.memory_space<vmem>>)
      %dma_wait3A_398 = arith.constant 0 : i32
      %dma_wait3A_399 = arith.constant 0 : i32
      %dma_wait3A_400 = tpu.memref_slice %arg10[%dma_wait3A_398, %dma_wait3A_399] : memref<8x128xi32, #tpu.memory_space<vmem>> -> memref<1x128xi32, #tpu.memory_space<vmem>>
      %dma_wait3A_401 = tpu.memref_squeeze %dma_wait3A_400 : memref<1x128xi32, #tpu.memory_space<vmem>> -> memref<128xi32, #tpu.memory_space<vmem>>
      %dma_wait3A_402 = arith.constant 0 : i32
      %dma_wait3A_403 = arith.constant 0 : i32
      %dma_wait3A_404 = tpu.memref_slice %arg9[%dma_wait3A_402, %dma_wait3A_403] : memref<10016x128xf32, #tpu.memory_space<vmem_shared>> -> memref<10016x128xf32, #tpu.memory_space<vmem_shared>>
      tpu.wait_indirect_dma semaphore(%arg17 : memref<!tpu.dma_semaphore, #tpu.memory_space<semaphore_mem>>) src(%arg12 : memref<128x128xf32, #tpu.memory_space<vmem>>) dst(%dma_wait3A_404 : memref<10016x128xf32, #tpu.memory_space<vmem_shared>>)
      %dma_start3A_405 = arith.constant 4 : i32
      %dma_start3A_406 = arith.constant 0 : i32
      %dma_start3A_407 = tpu.memref_slice %arg20[%dma_start3A_405, %dma_start3A_406] : memref<8x128xi32, #tpu.memory_space<vmem>> -> memref<1x128xi32, #tpu.memory_space<vmem>>
      %dma_start3A_408 = tpu.memref_squeeze %dma_start3A_407 : memref<1x128xi32, #tpu.memory_space<vmem>> -> memref<128xi32, #tpu.memory_space<vmem>>
      %dma_start3A_409 = arith.constant 0 : i32
      %dma_start3A_410 = arith.constant 0 : i32
      %dma_start3A_411 = tpu.memref_slice %arg2[%dma_start3A_409, %dma_start3A_410] : memref<10000x128xf32, #tpu.memory_space<hbm>> -> memref<10000x128xf32, #tpu.memory_space<hbm>>
      tpu.enqueue_indirect_dma source(%dma_start3A_411 : memref<10000x128xf32, #tpu.memory_space<hbm>>) target(%arg12 : memref<128x128xf32, #tpu.memory_space<vmem>>) offsets(%dma_start3A_408 : memref<128xi32, #tpu.memory_space<vmem>>) semaphore(%arg14 : memref<!tpu.dma_semaphore, #tpu.memory_space<semaphore_mem>>)
      %dma_start3A_412 = arith.constant 3 : i32
      %dma_start3A_413 = arith.constant 0 : i32
      %dma_start3A_414 = tpu.memref_slice %arg11[%dma_start3A_412, %dma_start3A_413] : memref<8x128xi32, #tpu.memory_space<vmem>> -> memref<1x128xi32, #tpu.memory_space<vmem>>
      %dma_start3A_415 = tpu.memref_squeeze %dma_start3A_414 : memref<1x128xi32, #tpu.memory_space<vmem>> -> memref<128xi32, #tpu.memory_space<vmem>>
      %dma_start3A_416 = arith.constant 0 : i32
      %dma_start3A_417 = arith.constant 0 : i32
      %dma_start3A_418 = tpu.memref_slice %arg9[%dma_start3A_416, %dma_start3A_417] : memref<10016x128xf32, #tpu.memory_space<vmem_shared>> -> memref<10016x128xf32, #tpu.memory_space<vmem_shared>>
      tpu.enqueue_indirect_dma source(%arg13 : memref<128x128xf32, #tpu.memory_space<vmem>>) target(%dma_start3A_418 : memref<10016x128xf32, #tpu.memory_space<vmem_shared>>) offsets(%dma_start3A_415 : memref<128xi32, #tpu.memory_space<vmem>>) semaphore(%arg18 : memref<!tpu.dma_semaphore, #tpu.memory_space<semaphore_mem>>) {add = true}
      %dma_wait3A_419 = arith.constant 4 : i32
      %dma_wait3A_420 = arith.constant 0 : i32
      %dma_wait3A_421 = tpu.memref_slice %arg20[%dma_wait3A_419, %dma_wait3A_420] : memref<8x128xi32, #tpu.memory_space<vmem>> -> memref<1x128xi32, #tpu.memory_space<vmem>>
      %dma_wait3A_422 = tpu.memref_squeeze %dma_wait3A_421 : memref<1x128xi32, #tpu.memory_space<vmem>> -> memref<128xi32, #tpu.memory_space<vmem>>
      %dma_wait3A_423 = arith.constant 0 : i32
      %dma_wait3A_424 = arith.constant 0 : i32
      %dma_wait3A_425 = tpu.memref_slice %arg2[%dma_wait3A_423, %dma_wait3A_424] : memref<10000x128xf32, #tpu.memory_space<hbm>> -> memref<10000x128xf32, #tpu.memory_space<hbm>>
      tpu.wait_indirect_dma semaphore(%arg14 : memref<!tpu.dma_semaphore, #tpu.memory_space<semaphore_mem>>) src(%dma_wait3A_425 : memref<10000x128xf32, #tpu.memory_space<hbm>>) dst(%arg12 : memref<128x128xf32, #tpu.memory_space<vmem>>)
      %dma_wait3A_426 = arith.constant 0 : i32
      %dma_wait3A_427 = arith.constant 0 : i32
      %dma_wait3A_428 = tpu.memref_slice %arg10[%dma_wait3A_426, %dma_wait3A_427] : memref<8x128xi32, #tpu.memory_space<vmem>> -> memref<1x128xi32, #tpu.memory_space<vmem>>
      %dma_wait3A_429 = tpu.memref_squeeze %dma_wait3A_428 : memref<1x128xi32, #tpu.memory_space<vmem>> -> memref<128xi32, #tpu.memory_space<vmem>>
      %dma_wait3A_430 = arith.constant 0 : i32
      %dma_wait3A_431 = arith.constant 0 : i32
      %dma_wait3A_432 = tpu.memref_slice %arg9[%dma_wait3A_430, %dma_wait3A_431] : memref<10016x128xf32, #tpu.memory_space<vmem_shared>> -> memref<10016x128xf32, #tpu.memory_space<vmem_shared>>
      tpu.wait_indirect_dma semaphore(%arg18 : memref<!tpu.dma_semaphore, #tpu.memory_space<semaphore_mem>>) src(%arg13 : memref<128x128xf32, #tpu.memory_space<vmem>>) dst(%dma_wait3A_432 : memref<10016x128xf32, #tpu.memory_space<vmem_shared>>)
      %dma_start3A_433 = arith.constant 5 : i32
      %dma_start3A_434 = arith.constant 0 : i32
      %dma_start3A_435 = tpu.memref_slice %arg20[%dma_start3A_433, %dma_start3A_434] : memref<8x128xi32, #tpu.memory_space<vmem>> -> memref<1x128xi32, #tpu.memory_space<vmem>>
      %dma_start3A_436 = tpu.memref_squeeze %dma_start3A_435 : memref<1x128xi32, #tpu.memory_space<vmem>> -> memref<128xi32, #tpu.memory_space<vmem>>
      %dma_start3A_437 = arith.constant 0 : i32
      %dma_start3A_438 = arith.constant 0 : i32
      %dma_start3A_439 = tpu.memref_slice %arg2[%dma_start3A_437, %dma_start3A_438] : memref<10000x128xf32, #tpu.memory_space<hbm>> -> memref<10000x128xf32, #tpu.memory_space<hbm>>
      tpu.enqueue_indirect_dma source(%dma_start3A_439 : memref<10000x128xf32, #tpu.memory_space<hbm>>) target(%arg13 : memref<128x128xf32, #tpu.memory_space<vmem>>) offsets(%dma_start3A_436 : memref<128xi32, #tpu.memory_space<vmem>>) semaphore(%arg15 : memref<!tpu.dma_semaphore, #tpu.memory_space<semaphore_mem>>)
      %dma_start3A_440 = arith.constant 4 : i32
      %dma_start3A_441 = arith.constant 0 : i32
      %dma_start3A_442 = tpu.memref_slice %arg11[%dma_start3A_440, %dma_start3A_441] : memref<8x128xi32, #tpu.memory_space<vmem>> -> memref<1x128xi32, #tpu.memory_space<vmem>>
      %dma_start3A_443 = tpu.memref_squeeze %dma_start3A_442 : memref<1x128xi32, #tpu.memory_space<vmem>> -> memref<128xi32, #tpu.memory_space<vmem>>
      %dma_start3A_444 = arith.constant 0 : i32
      %dma_start3A_445 = arith.constant 0 : i32
      %dma_start3A_446 = tpu.memref_slice %arg9[%dma_start3A_444, %dma_start3A_445] : memref<10016x128xf32, #tpu.memory_space<vmem_shared>> -> memref<10016x128xf32, #tpu.memory_space<vmem_shared>>
      tpu.enqueue_indirect_dma source(%arg12 : memref<128x128xf32, #tpu.memory_space<vmem>>) target(%dma_start3A_446 : memref<10016x128xf32, #tpu.memory_space<vmem_shared>>) offsets(%dma_start3A_443 : memref<128xi32, #tpu.memory_space<vmem>>) semaphore(%arg17 : memref<!tpu.dma_semaphore, #tpu.memory_space<semaphore_mem>>) {add = true}
      %dma_wait3A_447 = arith.constant 5 : i32
      %dma_wait3A_448 = arith.constant 0 : i32
      %dma_wait3A_449 = tpu.memref_slice %arg20[%dma_wait3A_447, %dma_wait3A_448] : memref<8x128xi32, #tpu.memory_space<vmem>> -> memref<1x128xi32, #tpu.memory_space<vmem>>
      %dma_wait3A_450 = tpu.memref_squeeze %dma_wait3A_449 : memref<1x128xi32, #tpu.memory_space<vmem>> -> memref<128xi32, #tpu.memory_space<vmem>>
      %dma_wait3A_451 = arith.constant 0 : i32
      %dma_wait3A_452 = arith.constant 0 : i32
      %dma_wait3A_453 = tpu.memref_slice %arg2[%dma_wait3A_451, %dma_wait3A_452] : memref<10000x128xf32, #tpu.memory_space<hbm>> -> memref<10000x128xf32, #tpu.memory_space<hbm>>
      tpu.wait_indirect_dma semaphore(%arg15 : memref<!tpu.dma_semaphore, #tpu.memory_space<semaphore_mem>>) src(%dma_wait3A_453 : memref<10000x128xf32, #tpu.memory_space<hbm>>) dst(%arg13 : memref<128x128xf32, #tpu.memory_space<vmem>>)
      %dma_wait3A_454 = arith.constant 0 : i32
      %dma_wait3A_455 = arith.constant 0 : i32
      %dma_wait3A_456 = tpu.memref_slice %arg10[%dma_wait3A_454, %dma_wait3A_455] : memref<8x128xi32, #tpu.memory_space<vmem>> -> memref<1x128xi32, #tpu.memory_space<vmem>>
      %dma_wait3A_457 = tpu.memref_squeeze %dma_wait3A_456 : memref<1x128xi32, #tpu.memory_space<vmem>> -> memref<128xi32, #tpu.memory_space<vmem>>
      %dma_wait3A_458 = arith.constant 0 : i32
      %dma_wait3A_459 = arith.constant 0 : i32
      %dma_wait3A_460 = tpu.memref_slice %arg9[%dma_wait3A_458, %dma_wait3A_459] : memref<10016x128xf32, #tpu.memory_space<vmem_shared>> -> memref<10016x128xf32, #tpu.memory_space<vmem_shared>>
      tpu.wait_indirect_dma semaphore(%arg17 : memref<!tpu.dma_semaphore, #tpu.memory_space<semaphore_mem>>) src(%arg12 : memref<128x128xf32, #tpu.memory_space<vmem>>) dst(%dma_wait3A_460 : memref<10016x128xf32, #tpu.memory_space<vmem_shared>>)
      %dma_start3A_461 = arith.constant 6 : i32
      %dma_start3A_462 = arith.constant 0 : i32
      %dma_start3A_463 = tpu.memref_slice %arg20[%dma_start3A_461, %dma_start3A_462] : memref<8x128xi32, #tpu.memory_space<vmem>> -> memref<1x128xi32, #tpu.memory_space<vmem>>
      %dma_start3A_464 = tpu.memref_squeeze %dma_start3A_463 : memref<1x128xi32, #tpu.memory_space<vmem>> -> memref<128xi32, #tpu.memory_space<vmem>>
      %dma_start3A_465 = arith.constant 0 : i32
      %dma_start3A_466 = arith.constant 0 : i32
      %dma_start3A_467 = tpu.memref_slice %arg2[%dma_start3A_465, %dma_start3A_466] : memref<10000x128xf32, #tpu.memory_space<hbm>> -> memref<10000x128xf32, #tpu.memory_space<hbm>>
      tpu.enqueue_indirect_dma source(%dma_start3A_467 : memref<10000x128xf32, #tpu.memory_space<hbm>>) target(%arg12 : memref<128x128xf32, #tpu.memory_space<vmem>>) offsets(%dma_start3A_464 : memref<128xi32, #tpu.memory_space<vmem>>) semaphore(%arg14 : memref<!tpu.dma_semaphore, #tpu.memory_space<semaphore_mem>>)
      %dma_start3A_468 = arith.constant 5 : i32
      %dma_start3A_469 = arith.constant 0 : i32
      %dma_start3A_470 = tpu.memref_slice %arg11[%dma_start3A_468, %dma_start3A_469] : memref<8x128xi32, #tpu.memory_space<vmem>> -> memref<1x128xi32, #tpu.memory_space<vmem>>
      %dma_start3A_471 = tpu.memref_squeeze %dma_start3A_470 : memref<1x128xi32, #tpu.memory_space<vmem>> -> memref<128xi32, #tpu.memory_space<vmem>>
      %dma_start3A_472 = arith.constant 0 : i32
      %dma_start3A_473 = arith.constant 0 : i32
      %dma_start3A_474 = tpu.memref_slice %arg9[%dma_start3A_472, %dma_start3A_473] : memref<10016x128xf32, #tpu.memory_space<vmem_shared>> -> memref<10016x128xf32, #tpu.memory_space<vmem_shared>>
      tpu.enqueue_indirect_dma source(%arg13 : memref<128x128xf32, #tpu.memory_space<vmem>>) target(%dma_start3A_474 : memref<10016x128xf32, #tpu.memory_space<vmem_shared>>) offsets(%dma_start3A_471 : memref<128xi32, #tpu.memory_space<vmem>>) semaphore(%arg18 : memref<!tpu.dma_semaphore, #tpu.memory_space<semaphore_mem>>) {add = true}
      %dma_wait3A_475 = arith.constant 6 : i32
      %dma_wait3A_476 = arith.constant 0 : i32
      %dma_wait3A_477 = tpu.memref_slice %arg20[%dma_wait3A_475, %dma_wait3A_476] : memref<8x128xi32, #tpu.memory_space<vmem>> -> memref<1x128xi32, #tpu.memory_space<vmem>>
      %dma_wait3A_478 = tpu.memref_squeeze %dma_wait3A_477 : memref<1x128xi32, #tpu.memory_space<vmem>> -> memref<128xi32, #tpu.memory_space<vmem>>
      %dma_wait3A_479 = arith.constant 0 : i32
      %dma_wait3A_480 = arith.constant 0 : i32
      %dma_wait3A_481 = tpu.memref_slice %arg2[%dma_wait3A_479, %dma_wait3A_480] : memref<10000x128xf32, #tpu.memory_space<hbm>> -> memref<10000x128xf32, #tpu.memory_space<hbm>>
      tpu.wait_indirect_dma semaphore(%arg14 : memref<!tpu.dma_semaphore, #tpu.memory_space<semaphore_mem>>) src(%dma_wait3A_481 : memref<10000x128xf32, #tpu.memory_space<hbm>>) dst(%arg12 : memref<128x128xf32, #tpu.memory_space<vmem>>)
      %dma_wait3A_482 = arith.constant 0 : i32
      %dma_wait3A_483 = arith.constant 0 : i32
      %dma_wait3A_484 = tpu.memref_slice %arg10[%dma_wait3A_482, %dma_wait3A_483] : memref<8x128xi32, #tpu.memory_space<vmem>> -> memref<1x128xi32, #tpu.memory_space<vmem>>
      %dma_wait3A_485 = tpu.memref_squeeze %dma_wait3A_484 : memref<1x128xi32, #tpu.memory_space<vmem>> -> memref<128xi32, #tpu.memory_space<vmem>>
      %dma_wait3A_486 = arith.constant 0 : i32
      %dma_wait3A_487 = arith.constant 0 : i32
      %dma_wait3A_488 = tpu.memref_slice %arg9[%dma_wait3A_486, %dma_wait3A_487] : memref<10016x128xf32, #tpu.memory_space<vmem_shared>> -> memref<10016x128xf32, #tpu.memory_space<vmem_shared>>
      tpu.wait_indirect_dma semaphore(%arg18 : memref<!tpu.dma_semaphore, #tpu.memory_space<semaphore_mem>>) src(%arg13 : memref<128x128xf32, #tpu.memory_space<vmem>>) dst(%dma_wait3A_488 : memref<10016x128xf32, #tpu.memory_space<vmem_shared>>)
      %dma_start3A_489 = arith.constant 7 : i32
      %dma_start3A_490 = arith.constant 0 : i32
      %dma_start3A_491 = tpu.memref_slice %arg20[%dma_start3A_489, %dma_start3A_490] : memref<8x128xi32, #tpu.memory_space<vmem>> -> memref<1x128xi32, #tpu.memory_space<vmem>>
      %dma_start3A_492 = tpu.memref_squeeze %dma_start3A_491 : memref<1x128xi32, #tpu.memory_space<vmem>> -> memref<128xi32, #tpu.memory_space<vmem>>
      %dma_start3A_493 = arith.constant 0 : i32
      %dma_start3A_494 = arith.constant 0 : i32
      %dma_start3A_495 = tpu.memref_slice %arg2[%dma_start3A_493, %dma_start3A_494] : memref<10000x128xf32, #tpu.memory_space<hbm>> -> memref<10000x128xf32, #tpu.memory_space<hbm>>
      tpu.enqueue_indirect_dma source(%dma_start3A_495 : memref<10000x128xf32, #tpu.memory_space<hbm>>) target(%arg13 : memref<128x128xf32, #tpu.memory_space<vmem>>) offsets(%dma_start3A_492 : memref<128xi32, #tpu.memory_space<vmem>>) semaphore(%arg15 : memref<!tpu.dma_semaphore, #tpu.memory_space<semaphore_mem>>)
      %dma_start3A_496 = arith.constant 6 : i32
      %dma_start3A_497 = arith.constant 0 : i32
      %dma_start3A_498 = tpu.memref_slice %arg11[%dma_start3A_496, %dma_start3A_497] : memref<8x128xi32, #tpu.memory_space<vmem>> -> memref<1x128xi32, #tpu.memory_space<vmem>>
      %dma_start3A_499 = tpu.memref_squeeze %dma_start3A_498 : memref<1x128xi32, #tpu.memory_space<vmem>> -> memref<128xi32, #tpu.memory_space<vmem>>
      %dma_start3A_500 = arith.constant 0 : i32
      %dma_start3A_501 = arith.constant 0 : i32
      %dma_start3A_502 = tpu.memref_slice %arg9[%dma_start3A_500, %dma_start3A_501] : memref<10016x128xf32, #tpu.memory_space<vmem_shared>> -> memref<10016x128xf32, #tpu.memory_space<vmem_shared>>
      tpu.enqueue_indirect_dma source(%arg12 : memref<128x128xf32, #tpu.memory_space<vmem>>) target(%dma_start3A_502 : memref<10016x128xf32, #tpu.memory_space<vmem_shared>>) offsets(%dma_start3A_499 : memref<128xi32, #tpu.memory_space<vmem>>) semaphore(%arg17 : memref<!tpu.dma_semaphore, #tpu.memory_space<semaphore_mem>>) {add = true}
      %dma_wait3A_503 = arith.constant 7 : i32
      %dma_wait3A_504 = arith.constant 0 : i32
      %dma_wait3A_505 = tpu.memref_slice %arg20[%dma_wait3A_503, %dma_wait3A_504] : memref<8x128xi32, #tpu.memory_space<vmem>> -> memref<1x128xi32, #tpu.memory_space<vmem>>
      %dma_wait3A_506 = tpu.memref_squeeze %dma_wait3A_505 : memref<1x128xi32, #tpu.memory_space<vmem>> -> memref<128xi32, #tpu.memory_space<vmem>>
      %dma_wait3A_507 = arith.constant 0 : i32
      %dma_wait3A_508 = arith.constant 0 : i32
      %dma_wait3A_509 = tpu.memref_slice %arg2[%dma_wait3A_507, %dma_wait3A_508] : memref<10000x128xf32, #tpu.memory_space<hbm>> -> memref<10000x128xf32, #tpu.memory_space<hbm>>
      tpu.wait_indirect_dma semaphore(%arg15 : memref<!tpu.dma_semaphore, #tpu.memory_space<semaphore_mem>>) src(%dma_wait3A_509 : memref<10000x128xf32, #tpu.memory_space<hbm>>) dst(%arg13 : memref<128x128xf32, #tpu.memory_space<vmem>>)
      %dma_wait3A_510 = arith.constant 0 : i32
      %dma_wait3A_511 = arith.constant 0 : i32
      %dma_wait3A_512 = tpu.memref_slice %arg10[%dma_wait3A_510, %dma_wait3A_511] : memref<8x128xi32, #tpu.memory_space<vmem>> -> memref<1x128xi32, #tpu.memory_space<vmem>>
      %dma_wait3A_513 = tpu.memref_squeeze %dma_wait3A_512 : memref<1x128xi32, #tpu.memory_space<vmem>> -> memref<128xi32, #tpu.memory_space<vmem>>
      %dma_wait3A_514 = arith.constant 0 : i32
      %dma_wait3A_515 = arith.constant 0 : i32
      %dma_wait3A_516 = tpu.memref_slice %arg9[%dma_wait3A_514, %dma_wait3A_515] : memref<10016x128xf32, #tpu.memory_space<vmem_shared>> -> memref<10016x128xf32, #tpu.memory_space<vmem_shared>>
      tpu.wait_indirect_dma semaphore(%arg17 : memref<!tpu.dma_semaphore, #tpu.memory_space<semaphore_mem>>) src(%arg12 : memref<128x128xf32, #tpu.memory_space<vmem>>) dst(%dma_wait3A_516 : memref<10016x128xf32, #tpu.memory_space<vmem_shared>>)
      %lt3A_517 = arith.constant 9 : i32
      %lt3A_518 = arith.cmpi slt, %add3A_300, %lt3A_517 : i32
      %convert_element_type3A_519 = arith.extui %lt3A_518 : i1 to i32
      %cond3A_520 = arith.constant 0 : i32
      %cond3A_521 = arith.cmpi ne, %convert_element_type3A_519, %cond3A_520 : i32
      scf.if %cond3A_521 {
        %dma_wait3A_529 = arith.constant 0 : i32
        %dma_wait3A_530 = arith.constant 0 : i32
        %dma_wait3A_531 = tpu.memref_slice %arg3[%dma_wait3A_529, %dma_wait3A_530] : memref<2560x128xi32, #tpu.memory_space<hbm>> -> memref<8x128xi32, #tpu.memory_space<hbm>>
        %dma_wait3A_532 = arith.constant 0 : i32
        %dma_wait3A_533 = arith.constant 0 : i32
        %dma_wait3A_534 = tpu.memref_slice %arg3[%dma_wait3A_532, %dma_wait3A_533] : memref<2560x128xi32, #tpu.memory_space<hbm>> -> memref<8x128xi32, #tpu.memory_space<hbm>>
        tpu.wait_dma2 semaphore(%arg16 : memref<!tpu.dma_semaphore, #tpu.memory_space<semaphore_mem>>) src(%dma_wait3A_534 : memref<8x128xi32, #tpu.memory_space<hbm>>) dst(%arg19 : memref<8x128xi32, #tpu.memory_space<vmem>>)
        %dma_wait3A_535 = arith.constant 0 : i32
        %dma_wait3A_536 = arith.constant 0 : i32
        %dma_wait3A_537 = tpu.memref_slice %arg4[%dma_wait3A_535, %dma_wait3A_536] : memref<2560x128xi32, #tpu.memory_space<hbm>> -> memref<8x128xi32, #tpu.memory_space<hbm>>
        %dma_wait3A_538 = arith.constant 0 : i32
        %dma_wait3A_539 = arith.constant 0 : i32
        %dma_wait3A_540 = tpu.memref_slice %arg4[%dma_wait3A_538, %dma_wait3A_539] : memref<2560x128xi32, #tpu.memory_space<hbm>> -> memref<8x128xi32, #tpu.memory_space<hbm>>
        tpu.wait_dma2 semaphore(%arg16 : memref<!tpu.dma_semaphore, #tpu.memory_space<semaphore_mem>>) src(%dma_wait3A_540 : memref<8x128xi32, #tpu.memory_space<hbm>>) dst(%arg10 : memref<8x128xi32, #tpu.memory_space<vmem>>)
        %dma_start3A_541 = arith.constant 0 : i32
        %dma_start3A_542 = arith.constant 0 : i32
        %dma_start3A_543 = tpu.memref_slice %arg19[%dma_start3A_541, %dma_start3A_542] : memref<8x128xi32, #tpu.memory_space<vmem>> -> memref<1x128xi32, #tpu.memory_space<vmem>>
        %dma_start3A_544 = tpu.memref_squeeze %dma_start3A_543 : memref<1x128xi32, #tpu.memory_space<vmem>> -> memref<128xi32, #tpu.memory_space<vmem>>
        %dma_start3A_545 = arith.constant 0 : i32
        %dma_start3A_546 = arith.constant 0 : i32
        %dma_start3A_547 = tpu.memref_slice %arg2[%dma_start3A_545, %dma_start3A_546] : memref<10000x128xf32, #tpu.memory_space<hbm>> -> memref<10000x128xf32, #tpu.memory_space<hbm>>
        tpu.enqueue_indirect_dma source(%dma_start3A_547 : memref<10000x128xf32, #tpu.memory_space<hbm>>) target(%arg12 : memref<128x128xf32, #tpu.memory_space<vmem>>) offsets(%dma_start3A_544 : memref<128xi32, #tpu.memory_space<vmem>>) semaphore(%arg14 : memref<!tpu.dma_semaphore, #tpu.memory_space<semaphore_mem>>)
      } else {
      }
      %dma_start3A_522 = arith.constant 7 : i32
      %dma_start3A_523 = arith.constant 0 : i32
      %dma_start3A_524 = tpu.memref_slice %arg11[%dma_start3A_522, %dma_start3A_523] : memref<8x128xi32, #tpu.memory_space<vmem>> -> memref<1x128xi32, #tpu.memory_space<vmem>>
      %dma_start3A_525 = tpu.memref_squeeze %dma_start3A_524 : memref<1x128xi32, #tpu.memory_space<vmem>> -> memref<128xi32, #tpu.memory_space<vmem>>
      %dma_start3A_526 = arith.constant 0 : i32
      %dma_start3A_527 = arith.constant 0 : i32
      %dma_start3A_528 = tpu.memref_slice %arg9[%dma_start3A_526, %dma_start3A_527] : memref<10016x128xf32, #tpu.memory_space<vmem_shared>> -> memref<10016x128xf32, #tpu.memory_space<vmem_shared>>
      tpu.enqueue_indirect_dma source(%arg13 : memref<128x128xf32, #tpu.memory_space<vmem>>) target(%dma_start3A_528 : memref<10016x128xf32, #tpu.memory_space<vmem_shared>>) offsets(%dma_start3A_525 : memref<128xi32, #tpu.memory_space<vmem>>) semaphore(%arg18 : memref<!tpu.dma_semaphore, #tpu.memory_space<semaphore_mem>>) {add = true}
    }
    %scan3A_62 = arith.constant 5 : i32
    %dma_wait3A = arith.constant 0 : i32
    %dma_wait3A_63 = arith.constant 0 : i32
    %dma_wait3A_64 = tpu.memref_slice %arg10[%dma_wait3A, %dma_wait3A_63] : memref<8x128xi32, #tpu.memory_space<vmem>> -> memref<1x128xi32, #tpu.memory_space<vmem>>
    %dma_wait3A_65 = tpu.memref_squeeze %dma_wait3A_64 : memref<1x128xi32, #tpu.memory_space<vmem>> -> memref<128xi32, #tpu.memory_space<vmem>>
    %dma_wait3A_66 = arith.constant 0 : i32
    %dma_wait3A_67 = arith.constant 0 : i32
    %dma_wait3A_68 = tpu.memref_slice %arg9[%dma_wait3A_66, %dma_wait3A_67] : memref<10016x128xf32, #tpu.memory_space<vmem_shared>> -> memref<10016x128xf32, #tpu.memory_space<vmem_shared>>
    tpu.wait_indirect_dma semaphore(%arg18 : memref<!tpu.dma_semaphore, #tpu.memory_space<semaphore_mem>>) src(%arg13 : memref<128x128xf32, #tpu.memory_space<vmem>>) dst(%dma_wait3A_68 : memref<10016x128xf32, #tpu.memory_space<vmem_shared>>)
    %barrier3A_69 = arith.constant 0 : index
    tpu.barrier barrier_id(%barrier3A_69)
    "tpu.region"() ({
      %run_scoped3A = tpu.sem_alloc : memref<!tpu.dma_semaphore, #tpu.memory_space<semaphore_mem>>
      %dma_start3A_70 = arith.constant 0 : i32
      %dma_start3A_71 = arith.constant 0 : i32
      %dma_start3A_72 = tpu.memref_slice %arg7[%arg0, %arg1, %dma_start3A_70, %dma_start3A_71] : memref<2x16x625x128xf32, #tpu.memory_space<hbm>> -> memref<1x1x625x128xf32, #tpu.memory_space<hbm>>
      %dma_start3A_73 = tpu.memref_squeeze %dma_start3A_72 : memref<1x1x625x128xf32, #tpu.memory_space<hbm>> -> memref<625x128xf32, #tpu.memory_space<hbm>>
      %dma_start3A_74 = arith.constant 0 : i32
      %dma_start3A_75 = tpu.memref_slice %arg9[%mul3A_4, %dma_start3A_74] : memref<10016x128xf32, #tpu.memory_space<vmem_shared>> -> memref<625x128xf32, #tpu.memory_space<vmem_shared>>
      tpu.enqueue_dma source(%dma_start3A_75 : memref<625x128xf32, #tpu.memory_space<vmem_shared>>) target(%dma_start3A_73 : memref<625x128xf32, #tpu.memory_space<hbm>>) target_semaphore(%run_scoped3A : memref<!tpu.dma_semaphore, #tpu.memory_space<semaphore_mem>>)
      %dma_wait3A_76 = arith.constant 0 : i32
      %dma_wait3A_77 = arith.constant 0 : i32
      %dma_wait3A_78 = tpu.memref_slice %arg7[%arg0, %arg1, %dma_wait3A_76, %dma_wait3A_77] : memref<2x16x625x128xf32, #tpu.memory_space<hbm>> -> memref<1x1x625x128xf32, #tpu.memory_space<hbm>>
      %dma_wait3A_79 = tpu.memref_squeeze %dma_wait3A_78 : memref<1x1x625x128xf32, #tpu.memory_space<hbm>> -> memref<625x128xf32, #tpu.memory_space<hbm>>
      %dma_wait3A_80 = arith.constant 0 : i32
      %dma_wait3A_81 = tpu.memref_slice %arg9[%mul3A_4, %dma_wait3A_80] : memref<10016x128xf32, #tpu.memory_space<vmem_shared>> -> memref<625x128xf32, #tpu.memory_space<vmem_shared>>
      tpu.wait_dma2 semaphore(%run_scoped3A : memref<!tpu.dma_semaphore, #tpu.memory_space<semaphore_mem>>) src(%dma_wait3A_81 : memref<625x128xf32, #tpu.memory_space<vmem_shared>>) dst(%dma_wait3A_79 : memref<625x128xf32, #tpu.memory_space<hbm>>)
      tpu.yield
    }) : () -> ()
    return
  }
}

module attributes {stable_mosaic.version = 14 : i64} {
  func.func @_tc_combine_body(%arg0: i32, %arg1: memref<2x1000x128xf32, #tpu.memory_space<vmem>>, %arg2: memref<2x1000x128xf32, #tpu.memory_space<vmem>>, %arg3: memref<1000x128xf32, #tpu.memory_space<vmem>>, %arg4: memref<128x128xf32, #tpu.memory_space<vmem>>, %arg5: memref<128x128xf32, #tpu.memory_space<vmem>>, %arg6: memref<1x128xf32, #tpu.memory_space<vmem>>, %arg7: memref<1000x128xf32, #tpu.memory_space<vmem>>) attributes {dimension_semantics = [#tpu.dimension_semantics<arbitrary>], iteration_bounds = array<i64: 10>, scalar_prefetch = 0 : i64, scratch_operands = 0 : i64, tpu.core_type = #tpu.core_type<tc>, window_params = [{transform_indices = @transform_0, window_bounds = array<i64: 2, 1000, 128>}, {transform_indices = @transform_1, window_bounds = array<i64: 2, 1000, 128>}, {transform_indices = @transform_2, window_bounds = array<i64: 1000, 128>}, {pipeline_mode = #tpu.pipeline_mode<synchronous>, transform_indices = @transform_3, window_bounds = array<i64: 128, 128>}, {pipeline_mode = #tpu.pipeline_mode<synchronous>, transform_indices = @transform_4, window_bounds = array<i64: 128, 128>}, {pipeline_mode = #tpu.pipeline_mode<synchronous>, transform_indices = @transform_5, window_bounds = array<i64: 1, 128>}, {transform_indices = @transform_6, window_bounds = array<i64: 1000, 128>}]} {
    %get3A = arith.constant 0 : index
    %get3A_0 = arith.constant 0 : index
    %get3A_1 = arith.constant 0 : index
    %get3A_2 = vector.load %arg1[%get3A, %get3A_0, %get3A_1] : memref<2x1000x128xf32, #tpu.memory_space<vmem>>, vector<1x1000x128xf32>
    %get3A_3 = vector.shape_cast %get3A_2 : vector<1x1000x128xf32> to vector<1000x128xf32>
    %get3A_4 = arith.constant 1 : index
    %get3A_5 = arith.constant 0 : index
    %get3A_6 = arith.constant 0 : index
    %get3A_7 = vector.load %arg1[%get3A_4, %get3A_5, %get3A_6] : memref<2x1000x128xf32, #tpu.memory_space<vmem>>, vector<1x1000x128xf32>
    %get3A_8 = vector.shape_cast %get3A_7 : vector<1x1000x128xf32> to vector<1000x128xf32>
    %add3A = arith.addf %get3A_3, %get3A_8 : vector<1000x128xf32>
    %get3A_9 = arith.constant 0 : index
    %get3A_10 = arith.constant 0 : index
    %get3A_11 = arith.constant 0 : index
    %get3A_12 = vector.load %arg2[%get3A_9, %get3A_10, %get3A_11] : memref<2x1000x128xf32, #tpu.memory_space<vmem>>, vector<1x1000x1xf32>
    %get3A_13 = vector.shape_cast %get3A_12 : vector<1x1000x1xf32> to vector<1000x1xf32>
    %get3A_14 = arith.constant 1 : index
    %get3A_15 = arith.constant 0 : index
    %get3A_16 = arith.constant 0 : index
    %get3A_17 = vector.load %arg2[%get3A_14, %get3A_15, %get3A_16] : memref<2x1000x128xf32, #tpu.memory_space<vmem>>, vector<1x1000x1xf32>
    %get3A_18 = vector.shape_cast %get3A_17 : vector<1x1000x1xf32> to vector<1000x1xf32>
    %add3A_19 = arith.addf %get3A_13, %get3A_18 : vector<1000x1xf32>
    %max3A = arith.constant 1.000000e+00 : f32
    %max3A_20 = vector.broadcast %max3A : f32 to vector<1000x1xf32>
    %max3A_21 = arith.maximumf %add3A_19, %max3A_20 : vector<1000x1xf32>
    %div3A = arith.constant 1.000000e+00 : f32
    %div3A_22 = vector.broadcast %div3A : f32 to vector<1000x1xf32>
    %div3A_23 = arith.divf %div3A_22, %max3A_21 : vector<1000x1xf32>
    %mul3A = vector.broadcast %div3A_23 : vector<1000x1xf32> to vector<1000x128xf32>
    %mul3A_24 = arith.mulf %add3A, %mul3A : vector<1000x128xf32>
    %get3A_25 = arith.constant 0 : index
    %get3A_26 = arith.constant 0 : index
    %get3A_27 = vector.load %arg4[%get3A_25, %get3A_26] : memref<128x128xf32, #tpu.memory_space<vmem>>, vector<128x128xf32>
    %dot_general3A = arith.constant dense<0.000000e+00> : vector<1000x128xf32>
    %dot_general3A_28 = tpu.matmul %mul3A_24, %get3A_27, %dot_general3A {dimension_numbers = #tpu.dot_dimension_numbers<[1], [0], [0], [1], [0, 0, 1, 1], [], []>, transpose_lhs_hint = false} : vector<1000x128xf32>, vector<128x128xf32>, vector<1000x128xf32> -> vector<1000x128xf32>
    %get3A_29 = arith.constant 0 : index
    %get3A_30 = arith.constant 0 : index
    %get3A_31 = vector.load %arg3[%get3A_29, %get3A_30] : memref<1000x128xf32, #tpu.memory_space<vmem>>, vector<1000x128xf32>
    %get3A_32 = arith.constant 0 : index
    %get3A_33 = arith.constant 0 : index
    %get3A_34 = vector.load %arg5[%get3A_32, %get3A_33] : memref<128x128xf32, #tpu.memory_space<vmem>>, vector<128x128xf32>
    %dot_general3A_35 = arith.constant dense<0.000000e+00> : vector<1000x128xf32>
    %dot_general3A_36 = tpu.matmul %get3A_31, %get3A_34, %dot_general3A_35 {dimension_numbers = #tpu.dot_dimension_numbers<[1], [0], [0], [1], [0, 0, 1, 1], [], []>, transpose_lhs_hint = false} : vector<1000x128xf32>, vector<128x128xf32>, vector<1000x128xf32> -> vector<1000x128xf32>
    %add3A_37 = arith.addf %dot_general3A_28, %dot_general3A_36 : vector<1000x128xf32>
    %get3A_38 = arith.constant 0 : index
    %get3A_39 = arith.constant 0 : index
    %get3A_40 = vector.load %arg6[%get3A_38, %get3A_39] : memref<1x128xf32, #tpu.memory_space<vmem>>, vector<1x128xf32>
    %add3A_41 = vector.broadcast %get3A_40 : vector<1x128xf32> to vector<1000x128xf32>
    %add3A_42 = arith.addf %add3A_37, %add3A_41 : vector<1000x128xf32>
    %max3A_43 = arith.constant 0.000000e+00 : f32
    %max3A_44 = vector.broadcast %max3A_43 : f32 to vector<1000x128xf32>
    %max3A_45 = arith.maximumf %add3A_42, %max3A_44 : vector<1000x128xf32>
    %swap3A = arith.constant 0 : index
    %swap3A_46 = arith.constant 0 : index
    %swap3A_47 = vector.load %arg7[%swap3A, %swap3A_46] : memref<1000x128xf32, #tpu.memory_space<vmem>>, vector<1000x128xf32>
    tpu.vector_store %arg7[%swap3A, %swap3A_46], %max3A_45 {strides = array<i32>} : memref<1000x128xf32, #tpu.memory_space<vmem>>, vector<1000x128xf32>,
    return
  }
  func.func @transform_0(%arg0: i32) -> (i32, i32, i32) {
    %c0_i32 = arith.constant 0 : i32
    %c0_i32_0 = arith.constant 0 : i32
    %c0_i32_1 = arith.constant 0 : i32
    return %c0_i32, %arg0, %c0_i32_0 : i32, i32, i32
  }
  func.func @transform_1(%arg0: i32) -> (i32, i32, i32) {
    %c0_i32 = arith.constant 0 : i32
    %c0_i32_0 = arith.constant 0 : i32
    %c0_i32_1 = arith.constant 0 : i32
    return %c0_i32, %arg0, %c0_i32_0 : i32, i32, i32
  }
  func.func @transform_2(%arg0: i32) -> (i32, i32) {
    %c0_i32 = arith.constant 0 : i32
    %c0_i32_0 = arith.constant 0 : i32
    return %arg0, %c0_i32 : i32, i32
  }
  func.func @transform_3(%arg0: i32) -> (i32, i32) {
    %c0_i32 = arith.constant 0 : i32
    %c0_i32_0 = arith.constant 0 : i32
    %c0_i32_1 = arith.constant 0 : i32
    return %c0_i32, %c0_i32_0 : i32, i32
  }
  func.func @transform_4(%arg0: i32) -> (i32, i32) {
    %c0_i32 = arith.constant 0 : i32
    %c0_i32_0 = arith.constant 0 : i32
    %c0_i32_1 = arith.constant 0 : i32
    return %c0_i32, %c0_i32_0 : i32, i32
  }
  func.func @transform_5(%arg0: i32) -> (i32, i32) {
    %c0_i32 = arith.constant 0 : i32
    %c0_i32_0 = arith.constant 0 : i32
    %c0_i32_1 = arith.constant 0 : i32
    return %c0_i32, %c0_i32_0 : i32, i32
  }
  func.func @transform_6(%arg0: i32) -> (i32, i32) {
    %c0_i32 = arith.constant 0 : i32
    %c0_i32_0 = arith.constant 0 : i32
    return %arg0, %c0_i32 : i32, i32
  }
}

module attributes {stable_mosaic.version = 14 : i64} {
  func.func @_tc_combine_body(%arg0: i32, %arg1: memref<2x1000x128xf32, #tpu.memory_space<vmem>>, %arg2: memref<2x1000x128xf32, #tpu.memory_space<vmem>>, %arg3: memref<1000x128xf32, #tpu.memory_space<vmem>>, %arg4: memref<128x128xf32, #tpu.memory_space<vmem>>, %arg5: memref<128x128xf32, #tpu.memory_space<vmem>>, %arg6: memref<1x128xf32, #tpu.memory_space<vmem>>, %arg7: memref<1000x128xf32, #tpu.memory_space<vmem>>) attributes {dimension_semantics = [#tpu.dimension_semantics<arbitrary>], iteration_bounds = array<i64: 10>, scalar_prefetch = 0 : i64, scratch_operands = 0 : i64, tpu.core_type = #tpu.core_type<tc>, window_params = [{transform_indices = @transform_0, window_bounds = array<i64: 2, 1000, 128>}, {transform_indices = @transform_1, window_bounds = array<i64: 2, 1000, 128>}, {transform_indices = @transform_2, window_bounds = array<i64: 1000, 128>}, {pipeline_mode = #tpu.pipeline_mode<synchronous>, transform_indices = @transform_3, window_bounds = array<i64: 128, 128>}, {pipeline_mode = #tpu.pipeline_mode<synchronous>, transform_indices = @transform_4, window_bounds = array<i64: 128, 128>}, {pipeline_mode = #tpu.pipeline_mode<synchronous>, transform_indices = @transform_5, window_bounds = array<i64: 1, 128>}, {transform_indices = @transform_6, window_bounds = array<i64: 1000, 128>}]} {
    %get3A = arith.constant 0 : index
    %get3A_0 = arith.constant 0 : index
    %get3A_1 = arith.constant 0 : index
    %get3A_2 = vector.load %arg1[%get3A, %get3A_0, %get3A_1] : memref<2x1000x128xf32, #tpu.memory_space<vmem>>, vector<1x1000x128xf32>
    %get3A_3 = vector.shape_cast %get3A_2 : vector<1x1000x128xf32> to vector<1000x128xf32>
    %get3A_4 = arith.constant 1 : index
    %get3A_5 = arith.constant 0 : index
    %get3A_6 = arith.constant 0 : index
    %get3A_7 = vector.load %arg1[%get3A_4, %get3A_5, %get3A_6] : memref<2x1000x128xf32, #tpu.memory_space<vmem>>, vector<1x1000x128xf32>
    %get3A_8 = vector.shape_cast %get3A_7 : vector<1x1000x128xf32> to vector<1000x128xf32>
    %add3A = arith.addf %get3A_3, %get3A_8 : vector<1000x128xf32>
    %get3A_9 = arith.constant 0 : index
    %get3A_10 = arith.constant 0 : index
    %get3A_11 = arith.constant 0 : index
    %get3A_12 = vector.load %arg2[%get3A_9, %get3A_10, %get3A_11] : memref<2x1000x128xf32, #tpu.memory_space<vmem>>, vector<1x1000x1xf32>
    %get3A_13 = vector.shape_cast %get3A_12 : vector<1x1000x1xf32> to vector<1000x1xf32>
    %get3A_14 = arith.constant 1 : index
    %get3A_15 = arith.constant 0 : index
    %get3A_16 = arith.constant 0 : index
    %get3A_17 = vector.load %arg2[%get3A_14, %get3A_15, %get3A_16] : memref<2x1000x128xf32, #tpu.memory_space<vmem>>, vector<1x1000x1xf32>
    %get3A_18 = vector.shape_cast %get3A_17 : vector<1x1000x1xf32> to vector<1000x1xf32>
    %add3A_19 = arith.addf %get3A_13, %get3A_18 : vector<1000x1xf32>
    %max3A = arith.constant 1.000000e+00 : f32
    %max3A_20 = vector.broadcast %max3A : f32 to vector<1000x1xf32>
    %max3A_21 = arith.maximumf %add3A_19, %max3A_20 : vector<1000x1xf32>
    %div3A = arith.constant 1.000000e+00 : f32
    %div3A_22 = vector.broadcast %div3A : f32 to vector<1000x1xf32>
    %div3A_23 = arith.divf %div3A_22, %max3A_21 : vector<1000x1xf32>
    %mul3A = vector.broadcast %div3A_23 : vector<1000x1xf32> to vector<1000x128xf32>
    %mul3A_24 = arith.mulf %add3A, %mul3A : vector<1000x128xf32>
    %get3A_25 = arith.constant 0 : index
    %get3A_26 = arith.constant 0 : index
    %get3A_27 = vector.load %arg4[%get3A_25, %get3A_26] : memref<128x128xf32, #tpu.memory_space<vmem>>, vector<128x128xf32>
    %dot_general3A = arith.constant dense<0.000000e+00> : vector<1000x128xf32>
    %dot_general3A_28 = tpu.matmul %mul3A_24, %get3A_27, %dot_general3A {dimension_numbers = #tpu.dot_dimension_numbers<[1], [0], [0], [1], [0, 0, 1, 1], [], []>, transpose_lhs_hint = false} : vector<1000x128xf32>, vector<128x128xf32>, vector<1000x128xf32> -> vector<1000x128xf32>
    %get3A_29 = arith.constant 0 : index
    %get3A_30 = arith.constant 0 : index
    %get3A_31 = vector.load %arg3[%get3A_29, %get3A_30] : memref<1000x128xf32, #tpu.memory_space<vmem>>, vector<1000x128xf32>
    %get3A_32 = arith.constant 0 : index
    %get3A_33 = arith.constant 0 : index
    %get3A_34 = vector.load %arg5[%get3A_32, %get3A_33] : memref<128x128xf32, #tpu.memory_space<vmem>>, vector<128x128xf32>
    %dot_general3A_35 = arith.constant dense<0.000000e+00> : vector<1000x128xf32>
    %dot_general3A_36 = tpu.matmul %get3A_31, %get3A_34, %dot_general3A_35 {dimension_numbers = #tpu.dot_dimension_numbers<[1], [0], [0], [1], [0, 0, 1, 1], [], []>, transpose_lhs_hint = false} : vector<1000x128xf32>, vector<128x128xf32>, vector<1000x128xf32> -> vector<1000x128xf32>
    %add3A_37 = arith.addf %dot_general3A_28, %dot_general3A_36 : vector<1000x128xf32>
    %get3A_38 = arith.constant 0 : index
    %get3A_39 = arith.constant 0 : index
    %get3A_40 = vector.load %arg6[%get3A_38, %get3A_39] : memref<1x128xf32, #tpu.memory_space<vmem>>, vector<1x128xf32>
    %add3A_41 = vector.broadcast %get3A_40 : vector<1x128xf32> to vector<1000x128xf32>
    %add3A_42 = arith.addf %add3A_37, %add3A_41 : vector<1000x128xf32>
    %swap3A = arith.constant 0 : index
    %swap3A_43 = arith.constant 0 : index
    %swap3A_44 = vector.load %arg7[%swap3A, %swap3A_43] : memref<1000x128xf32, #tpu.memory_space<vmem>>, vector<1000x128xf32>
    tpu.vector_store %arg7[%swap3A, %swap3A_43], %add3A_42 {strides = array<i32>} : memref<1000x128xf32, #tpu.memory_space<vmem>>, vector<1000x128xf32>,
    return
  }
  func.func @transform_0(%arg0: i32) -> (i32, i32, i32) {
    %c0_i32 = arith.constant 0 : i32
    %c0_i32_0 = arith.constant 0 : i32
    %c0_i32_1 = arith.constant 0 : i32
    return %c0_i32, %arg0, %c0_i32_0 : i32, i32, i32
  }
  func.func @transform_1(%arg0: i32) -> (i32, i32, i32) {
    %c0_i32 = arith.constant 0 : i32
    %c0_i32_0 = arith.constant 0 : i32
    %c0_i32_1 = arith.constant 0 : i32
    return %c0_i32, %arg0, %c0_i32_0 : i32, i32, i32
  }
  func.func @transform_2(%arg0: i32) -> (i32, i32) {
    %c0_i32 = arith.constant 0 : i32
    %c0_i32_0 = arith.constant 0 : i32
    return %arg0, %c0_i32 : i32, i32
  }
  func.func @transform_3(%arg0: i32) -> (i32, i32) {
    %c0_i32 = arith.constant 0 : i32
    %c0_i32_0 = arith.constant 0 : i32
    %c0_i32_1 = arith.constant 0 : i32
    return %c0_i32, %c0_i32_0 : i32, i32
  }
  func.func @transform_4(%arg0: i32) -> (i32, i32) {
    %c0_i32 = arith.constant 0 : i32
    %c0_i32_0 = arith.constant 0 : i32
    %c0_i32_1 = arith.constant 0 : i32
    return %c0_i32, %c0_i32_0 : i32, i32
  }
  func.func @transform_5(%arg0: i32) -> (i32, i32) {
    %c0_i32 = arith.constant 0 : i32
    %c0_i32_0 = arith.constant 0 : i32
    %c0_i32_1 = arith.constant 0 : i32
    return %c0_i32, %c0_i32_0 : i32, i32
  }
  func.func @transform_6(%arg0: i32) -> (i32, i32) {
    %c0_i32 = arith.constant 0 : i32
    %c0_i32_0 = arith.constant 0 : i32
    return %arg0, %c0_i32 : i32, i32
  }
}

</mosaic_0001>

<sc_bundles>
// kernel: kernel.6.cloned.1.call-start
scs
__scs_entry_jumppad:
0x0: {  	(pc) =	sbr.rel $0x88, $3  }
0x1: {  	(tag) =	ssettag $0x0;
	lr =	simm.s32 $0x1  }
0x2: {  	[smem:$0x3F99] =	sst lr;
	_ =	strace $0xD0000000  }
0x3: {  	_ = 	snop  }
0x4: {  	_ = 	snop  }
0x5: {  	_ = 	snop  }
0x6: {  	_ = 	snop  }
0x7: {  	_ = 	snop  }
__scs_overlays_trampoline_lowered:
0x8: {  	[smem:$0x3FA8] =	sst s0  }
0x9: {  	[smem:$0x3FA9] =	sst s1  }
0xa: {  	[smem:$0x3FAA] =	sst s2  }
0xb: {  	[smem:$0x3FAB] =	sst s3  }
0xc: {  	[smem:$0x3FAC] =	sst s4  }
0xd: {  	[smem:$0x3FAD] =	sst s5  }
0xe: {  	[smem:$0x3FAE] =	sst s6  }
0xf: {  	[smem:$0x3FAF] =	sst s7  }
0x10: {  	[smem:$0x3FB0] =	sst s8  }
0x11: {  	[smem:$0x3FB1] =	sst s9;
	s0 =	simm.s32 @!p0 $0x0  }
0x12: {  	s1 =	sld [smem:$0x3F97];
	s0 =	simm.s32 @p0 $0x1  }
0x13: {  	[smem:$0x3FB2] =	sst s0;
	s0 =	simm.s32 @!p1 $0x0  }
0x14: {  	s2 =	sld [smem:$0x3F96];
	s0 =	simm.s32 @p1 $0x1  }
0x15: {  	[smem:$0x3FB3] =	sst s0;
	s0 =	simm.s32 @!p2 $0x0  }
0x16: {  	s3 =	sld [smem:$0x3FDB];
	s0 =	simm.s32 @p2 $0x1  }
0x17: {  	s4 =	simm.s32 $0x1BF5;
	[smem:$0x3FB5] =	sst s0  }
0x18: {  	s0 =	sld [smem:$0x3F98];
	_ =	swait.ge [sflag:s4], $0x0  }
0x19: {  	s7 =	sld [smem:$0x3F99]  }
0x1a: {  	s8 =	sadd.s32 $0xFFFFE003, lr  }
0x1b: {  	s9 =	sadd.s32 $0xFFFFFEF7, lr;
	s5 =	simm.s32 $0xFFFFFFFF;
	p2 =	slt.u32 s8, $0xFFFFF086  }
0x1c: {  	p1 =	slt.u32 s9, $0xF7A;
	s5 =	simm.s32 @!p2 $0x0  }
0x1d: {  	s5 =	simm.s32 @p1 $0x1;
	p0 =	seq.s32 s7, s2  }
0x1e: {  	s7 =	smul.u32 @!p0 $0xF7A, s2;
	p2 =	seq.s32 @!p0 s5, $0x0  }
0x1f: {  	s9 =	smul.u32 $0xF7A, s1;
	s8 =	simm.s32 @!p0 $0x1BF5;
	p2 =	por !p2, p0  }
0x20: {  	[sflag:s8] =	ssyncset.s32 @!p0 $0xFFFFF086;
	s6 =	sadd.s32 @!p0 s3, s7;
	s7 =	simm.s32 @!p0 $0x108  }
0x21: {  	s3 =	sadd.s32 s3, s9;
	s6 =	sadd.s32 @!p0 $0x88, s6;
	s7 =	simm.s32 @p2 $0x1082  }
0x22: {  	[simem:s7], [sflag:s8] =	dma.local @!p0 [hbm:s6], $0xF7A  }
0x23: {  	s9 =	sor.u32 $0xD0000000, s2;
	s6 =	simm.s32 $0x108;
	_ =	swait.ge @!p0 [sflag:s8], $0x0  }
0x24: {  	s3 =	sadd.s32 $0x88, s3;
	s6 =	simm.s32 @!p1 $0x1082;
	[sflag:s4] =	ssyncset.s32 $0xFFFFF086  }
0x25: {  	[simem:s6], [sflag:s4] =	dma.local [hbm:s3], $0xF7A  }
0x26: {  	[smem:$0x3F99] =	sst s1;
	(tag) =	ssettag s2;
	_ =	strace s9  }
0x27: {  	s1 =	sld [smem:$0x3FA9]  }
0x28: {  	s2 =	sld [smem:$0x3FAA]  }
0x29: {  	s4 =	sld [smem:$0x3FAC]  }
0x2a: {  	p0 =	seq.s32 s5, $0x0;
	s5 =	sld [smem:$0x3FAD]  }
0x2b: {  	s6 =	sld [smem:$0x3FAE]  }
0x2c: {  	s7 =	sld [smem:$0x3FAF]  }
0x2d: {  	s3 =	simm.s32 $0x108;
	s8 =	sld [smem:$0x3FB0]  }
0x2e: {  	s3 =	simm.s32 @!p0 $0x1082;
	s9 =	sld [smem:$0x3FB1]  }
0x2f: {  	lr =	sadd.s32 s0, s3;
	s0 =	sld [smem:$0x3FA8]  }
0x30: {  	s3 =	sld [smem:$0x3FAB]  }
0x31: {  	[smem:$0x3FB4] =	sst s10  }
0x32: {  	s10 =	sld [smem:$0x3FB2];
	_ =	sdelay $0x3  }
0x33: {  	p0 =	seq.s32 s10, $0x1;
	s10 =	sld [smem:$0x3FB4];
	_ =	sdelay $0x3  }
0x34: {  	[smem:$0x3FB4] =	sst s10  }
0x35: {  	s10 =	sld [smem:$0x3FB3];
	_ =	sdelay $0x3  }
0x36: {  	p1 =	seq.s32 s10, $0x1;
	s10 =	sld [smem:$0x3FB4];
	_ =	sdelay $0x3  }
0x37: {  	[smem:$0x3FB4] =	sst s10  }
0x38: {  	s10 =	sld [smem:$0x3FB5]  }
0x39: {  	_ = 	snop;
	(pc) =	sbr.ind lr, $3  }
0x3a: {  	_ = 	snop  }
0x3b: {  	_ = 	snop  }
0x3c: {  	p2 =	seq.s32 s10, $0x1;
	s10 =	sld [smem:$0x3FB4]  }
0x3d: {  	_ =	shalt  }
0x3e: {  	_ =	shalt  }
0x3f: {  	_ =	shalt  }
0x40: {  	_ =	shalt  }
0x41: {  	_ =	shalt  }
0x42: {  	_ =	shalt  }
0x43: {  	_ =	shalt  }
0x44: {  	_ =	shalt  }
0x45: {  	_ =	shalt  }
0x46: {  	_ =	shalt  }
0x47: {  	_ =	shalt  }
0x48: {  	_ =	shalt  }
0x49: {  	_ =	shalt  }
0x4a: {  	_ =	shalt  }
0x4b: {  	_ =	shalt  }
0x4c: {  	_ =	shalt  }
0x4d: {  	_ =	shalt  }
0x4e: {  	_ =	shalt  }
0x4f: {  	_ =	shalt  }
0x50: {  	_ =	shalt  }
0x51: {  	_ =	shalt  }
0x52: {  	_ =	shalt  }
0x53: {  	_ =	shalt  }
0x54: {  	_ =	shalt  }
0x55: {  	_ =	shalt  }
0x56: {  	_ =	shalt  }
0x57: {  	_ =	shalt  }
0x58: {  	_ =	shalt  }
0x59: {  	_ =	shalt  }
0x5a: {  	_ =	shalt  }
0x5b: {  	_ =	shalt  }
0x5c: {  	_ =	shalt  }
0x5d: {  	_ =	shalt  }
0x5e: {  	_ =	shalt  }
0x5f: {  	_ =	shalt  }
0x60: {  	_ =	shalt  }
0x61: {  	_ =	shalt  }
0x62: {  	_ =	shalt  }
0x63: {  	_ =	shalt  }
0x64: {  	_ =	shalt  }
0x65: {  	_ =	shalt  }
0x66: {  	_ =	shalt  }
0x67: {  	_ =	shalt  }
0x68: {  	_ =	shalt  }
0x69: {  	_ =	shalt  }
0x6a: {  	_ =	shalt  }
0x6b: {  	_ =	shalt  }
0x6c: {  	_ =	shalt  }
0x6d: {  	_ =	shalt  }
0x6e: {  	_ =	shalt  }
0x6f: {  	_ =	shalt  }
0x70: {  	_ =	shalt  }
0x71: {  	_ =	shalt  }
0x72: {  	_ =	shalt  }
0x73: {  	_ =	shalt  }
0x74: {  	_ =	shalt  }
0x75: {  	_ =	shalt  }
0x76: {  	_ =	shalt  }
0x77: {  	_ =	shalt  }
0x78: {  	_ =	shalt  }
0x79: {  	_ =	shalt  }
0x7a: {  	_ =	shalt  }
0x7b: {  	_ =	shalt  }
0x7c: {  	_ =	shalt  }
0x7d: {  	_ =	shalt  }
0x7e: {  	_ =	shalt  }
0x7f: {  	_ =	shalt  }
0x80: {  	_ =	shalt  }
0x81: {  	_ =	shalt  }
0x82: {  	_ =	shalt  }
0x83: {  	_ =	shalt  }
0x84: {  	_ =	shalt  }
0x85: {  	_ =	shalt  }
0x86: {  	_ =	shalt  }
0x87: {  	_ =	shalt  }
.Lfunc_end0:
.L_simem_size_0:
called_computation_lowered:
.L_overlay_start_0:
0x88: {  	s2 =	sld [smem:$0x3FD9]  }
0x89: {  	s3 =	sld [smem:$0x3FFE];
	_ =	sdelay $0x1  }
0x8a: {  	s1 =	srdreg.scid  }
0x8b: {  	s0 =	sand.u32 $0x1, s1  }
0x8c: {  	s17 =	sshll.u32 s0, $0xA;
	s2 =	sadd.s32 s3, s2  }
0x8d: {  	s2 =	sadd.s32 s2, s17  }
0x8e: {  	[smem:$0x3FC0] =	sst s2  }
0x8f: {  	_ = 	snop  }
0x90: {  	s2 =	sld [smem:$0x3FC9]  }
0x91: {  	s18 =	sld [smem:$0x3FD0];
	(tm) =	ssettm $0x1  }
0x92: {  	s4 =	sld [smem:$0x3FFB];
	_ =	sdelay $0x3  }
0x93: {  	_ =	strace s4  }
0x94: {  	s4 =	sld [smem:$0x3FFC];
	_ =	sdelay $0x3  }
0x95: {  	_ =	strace s4  }
0x96: {  	s4 =	sld [smem:$0x3FFD];
	_ =	sdelay $0x3  }
0x97: {  	_ =	strace s4  }
0x98: {  	_ =	strace $0x8FFFFFFF  }
0x99: {  	s19 =	sld [smem:$0x3FDB];
	_ =	sdelay $0x1  }
0x9a: {  	s5 =	simm.s32 $_scs_section_size  }
0x9b: {  	s6 =	simm.s32 $_size__tile_overlayer_lowered;
	s7 =	simm.s32 $_tile_overlayer_lowered  }
0x9c: {  	s22 =	simm.s32 $0x1BFF;
	s21 =	sshll.u32 s7, $0x1;
	s4 =	sadd.s32 s5, s19  }
0x9d: {  	s8 =	simm.s32 $0x0;
	s20 =	sshll.u32 s6, $0x1;
	s6 =	sadd.s32 s21, s4  }
0x9e: {  	[timem:s8], [sflag:s22] =	dma.local [hbm:s6], s20  }
0x9f: {  	_ =	swait.ge [sflag:s22], s20  }
0xa0: {  	s5 =	ssub.s32 $0x0, s20;
	[sflag:s22] =	ssyncset.done $0x0  }
0xa1: {  	[sflag:s22] =	ssyncadd.s32 s5;
	_ =	sdelay $0x1  }
0xa2: {  	s23 =	simm.s32 $0x1B8B  }
0xa3: {  	_ =	swait.ge [sflag:s23], $0x1  }
0xa4: {  	[sflag:s23] =	ssyncset.done $0x0  }
0xa5: {  	s25 =	simm.s32 $0x1B8E;
	s24 =	sld [smem:$0x3FFE];
	[sflag:s23] =	ssyncadd.s32 $0xFFFFFFFF  }
0xa6: {  	s26 =	simm.s32 $execute0_lowered;
	[smem:$0x3FD2] =	sst s25  }
0xa7: {  	s6 =	sshll.u32 s26, $0x1;
	_ =	strace $0x80000046;
	[dreg:$0x1] =	wrdreg $0xFFFFFFFF  }
0xa8: {  	s28 =	simm.s32 $_size_execute0_lowered;
	s4 =	sadd.s32 s4, s6;
	[dreg:$0x0] =	wrdreg $0x0  }
0xa9: {  	s6 =	sshll.u32 s28, $0x1;
	[dreg:$0x2] =	wrdreg s4  }
0xaa: {  	[dreg:$0x3] =	wrdreg s6  }
0xab: {  	[dreg:$0x4] =	wrdreg $0xC0  }
0xac: {  	_ =	task [dreg:s8], $0x5FFFF  }
0xad: {  	[dreg:$0x1] =	wrdreg $0xFFFFFFFF  }
0xae: {  	[dreg:$0x0] =	wrdreg $0x60  }
0xaf: {  	[dreg:$0x2] =	wrdreg s2  }
0xb0: {  	[dreg:$0x3] =	wrdreg s24  }
0xb1: {  	[dreg:$0x4] =	wrdreg s18  }
0xb2: {  	[dreg:$0x5] =	wrdreg $0x0  }
0xb3: {  	[dreg:$0x6] =	wrdreg $0x9  }
0xb4: {  	_ =	task.clear_ibuf [dreg:s8], $0x7FFFF;
	_ =	strace $0x90000046  }
0xb5: {  	s29 =	simm.s32 $0x9;
	_ =	strace $0x80000048  }
0xb6: {  	_ =	swait.ge [sflag:s29], $0x1  }
0xb7: {  	[sflag:s29] =	ssyncadd.s32 $0xFFFFFFFF  }
0xb8: {  	_ =	strace $0x90000048  }
0xb9: {  	_ =	sfence  }
0xba: {  	s30 =	sld [smem:$0x0];
	_ =	sdelay $0x2  }
0xbb: {  	s31 =	sshll.u32 s1, $0xD;
	s1 =	sshrl.u32 s1, $0x2  }
0xbc: {  	s3 =	sand.u32 $0x4000, s31;
	s1 =	sadd.s32 s1, s30  }
0xbd: {  	s0 =	sor.u32 s3, s0;
	s1 =	sshll.u32 s1, $0x11  }
0xbe: {  	s0 =	sor.u32 s1, s0  }
0xbf: {  	s0 =	sadd.s32 $0x8F2B, s0  }
0xc0: {  	[sflag:s0] =	ssyncadd.remote.s32 $0x1  }
0xc1: {  	_ =	sfence.sel $0xFFFF  }
0xc2: {  	[dreg:$0x0] =	wrdreg $0xFFFFFFFF;
	(pc) =	sbr.abs _section_cstart, $3  }
0xc3: {  	[dreg:$0x1] =	wrdreg $0xFFFFFFFF  }
0xc4: {  	_ =	task.clear_ibuf [dreg:s8], $0x2FFFF;
	_ =	strace $0x9FFFFFFF  }
0xc5: {  	(tm) =	ssettm $0x7FFFFFFF  }
tec
execute0_lowered:
.L_overlay_start_1:
0x0: {  	(tag) =	ssettag $0x1  }
0x1: {  	s1 =	rddreg [dreg:$0x0]  }
0x2: {  	s0 =	rddreg [dreg:$0x1]  }
0x3: {  	s3 =	rddreg [dreg:$0x3];
	s12 =	stileid.u32  }
0x4: {  	s2 =	srdreg.scid;
	s5 =	smul.u32 $0x13C00, s12  }
0x5: {  	s25 =	simm.s32 $0x0;
	s2 =	sand.u32 $0x1, s2;
	s28 =	smul.u32 $0x4E400, s12  }
0x6: {  	[smem:$0x7FF] =	sst s25;
	s6 =	sadd.s32 $0x2000, s0;
	s7 =	smul.u32 $0x14, s12  }
0x7: {  	s26 =	sadd.s32 $0xC000, s0;
	s13 =	sadd.s32 $0x16000, s0;
	s21 =	smul.u32 $0x4E200, s12  }
0x8: {  	s9 =	sshll.u32 s12, $0x1;
	s15 =	sshll.u32 s12, $0x6;
	s4 =	smul.u32 $0x13C000, s2  }
0x9: {  	_ =	strace $0x80000047;
	s11 =	ssub.s32 $0x2, s2;
	s10 =	smul.u32 $0xA, s2  }
0xa: {  	s29 =	sor.u32 $0x1C06, s15;
	s15 =	simm.s32 $0x1C380;
	[dreg:$0x17] =	wrdreg s26  }
0xb: {  	s14 =	sor.u32 s2, s9;
	s8 =	sshrl.u32 s11, $0x1;
	[dreg:$0xd] =	wrdreg s15  }
0xc: {  	[dreg:$0x1a] =	wrdreg s29;
	s4 =	sadd.s32 s5, s4;
	s5 =	sshrl.u32 s28, $0x2  }
0xd: {  	s7 =	sadd.s32 s10, s7;
	s28 =	sshrl.u32 s21, $0x2;
	s10 =	simm.s32 $0x1C180  }
0xe: {  	s21 =	simm.s32 $0x1C680;
	s4 =	sshrl.u32 s4, $0x3;
	[dreg:$0x9] =	wrdreg s10  }
0xf: {  	s5 =	sadd.s32 s5, s3;
	s16 =	sshll.u32 s7, $0x7;
	[dreg:$0x12] =	wrdreg s21  }
0x10: {  	s0 =	sadd.s32 s4, s0;
	s4 =	ssub.s32 s11, s8;
	s8 =	smul.u32 $0x500, s14  }
0x11: {  	[dreg:$0x19] =	wrdreg s5;
	s19 =	sadd.s32 $0x100, s16;
	s14 =	simm.s32 $0x1C300  }
0x12: {  	s31 =	simm.s32 $0x13D00;
	s11 =	sadd.s32 s19, s6;
	[dreg:$0xc] =	wrdreg s14  }
0x13: {  	s30 =	simm.s32 $0x13980;
	s9 =	sadd.s32 s19, s26;
	[dreg:$0x5] =	wrdreg s11  }
0x14: {  	s22 =	sadd.s32 s16, s6;
	s24 =	sadd.s32 $0x67800, s0;
	[dreg:$0x6] =	wrdreg s9  }
0x15: {  	s5 =	sadd.s32 s16, s26;
	s23 =	sadd.s32 $0x80, s22;
	[dreg:$0x1d] =	wrdreg s24  }
0x16: {  	s2 =	smul.u32 $0x500, s2;
	s5 =	sadd.s32 $0x80, s5;
	[dreg:$0x7] =	wrdreg s23  }
0x17: {  	s15 =	simm.s32 $0x13D80;
	s0 =	sadd.s32 $0x18800, s0;
	[dreg:$0x8] =	wrdreg s5  }
0x18: {  	s7 =	simm.s32 $0x2;
	s4 =	smax.u32 s4, $0x1;
	[smem:$0x7FB] =	sst s0  }
0x19: {  	s10 =	simm.s32 $0x4;
	s19 =	simm.s32 $0x1C580;
	[smem:$0x7FC] =	sst s4  }
0x1a: {  	s16 =	smul.u32 $0xA00, s12;
	s22 =	simm.s32 $0x1C700;
	[dreg:$0x10] =	wrdreg s19  }
0x1b: {  	s12 =	simm.s32 $0x13B80;
	s17 =	sadd.s32 s26, s8;
	[dreg:$0x13] =	wrdreg s22  }
0x1c: {  	s14 =	simm.s32 $0x13C80;
	s9 =	sadd.s32 s28, s3;
	[dreg:$0x1b] =	wrdreg s17  }
0x1d: {  	s18 =	sor.u32 $0x80, s8;
	s8 =	sadd.s32 s6, s8;
	[dreg:$0x1e] =	wrdreg s9  }
0x1e: {  	s11 =	simm.s32 $0x1C200;
	s2 =	sadd.s32 s2, s16;
	[dreg:$0x1f] =	wrdreg s8  }
0x1f: {  	s19 =	simm.s32 $0x6;
	s23 =	simm.s32 $0x1C780;
	[dreg:$0xa] =	wrdreg s11  }
0x20: {  	s24 =	simm.s32 $0x1C800;
	s28 =	simm.s32 $0x1C880;
	[smem:$0x7FD] =	sst s2  }
0x21: {  	s4 =	simm.s32 $0x13A00;
	s0 =	simm.s32 $0x3;
	[dreg:$0x14] =	wrdreg s23  }
0x22: {  	s22 =	simm.s32 $0x13E00;
	s16 =	simm.s32 $0x18100;
	[dreg:$0x15] =	wrdreg s24  }
0x23: {  	s20 =	sadd.s32 s26, s18;
	s9 =	smov.u32 s13;
	[dreg:$0x16] =	wrdreg s28  }
0x24: {  	s13 =	simm.s32 $0x1C280;
	s6 =	sadd.s32 s6, s18;
	[dreg:$0x1c] =	wrdreg s20  }
0x25: {  	s17 =	simm.s32 $0x1C400;
	s18 =	simm.s32 $0x1C480;
	[smem:$0x7FA] =	sst s6  }
0x26: {  	s23 =	simm.s32 $0x80;
	s2 =	simm.s32 $0x13A80;
	[dreg:$0xb] =	wrdreg s13  }
0x27: {  	s8 =	simm.s32 $0x13B00;
	s11 =	simm.s32 $0x5;
	[dreg:$0xe] =	wrdreg s17  }
0x28: {  	[dreg:$0xf] =	wrdreg s18;
	s20 =	simm.s32 $0x1C600;
	s17 =	simm.s32 $0x13900  }
0x29: {  	s13 =	simm.s32 $0x13C00;
	s18 =	simm.s32 $0x1;
	[dreg:$0x18] =	wrdreg s9  }
0x2a: {  	s6 =	simm.s32 $0x0;
	[dreg:$0x11] =	wrdreg s20;
	s20 =	simm.s32 $0x14100  }
.LBB2_1:
0x2b: {  	s5 =	rddreg [dreg:$0x19]  }
0x2c: {  	[smem:$0x7F9] =	sst s6;
	s5 =	sshrl.u32 s5, $0x3  }
0x2d: {  	[spmem:s5], [sflag:s29] =	dma.local [hbm:s9], $0x2720  }
0x2e: {  	_ =	swait.ge [sflag:s19], $0x2720  }
0x2f: {  	[sflag:s19] =	ssyncset.done $0x0  }
0x30: {  	[sflag:s19] =	ssyncadd.s32 $0xFFFFD8E0  }
0x31: {  	s9 =	rddreg [dreg:$0x2]  }
0x32: {  	[tilespmem:s20], [sflag:$0x6] =	stream.linear.gather [hbm4b:s9+s25], $0x4000, $0x38;
	[tilespmem:$0x1C900] =	vst v63  }
0x33: {  	_ =	swait.ge [sflag:s19], $0x4000  }
0x34: {  	[sflag:s19] =	ssyncset.done $0x0  }
0x35: {  	[sflag:s19] =	ssyncadd.s32 $0xFFFFC000  }
0x36: {  	[bflag:$0x0] =	sbarrier.arrive $0xFFFF  }
0x37: {  	s21 =	rddreg [dreg:$0x1b]  }
0x38: {  	[tilespmem:s17], [sflag:$0x6] =	stream.linear.gather [hbm4b:s21+s25], $0x400, $0x38;
	[tilespmem:$0x1C900] =	vst v63  }
.Ltmp0:
0x39: {  	_ = 	snop;
	(pc) =	sbr.rel .LBB2_2-.Ltmp0, $4  }
0x3a: {  	_ =	swait.ge [sflag:s19], $0x400  }
0x3b: {  	s28 =	simm.s32 $0x14080;
	[sflag:s19] =	ssyncset.done $0x0;
	s24 =	rddreg [dreg:$0x1c]  }
0x3c: {  	s9 =	simm.s32 $0x0;
	s6 =	sld [smem:$0x7FD];
	[sflag:s19] =	ssyncadd.s32 $0xFFFFFC00  }
0x3d: {  	[tilespmem:s31], [sflag:$0x3] =	stream.linear.gather [hbm4b:s24+s25], $0x400, $0x38;
	[tilespmem:$0x1C900] =	vst v63  }
.LBB2_3:
0x3e: {  	_ =	swait.ge [sflag:s0], $0x400  }
0x3f: {  	[sflag:s0] =	ssyncset.done $0x0  }
0x40: {  	[sflag:s0] =	ssyncadd.s32 $0xFFFFFC00  }
.LBB2_5:
0x41: {  	s17 =	sadd.s32 $0x180, s6  }
0x42: {  	s17 =	sand.u32 $0x1FFFFF80, s17  }
0x43: {  	s17 =	sadd.s32 s26, s17  }
0x44: {  	[tilespmem:s31], [sflag:$0x3] =	stream.linear.gather [hbm4b:s17+s25], $0x400, $0x38;
	[tilespmem:$0x1C900] =	vst v63  }
0x45: {  	s9 =	sadd.s32 $0x1, s9;
	s6 =	sadd.s32 $0x100, s6;
	s17 =	simm.s32 $0x13900  }
.LBB2_2:
0x46: {  	[spmem:s3] =	stream.indirect.scatter.add.f32 [tilespmem:s20], [sflag:$0x6], $0x80, s17, s23, $0xb8;
	[tilespmem:$0x1C900] =	vst v63  }
0x47: {  	_ =	swait.ge [sflag:s19], $0x4000  }
0x48: {  	[sflag:s19] =	ssyncset.done $0x0  }
0x49: {  	[sflag:s19] =	ssyncadd.s32 $0xFFFFC000  }
0x4a: {  	[spmem:s3] =	stream.indirect.scatter.add.f32 [tilespmem:s20], [sflag:$0x6], $0x80, s30, s23, $0xb8;
	[tilespmem:$0x1C900] =	vst v63  }
0x4b: {  	_ =	swait.ge [sflag:s19], $0x4000  }
0x4c: {  	[sflag:s19] =	ssyncset.done $0x0  }
0x4d: {  	[sflag:s19] =	ssyncadd.s32 $0xFFFFC000  }
0x4e: {  	[spmem:s3] =	stream.indirect.scatter.add.f32 [tilespmem:s20], [sflag:$0x6], $0x80, s4, s23, $0xb8;
	[tilespmem:$0x1C900] =	vst v63  }
0x4f: {  	_ =	swait.ge [sflag:s19], $0x4000  }
0x50: {  	[sflag:s19] =	ssyncset.done $0x0  }
0x51: {  	[sflag:s19] =	ssyncadd.s32 $0xFFFFC000  }
0x52: {  	[spmem:s3] =	stream.indirect.scatter.add.f32 [tilespmem:s20], [sflag:$0x6], $0x80, s2, s23, $0xb8;
	[tilespmem:$0x1C900] =	vst v63  }
0x53: {  	_ =	swait.ge [sflag:s19], $0x4000  }
0x54: {  	[sflag:s19] =	ssyncset.done $0x0  }
0x55: {  	[sflag:s19] =	ssyncadd.s32 $0xFFFFC000  }
0x56: {  	[spmem:s3] =	stream.indirect.scatter.add.f32 [tilespmem:s20], [sflag:$0x6], $0x80, s8, s23, $0xb8;
	[tilespmem:$0x1C900] =	vst v63  }
0x57: {  	_ =	swait.ge [sflag:s19], $0x4000  }
0x58: {  	[sflag:s19] =	ssyncset.done $0x0  }
0x59: {  	[sflag:s19] =	ssyncadd.s32 $0xFFFFC000  }
0x5a: {  	[spmem:s3] =	stream.indirect.scatter.add.f32 [tilespmem:s20], [sflag:$0x6], $0x80, s12, s23, $0xb8;
	[tilespmem:$0x1C900] =	vst v63  }
0x5b: {  	_ =	swait.ge [sflag:s19], $0x4000  }
0x5c: {  	[sflag:s19] =	ssyncset.done $0x0  }
0x5d: {  	[sflag:s19] =	ssyncadd.s32 $0xFFFFC000  }
0x5e: {  	[spmem:s3] =	stream.indirect.scatter.add.f32 [tilespmem:s20], [sflag:$0x6], $0x80, s13, s23, $0xb8;
	[tilespmem:$0x1C900] =	vst v63  }
0x5f: {  	_ =	swait.ge [sflag:s19], $0x4000  }
0x60: {  	[sflag:s19] =	ssyncset.done $0x0  }
0x61: {  	[sflag:s19] =	ssyncadd.s32 $0xFFFFC000  }
0x62: {  	[spmem:s3] =	stream.indirect.scatter.add.f32 [tilespmem:s20], [sflag:$0x6], $0x80, s14, s23, $0xb8;
	[tilespmem:$0x1C900] =	vst v63  }
0x63: {  	_ =	swait.ge [sflag:s19], $0x4000  }
0x64: {  	[sflag:s19] =	ssyncset.done $0x0  }
0x65: {  	p0 =	seq.s32 s9, $0x4;
	[sflag:s19] =	ssyncadd.s32 $0xFFFFC000  }
0x66: {  	s17 =	sadd.s32 @!p0 $0x100, s6;
	_ =	swait.ge [sflag:s0], $0x400  }
0x67: {  	s21 =	simm.s32 @!p0 $0x0;
	s17 =	sand.u32 @!p0 $0x1FFFFF00, s17;
	[sflag:s0] =	ssyncset.done $0x0  }
0x68: {  	s24 =	simm.s32 @!p0 $0x13900;
	s17 =	sadd.s32 @!p0 s26, s17;
	[sflag:s0] =	ssyncadd.s32 $0xFFFFFC00  }
0x69: {  	[tilespmem:s24], [sflag:$0x3] =	stream.linear.gather @!p0 [hbm4b:s17+s21], $0x400, $0x38;
	[tilespmem:$0x1C900] =	vst v63  }
0x6a: {  	_ = 	snop  }
0x6b: {  	[spmem:s3] =	stream.indirect.scatter.add.f32 [tilespmem:s20], [sflag:$0x6], $0x80, s31, s23, $0xb8;
	[tilespmem:$0x1C900] =	vst v63  }
0x6c: {  	_ =	swait.ge [sflag:s19], $0x4000  }
0x6d: {  	[sflag:s19] =	ssyncset.done $0x0  }
0x6e: {  	[sflag:s19] =	ssyncadd.s32 $0xFFFFC000  }
0x6f: {  	[spmem:s3] =	stream.indirect.scatter.add.f32 [tilespmem:s20], [sflag:$0x6], $0x80, s15, s23, $0xb8;
	[tilespmem:$0x1C900] =	vst v63  }
0x70: {  	_ =	swait.ge [sflag:s19], $0x4000  }
0x71: {  	[sflag:s19] =	ssyncset.done $0x0  }
0x72: {  	[sflag:s19] =	ssyncadd.s32 $0xFFFFC000  }
0x73: {  	[spmem:s3] =	stream.indirect.scatter.add.f32 [tilespmem:s20], [sflag:$0x6], $0x80, s22, s23, $0xb8;
	[tilespmem:$0x1C900] =	vst v63  }
0x74: {  	_ =	swait.ge [sflag:s19], $0x4000  }
0x75: {  	[sflag:s19] =	ssyncset.done $0x0  }
0x76: {  	s21 =	simm.s32 $0x13E80;
	[sflag:s19] =	ssyncadd.s32 $0xFFFFC000  }
0x77: {  	[spmem:s3] =	stream.indirect.scatter.add.f32 [tilespmem:s20], [sflag:$0x6], $0x80, s21, s23, $0xb8;
	[tilespmem:$0x1C900] =	vst v63  }
0x78: {  	_ =	swait.ge [sflag:s19], $0x4000  }
0x79: {  	[sflag:s19] =	ssyncset.done $0x0  }
0x7a: {  	s24 =	simm.s32 $0x13F00;
	[sflag:s19] =	ssyncadd.s32 $0xFFFFC000  }
0x7b: {  	[spmem:s3] =	stream.indirect.scatter.add.f32 [tilespmem:s20], [sflag:$0x6], $0x80, s24, s23, $0xb8;
	[tilespmem:$0x1C900] =	vst v63  }
0x7c: {  	_ =	swait.ge [sflag:s19], $0x4000  }
0x7d: {  	[sflag:s19] =	ssyncset.done $0x0  }
0x7e: {  	s21 =	simm.s32 $0x13F80;
	[sflag:s19] =	ssyncadd.s32 $0xFFFFC000  }
0x7f: {  	[spmem:s3] =	stream.indirect.scatter.add.f32 [tilespmem:s20], [sflag:$0x6], $0x80, s21, s23, $0xb8;
	[tilespmem:$0x1C900] =	vst v63  }
0x80: {  	_ =	swait.ge [sflag:s19], $0x4000  }
0x81: {  	[sflag:s19] =	ssyncset.done $0x0  }
0x82: {  	s24 =	simm.s32 $0x14000;
	[sflag:s19] =	ssyncadd.s32 $0xFFFFC000  }
0x83: {  	[spmem:s3] =	stream.indirect.scatter.add.f32 [tilespmem:s20], [sflag:$0x6], $0x80, s24, s23, $0xb8;
	[tilespmem:$0x1C900] =	vst v63  }
0x84: {  	_ =	swait.ge [sflag:s19], $0x4000  }
0x85: {  	p1 =	sgt.u32 s9, $0x3;
	[sflag:s19] =	ssyncset.done $0x0  }
.Ltmp1:
0x86: {  	[sflag:s19] =	ssyncadd.s32 $0xFFFFC000;
	(pc) =	sbr.rel @!p1 .LBB2_3-.Ltmp1, $4  }
0x87: {  	[spmem:s3] =	stream.indirect.scatter.add.f32 [tilespmem:s20], [sflag:$0x6], $0x80, s28, s23, $0xb8;
	[tilespmem:$0x1C900] =	vst v63  }
0x88: {  	_ =	swait.ge [sflag:s19], $0x4000  }
0x89: {  	[sflag:s19] =	ssyncset.done $0x0  }
0x8a: {  	[sflag:s19] =	ssyncadd.s32 $0xFFFFC000  }
.Ltmp2:
0x8b: {  	(pc) =	sbr.rel @!p0 .LBB2_5-.Ltmp2, $1  }
0x8c: {  	_ =	sdelay $0x3  }
0x8d: {  	[bflag:$0x0] =	sbarrier.arrive $0xFFFF  }
0x8e: {  	s6 =	rddreg [dreg:$0x1e]  }
0x8f: {  	s12 =	rddreg [dreg:$0x1d];
	s2 =	sshrl.u32 s6, $0x3  }
0x90: {  	[smem:$0x7F8] =	sst s2  }
0x91: {  	[hbm:s12], [sflag:s29] =	dma.local [spmem:s2], $0x2710  }
0x92: {  	_ =	swait.ge [sflag:s19], $0x2710  }
0x93: {  	[sflag:s19] =	ssyncset.done $0x0  }
0x94: {  	[sflag:s19] =	ssyncadd.s32 $0xFFFFD8F0  }
0x95: {  	[bflag:$0x0] =	sbarrier.arrive $0xFFFF  }
0x96: {  	s13 =	rddreg [dreg:$0x18]  }
0x97: {  	[spmem:s5], [sflag:s29] =	dma.local [hbm:s13], $0x2720  }
0x98: {  	_ =	swait.ge [sflag:s19], $0x2720  }
0x99: {  	[sflag:s19] =	ssyncset.done $0x0  }
0x9a: {  	[sflag:s19] =	ssyncadd.s32 $0xFFFFD8E0  }
0x9b: {  	[bflag:$0x0] =	sbarrier.arrive $0xFFFF  }
0x9c: {  	s9 =	simm.s32 $0x0;
	s15 =	simm.s32 $0x1C100;
	s14 =	rddreg [dreg:$0x1f]  }
0x9d: {  	[tilespmem:s15], [sflag:$0x6] =	stream.linear.gather [hbm4b:s14+s9], $0x400, $0x38;
	[tilespmem:$0x1C900] =	vst v63  }
0x9e: {  	_ =	swait.ge [sflag:s19], $0x400  }
0x9f: {  	[sflag:s19] =	ssyncset.done $0x0  }
0xa0: {  	s13 =	simm.s32 $0x13900;
	s17 =	rddreg [dreg:$0x1b];
	[sflag:s19] =	ssyncadd.s32 $0xFFFFFC00  }
0xa1: {  	[tilespmem:s13], [sflag:$0x6] =	stream.linear.gather [hbm4b:s17+s9], $0x400, $0x38;
	[tilespmem:$0x1C900] =	vst v63  }
0xa2: {  	_ =	swait.ge [sflag:s19], $0x400  }
0xa3: {  	s21 =	sld [smem:$0x7FA]  }
0xa4: {  	[sflag:s19] =	ssyncset.done $0x0  }
0xa5: {  	s8 =	simm.s32 $0x1C500;
	[sflag:s19] =	ssyncadd.s32 $0xFFFFFC00  }
0xa6: {  	[tilespmem:s8], [sflag:$0x3] =	stream.linear.gather [hbm4b:s21+s9], $0x400, $0x38;
	[tilespmem:$0x1C900] =	vst v63  }
0xa7: {  	s14 =	simm.s32 $0x13D00;
	s22 =	rddreg [dreg:$0x1c]  }
0xa8: {  	[tilespmem:s14], [sflag:$0x3] =	stream.linear.gather [hbm4b:s22+s9], $0x400, $0x38;
	[tilespmem:$0x1C900] =	vst v63  }
0xa9: {  	_ = 	snop  }
0xaa: {  	[tilespmem:s20], [sflag:$0x1] =	stream.indirect.gather [hbm4b:s1+s23], $0x80, s15, s23, $0xb8;
	[tilespmem:$0x1C900] =	vst v63  }
0xab: {  	_ =	swait.ge [sflag:s18], $0x4000  }
0xac: {  	p0 =	por $0x1, $0x1;
	[sflag:s18] =	ssyncset.done $0x0  }
0xad: {  	s5 =	simm.s32 @!p0 $0x5;
	[sflag:s18] =	ssyncadd.s32 $0xFFFFC000  }
0xae: {  	_ =	swait.ge @!p0 [sflag:s5], $0x4000  }
0xaf: {  	[sflag:s5] =	ssyncset.done @!p0 $0x0  }
0xb0: {  	s2 =	rddreg [dreg:$0x9];
	[sflag:s5] =	ssyncadd.s32 @!p0 $0xFFFFC000  }
0xb1: {  	[tilespmem:s16], [sflag:$0x2] =	stream.indirect.gather [hbm4b:s1+s23], $0x80, s2, s23, $0xb8;
	[tilespmem:$0x1C900] =	vst v63  }
0xb2: {  	_ = 	snop  }
0xb3: {  	[spmem:s3] =	stream.indirect.scatter.add.f32 [tilespmem:s20], [sflag:$0x4], $0x80, s13, s23, $0xb8;
	[tilespmem:$0x1C900] =	vst v63  }
0xb4: {  	_ =	swait.ge [sflag:s7], $0x4000  }
0xb5: {  	[sflag:s7] =	ssyncset.done $0x0  }
0xb6: {  	[sflag:s7] =	ssyncadd.s32 $0xFFFFC000  }
0xb7: {  	_ =	swait.ge [sflag:s10], $0x4000  }
0xb8: {  	[sflag:s10] =	ssyncset.done $0x0  }
0xb9: {  	s13 =	rddreg [dreg:$0xa];
	[sflag:s10] =	ssyncadd.s32 $0xFFFFC000  }
0xba: {  	[tilespmem:s20], [sflag:$0x1] =	stream.indirect.gather [hbm4b:s1+s23], $0x80, s13, s23, $0xb8;
	[tilespmem:$0x1C900] =	vst v63  }
0xbb: {  	s4 =	simm.s32 $0x13980  }
0xbc: {  	[spmem:s3] =	stream.indirect.scatter.add.f32 [tilespmem:s16], [sflag:$0x5], $0x80, s4, s23, $0xb8;
	[tilespmem:$0x1C900] =	vst v63  }
0xbd: {  	_ =	swait.ge [sflag:s18], $0x4000  }
0xbe: {  	[sflag:s18] =	ssyncset.done $0x0  }
0xbf: {  	p0 =	por $0x1, $0x1;
	[sflag:s18] =	ssyncadd.s32 $0xFFFFC000  }
0xc0: {  	s6 =	simm.s32 @!p0 $0x0;
	_ =	swait.ge [sflag:s11], $0x4000  }
0xc1: {  	s21 =	simm.s32 @!p0 $0x1C500;
	s5 =	rddreg [dreg:$0x7];
	[sflag:s11] =	ssyncset.done $0x0  }
0xc2: {  	s17 =	rddreg [dreg:$0x8];
	[sflag:s11] =	ssyncadd.s32 $0xFFFFC000;
	s5 =	sadd.s32 @!p0 $0x0, s5  }
0xc3: {  	[tilespmem:s21], [sflag:$0x3] =	stream.linear.gather @!p0 [hbm4b:s5+s6], $0x400, $0x38;
	[tilespmem:$0x1C900] =	vst v63  }
0xc4: {  	s17 =	sadd.s32 @!p0 $0x0, s17;
	s5 =	simm.s32 @!p0 $0x13D00  }
0xc5: {  	[tilespmem:s5], [sflag:$0x3] =	stream.linear.gather @!p0 [hbm4b:s17+s6], $0x400, $0x38;
	[tilespmem:$0x1C900] =	vst v63  }
0xc6: {  	s15 =	rddreg [dreg:$0xb]  }
0xc7: {  	[tilespmem:s16], [sflag:$0x2] =	stream.indirect.gather [hbm4b:s1+s23], $0x80, s15, s23, $0xb8;
	[tilespmem:$0x1C900] =	vst v63  }
0xc8: {  	s12 =	simm.s32 $0x13A00  }
0xc9: {  	[spmem:s3] =	stream.indirect.scatter.add.f32 [tilespmem:s20], [sflag:$0x4], $0x80, s12, s23, $0xb8;
	[tilespmem:$0x1C900] =	vst v63  }
0xca: {  	_ =	swait.ge [sflag:s7], $0x4000  }
0xcb: {  	[sflag:s7] =	ssyncset.done $0x0  }
0xcc: {  	[sflag:s7] =	ssyncadd.s32 $0xFFFFC000  }
0xcd: {  	_ =	swait.ge [sflag:s10], $0x4000  }
0xce: {  	[sflag:s10] =	ssyncset.done $0x0  }
0xcf: {  	s22 =	rddreg [dreg:$0xc];
	[sflag:s10] =	ssyncadd.s32 $0xFFFFC000  }
0xd0: {  	[tilespmem:s20], [sflag:$0x1] =	stream.indirect.gather [hbm4b:s1+s23], $0x80, s22, s23, $0xb8;
	[tilespmem:$0x1C900] =	vst v63  }
0xd1: {  	s24 =	simm.s32 $0x13A80  }
0xd2: {  	[spmem:s3] =	stream.indirect.scatter.add.f32 [tilespmem:s16], [sflag:$0x5], $0x80, s24, s23, $0xb8;
	[tilespmem:$0x1C900] =	vst v63  }
0xd3: {  	_ =	swait.ge [sflag:s18], $0x4000  }
0xd4: {  	[sflag:s18] =	ssyncset.done $0x0  }
0xd5: {  	[sflag:s18] =	ssyncadd.s32 $0xFFFFC000  }
0xd6: {  	_ =	swait.ge [sflag:s11], $0x4000  }
0xd7: {  	[sflag:s11] =	ssyncset.done $0x0  }
0xd8: {  	s2 =	rddreg [dreg:$0xd];
	[sflag:s11] =	ssyncadd.s32 $0xFFFFC000  }
0xd9: {  	[tilespmem:s16], [sflag:$0x2] =	stream.indirect.gather [hbm4b:s1+s23], $0x80, s2, s23, $0xb8;
	[tilespmem:$0x1C900] =	vst v63  }
0xda: {  	s25 =	simm.s32 $0x13B00  }
0xdb: {  	[spmem:s3] =	stream.indirect.scatter.add.f32 [tilespmem:s20], [sflag:$0x4], $0x80, s25, s23, $0xb8;
	[tilespmem:$0x1C900] =	vst v63  }
0xdc: {  	_ =	swait.ge [sflag:s7], $0x4000  }
0xdd: {  	[sflag:s7] =	ssyncset.done $0x0  }
0xde: {  	[sflag:s7] =	ssyncadd.s32 $0xFFFFC000  }
0xdf: {  	_ =	swait.ge [sflag:s10], $0x4000  }
0xe0: {  	[sflag:s10] =	ssyncset.done $0x0  }
0xe1: {  	s4 =	rddreg [dreg:$0xe];
	[sflag:s10] =	ssyncadd.s32 $0xFFFFC000  }
0xe2: {  	[tilespmem:s20], [sflag:$0x1] =	stream.indirect.gather [hbm4b:s1+s23], $0x80, s4, s23, $0xb8;
	[tilespmem:$0x1C900] =	vst v63  }
0xe3: {  	s26 =	simm.s32 $0x13B80  }
0xe4: {  	[spmem:s3] =	stream.indirect.scatter.add.f32 [tilespmem:s16], [sflag:$0x5], $0x80, s26, s23, $0xb8;
	[tilespmem:$0x1C900] =	vst v63  }
0xe5: {  	_ =	swait.ge [sflag:s18], $0x4000  }
0xe6: {  	[sflag:s18] =	ssyncset.done $0x0  }
0xe7: {  	[sflag:s18] =	ssyncadd.s32 $0xFFFFC000  }
0xe8: {  	_ =	swait.ge [sflag:s11], $0x4000  }
0xe9: {  	[sflag:s11] =	ssyncset.done $0x0  }
0xea: {  	s6 =	rddreg [dreg:$0xf];
	[sflag:s11] =	ssyncadd.s32 $0xFFFFC000  }
0xeb: {  	[tilespmem:s16], [sflag:$0x2] =	stream.indirect.gather [hbm4b:s1+s23], $0x80, s6, s23, $0xb8;
	[tilespmem:$0x1C900] =	vst v63  }
0xec: {  	s28 =	simm.s32 $0x13C00  }
0xed: {  	[spmem:s3] =	stream.indirect.scatter.add.f32 [tilespmem:s20], [sflag:$0x4], $0x80, s28, s23, $0xb8;
	[tilespmem:$0x1C900] =	vst v63  }
0xee: {  	_ =	swait.ge [sflag:s7], $0x4000  }
0xef: {  	[sflag:s7] =	ssyncset.done $0x0  }
0xf0: {  	[sflag:s7] =	ssyncadd.s32 $0xFFFFC000  }
0xf1: {  	_ =	swait.ge [sflag:s10], $0x4000  }
0xf2: {  	[sflag:s10] =	ssyncset.done $0x0  }
0xf3: {  	[sflag:s10] =	ssyncadd.s32 $0xFFFFC000  }
0xf4: {  	_ =	swait.ge [sflag:s0], $0x400  }
0xf5: {  	[sflag:s0] =	ssyncset.done $0x0  }
0xf6: {  	[sflag:s0] =	ssyncadd.s32 $0xFFFFFC00  }
0xf7: {  	_ =	swait.ge [sflag:s0], $0x400  }
0xf8: {  	[sflag:s0] =	ssyncset.done $0x0  }
0xf9: {  	[sflag:s0] =	ssyncadd.s32 $0xFFFFFC00  }
0xfa: {  	[tilespmem:s20], [sflag:$0x1] =	stream.indirect.gather [hbm4b:s1+s23], $0x80, s8, s23, $0xb8;
	[tilespmem:$0x1C900] =	vst v63  }
0xfb: {  	s29 =	simm.s32 $0x13C80  }
0xfc: {  	[spmem:s3] =	stream.indirect.scatter.add.f32 [tilespmem:s16], [sflag:$0x5], $0x80, s29, s23, $0xb8;
	[tilespmem:$0x1C900] =	vst v63  }
0xfd: {  	_ =	swait.ge [sflag:s18], $0x4000  }
0xfe: {  	[sflag:s18] =	ssyncset.done $0x0  }
0xff: {  	[sflag:s18] =	ssyncadd.s32 $0xFFFFC000  }
0x100: {  	_ =	swait.ge [sflag:s11], $0x4000  }
0x101: {  	[sflag:s11] =	ssyncset.done $0x0  }
0x102: {  	s12 =	rddreg [dreg:$0x10];
	[sflag:s11] =	ssyncadd.s32 $0xFFFFC000  }
0x103: {  	[tilespmem:s16], [sflag:$0x2] =	stream.indirect.gather [hbm4b:s1+s23], $0x80, s12, s23, $0xb8;
	[tilespmem:$0x1C900] =	vst v63  }
0x104: {  	_ = 	snop  }
0x105: {  	[spmem:s3] =	stream.indirect.scatter.add.f32 [tilespmem:s20], [sflag:$0x4], $0x80, s14, s23, $0xb8;
	[tilespmem:$0x1C900] =	vst v63  }
0x106: {  	_ =	swait.ge [sflag:s7], $0x4000  }
0x107: {  	[sflag:s7] =	ssyncset.done $0x0  }
0x108: {  	[sflag:s7] =	ssyncadd.s32 $0xFFFFC000  }
0x109: {  	_ =	swait.ge [sflag:s10], $0x4000  }
0x10a: {  	[sflag:s10] =	ssyncset.done $0x0  }
0x10b: {  	s14 =	rddreg [dreg:$0x11];
	[sflag:s10] =	ssyncadd.s32 $0xFFFFC000  }
0x10c: {  	[tilespmem:s20], [sflag:$0x1] =	stream.indirect.gather [hbm4b:s1+s23], $0x80, s14, s23, $0xb8;
	[tilespmem:$0x1C900] =	vst v63  }
0x10d: {  	s30 =	simm.s32 $0x13D80  }
0x10e: {  	[spmem:s3] =	stream.indirect.scatter.add.f32 [tilespmem:s16], [sflag:$0x5], $0x80, s30, s23, $0xb8;
	[tilespmem:$0x1C900] =	vst v63  }
0x10f: {  	_ =	swait.ge [sflag:s18], $0x4000  }
0x110: {  	[sflag:s18] =	ssyncset.done $0x0  }
0x111: {  	p1 =	por $0x0, $0x0;
	[sflag:s18] =	ssyncadd.s32 $0xFFFFC000  }
0x112: {  	s21 =	simm.s32 @!p1 $0x1C100;
	_ =	swait.ge [sflag:s11], $0x4000  }
0x113: {  	s17 =	simm.s32 @!p1 $0x0;
	s5 =	rddreg [dreg:$0x5];
	[sflag:s11] =	ssyncset.done $0x0  }
0x114: {  	s6 =	rddreg [dreg:$0x6];
	[sflag:s11] =	ssyncadd.s32 $0xFFFFC000;
	s5 =	sadd.s32 @!p1 $0x0, s5  }
0x115: {  	[tilespmem:s21], [sflag:$0x3] =	stream.linear.gather @!p1 [hbm4b:s5+s17], $0x400, $0x38;
	[tilespmem:$0x1C900] =	vst v63  }
0x116: {  	s5 =	sadd.s32 @!p1 $0x0, s6;
	s6 =	simm.s32 @!p1 $0x13900  }
0x117: {  	[tilespmem:s6], [sflag:$0x3] =	stream.linear.gather @!p1 [hbm4b:s5+s17], $0x400, $0x38;
	[tilespmem:$0x1C900] =	vst v63  }
0x118: {  	s15 =	rddreg [dreg:$0x12]  }
0x119: {  	[tilespmem:s16], [sflag:$0x2] =	stream.indirect.gather [hbm4b:s1+s23], $0x80, s15, s23, $0xb8;
	[tilespmem:$0x1C900] =	vst v63  }
0x11a: {  	s31 =	simm.s32 $0x13E00  }
0x11b: {  	[spmem:s3] =	stream.indirect.scatter.add.f32 [tilespmem:s20], [sflag:$0x4], $0x80, s31, s23, $0xb8;
	[tilespmem:$0x1C900] =	vst v63  }
0x11c: {  	_ =	swait.ge [sflag:s7], $0x4000  }
0x11d: {  	[sflag:s7] =	ssyncset.done $0x0  }
0x11e: {  	[sflag:s7] =	ssyncadd.s32 $0xFFFFC000  }
0x11f: {  	_ =	swait.ge [sflag:s10], $0x4000  }
0x120: {  	[sflag:s10] =	ssyncset.done $0x0  }
0x121: {  	s25 =	rddreg [dreg:$0x13];
	[sflag:s10] =	ssyncadd.s32 $0xFFFFC000  }
0x122: {  	[tilespmem:s20], [sflag:$0x1] =	stream.indirect.gather [hbm4b:s1+s23], $0x80, s25, s23, $0xb8;
	[tilespmem:$0x1C900] =	vst v63  }
0x123: {  	s31 =	simm.s32 $0x13E80  }
0x124: {  	[spmem:s3] =	stream.indirect.scatter.add.f32 [tilespmem:s16], [sflag:$0x5], $0x80, s31, s23, $0xb8;
	[tilespmem:$0x1C900] =	vst v63  }
0x125: {  	_ =	swait.ge [sflag:s18], $0x4000  }
0x126: {  	[sflag:s18] =	ssyncset.done $0x0  }
0x127: {  	[sflag:s18] =	ssyncadd.s32 $0xFFFFC000  }
0x128: {  	_ =	swait.ge [sflag:s11], $0x4000  }
0x129: {  	[sflag:s11] =	ssyncset.done $0x0  }
0x12a: {  	s26 =	rddreg [dreg:$0x14];
	[sflag:s11] =	ssyncadd.s32 $0xFFFFC000  }
0x12b: {  	[tilespmem:s16], [sflag:$0x2] =	stream.indirect.gather [hbm4b:s1+s23], $0x80, s26, s23, $0xb8;
	[tilespmem:$0x1C900] =	vst v63  }
0x12c: {  	s2 =	simm.s32 $0x13F00  }
0x12d: {  	[spmem:s3] =	stream.indirect.scatter.add.f32 [tilespmem:s20], [sflag:$0x4], $0x80, s2, s23, $0xb8;
	[tilespmem:$0x1C900] =	vst v63  }
0x12e: {  	_ =	swait.ge [sflag:s7], $0x4000  }
0x12f: {  	[sflag:s7] =	ssyncset.done $0x0  }
0x130: {  	[sflag:s7] =	ssyncadd.s32 $0xFFFFC000  }
0x131: {  	_ =	swait.ge [sflag:s10], $0x4000  }
0x132: {  	[sflag:s10] =	ssyncset.done $0x0  }
0x133: {  	s28 =	rddreg [dreg:$0x15];
	[sflag:s10] =	ssyncadd.s32 $0xFFFFC000  }
0x134: {  	[tilespmem:s20], [sflag:$0x1] =	stream.indirect.gather [hbm4b:s1+s23], $0x80, s28, s23, $0xb8;
	[tilespmem:$0x1C900] =	vst v63  }
0x135: {  	s30 =	simm.s32 $0x13F80  }
0x136: {  	[spmem:s3] =	stream.indirect.scatter.add.f32 [tilespmem:s16], [sflag:$0x5], $0x80, s30, s23, $0xb8;
	[tilespmem:$0x1C900] =	vst v63  }
0x137: {  	_ =	swait.ge [sflag:s18], $0x4000  }
0x138: {  	[sflag:s18] =	ssyncset.done $0x0  }
0x139: {  	[sflag:s18] =	ssyncadd.s32 $0xFFFFC000  }
0x13a: {  	_ =	swait.ge [sflag:s11], $0x4000  }
0x13b: {  	[sflag:s11] =	ssyncset.done $0x0  }
0x13c: {  	s29 =	rddreg [dreg:$0x16];
	[sflag:s11] =	ssyncadd.s32 $0xFFFFC000  }
0x13d: {  	[tilespmem:s16], [sflag:$0x2] =	stream.indirect.gather [hbm4b:s1+s23], $0x80, s29, s23, $0xb8;
	[tilespmem:$0x1C900] =	vst v63  }
0x13e: {  	s8 =	simm.s32 $0x14000  }
0x13f: {  	[spmem:s3] =	stream.indirect.scatter.add.f32 [tilespmem:s20], [sflag:$0x4], $0x80, s8, s23, $0xb8;
	[tilespmem:$0x1C900] =	vst v63  }
0x140: {  	_ =	swait.ge [sflag:s7], $0x4000  }
0x141: {  	[sflag:s7] =	ssyncset.done $0x0  }
0x142: {  	[sflag:s7] =	ssyncadd.s32 $0xFFFFC000  }
0x143: {  	_ =	swait.ge [sflag:s10], $0x4000  }
0x144: {  	[sflag:s10] =	ssyncset.done $0x0  }
0x145: {  	s17 =	simm.s32 @!p1 $0x3;
	[sflag:s10] =	ssyncadd.s32 $0xFFFFC000  }
0x146: {  	s13 =	simm.s32 $0x13C80;
	s22 =	simm.s32 $0x13D00;
	_ =	swait.ge @!p1 [sflag:s17], $0x400  }
0x147: {  	s24 =	simm.s32 @!p1 $0x80;
	s4 =	simm.s32 $0x13C00;
	[sflag:s17] =	ssyncset.done @!p1 $0x0  }
0x148: {  	s12 =	simm.s32 $0x14080;
	s14 =	simm.s32 $0x13D80;
	[sflag:s17] =	ssyncadd.s32 @!p1 $0xFFFFFC00  }
0x149: {  	s5 =	simm.s32 $0x100;
	s6 =	simm.s32 $0x0;
	_ =	swait.ge @!p1 [sflag:s17], $0x400  }
0x14a: {  	s15 =	simm.s32 $0x13E00;
	s25 =	simm.s32 @!p1 $0x14100;
	[sflag:s17] =	ssyncset.done @!p1 $0x0  }
.LBB2_7:
0x14b: {  	[sflag:s17] =	ssyncadd.s32 @!p1 $0xFFFFFC00  }
0x14c: {  	[tilespmem:s25], [sflag:$0x1] =	stream.indirect.gather @!p1 [hbm4b:s1+s24], $0x80, s21, s24, $0xb8;
	[tilespmem:$0x1C900] =	vst v63  }
0x14d: {  	_ = 	snop  }
0x14e: {  	[spmem:s3] =	stream.indirect.scatter.add.f32 [tilespmem:s16], [sflag:$0x5], $0x80, s12, s23, $0xb8;
	[tilespmem:$0x1C900] =	vst v63  }
0x14f: {  	s17 =	smov.u32 s5;
	_ =	swait.ge [sflag:s18], $0x4000  }
0x150: {  	p1 =	seq.s32 s17, $0x0;
	[sflag:s18] =	ssyncset.done $0x0  }
0x151: {  	s21 =	simm.s32 @!p1 $0x5;
	[sflag:s18] =	ssyncadd.s32 $0xFFFFC000  }
0x152: {  	_ =	swait.ge @!p1 [sflag:s21], $0x4000  }
0x153: {  	[sflag:s21] =	ssyncset.done @!p1 $0x0  }
0x154: {  	s28 =	rddreg [dreg:$0x9];
	[sflag:s21] =	ssyncadd.s32 @!p1 $0xFFFFC000  }
0x155: {  	[tilespmem:s16], [sflag:$0x2] =	stream.indirect.gather [hbm4b:s1+s23], $0x80, s28, s23, $0xb8;
	[tilespmem:$0x1C900] =	vst v63  }
0x156: {  	s29 =	simm.s32 $0x13900  }
0x157: {  	[spmem:s3] =	stream.indirect.scatter.add.f32 [tilespmem:s20], [sflag:$0x4], $0x80, s29, s23, $0xb8;
	[tilespmem:$0x1C900] =	vst v63  }
0x158: {  	_ =	swait.ge [sflag:s7], $0x4000  }
0x159: {  	[sflag:s7] =	ssyncset.done $0x0  }
0x15a: {  	[sflag:s7] =	ssyncadd.s32 $0xFFFFC000  }
0x15b: {  	_ =	swait.ge [sflag:s10], $0x4000  }
0x15c: {  	[sflag:s10] =	ssyncset.done $0x0  }
0x15d: {  	s24 =	rddreg [dreg:$0xa];
	[sflag:s10] =	ssyncadd.s32 $0xFFFFC000  }
0x15e: {  	[tilespmem:s20], [sflag:$0x1] =	stream.indirect.gather [hbm4b:s1+s23], $0x80, s24, s23, $0xb8;
	[tilespmem:$0x1C900] =	vst v63  }
0x15f: {  	s25 =	simm.s32 $0x13980  }
0x160: {  	[spmem:s3] =	stream.indirect.scatter.add.f32 [tilespmem:s16], [sflag:$0x5], $0x80, s25, s23, $0xb8;
	[tilespmem:$0x1C900] =	vst v63  }
0x161: {  	_ =	swait.ge [sflag:s18], $0x4000  }
0x162: {  	[sflag:s18] =	ssyncset.done $0x0  }
0x163: {  	p1 =	sgt.u32 s6, $0x7;
	[sflag:s18] =	ssyncadd.s32 $0xFFFFC000  }
0x164: {  	s24 =	simm.s32 @!p1 $0x0;
	_ =	swait.ge [sflag:s11], $0x4000  }
0x165: {  	s25 =	simm.s32 @!p1 $0x1C500;
	s21 =	rddreg [dreg:$0x7];
	[sflag:s11] =	ssyncset.done $0x0  }
0x166: {  	s26 =	rddreg [dreg:$0x8];
	[sflag:s11] =	ssyncadd.s32 $0xFFFFC000;
	s21 =	sadd.s32 @!p1 s17, s21  }
0x167: {  	[tilespmem:s25], [sflag:$0x3] =	stream.linear.gather @!p1 [hbm4b:s21+s24], $0x400, $0x38;
	[tilespmem:$0x1C900] =	vst v63  }
0x168: {  	s28 =	simm.s32 @!p1 $0x13D00;
	s21 =	sadd.s32 @!p1 s17, s26  }
0x169: {  	[tilespmem:s28], [sflag:$0x3] =	stream.linear.gather @!p1 [hbm4b:s21+s24], $0x400, $0x38;
	[tilespmem:$0x1C900] =	vst v63  }
0x16a: {  	s29 =	rddreg [dreg:$0xb]  }
0x16b: {  	[tilespmem:s16], [sflag:$0x2] =	stream.indirect.gather [hbm4b:s1+s23], $0x80, s29, s23, $0xb8;
	[tilespmem:$0x1C900] =	vst v63  }
0x16c: {  	s26 =	simm.s32 $0x13A00  }
0x16d: {  	[spmem:s3] =	stream.indirect.scatter.add.f32 [tilespmem:s20], [sflag:$0x4], $0x80, s26, s23, $0xb8;
	[tilespmem:$0x1C900] =	vst v63  }
0x16e: {  	_ =	swait.ge [sflag:s7], $0x4000  }
0x16f: {  	[sflag:s7] =	ssyncset.done $0x0  }
0x170: {  	[sflag:s7] =	ssyncadd.s32 $0xFFFFC000  }
0x171: {  	_ =	swait.ge [sflag:s10], $0x4000  }
0x172: {  	[sflag:s10] =	ssyncset.done $0x0  }
0x173: {  	s28 =	rddreg [dreg:$0xc];
	[sflag:s10] =	ssyncadd.s32 $0xFFFFC000  }
0x174: {  	[tilespmem:s20], [sflag:$0x1] =	stream.indirect.gather [hbm4b:s1+s23], $0x80, s28, s23, $0xb8;
	[tilespmem:$0x1C900] =	vst v63  }
0x175: {  	s29 =	simm.s32 $0x13A80  }
0x176: {  	[spmem:s3] =	stream.indirect.scatter.add.f32 [tilespmem:s16], [sflag:$0x5], $0x80, s29, s23, $0xb8;
	[tilespmem:$0x1C900] =	vst v63  }
0x177: {  	_ =	swait.ge [sflag:s18], $0x4000  }
0x178: {  	[sflag:s18] =	ssyncset.done $0x0  }
0x179: {  	[sflag:s18] =	ssyncadd.s32 $0xFFFFC000  }
0x17a: {  	_ =	swait.ge [sflag:s11], $0x4000  }
0x17b: {  	[sflag:s11] =	ssyncset.done $0x0  }
0x17c: {  	s25 =	rddreg [dreg:$0xd];
	[sflag:s11] =	ssyncadd.s32 $0xFFFFC000  }
0x17d: {  	[tilespmem:s16], [sflag:$0x2] =	stream.indirect.gather [hbm4b:s1+s23], $0x80, s25, s23, $0xb8;
	[tilespmem:$0x1C900] =	vst v63  }
0x17e: {  	s26 =	simm.s32 $0x13B00  }
0x17f: {  	[spmem:s3] =	stream.indirect.scatter.add.f32 [tilespmem:s20], [sflag:$0x4], $0x80, s26, s23, $0xb8;
	[tilespmem:$0x1C900] =	vst v63  }
0x180: {  	_ =	swait.ge [sflag:s7], $0x4000  }
0x181: {  	[sflag:s7] =	ssyncset.done $0x0  }
0x182: {  	[sflag:s7] =	ssyncadd.s32 $0xFFFFC000  }
0x183: {  	_ =	swait.ge [sflag:s10], $0x4000  }
0x184: {  	[sflag:s10] =	ssyncset.done $0x0  }
0x185: {  	s28 =	rddreg [dreg:$0xe];
	[sflag:s10] =	ssyncadd.s32 $0xFFFFC000  }
0x186: {  	[tilespmem:s20], [sflag:$0x1] =	stream.indirect.gather [hbm4b:s1+s23], $0x80, s28, s23, $0xb8;
	[tilespmem:$0x1C900] =	vst v63  }
0x187: {  	s29 =	simm.s32 $0x13B80  }
0x188: {  	[spmem:s3] =	stream.indirect.scatter.add.f32 [tilespmem:s16], [sflag:$0x5], $0x80, s29, s23, $0xb8;
	[tilespmem:$0x1C900] =	vst v63  }
0x189: {  	_ =	swait.ge [sflag:s18], $0x4000  }
0x18a: {  	[sflag:s18] =	ssyncset.done $0x0  }
0x18b: {  	[sflag:s18] =	ssyncadd.s32 $0xFFFFC000  }
0x18c: {  	_ =	swait.ge [sflag:s11], $0x4000  }
0x18d: {  	[sflag:s11] =	ssyncset.done $0x0  }
0x18e: {  	s25 =	rddreg [dreg:$0xf];
	[sflag:s11] =	ssyncadd.s32 $0xFFFFC000  }
0x18f: {  	[tilespmem:s16], [sflag:$0x2] =	stream.indirect.gather [hbm4b:s1+s23], $0x80, s25, s23, $0xb8;
	[tilespmem:$0x1C900] =	vst v63  }
0x190: {  	_ = 	snop  }
0x191: {  	[spmem:s3] =	stream.indirect.scatter.add.f32 [tilespmem:s20], [sflag:$0x4], $0x80, s4, s23, $0xb8;
	[tilespmem:$0x1C900] =	vst v63  }
0x192: {  	_ =	swait.ge [sflag:s7], $0x4000  }
0x193: {  	[sflag:s7] =	ssyncset.done $0x0  }
0x194: {  	[sflag:s7] =	ssyncadd.s32 $0xFFFFC000  }
0x195: {  	_ =	swait.ge [sflag:s10], $0x4000  }
0x196: {  	[sflag:s10] =	ssyncset.done $0x0  }
0x197: {  	[sflag:s10] =	ssyncadd.s32 $0xFFFFC000  }
0x198: {  	_ =	swait.ge [sflag:s0], $0x400  }
0x199: {  	[sflag:s0] =	ssyncset.done $0x0  }
0x19a: {  	[sflag:s0] =	ssyncadd.s32 $0xFFFFFC00  }
0x19b: {  	_ =	swait.ge [sflag:s0], $0x400  }
0x19c: {  	[sflag:s0] =	ssyncset.done $0x0  }
0x19d: {  	s24 =	simm.s32 $0x1C500;
	[sflag:s0] =	ssyncadd.s32 $0xFFFFFC00  }
0x19e: {  	[tilespmem:s20], [sflag:$0x1] =	stream.indirect.gather [hbm4b:s1+s23], $0x80, s24, s23, $0xb8;
	[tilespmem:$0x1C900] =	vst v63  }
0x19f: {  	_ = 	snop  }
0x1a0: {  	[spmem:s3] =	stream.indirect.scatter.add.f32 [tilespmem:s16], [sflag:$0x5], $0x80, s13, s23, $0xb8;
	[tilespmem:$0x1C900] =	vst v63  }
0x1a1: {  	_ =	swait.ge [sflag:s18], $0x4000  }
0x1a2: {  	[sflag:s18] =	ssyncset.done $0x0  }
0x1a3: {  	[sflag:s18] =	ssyncadd.s32 $0xFFFFC000  }
0x1a4: {  	_ =	swait.ge [sflag:s11], $0x4000  }
0x1a5: {  	[sflag:s11] =	ssyncset.done $0x0  }
0x1a6: {  	s26 =	rddreg [dreg:$0x10];
	[sflag:s11] =	ssyncadd.s32 $0xFFFFC000  }
0x1a7: {  	[tilespmem:s16], [sflag:$0x2] =	stream.indirect.gather [hbm4b:s1+s23], $0x80, s26, s23, $0xb8;
	[tilespmem:$0x1C900] =	vst v63  }
0x1a8: {  	_ = 	snop  }
0x1a9: {  	[spmem:s3] =	stream.indirect.scatter.add.f32 [tilespmem:s20], [sflag:$0x4], $0x80, s22, s23, $0xb8;
	[tilespmem:$0x1C900] =	vst v63  }
0x1aa: {  	_ =	swait.ge [sflag:s7], $0x4000  }
0x1ab: {  	[sflag:s7] =	ssyncset.done $0x0  }
0x1ac: {  	[sflag:s7] =	ssyncadd.s32 $0xFFFFC000  }
0x1ad: {  	_ =	swait.ge [sflag:s10], $0x4000  }
0x1ae: {  	[sflag:s10] =	ssyncset.done $0x0  }
0x1af: {  	s28 =	rddreg [dreg:$0x11];
	[sflag:s10] =	ssyncadd.s32 $0xFFFFC000  }
0x1b0: {  	[tilespmem:s20], [sflag:$0x1] =	stream.indirect.gather [hbm4b:s1+s23], $0x80, s28, s23, $0xb8;
	[tilespmem:$0x1C900] =	vst v63  }
0x1b1: {  	_ = 	snop  }
0x1b2: {  	[spmem:s3] =	stream.indirect.scatter.add.f32 [tilespmem:s16], [sflag:$0x5], $0x80, s14, s23, $0xb8;
	[tilespmem:$0x1C900] =	vst v63  }
0x1b3: {  	_ =	swait.ge [sflag:s18], $0x4000  }
0x1b4: {  	[sflag:s18] =	ssyncset.done $0x0  }
0x1b5: {  	[sflag:s18] =	ssyncadd.s32 $0xFFFFC000  }
0x1b6: {  	s9 =	sadd.s32 $0x1, s9;
	_ =	swait.ge [sflag:s11], $0x4000  }
0x1b7: {  	p1 =	sgt.u32 s9, $0x3;
	s21 =	rddreg [dreg:$0x5]  }
0x1b8: {  	s26 =	simm.s32 @!p1 $0x0;
	[sflag:s11] =	ssyncset.done $0x0;
	s24 =	rddreg [dreg:$0x6]  }
0x1b9: {  	[sflag:s11] =	ssyncadd.s32 $0xFFFFC000;
	s25 =	sadd.s32 @!p1 s17, s21;
	s21 =	simm.s32 @!p1 $0x1C100  }
0x1ba: {  	[tilespmem:s21], [sflag:$0x3] =	stream.linear.gather @!p1 [hbm4b:s25+s26], $0x400, $0x38;
	[tilespmem:$0x1C900] =	vst v63  }
0x1bb: {  	s17 =	sadd.s32 @!p1 s17, s24;
	s24 =	simm.s32 @!p1 $0x13900  }
0x1bc: {  	[tilespmem:s24], [sflag:$0x3] =	stream.linear.gather @!p1 [hbm4b:s17+s26], $0x400, $0x38;
	[tilespmem:$0x1C900] =	vst v63  }
0x1bd: {  	s29 =	rddreg [dreg:$0x12]  }
0x1be: {  	[tilespmem:s16], [sflag:$0x2] =	stream.indirect.gather [hbm4b:s1+s23], $0x80, s29, s23, $0xb8;
	[tilespmem:$0x1C900] =	vst v63  }
0x1bf: {  	_ = 	snop  }
0x1c0: {  	[spmem:s3] =	stream.indirect.scatter.add.f32 [tilespmem:s20], [sflag:$0x4], $0x80, s15, s23, $0xb8;
	[tilespmem:$0x1C900] =	vst v63  }
0x1c1: {  	_ =	swait.ge [sflag:s7], $0x4000  }
0x1c2: {  	[sflag:s7] =	ssyncset.done $0x0  }
0x1c3: {  	[sflag:s7] =	ssyncadd.s32 $0xFFFFC000  }
0x1c4: {  	_ =	swait.ge [sflag:s10], $0x4000  }
0x1c5: {  	[sflag:s10] =	ssyncset.done $0x0  }
0x1c6: {  	s25 =	rddreg [dreg:$0x13];
	[sflag:s10] =	ssyncadd.s32 $0xFFFFC000  }
0x1c7: {  	[tilespmem:s20], [sflag:$0x1] =	stream.indirect.gather [hbm4b:s1+s23], $0x80, s25, s23, $0xb8;
	[tilespmem:$0x1C900] =	vst v63  }
0x1c8: {  	_ = 	snop  }
0x1c9: {  	[spmem:s3] =	stream.indirect.scatter.add.f32 [tilespmem:s16], [sflag:$0x5], $0x80, s31, s23, $0xb8;
	[tilespmem:$0x1C900] =	vst v63  }
0x1ca: {  	_ =	swait.ge [sflag:s18], $0x4000  }
0x1cb: {  	[sflag:s18] =	ssyncset.done $0x0  }
0x1cc: {  	[sflag:s18] =	ssyncadd.s32 $0xFFFFC000  }
0x1cd: {  	_ =	swait.ge [sflag:s11], $0x4000  }
0x1ce: {  	[sflag:s11] =	ssyncset.done $0x0  }
0x1cf: {  	s26 =	rddreg [dreg:$0x14];
	[sflag:s11] =	ssyncadd.s32 $0xFFFFC000  }
0x1d0: {  	[tilespmem:s16], [sflag:$0x2] =	stream.indirect.gather [hbm4b:s1+s23], $0x80, s26, s23, $0xb8;
	[tilespmem:$0x1C900] =	vst v63  }
0x1d1: {  	_ = 	snop  }
0x1d2: {  	[spmem:s3] =	stream.indirect.scatter.add.f32 [tilespmem:s20], [sflag:$0x4], $0x80, s2, s23, $0xb8;
	[tilespmem:$0x1C900] =	vst v63  }
0x1d3: {  	_ =	swait.ge [sflag:s7], $0x4000  }
0x1d4: {  	[sflag:s7] =	ssyncset.done $0x0  }
0x1d5: {  	[sflag:s7] =	ssyncadd.s32 $0xFFFFC000  }
0x1d6: {  	_ =	swait.ge [sflag:s10], $0x4000  }
0x1d7: {  	[sflag:s10] =	ssyncset.done $0x0  }
0x1d8: {  	s28 =	rddreg [dreg:$0x15];
	[sflag:s10] =	ssyncadd.s32 $0xFFFFC000  }
0x1d9: {  	[tilespmem:s20], [sflag:$0x1] =	stream.indirect.gather [hbm4b:s1+s23], $0x80, s28, s23, $0xb8;
	[tilespmem:$0x1C900] =	vst v63  }
0x1da: {  	_ = 	snop  }
0x1db: {  	[spmem:s3] =	stream.indirect.scatter.add.f32 [tilespmem:s16], [sflag:$0x5], $0x80, s30, s23, $0xb8;
	[tilespmem:$0x1C900] =	vst v63  }
0x1dc: {  	_ =	swait.ge [sflag:s18], $0x4000  }
0x1dd: {  	[sflag:s18] =	ssyncset.done $0x0  }
0x1de: {  	[sflag:s18] =	ssyncadd.s32 $0xFFFFC000  }
0x1df: {  	_ =	swait.ge [sflag:s11], $0x4000  }
0x1e0: {  	[sflag:s11] =	ssyncset.done $0x0  }
0x1e1: {  	s29 =	rddreg [dreg:$0x16];
	[sflag:s11] =	ssyncadd.s32 $0xFFFFC000  }
0x1e2: {  	[tilespmem:s16], [sflag:$0x2] =	stream.indirect.gather [hbm4b:s1+s23], $0x80, s29, s23, $0xb8;
	[tilespmem:$0x1C900] =	vst v63  }
0x1e3: {  	_ = 	snop  }
0x1e4: {  	[spmem:s3] =	stream.indirect.scatter.add.f32 [tilespmem:s20], [sflag:$0x4], $0x80, s8, s23, $0xb8;
	[tilespmem:$0x1C900] =	vst v63  }
0x1e5: {  	_ =	swait.ge [sflag:s7], $0x4000  }
0x1e6: {  	[sflag:s7] =	ssyncset.done $0x0  }
0x1e7: {  	[sflag:s7] =	ssyncadd.s32 $0xFFFFC000  }
0x1e8: {  	_ =	swait.ge [sflag:s10], $0x4000  }
0x1e9: {  	s5 =	sadd.s32 $0x100, s5;
	[sflag:s10] =	ssyncset.done $0x0  }
0x1ea: {  	p0 =	sne.s32 s5, $0x500;
	s17 =	simm.s32 @!p1 $0x3;
	[sflag:s10] =	ssyncadd.s32 $0xFFFFC000  }
.Ltmp3:
0x1eb: {  	_ =	swait.ge @!p1 [sflag:s17], $0x400;
	(pc) =	sbr.rel @p0 .LBB2_7-.Ltmp3, $4  }
0x1ec: {  	[sflag:s17] =	ssyncset.done @!p1 $0x0  }
0x1ed: {  	[sflag:s17] =	ssyncadd.s32 @!p1 $0xFFFFFC00  }
0x1ee: {  	s6 =	sadd.s32 $0x2, s6;
	_ =	swait.ge @!p1 [sflag:s17], $0x400  }
0x1ef: {  	s24 =	simm.s32 @!p1 $0x80;
	s25 =	simm.s32 @!p1 $0x14100;
	[sflag:s17] =	ssyncset.done @!p1 $0x0  }
0x1f0: {  	[sflag:s17] =	ssyncadd.s32 @!p1 $0xFFFFFC00  }
0x1f1: {  	[tilespmem:s25], [sflag:$0x1] =	stream.indirect.gather @!p1 [hbm4b:s1+s24], $0x80, s21, s24, $0xb8;
	[tilespmem:$0x1C900] =	vst v63  }
0x1f2: {  	_ = 	snop  }
0x1f3: {  	[spmem:s3] =	stream.indirect.scatter.add.f32 [tilespmem:s16], [sflag:$0x5], $0x80, s12, s23, $0xb8;
	[tilespmem:$0x1C900] =	vst v63  }
0x1f4: {  	_ =	swait.ge [sflag:s11], $0x4000  }
0x1f5: {  	[sflag:s11] =	ssyncset.done $0x0  }
0x1f6: {  	[sflag:s11] =	ssyncadd.s32 $0xFFFFC000  }
0x1f7: {  	[bflag:$0x0] =	sbarrier.arrive $0xFFFF  }
0x1f8: {  	s5 =	sld [smem:$0x7FB]  }
0x1f9: {  	s2 =	sld [smem:$0x7F8];
	_ =	sdelay $0x1  }
0x1fa: {  	s29 =	rddreg [dreg:$0x1a]  }
0x1fb: {  	[hbm:s5], [sflag:s29] =	dma.local [spmem:s2], $0x2710  }
0x1fc: {  	_ =	swait.ge [sflag:s19], $0x2710  }
0x1fd: {  	s6 =	sld [smem:$0x7F9]  }
0x1fe: {  	s28 =	sld [smem:$0x7FC];
	_ =	sdelay $0x1  }
0x1ff: {  	s6 =	sadd.s32 $0x1, s6  }
0x200: {  	s17 =	simm.s32 $0x13900;
	s30 =	simm.s32 $0x13980;
	p0 =	sne.s32 s6, s28  }
.Ltmp4:
0x201: {  	s4 =	simm.s32 $0x13A00;
	s8 =	simm.s32 $0x13B00;
	(pc) =	sbr.rel @p0 .LBB2_1-.Ltmp4, $4  }
0x202: {  	s13 =	simm.s32 $0x13C00;
	s14 =	simm.s32 $0x13C80;
	s15 =	simm.s32 $0x13D80  }
0x203: {  	s22 =	simm.s32 $0x13E00;
	s31 =	simm.s32 $0x13D00;
	s25 =	simm.s32 $0x0  }
0x204: {  	s12 =	simm.s32 $0x13B80;
	[sflag:s19] =	ssyncset.done $0x0;
	s26 =	rddreg [dreg:$0x17]  }
0x205: {  	s2 =	simm.s32 $0x13A80;
	s9 =	rddreg [dreg:$0x18];
	[sflag:s19] =	ssyncadd.s32 $0xFFFFD8F0  }
0x206: {  	_ =	sfence.sel $0x180000  }
0x207: {  	[bflag:$0x0] =	sbarrier.arrive $0xFFFF  }
0x208: {  	_ =	strace $0x90000047  }
0x209: {  	s0 =	stileid.u32;
	[bflag:$0x2] =	sbarrier.arrive $0xFFFF  }
0x20a: {  	p0 =	sne.s32 s0, $0x0;
	s0 =	rddreg [dreg:$0x4]  }
0x20b: {  	s0 =	sadd.s32 @!p0 $0x100000, s0  }
0x20c: {  	[sflag:s0] =	ssyncadd.tile.s32 @!p0 $0x1;
	_ =	shalt  }
.Lfunc_end2:
_tile_overlayer_lowered:
.L_overlay_start_2:
0x20d: {  	(tag) =	ssettag $0x2  }
0x20e: {  	s0 =	rddreg [dreg:$0x0];
	s2 =	stileid.u32  }
0x20f: {  	s1 =	rddreg [dreg:$0x1];
	p0 =	sne.s32 s2, $0x0  }
0x210: {  	s3 =	rddreg [dreg:$0x2];
	[bflag:$0x3] =	sbarrier.arrive $0xFFFF;
	s2 =	simm.s32 @!p0 $0x1C06  }
0x211: {  	[timem:s3], [sflag:s2] =	dma.local @!p0 [hbm:s0], s1  }
0x212: {  	s0 =	simm.s32 @!p0 $0x6  }
0x213: {  	_ =	swait.ge @!p0 [sflag:s0], s1  }
0x214: {  	s1 =	ssub.s32 @!p0 $0x0, s1;
	[sflag:s0] =	ssyncset.done @!p0 $0x0  }
0x215: {  	[sflag:s0] =	ssyncadd.s32 @!p0 s1  }
0x216: {  	[bflag:$0x3] =	sbarrier.arrive $0xFFFF  }
0x217: {  	_ =	shalt  }

// kernel: kernel.9.cloned.1.call-start
scs
__scs_entry_jumppad:
0x0: {  	(pc) =	sbr.rel $0x88, $3  }
0x1: {  	(tag) =	ssettag $0x0;
	lr =	simm.s32 $0x1  }
0x2: {  	[smem:$0x3F99] =	sst lr;
	_ =	strace $0xD0000000  }
0x3: {  	_ = 	snop  }
0x4: {  	_ = 	snop  }
0x5: {  	_ = 	snop  }
0x6: {  	_ = 	snop  }
0x7: {  	_ = 	snop  }
__scs_overlays_trampoline_lowered:
0x8: {  	[smem:$0x3FA8] =	sst s0  }
0x9: {  	[smem:$0x3FA9] =	sst s1  }
0xa: {  	[smem:$0x3FAA] =	sst s2  }
0xb: {  	[smem:$0x3FAB] =	sst s3  }
0xc: {  	[smem:$0x3FAC] =	sst s4  }
0xd: {  	[smem:$0x3FAD] =	sst s5  }
0xe: {  	[smem:$0x3FAE] =	sst s6  }
0xf: {  	[smem:$0x3FAF] =	sst s7  }
0x10: {  	[smem:$0x3FB0] =	sst s8  }
0x11: {  	[smem:$0x3FB1] =	sst s9;
	s0 =	simm.s32 @!p0 $0x0  }
0x12: {  	s1 =	sld [smem:$0x3F97];
	s0 =	simm.s32 @p0 $0x1  }
0x13: {  	[smem:$0x3FB2] =	sst s0;
	s0 =	simm.s32 @!p1 $0x0  }
0x14: {  	s2 =	sld [smem:$0x3F96];
	s0 =	simm.s32 @p1 $0x1  }
0x15: {  	[smem:$0x3FB3] =	sst s0;
	s0 =	simm.s32 @!p2 $0x0  }
0x16: {  	s3 =	sld [smem:$0x3FDB];
	s0 =	simm.s32 @p2 $0x1  }
0x17: {  	s4 =	simm.s32 $0x1BF5;
	[smem:$0x3FB5] =	sst s0  }
0x18: {  	s0 =	sld [smem:$0x3F98];
	_ =	swait.ge [sflag:s4], $0x0  }
0x19: {  	s7 =	sld [smem:$0x3F99]  }
0x1a: {  	s8 =	sadd.s32 $0xFFFFE003, lr  }
0x1b: {  	s9 =	sadd.s32 $0xFFFFFEF7, lr;
	s5 =	simm.s32 $0xFFFFFFFF;
	p2 =	slt.u32 s8, $0xFFFFF086  }
0x1c: {  	p1 =	slt.u32 s9, $0xF7A;
	s5 =	simm.s32 @!p2 $0x0  }
0x1d: {  	s5 =	simm.s32 @p1 $0x1;
	p0 =	seq.s32 s7, s2  }
0x1e: {  	s7 =	smul.u32 @!p0 $0xF7A, s2;
	p2 =	seq.s32 @!p0 s5, $0x0  }
0x1f: {  	s9 =	smul.u32 $0xF7A, s1;
	s8 =	simm.s32 @!p0 $0x1BF5;
	p2 =	por !p2, p0  }
0x20: {  	[sflag:s8] =	ssyncset.s32 @!p0 $0xFFFFF086;
	s6 =	sadd.s32 @!p0 s3, s7;
	s7 =	simm.s32 @!p0 $0x108  }
0x21: {  	s3 =	sadd.s32 s3, s9;
	s6 =	sadd.s32 @!p0 $0x88, s6;
	s7 =	simm.s32 @p2 $0x1082  }
0x22: {  	[simem:s7], [sflag:s8] =	dma.local @!p0 [hbm:s6], $0xF7A  }
0x23: {  	s9 =	sor.u32 $0xD0000000, s2;
	s6 =	simm.s32 $0x108;
	_ =	swait.ge @!p0 [sflag:s8], $0x0  }
0x24: {  	s3 =	sadd.s32 $0x88, s3;
	s6 =	simm.s32 @!p1 $0x1082;
	[sflag:s4] =	ssyncset.s32 $0xFFFFF086  }
0x25: {  	[simem:s6], [sflag:s4] =	dma.local [hbm:s3], $0xF7A  }
0x26: {  	[smem:$0x3F99] =	sst s1;
	(tag) =	ssettag s2;
	_ =	strace s9  }
0x27: {  	s1 =	sld [smem:$0x3FA9]  }
0x28: {  	s2 =	sld [smem:$0x3FAA]  }
0x29: {  	s4 =	sld [smem:$0x3FAC]  }
0x2a: {  	p0 =	seq.s32 s5, $0x0;
	s5 =	sld [smem:$0x3FAD]  }
0x2b: {  	s6 =	sld [smem:$0x3FAE]  }
0x2c: {  	s7 =	sld [smem:$0x3FAF]  }
0x2d: {  	s3 =	simm.s32 $0x108;
	s8 =	sld [smem:$0x3FB0]  }
0x2e: {  	s3 =	simm.s32 @!p0 $0x1082;
	s9 =	sld [smem:$0x3FB1]  }
0x2f: {  	lr =	sadd.s32 s0, s3;
	s0 =	sld [smem:$0x3FA8]  }
0x30: {  	s3 =	sld [smem:$0x3FAB]  }
0x31: {  	[smem:$0x3FB4] =	sst s10  }
0x32: {  	s10 =	sld [smem:$0x3FB2];
	_ =	sdelay $0x3  }
0x33: {  	p0 =	seq.s32 s10, $0x1;
	s10 =	sld [smem:$0x3FB4];
	_ =	sdelay $0x3  }
0x34: {  	[smem:$0x3FB4] =	sst s10  }
0x35: {  	s10 =	sld [smem:$0x3FB3];
	_ =	sdelay $0x3  }
0x36: {  	p1 =	seq.s32 s10, $0x1;
	s10 =	sld [smem:$0x3FB4];
	_ =	sdelay $0x3  }
0x37: {  	[smem:$0x3FB4] =	sst s10  }
0x38: {  	s10 =	sld [smem:$0x3FB5]  }
0x39: {  	_ = 	snop;
	(pc) =	sbr.ind lr, $3  }
0x3a: {  	_ = 	snop  }
0x3b: {  	_ = 	snop  }
0x3c: {  	p2 =	seq.s32 s10, $0x1;
	s10 =	sld [smem:$0x3FB4]  }
0x3d: {  	_ =	shalt  }
0x3e: {  	_ =	shalt  }
0x3f: {  	_ =	shalt  }
0x40: {  	_ =	shalt  }
0x41: {  	_ =	shalt  }
0x42: {  	_ =	shalt  }
0x43: {  	_ =	shalt  }
0x44: {  	_ =	shalt  }
0x45: {  	_ =	shalt  }
0x46: {  	_ =	shalt  }
0x47: {  	_ =	shalt  }
0x48: {  	_ =	shalt  }
0x49: {  	_ =	shalt  }
0x4a: {  	_ =	shalt  }
0x4b: {  	_ =	shalt  }
0x4c: {  	_ =	shalt  }
0x4d: {  	_ =	shalt  }
0x4e: {  	_ =	shalt  }
0x4f: {  	_ =	shalt  }
0x50: {  	_ =	shalt  }
0x51: {  	_ =	shalt  }
0x52: {  	_ =	shalt  }
0x53: {  	_ =	shalt  }
0x54: {  	_ =	shalt  }
0x55: {  	_ =	shalt  }
0x56: {  	_ =	shalt  }
0x57: {  	_ =	shalt  }
0x58: {  	_ =	shalt  }
0x59: {  	_ =	shalt  }
0x5a: {  	_ =	shalt  }
0x5b: {  	_ =	shalt  }
0x5c: {  	_ =	shalt  }
0x5d: {  	_ =	shalt  }
0x5e: {  	_ =	shalt  }
0x5f: {  	_ =	shalt  }
0x60: {  	_ =	shalt  }
0x61: {  	_ =	shalt  }
0x62: {  	_ =	shalt  }
0x63: {  	_ =	shalt  }
0x64: {  	_ =	shalt  }
0x65: {  	_ =	shalt  }
0x66: {  	_ =	shalt  }
0x67: {  	_ =	shalt  }
0x68: {  	_ =	shalt  }
0x69: {  	_ =	shalt  }
0x6a: {  	_ =	shalt  }
0x6b: {  	_ =	shalt  }
0x6c: {  	_ =	shalt  }
0x6d: {  	_ =	shalt  }
0x6e: {  	_ =	shalt  }
0x6f: {  	_ =	shalt  }
0x70: {  	_ =	shalt  }
0x71: {  	_ =	shalt  }
0x72: {  	_ =	shalt  }
0x73: {  	_ =	shalt  }
0x74: {  	_ =	shalt  }
0x75: {  	_ =	shalt  }
0x76: {  	_ =	shalt  }
0x77: {  	_ =	shalt  }
0x78: {  	_ =	shalt  }
0x79: {  	_ =	shalt  }
0x7a: {  	_ =	shalt  }
0x7b: {  	_ =	shalt  }
0x7c: {  	_ =	shalt  }
0x7d: {  	_ =	shalt  }
0x7e: {  	_ =	shalt  }
0x7f: {  	_ =	shalt  }
0x80: {  	_ =	shalt  }
0x81: {  	_ =	shalt  }
0x82: {  	_ =	shalt  }
0x83: {  	_ =	shalt  }
0x84: {  	_ =	shalt  }
0x85: {  	_ =	shalt  }
0x86: {  	_ =	shalt  }
0x87: {  	_ =	shalt  }
.Lfunc_end0:
.L_simem_size_0:
called_computation.1_lowered:
.L_overlay_start_0:
0x88: {  	s2 =	sld [smem:$0x3FD9]  }
0x89: {  	s3 =	sld [smem:$0x3FFE];
	_ =	sdelay $0x1  }
0x8a: {  	s1 =	srdreg.scid  }
0x8b: {  	s0 =	sand.u32 $0x1, s1  }
0x8c: {  	s17 =	sshll.u32 s0, $0xA;
	s2 =	sadd.s32 s3, s2  }
0x8d: {  	s2 =	sadd.s32 s2, s17  }
0x8e: {  	[smem:$0x3FC0] =	sst s2  }
0x8f: {  	_ = 	snop  }
0x90: {  	s2 =	sld [smem:$0x3FD0];
	(tm) =	ssettm $0x1  }
0x91: {  	s18 =	sld [smem:$0x3FFB];
	_ =	sdelay $0x3  }
0x92: {  	_ =	strace s18  }
0x93: {  	s3 =	sld [smem:$0x3FFC];
	_ =	sdelay $0x3  }
0x94: {  	_ =	strace s3  }
0x95: {  	s3 =	sld [smem:$0x3FFD];
	_ =	sdelay $0x3  }
0x96: {  	_ =	strace s3  }
0x97: {  	_ =	strace $0x8FFFFFFF  }
0x98: {  	s19 =	sld [smem:$0x3FDB];
	_ =	sdelay $0x1  }
0x99: {  	s4 =	simm.s32 $_scs_section_size  }
0x9a: {  	s5 =	simm.s32 $_size__tile_overlayer_lowered;
	s6 =	simm.s32 $_tile_overlayer_lowered  }
0x9b: {  	s22 =	simm.s32 $0x1BFF;
	s21 =	sshll.u32 s6, $0x1;
	s3 =	sadd.s32 s4, s19  }
0x9c: {  	s7 =	simm.s32 $0x0;
	s20 =	sshll.u32 s5, $0x1;
	s5 =	sadd.s32 s21, s3  }
0x9d: {  	[timem:s7], [sflag:s22] =	dma.local [hbm:s5], s20  }
0x9e: {  	_ =	swait.ge [sflag:s22], s20  }
0x9f: {  	s4 =	ssub.s32 $0x0, s20;
	[sflag:s22] =	ssyncset.done $0x0  }
0xa0: {  	[sflag:s22] =	ssyncadd.s32 s4;
	_ =	sdelay $0x1  }
0xa1: {  	s23 =	simm.s32 $0x1B8B  }
0xa2: {  	_ =	swait.ge [sflag:s23], $0x1  }
0xa3: {  	[sflag:s23] =	ssyncset.done $0x0  }
0xa4: {  	s25 =	simm.s32 $0x1B8E;
	s24 =	sld [smem:$0x3FFE];
	[sflag:s23] =	ssyncadd.s32 $0xFFFFFFFF  }
0xa5: {  	s26 =	simm.s32 $execute0_lowered;
	[smem:$0x3FD2] =	sst s25  }
0xa6: {  	s5 =	sshll.u32 s26, $0x1;
	_ =	strace $0x80000049;
	[dreg:$0x1] =	wrdreg $0xFFFFFFFF  }
0xa7: {  	s28 =	simm.s32 $_size_execute0_lowered;
	s3 =	sadd.s32 s3, s5;
	[dreg:$0x0] =	wrdreg $0x0  }
0xa8: {  	s5 =	sshll.u32 s28, $0x1;
	[dreg:$0x2] =	wrdreg s3  }
0xa9: {  	[dreg:$0x3] =	wrdreg s5  }
0xaa: {  	[dreg:$0x4] =	wrdreg $0xC0  }
0xab: {  	_ =	task [dreg:s7], $0x5FFFF  }
0xac: {  	[dreg:$0x1] =	wrdreg $0xFFFFFFFF  }
0xad: {  	[dreg:$0x0] =	wrdreg $0x60  }
0xae: {  	[dreg:$0x2] =	wrdreg s2  }
0xaf: {  	[dreg:$0x3] =	wrdreg s24  }
0xb0: {  	[dreg:$0x4] =	wrdreg $0x0  }
0xb1: {  	[dreg:$0x5] =	wrdreg $0x9  }
0xb2: {  	_ =	task.clear_ibuf [dreg:s7], $0x6FFFF;
	_ =	strace $0x90000049  }
0xb3: {  	s29 =	simm.s32 $0x9;
	_ =	strace $0x8000004B  }
0xb4: {  	_ =	swait.ge [sflag:s29], $0x1  }
0xb5: {  	[sflag:s29] =	ssyncadd.s32 $0xFFFFFFFF  }
0xb6: {  	_ =	strace $0x9000004B  }
0xb7: {  	_ =	sfence  }
0xb8: {  	s30 =	sld [smem:$0x0];
	_ =	sdelay $0x2  }
0xb9: {  	s31 =	sshll.u32 s1, $0xD;
	s1 =	sshrl.u32 s1, $0x2  }
0xba: {  	s3 =	sand.u32 $0x4000, s31;
	s1 =	sadd.s32 s1, s30  }
0xbb: {  	s0 =	sor.u32 s3, s0;
	s1 =	sshll.u32 s1, $0x11  }
0xbc: {  	s0 =	sor.u32 s1, s0  }
0xbd: {  	s0 =	sadd.s32 $0x8F2B, s0  }
0xbe: {  	[sflag:s0] =	ssyncadd.remote.s32 $0x1  }
0xbf: {  	_ =	sfence.sel $0xFFFF  }
0xc0: {  	[dreg:$0x0] =	wrdreg $0xFFFFFFFF;
	(pc) =	sbr.abs _section_cstart, $3  }
0xc1: {  	[dreg:$0x1] =	wrdreg $0xFFFFFFFF  }
0xc2: {  	_ =	task.clear_ibuf [dreg:s7], $0x2FFFF;
	_ =	strace $0x9FFFFFFF  }
0xc3: {  	(tm) =	ssettm $0x7FFFFFFF  }
tec
execute0_lowered:
.L_overlay_start_1:
0x0: {  	(tag) =	ssettag $0x1  }
0x1: {  	s0 =	rddreg [dreg:$0x0]  }
0x2: {  	s1 =	rddreg [dreg:$0x1];
	s2 =	srdreg.scid  }
0x3: {  	s3 =	rddreg [dreg:$0x2];
	s12 =	stileid.u32;
	s4 =	simm.s32 $0x0  }
0x4: {  	s14 =	simm.s32 $0x1C200;
	s15 =	simm.s32 $0x13980;
	s17 =	simm.s32 $0x1C280  }
0x5: {  	s18 =	simm.s32 $0x13A00;
	[smem:$0x7FF] =	sst s4;
	s22 =	sadd.s32 $0x16000, s1  }
0x6: {  	s20 =	simm.s32 $0x1C300;
	_ =	strace $0x8000004A;
	[smem:$0x7F5] =	sst s22  }
0x7: {  	s21 =	simm.s32 $0x13A80;
	s28 =	simm.s32 $0x3;
	[dreg:$0x9] =	wrdreg s14  }
0x8: {  	s29 =	simm.s32 $0x14080;
	s30 =	simm.s32 $0x0;
	[dreg:$0xa] =	wrdreg s15  }
0x9: {  	s2 =	sand.u32 $0x1, s2;
	s6 =	smul.u32 $0x14, s12;
	[dreg:$0xb] =	wrdreg s17  }
0xa: {  	s8 =	smul.u32 $0x13C00, s12;
	s9 =	sadd.s32 $0x2000, s1;
	[dreg:$0xc] =	wrdreg s18  }
0xb: {  	s10 =	sadd.s32 $0xC000, s1;
	s13 =	smul.u32 $0x4E400, s12;
	[dreg:$0xd] =	wrdreg s20  }
0xc: {  	s19 =	sshll.u32 s12, $0x6;
	[dreg:$0xe] =	wrdreg s21;
	s22 =	simm.s32 $0x1C380  }
0xd: {  	s5 =	smul.u32 $0x13C000, s2;
	s14 =	simm.s32 $0x1C580;
	[dreg:$0xf] =	wrdreg s22  }
0xe: {  	s7 =	smul.u32 $0xA, s2;
	s17 =	simm.s32 $0x13D80;
	[dreg:$0x16] =	wrdreg s14  }
0xf: {  	s23 =	ssub.s32 $0x2, s2;
	s18 =	simm.s32 $0x1C680;
	[dreg:$0x18] =	wrdreg s17  }
0x10: {  	s20 =	simm.s32 $0x1C700;
	s21 =	simm.s32 $0x13E80;
	[dreg:$0x19] =	wrdreg s18  }
0x11: {  	s25 =	sshrl.u32 s23, $0x1;
	s16 =	sshrl.u32 s13, $0x2;
	[dreg:$0x1b] =	wrdreg s20  }
0x12: {  	s13 =	simm.s32 $0x13C80;
	s14 =	simm.s32 $0x6;
	[dreg:$0x1c] =	wrdreg s21  }
0x13: {  	s22 =	simm.s32 $0x1C780;
	s17 =	simm.s32 $0x1C500;
	s18 =	simm.s32 $0x13D00  }
0x14: {  	s20 =	simm.s32 $0x14100;
	s21 =	simm.s32 $0x1;
	s6 =	sadd.s32 s7, s6  }
0x15: {  	s7 =	sadd.s32 s16, s3;
	[dreg:$0x15] =	wrdreg s13;
	s6 =	sshll.u32 s6, $0x7  }
0x16: {  	s16 =	simm.s32 $0x1C600;
	[dreg:$0x1d] =	wrdreg s22;
	s24 =	sadd.s32 $0x100, s6  }
0x17: {  	s5 =	sadd.s32 s8, s5;
	[dreg:$0x17] =	wrdreg s16;
	s11 =	sadd.s32 s24, s9  }
0x18: {  	s26 =	sadd.s32 s6, s9;
	s8 =	sadd.s32 s24, s10;
	[dreg:$0x4] =	wrdreg s11  }
0x19: {  	s6 =	sadd.s32 s6, s10;
	s31 =	sadd.s32 $0x80, s26;
	[dreg:$0x5] =	wrdreg s8  }
0x1a: {  	s22 =	simm.s32 $0x18100;
	s6 =	sadd.s32 $0x80, s6;
	[dreg:$0x6] =	wrdreg s31  }
0x1b: {  	s5 =	sshrl.u32 s5, $0x3;
	s24 =	simm.s32 $0x13B00;
	[dreg:$0x7] =	wrdreg s6  }
0x1c: {  	s1 =	sadd.s32 s5, s1;
	s26 =	simm.s32 $0x1C400;
	[dreg:$0x10] =	wrdreg s24  }
0x1d: {  	s13 =	sshrl.u32 s7, $0x3;
	s1 =	sadd.s32 $0x66A00, s1;
	[dreg:$0x11] =	wrdreg s26  }
0x1e: {  	s16 =	simm.s32 $0x13900;
	s11 =	simm.s32 $0x1C180;
	[smem:$0x7FA] =	sst s1  }
0x1f: {  	s5 =	ssub.s32 s23, s25;
	s31 =	simm.s32 $0x13B80;
	[dreg:$0x8] =	wrdreg s11  }
0x20: {  	s6 =	sor.u32 $0x1C06, s19;
	s19 =	simm.s32 $0x13E00;
	[dreg:$0x12] =	wrdreg s31  }
0x21: {  	s8 =	sshll.u32 s12, $0x1;
	s24 =	simm.s32 $0x1C800;
	[dreg:$0x1a] =	wrdreg s19  }
0x22: {  	s26 =	simm.s32 $0x1C880;
	s2 =	sor.u32 s2, s8;
	[dreg:$0x1f] =	wrdreg s24  }
0x23: {  	s11 =	simm.s32 $0x13C00;
	[smem:$0x7FC] =	sst s26;
	s2 =	smul.u32 $0x500, s2  }
0x24: {  	s12 =	smul.u32 $0x4E200, s12;
	s31 =	simm.s32 $0x14000;
	[dreg:$0x14] =	wrdreg s11  }
0x25: {  	s19 =	simm.s32 $0x80;
	[smem:$0x7FD] =	sst s31;
	s23 =	sadd.s32 s9, s2  }
0x26: {  	s25 =	sadd.s32 s10, s2;
	s2 =	sor.u32 $0x80, s2;
	[smem:$0x7F6] =	sst s23  }
0x27: {  	s24 =	simm.s32 $0x4;
	[smem:$0x7F7] =	sst s25;
	s9 =	sadd.s32 s9, s2  }
0x28: {  	s26 =	simm.s32 $0x5;
	s2 =	sadd.s32 s10, s2;
	[smem:$0x7F8] =	sst s9  }
0x29: {  	s15 =	sshrl.u32 s12, $0x2;
	s23 =	simm.s32 $0x13F00;
	[smem:$0x7F9] =	sst s2  }
0x2a: {  	s12 =	smax.u32 s5, $0x1;
	s25 =	simm.s32 $0x13F80;
	[dreg:$0x1e] =	wrdreg s23  }
0x2b: {  	s9 =	simm.s32 $0x1C480;
	s2 =	sadd.s32 s15, s3;
	[smem:$0x7FB] =	sst s25  }
0x2c: {  	s23 =	simm.s32 $0x2;
	[dreg:$0x13] =	wrdreg s9;
	s25 =	sshrl.u32 s2, $0x3  }
.LBB2_1:
0x2d: {  	s1 =	sld [smem:$0x7F5];
	_ =	sdelay $0x2  }
0x2e: {  	[spmem:s13], [sflag:s6] =	dma.local [hbm:s1], $0x2720  }
0x2f: {  	_ =	swait.ge [sflag:s14], $0x2720  }
0x30: {  	[sflag:s14] =	ssyncset.done $0x0  }
0x31: {  	[sflag:s14] =	ssyncadd.s32 $0xFFFFD8E0  }
0x32: {  	[bflag:$0x0] =	sbarrier.arrive $0xFFFF  }
0x33: {  	s11 =	sld [smem:$0x7F6];
	_ =	sdelay $0x1  }
0x34: {  	s2 =	simm.s32 $0x1C100  }
0x35: {  	[tilespmem:s2], [sflag:$0x6] =	stream.linear.gather [hbm4b:s11+s4], $0x400, $0x38;
	[tilespmem:$0x1C900] =	vst v63  }
0x36: {  	_ =	swait.ge [sflag:s14], $0x400  }
0x37: {  	s15 =	sld [smem:$0x7F7]  }
0x38: {  	[sflag:s14] =	ssyncset.done $0x0  }
0x39: {  	[sflag:s14] =	ssyncadd.s32 $0xFFFFFC00  }
0x3a: {  	[tilespmem:s16], [sflag:$0x6] =	stream.linear.gather [hbm4b:s15+s4], $0x400, $0x38;
	[tilespmem:$0x1C900] =	vst v63  }
0x3b: {  	_ =	swait.ge [sflag:s14], $0x400  }
0x3c: {  	s5 =	sld [smem:$0x7F8]  }
0x3d: {  	[sflag:s14] =	ssyncset.done $0x0  }
0x3e: {  	s7 =	sld [smem:$0x7F9];
	[sflag:s14] =	ssyncadd.s32 $0xFFFFFC00  }
0x3f: {  	[tilespmem:s17], [sflag:$0x3] =	stream.linear.gather [hbm4b:s5+s4], $0x400, $0x38;
	[tilespmem:$0x1C900] =	vst v63  }
0x40: {  	_ = 	snop  }
0x41: {  	[tilespmem:s18], [sflag:$0x3] =	stream.linear.gather [hbm4b:s7+s4], $0x400, $0x38;
	[tilespmem:$0x1C900] =	vst v63  }
0x42: {  	_ = 	snop  }
0x43: {  	[tilespmem:s20], [sflag:$0x1] =	stream.indirect.gather [hbm4b:s0+s19], $0x80, s2, s19, $0xb8;
	[tilespmem:$0x1C900] =	vst v63  }
0x44: {  	_ =	swait.ge [sflag:s21], $0x4000  }
0x45: {  	p0 =	por $0x1, $0x1;
	[sflag:s21] =	ssyncset.done $0x0  }
0x46: {  	s1 =	simm.s32 @!p0 $0x5;
	[sflag:s21] =	ssyncadd.s32 $0xFFFFC000  }
0x47: {  	_ =	swait.ge @!p0 [sflag:s1], $0x4000  }
0x48: {  	[sflag:s1] =	ssyncset.done @!p0 $0x0  }
0x49: {  	s8 =	rddreg [dreg:$0x8];
	[sflag:s1] =	ssyncadd.s32 @!p0 $0xFFFFC000  }
0x4a: {  	[tilespmem:s22], [sflag:$0x2] =	stream.indirect.gather [hbm4b:s0+s19], $0x80, s8, s19, $0xb8;
	[tilespmem:$0x1C900] =	vst v63  }
0x4b: {  	_ = 	snop  }
0x4c: {  	[spmem:s3] =	stream.indirect.scatter.add.f32 [tilespmem:s20], [sflag:$0x4], $0x80, s16, s19, $0xb8;
	[tilespmem:$0x1C900] =	vst v63  }
0x4d: {  	_ =	swait.ge [sflag:s23], $0x4000  }
0x4e: {  	[sflag:s23] =	ssyncset.done $0x0  }
0x4f: {  	[sflag:s23] =	ssyncadd.s32 $0xFFFFC000  }
0x50: {  	_ =	swait.ge [sflag:s24], $0x4000  }
0x51: {  	[sflag:s24] =	ssyncset.done $0x0  }
0x52: {  	s9 =	rddreg [dreg:$0x9];
	[sflag:s24] =	ssyncadd.s32 $0xFFFFC000  }
0x53: {  	[tilespmem:s20], [sflag:$0x1] =	stream.indirect.gather [hbm4b:s0+s19], $0x80, s9, s19, $0xb8;
	[tilespmem:$0x1C900] =	vst v63  }
0x54: {  	s10 =	rddreg [dreg:$0xa]  }
0x55: {  	[spmem:s3] =	stream.indirect.scatter.add.f32 [tilespmem:s22], [sflag:$0x5], $0x80, s10, s19, $0xb8;
	[tilespmem:$0x1C900] =	vst v63  }
0x56: {  	_ =	swait.ge [sflag:s21], $0x4000  }
0x57: {  	[sflag:s21] =	ssyncset.done $0x0  }
0x58: {  	p0 =	por $0x1, $0x1;
	[sflag:s21] =	ssyncadd.s32 $0xFFFFC000  }
0x59: {  	s2 =	simm.s32 @!p0 $0x0;
	_ =	swait.ge [sflag:s26], $0x4000  }
0x5a: {  	s7 =	simm.s32 @!p0 $0x1C500;
	s1 =	rddreg [dreg:$0x6];
	[sflag:s26] =	ssyncset.done $0x0  }
0x5b: {  	s5 =	rddreg [dreg:$0x7];
	[sflag:s26] =	ssyncadd.s32 $0xFFFFC000;
	s1 =	sadd.s32 @!p0 $0x0, s1  }
0x5c: {  	[tilespmem:s7], [sflag:$0x3] =	stream.linear.gather @!p0 [hbm4b:s1+s2], $0x400, $0x38;
	[tilespmem:$0x1C900] =	vst v63  }
0x5d: {  	s5 =	sadd.s32 @!p0 $0x0, s5;
	s1 =	simm.s32 @!p0 $0x13D00  }
0x5e: {  	[tilespmem:s1], [sflag:$0x3] =	stream.linear.gather @!p0 [hbm4b:s5+s2], $0x400, $0x38;
	[tilespmem:$0x1C900] =	vst v63  }
0x5f: {  	s11 =	rddreg [dreg:$0xb]  }
0x60: {  	[tilespmem:s22], [sflag:$0x2] =	stream.indirect.gather [hbm4b:s0+s19], $0x80, s11, s19, $0xb8;
	[tilespmem:$0x1C900] =	vst v63  }
0x61: {  	s15 =	rddreg [dreg:$0xc]  }
0x62: {  	[spmem:s3] =	stream.indirect.scatter.add.f32 [tilespmem:s20], [sflag:$0x4], $0x80, s15, s19, $0xb8;
	[tilespmem:$0x1C900] =	vst v63  }
0x63: {  	_ =	swait.ge [sflag:s23], $0x4000  }
0x64: {  	[sflag:s23] =	ssyncset.done $0x0  }
0x65: {  	[sflag:s23] =	ssyncadd.s32 $0xFFFFC000  }
0x66: {  	_ =	swait.ge [sflag:s24], $0x4000  }
0x67: {  	[sflag:s24] =	ssyncset.done $0x0  }
0x68: {  	s2 =	rddreg [dreg:$0xd];
	[sflag:s24] =	ssyncadd.s32 $0xFFFFC000  }
0x69: {  	[tilespmem:s20], [sflag:$0x1] =	stream.indirect.gather [hbm4b:s0+s19], $0x80, s2, s19, $0xb8;
	[tilespmem:$0x1C900] =	vst v63  }
0x6a: {  	s5 =	rddreg [dreg:$0xe]  }
0x6b: {  	[spmem:s3] =	stream.indirect.scatter.add.f32 [tilespmem:s22], [sflag:$0x5], $0x80, s5, s19, $0xb8;
	[tilespmem:$0x1C900] =	vst v63  }
0x6c: {  	_ =	swait.ge [sflag:s21], $0x4000  }
0x6d: {  	[sflag:s21] =	ssyncset.done $0x0  }
0x6e: {  	[sflag:s21] =	ssyncadd.s32 $0xFFFFC000  }
0x6f: {  	_ =	swait.ge [sflag:s26], $0x4000  }
0x70: {  	[sflag:s26] =	ssyncset.done $0x0  }
0x71: {  	s7 =	rddreg [dreg:$0xf];
	[sflag:s26] =	ssyncadd.s32 $0xFFFFC000  }
0x72: {  	[tilespmem:s22], [sflag:$0x2] =	stream.indirect.gather [hbm4b:s0+s19], $0x80, s7, s19, $0xb8;
	[tilespmem:$0x1C900] =	vst v63  }
0x73: {  	s8 =	rddreg [dreg:$0x10]  }
0x74: {  	[spmem:s3] =	stream.indirect.scatter.add.f32 [tilespmem:s20], [sflag:$0x4], $0x80, s8, s19, $0xb8;
	[tilespmem:$0x1C900] =	vst v63  }
0x75: {  	_ =	swait.ge [sflag:s23], $0x4000  }
0x76: {  	[sflag:s23] =	ssyncset.done $0x0  }
0x77: {  	[sflag:s23] =	ssyncadd.s32 $0xFFFFC000  }
0x78: {  	_ =	swait.ge [sflag:s24], $0x4000  }
0x79: {  	[sflag:s24] =	ssyncset.done $0x0  }
0x7a: {  	s9 =	rddreg [dreg:$0x11];
	[sflag:s24] =	ssyncadd.s32 $0xFFFFC000  }
0x7b: {  	[tilespmem:s20], [sflag:$0x1] =	stream.indirect.gather [hbm4b:s0+s19], $0x80, s9, s19, $0xb8;
	[tilespmem:$0x1C900] =	vst v63  }
0x7c: {  	s10 =	rddreg [dreg:$0x12]  }
0x7d: {  	[spmem:s3] =	stream.indirect.scatter.add.f32 [tilespmem:s22], [sflag:$0x5], $0x80, s10, s19, $0xb8;
	[tilespmem:$0x1C900] =	vst v63  }
0x7e: {  	_ =	swait.ge [sflag:s21], $0x4000  }
0x7f: {  	[sflag:s21] =	ssyncset.done $0x0  }
0x80: {  	[sflag:s21] =	ssyncadd.s32 $0xFFFFC000  }
0x81: {  	_ =	swait.ge [sflag:s26], $0x4000  }
0x82: {  	[sflag:s26] =	ssyncset.done $0x0  }
0x83: {  	s11 =	rddreg [dreg:$0x13];
	[sflag:s26] =	ssyncadd.s32 $0xFFFFC000  }
0x84: {  	[tilespmem:s22], [sflag:$0x2] =	stream.indirect.gather [hbm4b:s0+s19], $0x80, s11, s19, $0xb8;
	[tilespmem:$0x1C900] =	vst v63  }
0x85: {  	s15 =	rddreg [dreg:$0x14]  }
0x86: {  	[spmem:s3] =	stream.indirect.scatter.add.f32 [tilespmem:s20], [sflag:$0x4], $0x80, s15, s19, $0xb8;
	[tilespmem:$0x1C900] =	vst v63  }
0x87: {  	_ =	swait.ge [sflag:s23], $0x4000  }
0x88: {  	[sflag:s23] =	ssyncset.done $0x0  }
0x89: {  	[sflag:s23] =	ssyncadd.s32 $0xFFFFC000  }
0x8a: {  	_ =	swait.ge [sflag:s24], $0x4000  }
0x8b: {  	[sflag:s24] =	ssyncset.done $0x0  }
0x8c: {  	[sflag:s24] =	ssyncadd.s32 $0xFFFFC000  }
0x8d: {  	_ =	swait.ge [sflag:s28], $0x400  }
0x8e: {  	[sflag:s28] =	ssyncset.done $0x0  }
0x8f: {  	[sflag:s28] =	ssyncadd.s32 $0xFFFFFC00  }
0x90: {  	_ =	swait.ge [sflag:s28], $0x400  }
0x91: {  	[sflag:s28] =	ssyncset.done $0x0  }
0x92: {  	[sflag:s28] =	ssyncadd.s32 $0xFFFFFC00  }
0x93: {  	[tilespmem:s20], [sflag:$0x1] =	stream.indirect.gather [hbm4b:s0+s19], $0x80, s17, s19, $0xb8;
	[tilespmem:$0x1C900] =	vst v63  }
0x94: {  	s5 =	rddreg [dreg:$0x15]  }
0x95: {  	[spmem:s3] =	stream.indirect.scatter.add.f32 [tilespmem:s22], [sflag:$0x5], $0x80, s5, s19, $0xb8;
	[tilespmem:$0x1C900] =	vst v63  }
0x96: {  	_ =	swait.ge [sflag:s21], $0x4000  }
0x97: {  	[sflag:s21] =	ssyncset.done $0x0  }
0x98: {  	[sflag:s21] =	ssyncadd.s32 $0xFFFFC000  }
0x99: {  	_ =	swait.ge [sflag:s26], $0x4000  }
0x9a: {  	[sflag:s26] =	ssyncset.done $0x0  }
0x9b: {  	s7 =	rddreg [dreg:$0x16];
	[sflag:s26] =	ssyncadd.s32 $0xFFFFC000  }
0x9c: {  	[tilespmem:s22], [sflag:$0x2] =	stream.indirect.gather [hbm4b:s0+s19], $0x80, s7, s19, $0xb8;
	[tilespmem:$0x1C900] =	vst v63  }
0x9d: {  	_ = 	snop  }
0x9e: {  	[spmem:s3] =	stream.indirect.scatter.add.f32 [tilespmem:s20], [sflag:$0x4], $0x80, s18, s19, $0xb8;
	[tilespmem:$0x1C900] =	vst v63  }
0x9f: {  	_ =	swait.ge [sflag:s23], $0x4000  }
0xa0: {  	[sflag:s23] =	ssyncset.done $0x0  }
0xa1: {  	[sflag:s23] =	ssyncadd.s32 $0xFFFFC000  }
0xa2: {  	_ =	swait.ge [sflag:s24], $0x4000  }
0xa3: {  	[sflag:s24] =	ssyncset.done $0x0  }
0xa4: {  	s8 =	rddreg [dreg:$0x17];
	[sflag:s24] =	ssyncadd.s32 $0xFFFFC000  }
0xa5: {  	[tilespmem:s20], [sflag:$0x1] =	stream.indirect.gather [hbm4b:s0+s19], $0x80, s8, s19, $0xb8;
	[tilespmem:$0x1C900] =	vst v63  }
0xa6: {  	s9 =	rddreg [dreg:$0x18]  }
0xa7: {  	[spmem:s3] =	stream.indirect.scatter.add.f32 [tilespmem:s22], [sflag:$0x5], $0x80, s9, s19, $0xb8;
	[tilespmem:$0x1C900] =	vst v63  }
0xa8: {  	_ =	swait.ge [sflag:s21], $0x4000  }
0xa9: {  	[sflag:s21] =	ssyncset.done $0x0  }
0xaa: {  	p1 =	por $0x0, $0x0;
	[sflag:s21] =	ssyncadd.s32 $0xFFFFC000  }
0xab: {  	s5 =	simm.s32 @!p1 $0x0;
	_ =	swait.ge [sflag:s26], $0x4000  }
0xac: {  	s7 =	simm.s32 @!p1 $0x1C100;
	s1 =	rddreg [dreg:$0x4];
	[sflag:s26] =	ssyncset.done $0x0  }
0xad: {  	s2 =	rddreg [dreg:$0x5];
	[sflag:s26] =	ssyncadd.s32 $0xFFFFC000;
	s1 =	sadd.s32 @!p1 $0x0, s1  }
0xae: {  	[tilespmem:s7], [sflag:$0x3] =	stream.linear.gather @!p1 [hbm4b:s1+s5], $0x400, $0x38;
	[tilespmem:$0x1C900] =	vst v63  }
0xaf: {  	s1 =	sadd.s32 @!p1 $0x0, s2;
	s2 =	simm.s32 @!p1 $0x13900  }
0xb0: {  	[tilespmem:s2], [sflag:$0x3] =	stream.linear.gather @!p1 [hbm4b:s1+s5], $0x400, $0x38;
	[tilespmem:$0x1C900] =	vst v63  }
0xb1: {  	s8 =	rddreg [dreg:$0x19]  }
0xb2: {  	[tilespmem:s22], [sflag:$0x2] =	stream.indirect.gather [hbm4b:s0+s19], $0x80, s8, s19, $0xb8;
	[tilespmem:$0x1C900] =	vst v63  }
0xb3: {  	s10 =	rddreg [dreg:$0x1a]  }
0xb4: {  	[spmem:s3] =	stream.indirect.scatter.add.f32 [tilespmem:s20], [sflag:$0x4], $0x80, s10, s19, $0xb8;
	[tilespmem:$0x1C900] =	vst v63  }
0xb5: {  	_ =	swait.ge [sflag:s23], $0x4000  }
0xb6: {  	[sflag:s23] =	ssyncset.done $0x0  }
0xb7: {  	[sflag:s23] =	ssyncadd.s32 $0xFFFFC000  }
0xb8: {  	_ =	swait.ge [sflag:s24], $0x4000  }
0xb9: {  	[sflag:s24] =	ssyncset.done $0x0  }
0xba: {  	s11 =	rddreg [dreg:$0x1b];
	[sflag:s24] =	ssyncadd.s32 $0xFFFFC000  }
0xbb: {  	[tilespmem:s20], [sflag:$0x1] =	stream.indirect.gather [hbm4b:s0+s19], $0x80, s11, s19, $0xb8;
	[tilespmem:$0x1C900] =	vst v63  }
0xbc: {  	s15 =	rddreg [dreg:$0x1c]  }
0xbd: {  	[spmem:s3] =	stream.indirect.scatter.add.f32 [tilespmem:s22], [sflag:$0x5], $0x80, s15, s19, $0xb8;
	[tilespmem:$0x1C900] =	vst v63  }
0xbe: {  	_ =	swait.ge [sflag:s21], $0x4000  }
0xbf: {  	[sflag:s21] =	ssyncset.done $0x0  }
0xc0: {  	[sflag:s21] =	ssyncadd.s32 $0xFFFFC000  }
0xc1: {  	_ =	swait.ge [sflag:s26], $0x4000  }
0xc2: {  	[sflag:s26] =	ssyncset.done $0x0  }
0xc3: {  	s5 =	rddreg [dreg:$0x1d];
	[sflag:s26] =	ssyncadd.s32 $0xFFFFC000  }
0xc4: {  	[tilespmem:s22], [sflag:$0x2] =	stream.indirect.gather [hbm4b:s0+s19], $0x80, s5, s19, $0xb8;
	[tilespmem:$0x1C900] =	vst v63  }
0xc5: {  	s8 =	rddreg [dreg:$0x1e]  }
0xc6: {  	[spmem:s3] =	stream.indirect.scatter.add.f32 [tilespmem:s20], [sflag:$0x4], $0x80, s8, s19, $0xb8;
	[tilespmem:$0x1C900] =	vst v63  }
0xc7: {  	_ =	swait.ge [sflag:s23], $0x4000  }
0xc8: {  	[sflag:s23] =	ssyncset.done $0x0  }
0xc9: {  	[sflag:s23] =	ssyncadd.s32 $0xFFFFC000  }
0xca: {  	_ =	swait.ge [sflag:s24], $0x4000  }
0xcb: {  	s9 =	rddreg [dreg:$0x1f];
	[sflag:s24] =	ssyncset.done $0x0  }
0xcc: {  	s10 =	sld [smem:$0x7FB];
	[sflag:s24] =	ssyncadd.s32 $0xFFFFC000  }
0xcd: {  	[tilespmem:s20], [sflag:$0x1] =	stream.indirect.gather [hbm4b:s0+s19], $0x80, s9, s19, $0xb8;
	[tilespmem:$0x1C900] =	vst v63  }
0xce: {  	_ = 	snop  }
0xcf: {  	[spmem:s3] =	stream.indirect.scatter.add.f32 [tilespmem:s22], [sflag:$0x5], $0x80, s10, s19, $0xb8;
	[tilespmem:$0x1C900] =	vst v63  }
0xd0: {  	_ =	swait.ge [sflag:s21], $0x4000  }
0xd1: {  	[sflag:s21] =	ssyncset.done $0x0  }
0xd2: {  	[sflag:s21] =	ssyncadd.s32 $0xFFFFC000  }
0xd3: {  	_ =	swait.ge [sflag:s26], $0x4000  }
0xd4: {  	s11 =	sld [smem:$0x7FC]  }
0xd5: {  	[sflag:s26] =	ssyncset.done $0x0  }
0xd6: {  	s15 =	sld [smem:$0x7FD];
	[sflag:s26] =	ssyncadd.s32 $0xFFFFC000  }
0xd7: {  	[tilespmem:s22], [sflag:$0x2] =	stream.indirect.gather [hbm4b:s0+s19], $0x80, s11, s19, $0xb8;
	[tilespmem:$0x1C900] =	vst v63  }
0xd8: {  	_ = 	snop  }
0xd9: {  	[spmem:s3] =	stream.indirect.scatter.add.f32 [tilespmem:s20], [sflag:$0x4], $0x80, s15, s19, $0xb8;
	[tilespmem:$0x1C900] =	vst v63  }
0xda: {  	_ =	swait.ge [sflag:s23], $0x4000  }
0xdb: {  	[sflag:s23] =	ssyncset.done $0x0  }
0xdc: {  	[sflag:s23] =	ssyncadd.s32 $0xFFFFC000  }
0xdd: {  	_ =	swait.ge [sflag:s24], $0x4000  }
0xde: {  	[sflag:s24] =	ssyncset.done $0x0  }
0xdf: {  	s5 =	simm.s32 @!p1 $0x3;
	[sflag:s24] =	ssyncadd.s32 $0xFFFFC000  }
0xe0: {  	_ =	swait.ge @!p1 [sflag:s5], $0x400  }
0xe1: {  	[sflag:s5] =	ssyncset.done @!p1 $0x0  }
0xe2: {  	s31 =	simm.s32 $0x100;
	[sflag:s5] =	ssyncadd.s32 @!p1 $0xFFFFFC00  }
0xe3: {  	s1 =	simm.s32 $0x0;
	s2 =	simm.s32 $0x0;
	_ =	swait.ge @!p1 [sflag:s5], $0x400  }
0xe4: {  	s8 =	simm.s32 @!p1 $0x80;
	s9 =	simm.s32 @!p1 $0x14100;
	[sflag:s5] =	ssyncset.done @!p1 $0x0  }
.LBB2_2:
0xe5: {  	[sflag:s5] =	ssyncadd.s32 @!p1 $0xFFFFFC00  }
0xe6: {  	[tilespmem:s9], [sflag:$0x1] =	stream.indirect.gather @!p1 [hbm4b:s0+s8], $0x80, s7, s8, $0xb8;
	[tilespmem:$0x1C900] =	vst v63  }
0xe7: {  	_ = 	snop  }
0xe8: {  	[spmem:s3] =	stream.indirect.scatter.add.f32 [tilespmem:s22], [sflag:$0x5], $0x80, s29, s19, $0xb8;
	[tilespmem:$0x1C900] =	vst v63  }
0xe9: {  	s5 =	smov.u32 s31;
	_ =	swait.ge [sflag:s21], $0x4000  }
0xea: {  	p1 =	seq.s32 s5, $0x0;
	[sflag:s21] =	ssyncset.done $0x0  }
0xeb: {  	s7 =	simm.s32 @!p1 $0x5;
	[sflag:s21] =	ssyncadd.s32 $0xFFFFC000  }
0xec: {  	_ =	swait.ge @!p1 [sflag:s7], $0x4000  }
0xed: {  	[sflag:s7] =	ssyncset.done @!p1 $0x0  }
0xee: {  	s15 =	rddreg [dreg:$0x8];
	[sflag:s7] =	ssyncadd.s32 @!p1 $0xFFFFC000  }
0xef: {  	[tilespmem:s22], [sflag:$0x2] =	stream.indirect.gather [hbm4b:s0+s19], $0x80, s15, s19, $0xb8;
	[tilespmem:$0x1C900] =	vst v63  }
0xf0: {  	_ = 	snop  }
0xf1: {  	[spmem:s3] =	stream.indirect.scatter.add.f32 [tilespmem:s20], [sflag:$0x4], $0x80, s16, s19, $0xb8;
	[tilespmem:$0x1C900] =	vst v63  }
0xf2: {  	_ =	swait.ge [sflag:s23], $0x4000  }
0xf3: {  	[sflag:s23] =	ssyncset.done $0x0  }
0xf4: {  	[sflag:s23] =	ssyncadd.s32 $0xFFFFC000  }
0xf5: {  	_ =	swait.ge [sflag:s24], $0x4000  }
0xf6: {  	[sflag:s24] =	ssyncset.done $0x0  }
0xf7: {  	s8 =	rddreg [dreg:$0x9];
	[sflag:s24] =	ssyncadd.s32 $0xFFFFC000  }
0xf8: {  	[tilespmem:s20], [sflag:$0x1] =	stream.indirect.gather [hbm4b:s0+s19], $0x80, s8, s19, $0xb8;
	[tilespmem:$0x1C900] =	vst v63  }
0xf9: {  	s9 =	rddreg [dreg:$0xa]  }
0xfa: {  	[spmem:s3] =	stream.indirect.scatter.add.f32 [tilespmem:s22], [sflag:$0x5], $0x80, s9, s19, $0xb8;
	[tilespmem:$0x1C900] =	vst v63  }
0xfb: {  	_ =	swait.ge [sflag:s21], $0x4000  }
0xfc: {  	[sflag:s21] =	ssyncset.done $0x0  }
0xfd: {  	p1 =	sgt.u32 s1, $0x7;
	[sflag:s21] =	ssyncadd.s32 $0xFFFFC000  }
0xfe: {  	s8 =	simm.s32 @!p1 $0x0;
	_ =	swait.ge [sflag:s26], $0x4000  }
0xff: {  	s9 =	simm.s32 @!p1 $0x1C500;
	s7 =	rddreg [dreg:$0x6];
	[sflag:s26] =	ssyncset.done $0x0  }
0x100: {  	s10 =	rddreg [dreg:$0x7];
	[sflag:s26] =	ssyncadd.s32 $0xFFFFC000;
	s7 =	sadd.s32 @!p1 s5, s7  }
0x101: {  	[tilespmem:s9], [sflag:$0x3] =	stream.linear.gather @!p1 [hbm4b:s7+s8], $0x400, $0x38;
	[tilespmem:$0x1C900] =	vst v63  }
0x102: {  	s11 =	simm.s32 @!p1 $0x13D00;
	s7 =	sadd.s32 @!p1 s5, s10  }
0x103: {  	[tilespmem:s11], [sflag:$0x3] =	stream.linear.gather @!p1 [hbm4b:s7+s8], $0x400, $0x38;
	[tilespmem:$0x1C900] =	vst v63  }
0x104: {  	s15 =	rddreg [dreg:$0xb]  }
0x105: {  	[tilespmem:s22], [sflag:$0x2] =	stream.indirect.gather [hbm4b:s0+s19], $0x80, s15, s19, $0xb8;
	[tilespmem:$0x1C900] =	vst v63  }
0x106: {  	s10 =	rddreg [dreg:$0xc]  }
0x107: {  	[spmem:s3] =	stream.indirect.scatter.add.f32 [tilespmem:s20], [sflag:$0x4], $0x80, s10, s19, $0xb8;
	[tilespmem:$0x1C900] =	vst v63  }
0x108: {  	_ =	swait.ge [sflag:s23], $0x4000  }
0x109: {  	[sflag:s23] =	ssyncset.done $0x0  }
0x10a: {  	[sflag:s23] =	ssyncadd.s32 $0xFFFFC000  }
0x10b: {  	_ =	swait.ge [sflag:s24], $0x4000  }
0x10c: {  	[sflag:s24] =	ssyncset.done $0x0  }
0x10d: {  	s9 =	rddreg [dreg:$0xd];
	[sflag:s24] =	ssyncadd.s32 $0xFFFFC000  }
0x10e: {  	[tilespmem:s20], [sflag:$0x1] =	stream.indirect.gather [hbm4b:s0+s19], $0x80, s9, s19, $0xb8;
	[tilespmem:$0x1C900] =	vst v63  }
0x10f: {  	s10 =	rddreg [dreg:$0xe]  }
0x110: {  	[spmem:s3] =	stream.indirect.scatter.add.f32 [tilespmem:s22], [sflag:$0x5], $0x80, s10, s19, $0xb8;
	[tilespmem:$0x1C900] =	vst v63  }
0x111: {  	_ =	swait.ge [sflag:s21], $0x4000  }
0x112: {  	[sflag:s21] =	ssyncset.done $0x0  }
0x113: {  	[sflag:s21] =	ssyncadd.s32 $0xFFFFC000  }
0x114: {  	_ =	swait.ge [sflag:s26], $0x4000  }
0x115: {  	[sflag:s26] =	ssyncset.done $0x0  }
0x116: {  	s11 =	rddreg [dreg:$0xf];
	[sflag:s26] =	ssyncadd.s32 $0xFFFFC000  }
0x117: {  	[tilespmem:s22], [sflag:$0x2] =	stream.indirect.gather [hbm4b:s0+s19], $0x80, s11, s19, $0xb8;
	[tilespmem:$0x1C900] =	vst v63  }
0x118: {  	s15 =	rddreg [dreg:$0x10]  }
0x119: {  	[spmem:s3] =	stream.indirect.scatter.add.f32 [tilespmem:s20], [sflag:$0x4], $0x80, s15, s19, $0xb8;
	[tilespmem:$0x1C900] =	vst v63  }
0x11a: {  	_ =	swait.ge [sflag:s23], $0x4000  }
0x11b: {  	[sflag:s23] =	ssyncset.done $0x0  }
0x11c: {  	[sflag:s23] =	ssyncadd.s32 $0xFFFFC000  }
0x11d: {  	_ =	swait.ge [sflag:s24], $0x4000  }
0x11e: {  	[sflag:s24] =	ssyncset.done $0x0  }
0x11f: {  	s9 =	rddreg [dreg:$0x11];
	[sflag:s24] =	ssyncadd.s32 $0xFFFFC000  }
0x120: {  	[tilespmem:s20], [sflag:$0x1] =	stream.indirect.gather [hbm4b:s0+s19], $0x80, s9, s19, $0xb8;
	[tilespmem:$0x1C900] =	vst v63  }
0x121: {  	s10 =	rddreg [dreg:$0x12]  }
0x122: {  	[spmem:s3] =	stream.indirect.scatter.add.f32 [tilespmem:s22], [sflag:$0x5], $0x80, s10, s19, $0xb8;
	[tilespmem:$0x1C900] =	vst v63  }
0x123: {  	_ =	swait.ge [sflag:s21], $0x4000  }
0x124: {  	[sflag:s21] =	ssyncset.done $0x0  }
0x125: {  	[sflag:s21] =	ssyncadd.s32 $0xFFFFC000  }
0x126: {  	_ =	swait.ge [sflag:s26], $0x4000  }
0x127: {  	[sflag:s26] =	ssyncset.done $0x0  }
0x128: {  	s11 =	rddreg [dreg:$0x13];
	[sflag:s26] =	ssyncadd.s32 $0xFFFFC000  }
0x129: {  	[tilespmem:s22], [sflag:$0x2] =	stream.indirect.gather [hbm4b:s0+s19], $0x80, s11, s19, $0xb8;
	[tilespmem:$0x1C900] =	vst v63  }
0x12a: {  	s15 =	rddreg [dreg:$0x14]  }
0x12b: {  	[spmem:s3] =	stream.indirect.scatter.add.f32 [tilespmem:s20], [sflag:$0x4], $0x80, s15, s19, $0xb8;
	[tilespmem:$0x1C900] =	vst v63  }
0x12c: {  	_ =	swait.ge [sflag:s23], $0x4000  }
0x12d: {  	[sflag:s23] =	ssyncset.done $0x0  }
0x12e: {  	[sflag:s23] =	ssyncadd.s32 $0xFFFFC000  }
0x12f: {  	_ =	swait.ge [sflag:s24], $0x4000  }
0x130: {  	[sflag:s24] =	ssyncset.done $0x0  }
0x131: {  	[sflag:s24] =	ssyncadd.s32 $0xFFFFC000  }
0x132: {  	_ =	swait.ge [sflag:s28], $0x400  }
0x133: {  	[sflag:s28] =	ssyncset.done $0x0  }
0x134: {  	[sflag:s28] =	ssyncadd.s32 $0xFFFFFC00  }
0x135: {  	_ =	swait.ge [sflag:s28], $0x400  }
0x136: {  	[sflag:s28] =	ssyncset.done $0x0  }
0x137: {  	[sflag:s28] =	ssyncadd.s32 $0xFFFFFC00  }
0x138: {  	[tilespmem:s20], [sflag:$0x1] =	stream.indirect.gather [hbm4b:s0+s19], $0x80, s17, s19, $0xb8;
	[tilespmem:$0x1C900] =	vst v63  }
0x139: {  	s8 =	rddreg [dreg:$0x15]  }
0x13a: {  	[spmem:s3] =	stream.indirect.scatter.add.f32 [tilespmem:s22], [sflag:$0x5], $0x80, s8, s19, $0xb8;
	[tilespmem:$0x1C900] =	vst v63  }
0x13b: {  	_ =	swait.ge [sflag:s21], $0x4000  }
0x13c: {  	[sflag:s21] =	ssyncset.done $0x0  }
0x13d: {  	[sflag:s21] =	ssyncadd.s32 $0xFFFFC000  }
0x13e: {  	_ =	swait.ge [sflag:s26], $0x4000  }
0x13f: {  	[sflag:s26] =	ssyncset.done $0x0  }
0x140: {  	s9 =	rddreg [dreg:$0x16];
	[sflag:s26] =	ssyncadd.s32 $0xFFFFC000  }
0x141: {  	[tilespmem:s22], [sflag:$0x2] =	stream.indirect.gather [hbm4b:s0+s19], $0x80, s9, s19, $0xb8;
	[tilespmem:$0x1C900] =	vst v63  }
0x142: {  	_ = 	snop  }
0x143: {  	[spmem:s3] =	stream.indirect.scatter.add.f32 [tilespmem:s20], [sflag:$0x4], $0x80, s18, s19, $0xb8;
	[tilespmem:$0x1C900] =	vst v63  }
0x144: {  	_ =	swait.ge [sflag:s23], $0x4000  }
0x145: {  	[sflag:s23] =	ssyncset.done $0x0  }
0x146: {  	[sflag:s23] =	ssyncadd.s32 $0xFFFFC000  }
0x147: {  	_ =	swait.ge [sflag:s24], $0x4000  }
0x148: {  	[sflag:s24] =	ssyncset.done $0x0  }
0x149: {  	s10 =	rddreg [dreg:$0x17];
	[sflag:s24] =	ssyncadd.s32 $0xFFFFC000  }
0x14a: {  	[tilespmem:s20], [sflag:$0x1] =	stream.indirect.gather [hbm4b:s0+s19], $0x80, s10, s19, $0xb8;
	[tilespmem:$0x1C900] =	vst v63  }
0x14b: {  	s11 =	rddreg [dreg:$0x18]  }
0x14c: {  	[spmem:s3] =	stream.indirect.scatter.add.f32 [tilespmem:s22], [sflag:$0x5], $0x80, s11, s19, $0xb8;
	[tilespmem:$0x1C900] =	vst v63  }
0x14d: {  	_ =	swait.ge [sflag:s21], $0x4000  }
0x14e: {  	[sflag:s21] =	ssyncset.done $0x0  }
0x14f: {  	[sflag:s21] =	ssyncadd.s32 $0xFFFFC000  }
0x150: {  	s2 =	sadd.s32 $0x1, s2;
	_ =	swait.ge [sflag:s26], $0x4000  }
0x151: {  	p1 =	sgt.u32 s2, $0x3;
	s7 =	rddreg [dreg:$0x4]  }
0x152: {  	s10 =	simm.s32 @!p1 $0x0;
	[sflag:s26] =	ssyncset.done $0x0;
	s8 =	rddreg [dreg:$0x5]  }
0x153: {  	[sflag:s26] =	ssyncadd.s32 $0xFFFFC000;
	s9 =	sadd.s32 @!p1 s5, s7;
	s7 =	simm.s32 @!p1 $0x1C100  }
0x154: {  	[tilespmem:s7], [sflag:$0x3] =	stream.linear.gather @!p1 [hbm4b:s9+s10], $0x400, $0x38;
	[tilespmem:$0x1C900] =	vst v63  }
0x155: {  	s5 =	sadd.s32 @!p1 s5, s8;
	s8 =	simm.s32 @!p1 $0x13900  }
0x156: {  	[tilespmem:s8], [sflag:$0x3] =	stream.linear.gather @!p1 [hbm4b:s5+s10], $0x400, $0x38;
	[tilespmem:$0x1C900] =	vst v63  }
0x157: {  	s15 =	rddreg [dreg:$0x19]  }
0x158: {  	[tilespmem:s22], [sflag:$0x2] =	stream.indirect.gather [hbm4b:s0+s19], $0x80, s15, s19, $0xb8;
	[tilespmem:$0x1C900] =	vst v63  }
0x159: {  	s8 =	rddreg [dreg:$0x1a]  }
0x15a: {  	[spmem:s3] =	stream.indirect.scatter.add.f32 [tilespmem:s20], [sflag:$0x4], $0x80, s8, s19, $0xb8;
	[tilespmem:$0x1C900] =	vst v63  }
0x15b: {  	_ =	swait.ge [sflag:s23], $0x4000  }
0x15c: {  	[sflag:s23] =	ssyncset.done $0x0  }
0x15d: {  	[sflag:s23] =	ssyncadd.s32 $0xFFFFC000  }
0x15e: {  	_ =	swait.ge [sflag:s24], $0x4000  }
0x15f: {  	[sflag:s24] =	ssyncset.done $0x0  }
0x160: {  	s9 =	rddreg [dreg:$0x1b];
	[sflag:s24] =	ssyncadd.s32 $0xFFFFC000  }
0x161: {  	[tilespmem:s20], [sflag:$0x1] =	stream.indirect.gather [hbm4b:s0+s19], $0x80, s9, s19, $0xb8;
	[tilespmem:$0x1C900] =	vst v63  }
0x162: {  	s10 =	rddreg [dreg:$0x1c]  }
0x163: {  	[spmem:s3] =	stream.indirect.scatter.add.f32 [tilespmem:s22], [sflag:$0x5], $0x80, s10, s19, $0xb8;
	[tilespmem:$0x1C900] =	vst v63  }
0x164: {  	_ =	swait.ge [sflag:s21], $0x4000  }
0x165: {  	[sflag:s21] =	ssyncset.done $0x0  }
0x166: {  	[sflag:s21] =	ssyncadd.s32 $0xFFFFC000  }
0x167: {  	_ =	swait.ge [sflag:s26], $0x4000  }
0x168: {  	[sflag:s26] =	ssyncset.done $0x0  }
0x169: {  	s11 =	rddreg [dreg:$0x1d];
	[sflag:s26] =	ssyncadd.s32 $0xFFFFC000  }
0x16a: {  	[tilespmem:s22], [sflag:$0x2] =	stream.indirect.gather [hbm4b:s0+s19], $0x80, s11, s19, $0xb8;
	[tilespmem:$0x1C900] =	vst v63  }
0x16b: {  	s15 =	rddreg [dreg:$0x1e]  }
0x16c: {  	[spmem:s3] =	stream.indirect.scatter.add.f32 [tilespmem:s20], [sflag:$0x4], $0x80, s15, s19, $0xb8;
	[tilespmem:$0x1C900] =	vst v63  }
0x16d: {  	_ =	swait.ge [sflag:s23], $0x4000  }
0x16e: {  	[sflag:s23] =	ssyncset.done $0x0  }
0x16f: {  	[sflag:s23] =	ssyncadd.s32 $0xFFFFC000  }
0x170: {  	_ =	swait.ge [sflag:s24], $0x4000  }
0x171: {  	[sflag:s24] =	ssyncset.done $0x0;
	s9 =	rddreg [dreg:$0x1f]  }
0x172: {  	s10 =	sld [smem:$0x7FB];
	[sflag:s24] =	ssyncadd.s32 $0xFFFFC000  }
0x173: {  	[tilespmem:s20], [sflag:$0x1] =	stream.indirect.gather [hbm4b:s0+s19], $0x80, s9, s19, $0xb8;
	[tilespmem:$0x1C900] =	vst v63  }
0x174: {  	_ = 	snop  }
0x175: {  	[spmem:s3] =	stream.indirect.scatter.add.f32 [tilespmem:s22], [sflag:$0x5], $0x80, s10, s19, $0xb8;
	[tilespmem:$0x1C900] =	vst v63  }
0x176: {  	_ =	swait.ge [sflag:s21], $0x4000  }
0x177: {  	[sflag:s21] =	ssyncset.done $0x0  }
0x178: {  	[sflag:s21] =	ssyncadd.s32 $0xFFFFC000  }
0x179: {  	_ =	swait.ge [sflag:s26], $0x4000  }
0x17a: {  	s11 =	sld [smem:$0x7FC]  }
0x17b: {  	[sflag:s26] =	ssyncset.done $0x0  }
0x17c: {  	s15 =	sld [smem:$0x7FD];
	[sflag:s26] =	ssyncadd.s32 $0xFFFFC000  }
0x17d: {  	[tilespmem:s22], [sflag:$0x2] =	stream.indirect.gather [hbm4b:s0+s19], $0x80, s11, s19, $0xb8;
	[tilespmem:$0x1C900] =	vst v63  }
0x17e: {  	_ = 	snop  }
0x17f: {  	[spmem:s3] =	stream.indirect.scatter.add.f32 [tilespmem:s20], [sflag:$0x4], $0x80, s15, s19, $0xb8;
	[tilespmem:$0x1C900] =	vst v63  }
0x180: {  	_ =	swait.ge [sflag:s23], $0x4000  }
0x181: {  	[sflag:s23] =	ssyncset.done $0x0  }
0x182: {  	[sflag:s23] =	ssyncadd.s32 $0xFFFFC000  }
0x183: {  	_ =	swait.ge [sflag:s24], $0x4000  }
0x184: {  	s31 =	sadd.s32 $0x100, s31;
	[sflag:s24] =	ssyncset.done $0x0  }
0x185: {  	p0 =	sne.s32 s31, $0x500;
	s5 =	simm.s32 @!p1 $0x3;
	[sflag:s24] =	ssyncadd.s32 $0xFFFFC000  }
.Ltmp0:
0x186: {  	_ =	swait.ge @!p1 [sflag:s5], $0x400;
	(pc) =	sbr.rel @p0 .LBB2_2-.Ltmp0, $4  }
0x187: {  	[sflag:s5] =	ssyncset.done @!p1 $0x0  }
0x188: {  	[sflag:s5] =	ssyncadd.s32 @!p1 $0xFFFFFC00  }
0x189: {  	s1 =	sadd.s32 $0x2, s1;
	_ =	swait.ge @!p1 [sflag:s5], $0x400  }
0x18a: {  	s8 =	simm.s32 @!p1 $0x80;
	s9 =	simm.s32 @!p1 $0x14100;
	[sflag:s5] =	ssyncset.done @!p1 $0x0  }
0x18b: {  	[sflag:s5] =	ssyncadd.s32 @!p1 $0xFFFFFC00  }
0x18c: {  	[tilespmem:s9], [sflag:$0x1] =	stream.indirect.gather @!p1 [hbm4b:s0+s8], $0x80, s7, s8, $0xb8;
	[tilespmem:$0x1C900] =	vst v63  }
0x18d: {  	_ = 	snop  }
0x18e: {  	[spmem:s3] =	stream.indirect.scatter.add.f32 [tilespmem:s22], [sflag:$0x5], $0x80, s29, s19, $0xb8;
	[tilespmem:$0x1C900] =	vst v63  }
0x18f: {  	_ =	swait.ge [sflag:s26], $0x4000  }
0x190: {  	[sflag:s26] =	ssyncset.done $0x0  }
0x191: {  	[sflag:s26] =	ssyncadd.s32 $0xFFFFC000  }
0x192: {  	[bflag:$0x0] =	sbarrier.arrive $0xFFFF  }
0x193: {  	s30 =	sadd.s32 $0x1, s30;
	s1 =	sld [smem:$0x7FA]  }
0x194: {  	p0 =	sne.s32 s30, s12  }
.Ltmp1:
0x195: {  	_ = 	snop;
	(pc) =	sbr.rel @p0 .LBB2_1-.Ltmp1, $4  }
0x196: {  	[hbm:s1], [sflag:s6] =	dma.local [spmem:s25], $0x2710  }
0x197: {  	_ =	swait.ge [sflag:s14], $0x2710  }
0x198: {  	[sflag:s14] =	ssyncset.done $0x0  }
0x199: {  	[sflag:s14] =	ssyncadd.s32 $0xFFFFD8F0  }
0x19a: {  	_ =	sfence.sel $0x180000  }
0x19b: {  	[bflag:$0x0] =	sbarrier.arrive $0xFFFF  }
0x19c: {  	_ =	strace $0x9000004A  }
0x19d: {  	s0 =	stileid.u32;
	[bflag:$0x2] =	sbarrier.arrive $0xFFFF  }
0x19e: {  	p0 =	sne.s32 s0, $0x0;
	s0 =	rddreg [dreg:$0x3]  }
0x19f: {  	s0 =	sadd.s32 @!p0 $0x100000, s0  }
0x1a0: {  	[sflag:s0] =	ssyncadd.tile.s32 @!p0 $0x1;
	_ =	shalt  }
.Lfunc_end2:
_tile_overlayer_lowered:
.L_overlay_start_2:
0x1a1: {  	(tag) =	ssettag $0x2  }
0x1a2: {  	s0 =	rddreg [dreg:$0x0];
	s2 =	stileid.u32  }
0x1a3: {  	s1 =	rddreg [dreg:$0x1];
	p0 =	sne.s32 s2, $0x0  }
0x1a4: {  	s3 =	rddreg [dreg:$0x2];
	[bflag:$0x3] =	sbarrier.arrive $0xFFFF;
	s2 =	simm.s32 @!p0 $0x1C06  }
0x1a5: {  	[timem:s3], [sflag:s2] =	dma.local @!p0 [hbm:s0], s1  }
0x1a6: {  	s0 =	simm.s32 @!p0 $0x6  }
0x1a7: {  	_ =	swait.ge @!p0 [sflag:s0], s1  }
0x1a8: {  	s1 =	ssub.s32 @!p0 $0x0, s1;
	[sflag:s0] =	ssyncset.done @!p0 $0x0  }
0x1a9: {  	[sflag:s0] =	ssyncadd.s32 @!p0 s1  }
0x1aa: {  	[bflag:$0x3] =	sbarrier.arrive $0xFFFF  }
0x1ab: {  	_ =	shalt  }

</sc_bundles>
